<compile_context>
chip_gen: v7x
topology: tpu7x:2x2x1
jax: 0.10.2.dev20260603
libtpu: 0.0.44.dev20260713+nightly
codegen_flags: <defaults>
</compile_context>

<pallas_src>
import functools

import jax
import jax.numpy as jnp
from jax import lax
from jax.experimental import pallas as pl
from jax.experimental.pallas import tpu as pltpu
from jax.experimental.pallas import tpu_sc as plsc

_B = 16384
_NW = 32
_CHUNK = 512
_WORDS = _CHUNK // 4
_R = 128
_C = 128
_BIG = 2**31 - 1

_POS = [(0, 4, 4), (0, 6, 4), (1, 5, 5), (1, 6, 5), (2, 4, 4), (2, 5, 5),
        (2, 6, 6), (2, 7, 7), (4, 0, 4), (4, 2, 4), (5, 1, 5), (5, 2, 5),
        (6, 2, 6), (7, 2, 7)]
_NEG = [(0, 4, 1), (0, 4, 2), (0, 6, 1), (0, 6, 2), (1, 5, 0), (1, 5, 2),
        (1, 6, 0), (1, 6, 2), (2, 4, 1), (2, 4, 2), (2, 5, 0), (2, 5, 2),
        (4, 0, 1), (4, 0, 2), (4, 2, 1), (4, 2, 2), (5, 1, 0), (5, 1, 2),
        (5, 2, 0), (5, 2, 2), (2, 7, 2), (7, 2, 2)]
_NR = len(_NEG)
assert _NR <= 32


def _dm(cat):
    return 0 if cat < 4 else 1


def _code(t):
    return t[0] * 64 + t[1] * 8 + t[2]


def _log1mexp(x):
    return jnp.log(1.0 - jnp.exp(x))


@functools.cache
def _build_sc_scan():
  mesh = plsc.VectorSubcoreMesh(core_axis_name="c", subcore_axis_name="s")

  @functools.partial(
    pl.kernel,
    mesh=mesh,
    compiler_params=pltpu.CompilerParams(needs_layout_passes=False),
    out_type=jax.ShapeDtypeStruct((_NW, 6, 16), jnp.int32),
    scratch_types=[
        pltpu.VMEM((_WORDS,), jnp.int32),
        pltpu.VMEM((_CHUNK,), jnp.int32),
        pltpu.VMEM((6, 16), jnp.int32),
        pltpu.SemaphoreType.DMA,
    ],
  )
  def _sc_scan(pk_hbm, out_hbm, pkc, codec, stg, sem):
    wid = lax.axis_index("c") * 16 + lax.axis_index("s")

    pltpu.async_copy(pk_hbm.at[wid], pkc, sem).wait()

    lane = lax.broadcasted_iota(jnp.int32, (16,), 0)

    def pa_body(i, carry):
        w = pkc[pl.ds(i * 16, 16)]
        for s in range(4):
            p = (w >> (8 * s)) & 0x7F
            x0 = p & 1
            x1 = (p >> 1) & 1
            y0 = (p >> 2) & 1
            y1 = (p >> 3) & 1
            z0 = (p >> 4) & 1
            z1 = (p >> 5) & 1
            fl4 = (p >> 6) * 4
            cx = 3 - 3 * x0 - 2 * x1 + 4 * x0 * x1 + fl4
            cy = 3 - 3 * y0 - 2 * y1 + 4 * y0 * y1 + fl4
            cz = 3 - 3 * z0 - 2 * z1 + 4 * z0 * z1 + fl4
            codec[pl.ds(i * 64 + s * 16, 16)] = cx * 64 + cy * 8 + cz
        return carry

    lax.fori_loop(0, _WORDS // 16, pa_body, 0)

    big16 = jnp.full((16,), _BIG, jnp.int32)
    zero16 = jnp.zeros((16,), jnp.int32)

    def scan_pair(ta, tb):
        def body(k, carry):
            m1a, m2a, ca, m1b, m2b, cb = carry
            code = codec[pl.ds(k * 16, 16)]
            idxv = (k >> 2) * 64 + (k & 3) + lane * 4
            sa = code == ta
            ca = ca + sa.astype(jnp.int32)
            mia = jnp.where(sa, idxv, _BIG)
            m2a = jnp.minimum(m2a, jnp.maximum(m1a, mia))
            m1a = jnp.minimum(m1a, mia)
            sb = code == tb
            cb = cb + sb.astype(jnp.int32)
            mib = jnp.where(sb, idxv, _BIG)
            m2b = jnp.minimum(m2b, jnp.maximum(m1b, mib))
            m1b = jnp.minimum(m1b, mib)
            return (m1a, m2a, ca, m1b, m2b, cb)

        init = (big16, big16, zero16, big16, big16, zero16)
        return lax.fori_loop(0, _CHUNK // 16, body, init)

    base = wid * _CHUNK
    cnt_v = [zero16, zero16]
    fg_v = [big16, big16]
    sg_v = [big16, big16]

    for r0 in range(0, _NR, 2):
        ta = _code(_NEG[r0])
        tb = _code(_NEG[r0 + 1]) if r0 + 1 < _NR else -1
        m1a, m2a, ca, m1b, m2b, cb = scan_pair(ta, tb)
        recs = [(r0, m1a, m2a, ca)]
        if r0 + 1 < _NR:
            recs.append((r0 + 1, m1b, m2b, cb))
        for r, m1, m2, cv in recs:
            first = jnp.min(m1)
            second = jnp.min(jnp.where(m1 == first, m2, m1))
            cnt = jnp.sum(cv)
            g = r // 16
            sel = lane == (r % 16)
            cnt_v[g] = jnp.where(sel, cnt, cnt_v[g])
            fg_v[g] = jnp.where(sel, jnp.where(first == _BIG, _BIG, first + base), fg_v[g])
            sg_v[g] = jnp.where(sel, jnp.where(second == _BIG, _BIG, second + base), sg_v[g])

    stg[0, :] = cnt_v[0]
    stg[1, :] = cnt_v[1]
    stg[2, :] = fg_v[0]
    stg[3, :] = fg_v[1]
    stg[4, :] = sg_v[0]
    stg[5, :] = sg_v[1]

    pltpu.sync_copy(stg, out_hbm.at[wid])

  return _sc_scan


def _combine_body(parts_ref, v10_r, v11_r, v20_r, v21_r, v30_r, v31_r,
                  x0_r, x1_r, y0_r, y1_r, z0_r, z1_r, fl_r, out_ref):
    v10, v11 = v10_r[...], v11_r[...]
    v20, v21 = v20_r[...], v21_r[...]
    v30, v31 = v30_r[...], v31_r[...]
    x0, x1 = x0_r[...], x1_r[...]
    y0, y1 = y0_r[...], y1_r[...]
    z0, z1 = z0_r[...], z1_r[...]
    fl = fl_r[...]

    four_fl = 4 * fl
    cx = 3 - 3 * x0 - 2 * x1 + 4 * x0 * x1 + four_fl
    cy = 3 - 3 * y0 - 2 * y1 + 4 * y0 * y1 + four_fl
    cz = 3 - 3 * z0 - 2 * z1 + 4 * z0 * z1 + four_fl
    code = cx * 64 + cy * 8 + cz

    idx = (lax.broadcasted_iota(jnp.int32, (_R, _C), 0) * _C
           + lax.broadcasted_iota(jnp.int32, (_R, _C), 1))

    v1c = (v10, v11)
    v2c = (v20, v21)
    v3c = (v30, v31)

    pos_acc = jnp.zeros((_R, _C), jnp.float32)
    for (xy, yz, xz) in _POS:
        t = _code((xy, yz, xz))
        w = v1c[_dm(xy)] + v2c[_dm(yz)] - v3c[_dm(xz)]
        pos_acc = pos_acc + jnp.where(code == t, w, 0.0)
    loss = -jnp.sum(pos_acc)

    parts = parts_ref[...]
    cnt = parts[:, 0:32]
    first = parts[:, 32:64]
    second = parts[:, 64:96]
    gcnt = jnp.sum(cnt, axis=0, keepdims=True)
    g1 = jnp.min(first, axis=0, keepdims=True)
    g2 = jnp.min(jnp.where(first == g1, second, first), axis=0, keepdims=True)
    p1 = jnp.where(gcnt >= 2, g2, g1)

    s1_full = v10 + v11
    s2_full = v20 + v21
    l3_full = _log1mexp(v30) + _log1mexp(v31)

    false_p = jnp.zeros((_R, _C), jnp.bool_)
    m1p, m2p, m3p = false_p, false_p, false_p
    for r, (xy, yz, xz) in enumerate(_NEG):
        f1, f2, f3 = _dm(xy), _dm(yz), _dm(xz)
        live = gcnt[0, r] > 0
        p0_r = jnp.minimum(g1[0, r], _B - 1)
        p1_r = jnp.minimum(p1[0, r], _B - 1)
        oh = ((idx == p0_r) & live, (idx == p1_r) & live)
        m1p = m1p | oh[f1]
        m2p = m2p | oh[f2]
        m3p = m3p | oh[f3]
    zero = jnp.zeros((_R, _C), jnp.float32)
    loss = (loss - jnp.sum(jnp.where(m1p, s1_full, zero))
            - jnp.sum(jnp.where(m2p, s2_full, zero))
            + jnp.sum(jnp.where(m3p, l3_full, zero)))

    out_ref[...] = jnp.broadcast_to(loss, (1, 1))


def kernel(volume1, volume2, volume3, xy_rel_id, yz_rel_id, xz_rel_id, flag):
    i32 = jnp.int32
    xy = xy_rel_id.astype(i32)
    yz = yz_rel_id.astype(i32)
    xz = xz_rel_id.astype(i32)
    fl = flag.astype(i32)
    bits = (xy[:, 0] | (xy[:, 1] << 1) | (yz[:, 0] << 2) | (yz[:, 1] << 3)
            | (xz[:, 0] << 4) | (xz[:, 1] << 5) | (fl << 6))
    b4 = bits.reshape(-1, 4)
    packed = (b4[:, 0] | (b4[:, 1] << 8) | (b4[:, 2] << 16)
              | (b4[:, 3] << 24)).reshape(_NW, _WORDS)
    parts = _build_sc_scan()(packed)

    shp = (_R, _C)
    planes = (
        volume1[:, 0].reshape(shp), volume1[:, 1].reshape(shp),
        volume2[:, 0].reshape(shp), volume2[:, 1].reshape(shp),
        volume3[:, 0].reshape(shp), volume3[:, 1].reshape(shp),
        xy[:, 0].reshape(shp), xy[:, 1].reshape(shp),
        yz[:, 0].reshape(shp), yz[:, 1].reshape(shp),
        xz[:, 0].reshape(shp), xz[:, 1].reshape(shp),
        fl.reshape(shp),
    )
    out = pl.pallas_call(
        _combine_body,
        out_shape=jax.ShapeDtypeStruct((1, 1), jnp.float32),
    )(parts.reshape(_NW, 96), *planes)
    return out[0, 0]

# --- scband reference (transcript-rebuilt; emitter-appended) ---
"""Pipeline reference for scband-box-cross-category-loss-25400436588780 (READ-ONLY COPY).

The authoritative reference and input builder live on the scoring server;
editing this copy changes nothing except your own understanding.
"""

import jax, jax.numpy as jnp
import numpy as np

B = 16384
LOSS_RECIPE = [(0, 4, 4), (0, 6, 4), (1, 5, 5), (1, 6, 5), (2, 4, 4), (2, 5, 5), (2, 6, 6), (2, 7, 7), (4, 0, 4), (4, 2, 4), (5, 1, 5), (5, 2, 5), (6, 2, 6), (7, 2, 7)]
NEG_LOSS_RECIPE = [(0, 4, 1), (0, 4, 2), (0, 6, 1), (0, 6, 2), (1, 5, 0), (1, 5, 2), (1, 6, 0), (1, 6, 2), (2, 4, 1), (2, 4, 2), (2, 5, 0), (2, 5, 2), (4, 0, 1), (4, 0, 2), (4, 2, 1), (4, 2, 2), (5, 1, 0), (5, 1, 2), (5, 2, 0), (5, 2, 2), (2, 7, 2), (7, 2, 2)]
DATASET_MAP = {0: 0, 1: 0, 2: 0, 3: 0, 4: 1, 5: 1, 6: 1, 7: 1}


def log1mexp(x):
    # numerically stable log(1 - exp(x)) for x < 0
    return jnp.where(x > -jnp.log(2.0), jnp.log(-jnp.expm1(x)), jnp.log1p(-jnp.exp(x)))


def get_rel_map(rel_id, hieve_mask, matres_mask):
    pc = (rel_id[..., 0] == 1) & (rel_id[..., 1] == 0)
    cp = (rel_id[..., 0] == 0) & (rel_id[..., 1] == 1)
    cr = (rel_id[..., 0] == 1) & (rel_id[..., 1] == 1)
    vg = (rel_id[..., 0] == 0) & (rel_id[..., 1] == 0)
    return {0: pc & hieve_mask, 1: cp & hieve_mask, 2: cr & hieve_mask, 3: vg & hieve_mask,
            4: pc & matres_mask, 5: cp & matres_mask, 6: cr & matres_mask, 7: vg & matres_mask}


def setup_inputs(seed: int = 0) -> dict:
    key = jax.random.key(seed)
    k1, k2, k3, k4, k5, k6, k7 = jax.random.split(key, 7)
    xy_rel_id = jax.random.randint(k1, (B, 2), 0, 2)
    yz_rel_id = jax.random.randint(k2, (B, 2), 0, 2)
    xz_rel_id = jax.random.randint(k3, (B, 2), 0, 2)
    flag = jax.random.randint(k4, (B,), 0, 2)
    # log-volumes are log-probabilities: strictly negative so log1mexp is well-defined
    volume1 = -jnp.abs(jax.random.normal(k5, (B, 2), dtype=jnp.float32)) - 0.01
    volume2 = -jnp.abs(jax.random.normal(k6, (B, 2), dtype=jnp.float32)) - 0.01
    volume3 = -jnp.abs(jax.random.normal(k7, (B, 2), dtype=jnp.float32)) - 0.01
    return {"volume1": volume1, "volume2": volume2, "volume3": volume3,
            "xy_rel_id": xy_rel_id, "yz_rel_id": yz_rel_id, "xz_rel_id": xz_rel_id, "flag": flag}


def reference(volume1, volume2, volume3, xy_rel_id, yz_rel_id, xz_rel_id, flag):
    hieve_mask = flag == 0
    matres_mask = flag == 1
    xy_map = get_rel_map(xy_rel_id, hieve_mask, matres_mask)
    yz_map = get_rel_map(yz_rel_id, hieve_mask, matres_mask)
    xz_map = get_rel_map(xz_rel_id, hieve_mask, matres_mask)
    loss = jnp.asarray(0.0, jnp.float32)
    for xy, yz, xz in LOSS_RECIPE:
        m = xy_map[xy] & yz_map[yz] & xz_map[xz]
        f1, f2, f3 = DATASET_MAP[xy], DATASET_MAP[yz], DATASET_MAP[xz]
        l = jnp.where(m, volume1[:, f1] + volume2[:, f2] - volume3[:, f3], 0.0)
        loss = loss + (-l.sum())
    for xy, yz, xz in NEG_LOSS_RECIPE:
        m = xy_map[xy] & yz_map[yz] & xz_map[xz]
        cnt = jnp.sum(m)
        cs = jnp.cumsum(m)

        def pick(k):
            kk = jnp.minimum(k, cnt - 1)
            return jnp.argmax(m & (cs == kk + 1))

        f1, f2, f3 = DATASET_MAP[xy], DATASET_MAP[yz], DATASET_MAP[xz]
        i1, i2, i3 = pick(f1), pick(f2), pick(f3)
        neg_v3 = log1mexp(volume3[i3])
        l = volume1[i1] + volume2[i2] - neg_v3
        loss = loss + jnp.where(cnt > 0, -l.sum(), 0.0)
    return loss


if False:  # reference __main__ guard neutralized (emitter)
    out = reference(**setup_inputs())
    print(out)

if __name__ == "__main__":
    import jax
    _d = setup_inputs()
    print(jax.jit(kernel)(*tuple(_d.values())))

</pallas_src>

<mosaic_0001>
#map = affine_map<(d0, d1) -> (0, 0)>
#map1 = affine_map<(d0, d1) -> (0, 0, 0)>
module attributes {stable_mosaic.version = 14 : i64} {
  func.func @_sc_scan(%arg0: i32, %arg1: i32, %arg2: memref<32x128xi32, #tpu.memory_space<hbm>>, %arg3: memref<32x6x16xi32, #tpu.memory_space<hbm>>, %arg4: memref<128xi32, #tpu.memory_space<vmem>>, %arg5: memref<512xi32, #tpu.memory_space<vmem>>, %arg6: memref<6x16xi32, #tpu.memory_space<vmem>>, %arg7: memref<!tpu.dma_semaphore, #tpu.memory_space<semaphore_mem>>) attributes {dimension_semantics = [#tpu.dimension_semantics<core_parallel>, #tpu.dimension_semantics<subcore_parallel>], iteration_bounds = array<i64: 2, 16>, scalar_prefetch = 0 : i64, scratch_operands = 4 : i64, tpu.core_type = #tpu.core_type<sc_vector_subcore>, window_params = [{transform_indices = #map}, {transform_indices = #map1}]} {
    %mul3A = arith.constant 16 : i32
    %mul3A_0 = arith.muli %arg0, %mul3A : i32
    %add3A = arith.addi %mul3A_0, %arg1 : i32
    %dma_start3A = arith.constant 0 : i32
    %dma_start3A_1 = tpu.memref_slice %arg2[%add3A, %dma_start3A] : memref<32x128xi32, #tpu.memory_space<hbm>> -> memref<1x128xi32, #tpu.memory_space<hbm>>
    %dma_start3A_2 = tpu.memref_squeeze %dma_start3A_1 : memref<1x128xi32, #tpu.memory_space<hbm>> -> memref<128xi32, #tpu.memory_space<hbm>>
    %dma_start3A_3 = arith.constant 0 : i32
    %dma_start3A_4 = tpu.memref_slice %arg2[%add3A, %dma_start3A_3] : memref<32x128xi32, #tpu.memory_space<hbm>> -> memref<1x128xi32, #tpu.memory_space<hbm>>
    %dma_start3A_5 = tpu.memref_squeeze %dma_start3A_4 : memref<1x128xi32, #tpu.memory_space<hbm>> -> memref<128xi32, #tpu.memory_space<hbm>>
    tpu.enqueue_dma source(%dma_start3A_5 : memref<128xi32, #tpu.memory_space<hbm>>) target(%arg4 : memref<128xi32, #tpu.memory_space<vmem>>) target_semaphore(%arg7 : memref<!tpu.dma_semaphore, #tpu.memory_space<semaphore_mem>>)
    %dma_wait3A = arith.constant 0 : i32
    %dma_wait3A_6 = tpu.memref_slice %arg2[%add3A, %dma_wait3A] : memref<32x128xi32, #tpu.memory_space<hbm>> -> memref<1x128xi32, #tpu.memory_space<hbm>>
    %dma_wait3A_7 = tpu.memref_squeeze %dma_wait3A_6 : memref<1x128xi32, #tpu.memory_space<hbm>> -> memref<128xi32, #tpu.memory_space<hbm>>
    %dma_wait3A_8 = arith.constant 0 : i32
    %dma_wait3A_9 = tpu.memref_slice %arg2[%add3A, %dma_wait3A_8] : memref<32x128xi32, #tpu.memory_space<hbm>> -> memref<1x128xi32, #tpu.memory_space<hbm>>
    %dma_wait3A_10 = tpu.memref_squeeze %dma_wait3A_9 : memref<1x128xi32, #tpu.memory_space<hbm>> -> memref<128xi32, #tpu.memory_space<hbm>>
    tpu.wait_dma2 semaphore(%arg7 : memref<!tpu.dma_semaphore, #tpu.memory_space<semaphore_mem>>) src(%dma_wait3A_10 : memref<128xi32, #tpu.memory_space<hbm>>) dst(%arg4 : memref<128xi32, #tpu.memory_space<vmem>>)
    %iota3A = tpu.iota {dimensions = array<i32: 0>} : vector<16xi32>
    %scan3A = arith.constant 0 : i32
    %scan3A_11 = arith.constant 0 : i32
    %scan3A_12 = arith.constant 8 : i32
    %scan3A_13 = arith.addi %scan3A_11, %scan3A_12 : i32
    %scan3A_14 = arith.constant 1 : i32
    scf.for %scan3A_1029 = %scan3A_11 to %scan3A_13 step %scan3A_14  : i32 {
      %mul3A_1030 = arith.constant 16 : i32
      %mul3A_1031 = arith.muli %scan3A_1029, %mul3A_1030 : i32
      %get3A = arith.index_cast %mul3A_1031 : i32 to index
      %get3A_1032 = tpu.vector_load %arg4[%get3A] {strides = array<i32>} : memref<128xi32, #tpu.memory_space<vmem>>, vector<16xi32>,
      %shift_right_arithmetic3A = arith.constant 0 : i32
      %shift_right_arithmetic3A_1033 = vector.broadcast %shift_right_arithmetic3A : i32 to vector<16xi32>
      %shift_right_arithmetic3A_1034 = arith.shrsi %get3A_1032, %shift_right_arithmetic3A_1033 : vector<16xi32>
      %and3A = arith.constant 127 : i32
      %and3A_1035 = vector.broadcast %and3A : i32 to vector<16xi32>
      %and3A_1036 = arith.andi %shift_right_arithmetic3A_1034, %and3A_1035 : vector<16xi32>
      %and3A_1037 = arith.constant 1 : i32
      %and3A_1038 = vector.broadcast %and3A_1037 : i32 to vector<16xi32>
      %and3A_1039 = arith.andi %and3A_1036, %and3A_1038 : vector<16xi32>
      %shift_right_arithmetic3A_1040 = arith.constant 1 : i32
      %shift_right_arithmetic3A_1041 = vector.broadcast %shift_right_arithmetic3A_1040 : i32 to vector<16xi32>
      %shift_right_arithmetic3A_1042 = arith.shrsi %and3A_1036, %shift_right_arithmetic3A_1041 : vector<16xi32>
      %and3A_1043 = arith.constant 1 : i32
      %and3A_1044 = vector.broadcast %and3A_1043 : i32 to vector<16xi32>
      %and3A_1045 = arith.andi %shift_right_arithmetic3A_1042, %and3A_1044 : vector<16xi32>
      %shift_right_arithmetic3A_1046 = arith.constant 2 : i32
      %shift_right_arithmetic3A_1047 = vector.broadcast %shift_right_arithmetic3A_1046 : i32 to vector<16xi32>
      %shift_right_arithmetic3A_1048 = arith.shrsi %and3A_1036, %shift_right_arithmetic3A_1047 : vector<16xi32>
      %and3A_1049 = arith.constant 1 : i32
      %and3A_1050 = vector.broadcast %and3A_1049 : i32 to vector<16xi32>
      %and3A_1051 = arith.andi %shift_right_arithmetic3A_1048, %and3A_1050 : vector<16xi32>
      %shift_right_arithmetic3A_1052 = arith.constant 3 : i32
      %shift_right_arithmetic3A_1053 = vector.broadcast %shift_right_arithmetic3A_1052 : i32 to vector<16xi32>
      %shift_right_arithmetic3A_1054 = arith.shrsi %and3A_1036, %shift_right_arithmetic3A_1053 : vector<16xi32>
      %and3A_1055 = arith.constant 1 : i32
      %and3A_1056 = vector.broadcast %and3A_1055 : i32 to vector<16xi32>
      %and3A_1057 = arith.andi %shift_right_arithmetic3A_1054, %and3A_1056 : vector<16xi32>
      %shift_right_arithmetic3A_1058 = arith.constant 4 : i32
      %shift_right_arithmetic3A_1059 = vector.broadcast %shift_right_arithmetic3A_1058 : i32 to vector<16xi32>
      %shift_right_arithmetic3A_1060 = arith.shrsi %and3A_1036, %shift_right_arithmetic3A_1059 : vector<16xi32>
      %and3A_1061 = arith.constant 1 : i32
      %and3A_1062 = vector.broadcast %and3A_1061 : i32 to vector<16xi32>
      %and3A_1063 = arith.andi %shift_right_arithmetic3A_1060, %and3A_1062 : vector<16xi32>
      %shift_right_arithmetic3A_1064 = arith.constant 5 : i32
      %shift_right_arithmetic3A_1065 = vector.broadcast %shift_right_arithmetic3A_1064 : i32 to vector<16xi32>
      %shift_right_arithmetic3A_1066 = arith.shrsi %and3A_1036, %shift_right_arithmetic3A_1065 : vector<16xi32>
      %and3A_1067 = arith.constant 1 : i32
      %and3A_1068 = vector.broadcast %and3A_1067 : i32 to vector<16xi32>
      %and3A_1069 = arith.andi %shift_right_arithmetic3A_1066, %and3A_1068 : vector<16xi32>
      %shift_right_arithmetic3A_1070 = arith.constant 6 : i32
      %shift_right_arithmetic3A_1071 = vector.broadcast %shift_right_arithmetic3A_1070 : i32 to vector<16xi32>
      %shift_right_arithmetic3A_1072 = arith.shrsi %and3A_1036, %shift_right_arithmetic3A_1071 : vector<16xi32>
      %mul3A_1073 = arith.constant 4 : i32
      %mul3A_1074 = vector.broadcast %mul3A_1073 : i32 to vector<16xi32>
      %mul3A_1075 = arith.muli %shift_right_arithmetic3A_1072, %mul3A_1074 : vector<16xi32>
      %mul3A_1076 = arith.constant 3 : i32
      %mul3A_1077 = vector.broadcast %mul3A_1076 : i32 to vector<16xi32>
      %mul3A_1078 = arith.muli %mul3A_1077, %and3A_1039 : vector<16xi32>
      %sub3A = arith.constant 3 : i32
      %sub3A_1079 = vector.broadcast %sub3A : i32 to vector<16xi32>
      %sub3A_1080 = arith.subi %sub3A_1079, %mul3A_1078 : vector<16xi32>
      %mul3A_1081 = arith.constant 2 : i32
      %mul3A_1082 = vector.broadcast %mul3A_1081 : i32 to vector<16xi32>
      %mul3A_1083 = arith.muli %mul3A_1082, %and3A_1045 : vector<16xi32>
      %sub3A_1084 = arith.subi %sub3A_1080, %mul3A_1083 : vector<16xi32>
      %mul3A_1085 = arith.constant 4 : i32
      %mul3A_1086 = vector.broadcast %mul3A_1085 : i32 to vector<16xi32>
      %mul3A_1087 = arith.muli %mul3A_1086, %and3A_1039 : vector<16xi32>
      %mul3A_1088 = arith.muli %mul3A_1087, %and3A_1045 : vector<16xi32>
      %add3A_1089 = arith.addi %sub3A_1084, %mul3A_1088 : vector<16xi32>
      %add3A_1090 = arith.addi %add3A_1089, %mul3A_1075 : vector<16xi32>
      %mul3A_1091 = arith.constant 3 : i32
      %mul3A_1092 = vector.broadcast %mul3A_1091 : i32 to vector<16xi32>
      %mul3A_1093 = arith.muli %mul3A_1092, %and3A_1051 : vector<16xi32>
      %sub3A_1094 = arith.constant 3 : i32
      %sub3A_1095 = vector.broadcast %sub3A_1094 : i32 to vector<16xi32>
      %sub3A_1096 = arith.subi %sub3A_1095, %mul3A_1093 : vector<16xi32>
      %mul3A_1097 = arith.constant 2 : i32
      %mul3A_1098 = vector.broadcast %mul3A_1097 : i32 to vector<16xi32>
      %mul3A_1099 = arith.muli %mul3A_1098, %and3A_1057 : vector<16xi32>
      %sub3A_1100 = arith.subi %sub3A_1096, %mul3A_1099 : vector<16xi32>
      %mul3A_1101 = arith.constant 4 : i32
      %mul3A_1102 = vector.broadcast %mul3A_1101 : i32 to vector<16xi32>
      %mul3A_1103 = arith.muli %mul3A_1102, %and3A_1051 : vector<16xi32>
      %mul3A_1104 = arith.muli %mul3A_1103, %and3A_1057 : vector<16xi32>
      %add3A_1105 = arith.addi %sub3A_1100, %mul3A_1104 : vector<16xi32>
      %add3A_1106 = arith.addi %add3A_1105, %mul3A_1075 : vector<16xi32>
      %mul3A_1107 = arith.constant 3 : i32
      %mul3A_1108 = vector.broadcast %mul3A_1107 : i32 to vector<16xi32>
      %mul3A_1109 = arith.muli %mul3A_1108, %and3A_1063 : vector<16xi32>
      %sub3A_1110 = arith.constant 3 : i32
      %sub3A_1111 = vector.broadcast %sub3A_1110 : i32 to vector<16xi32>
      %sub3A_1112 = arith.subi %sub3A_1111, %mul3A_1109 : vector<16xi32>
      %mul3A_1113 = arith.constant 2 : i32
      %mul3A_1114 = vector.broadcast %mul3A_1113 : i32 to vector<16xi32>
      %mul3A_1115 = arith.muli %mul3A_1114, %and3A_1069 : vector<16xi32>
      %sub3A_1116 = arith.subi %sub3A_1112, %mul3A_1115 : vector<16xi32>
      %mul3A_1117 = arith.constant 4 : i32
      %mul3A_1118 = vector.broadcast %mul3A_1117 : i32 to vector<16xi32>
      %mul3A_1119 = arith.muli %mul3A_1118, %and3A_1063 : vector<16xi32>
      %mul3A_1120 = arith.muli %mul3A_1119, %and3A_1069 : vector<16xi32>
      %add3A_1121 = arith.addi %sub3A_1116, %mul3A_1120 : vector<16xi32>
      %add3A_1122 = arith.addi %add3A_1121, %mul3A_1075 : vector<16xi32>
      %mul3A_1123 = arith.constant 64 : i32
      %mul3A_1124 = vector.broadcast %mul3A_1123 : i32 to vector<16xi32>
      %mul3A_1125 = arith.muli %add3A_1090, %mul3A_1124 : vector<16xi32>
      %mul3A_1126 = arith.constant 8 : i32
      %mul3A_1127 = vector.broadcast %mul3A_1126 : i32 to vector<16xi32>
      %mul3A_1128 = arith.muli %add3A_1106, %mul3A_1127 : vector<16xi32>
      %add3A_1129 = arith.addi %mul3A_1125, %mul3A_1128 : vector<16xi32>
      %add3A_1130 = arith.addi %add3A_1129, %add3A_1122 : vector<16xi32>
      %mul3A_1131 = arith.constant 64 : i32
      %mul3A_1132 = arith.muli %scan3A_1029, %mul3A_1131 : i32
      %add3A_1133 = arith.constant 0 : i32
      %add3A_1134 = arith.addi %mul3A_1132, %add3A_1133 : i32
      %swap3A_1135 = arith.index_cast %add3A_1134 : i32 to index
      %swap3A_1136 = tpu.vector_load %arg5[%swap3A_1135] {strides = array<i32>} : memref<512xi32, #tpu.memory_space<vmem>>, vector<16xi32>,
      tpu.vector_store %arg5[%swap3A_1135], %add3A_1130 {strides = array<i32>} : memref<512xi32, #tpu.memory_space<vmem>>, vector<16xi32>,
      %shift_right_arithmetic3A_1137 = arith.constant 8 : i32
      %shift_right_arithmetic3A_1138 = vector.broadcast %shift_right_arithmetic3A_1137 : i32 to vector<16xi32>
      %shift_right_arithmetic3A_1139 = arith.shrsi %get3A_1032, %shift_right_arithmetic3A_1138 : vector<16xi32>
      %and3A_1140 = arith.constant 127 : i32
      %and3A_1141 = vector.broadcast %and3A_1140 : i32 to vector<16xi32>
      %and3A_1142 = arith.andi %shift_right_arithmetic3A_1139, %and3A_1141 : vector<16xi32>
      %and3A_1143 = arith.constant 1 : i32
      %and3A_1144 = vector.broadcast %and3A_1143 : i32 to vector<16xi32>
      %and3A_1145 = arith.andi %and3A_1142, %and3A_1144 : vector<16xi32>
      %shift_right_arithmetic3A_1146 = arith.constant 1 : i32
      %shift_right_arithmetic3A_1147 = vector.broadcast %shift_right_arithmetic3A_1146 : i32 to vector<16xi32>
      %shift_right_arithmetic3A_1148 = arith.shrsi %and3A_1142, %shift_right_arithmetic3A_1147 : vector<16xi32>
      %and3A_1149 = arith.constant 1 : i32
      %and3A_1150 = vector.broadcast %and3A_1149 : i32 to vector<16xi32>
      %and3A_1151 = arith.andi %shift_right_arithmetic3A_1148, %and3A_1150 : vector<16xi32>
      %shift_right_arithmetic3A_1152 = arith.constant 2 : i32
      %shift_right_arithmetic3A_1153 = vector.broadcast %shift_right_arithmetic3A_1152 : i32 to vector<16xi32>
      %shift_right_arithmetic3A_1154 = arith.shrsi %and3A_1142, %shift_right_arithmetic3A_1153 : vector<16xi32>
      %and3A_1155 = arith.constant 1 : i32
      %and3A_1156 = vector.broadcast %and3A_1155 : i32 to vector<16xi32>
      %and3A_1157 = arith.andi %shift_right_arithmetic3A_1154, %and3A_1156 : vector<16xi32>
      %shift_right_arithmetic3A_1158 = arith.constant 3 : i32
      %shift_right_arithmetic3A_1159 = vector.broadcast %shift_right_arithmetic3A_1158 : i32 to vector<16xi32>
      %shift_right_arithmetic3A_1160 = arith.shrsi %and3A_1142, %shift_right_arithmetic3A_1159 : vector<16xi32>
      %and3A_1161 = arith.constant 1 : i32
      %and3A_1162 = vector.broadcast %and3A_1161 : i32 to vector<16xi32>
      %and3A_1163 = arith.andi %shift_right_arithmetic3A_1160, %and3A_1162 : vector<16xi32>
      %shift_right_arithmetic3A_1164 = arith.constant 4 : i32
      %shift_right_arithmetic3A_1165 = vector.broadcast %shift_right_arithmetic3A_1164 : i32 to vector<16xi32>
      %shift_right_arithmetic3A_1166 = arith.shrsi %and3A_1142, %shift_right_arithmetic3A_1165 : vector<16xi32>
      %and3A_1167 = arith.constant 1 : i32
      %and3A_1168 = vector.broadcast %and3A_1167 : i32 to vector<16xi32>
      %and3A_1169 = arith.andi %shift_right_arithmetic3A_1166, %and3A_1168 : vector<16xi32>
      %shift_right_arithmetic3A_1170 = arith.constant 5 : i32
      %shift_right_arithmetic3A_1171 = vector.broadcast %shift_right_arithmetic3A_1170 : i32 to vector<16xi32>
      %shift_right_arithmetic3A_1172 = arith.shrsi %and3A_1142, %shift_right_arithmetic3A_1171 : vector<16xi32>
      %and3A_1173 = arith.constant 1 : i32
      %and3A_1174 = vector.broadcast %and3A_1173 : i32 to vector<16xi32>
      %and3A_1175 = arith.andi %shift_right_arithmetic3A_1172, %and3A_1174 : vector<16xi32>
      %shift_right_arithmetic3A_1176 = arith.constant 6 : i32
      %shift_right_arithmetic3A_1177 = vector.broadcast %shift_right_arithmetic3A_1176 : i32 to vector<16xi32>
      %shift_right_arithmetic3A_1178 = arith.shrsi %and3A_1142, %shift_right_arithmetic3A_1177 : vector<16xi32>
      %mul3A_1179 = arith.constant 4 : i32
      %mul3A_1180 = vector.broadcast %mul3A_1179 : i32 to vector<16xi32>
      %mul3A_1181 = arith.muli %shift_right_arithmetic3A_1178, %mul3A_1180 : vector<16xi32>
      %mul3A_1182 = arith.constant 3 : i32
      %mul3A_1183 = vector.broadcast %mul3A_1182 : i32 to vector<16xi32>
      %mul3A_1184 = arith.muli %mul3A_1183, %and3A_1145 : vector<16xi32>
      %sub3A_1185 = arith.constant 3 : i32
      %sub3A_1186 = vector.broadcast %sub3A_1185 : i32 to vector<16xi32>
      %sub3A_1187 = arith.subi %sub3A_1186, %mul3A_1184 : vector<16xi32>
      %mul3A_1188 = arith.constant 2 : i32
      %mul3A_1189 = vector.broadcast %mul3A_1188 : i32 to vector<16xi32>
      %mul3A_1190 = arith.muli %mul3A_1189, %and3A_1151 : vector<16xi32>
      %sub3A_1191 = arith.subi %sub3A_1187, %mul3A_1190 : vector<16xi32>
      %mul3A_1192 = arith.constant 4 : i32
      %mul3A_1193 = vector.broadcast %mul3A_1192 : i32 to vector<16xi32>
      %mul3A_1194 = arith.muli %mul3A_1193, %and3A_1145 : vector<16xi32>
      %mul3A_1195 = arith.muli %mul3A_1194, %and3A_1151 : vector<16xi32>
      %add3A_1196 = arith.addi %sub3A_1191, %mul3A_1195 : vector<16xi32>
      %add3A_1197 = arith.addi %add3A_1196, %mul3A_1181 : vector<16xi32>
      %mul3A_1198 = arith.constant 3 : i32
      %mul3A_1199 = vector.broadcast %mul3A_1198 : i32 to vector<16xi32>
      %mul3A_1200 = arith.muli %mul3A_1199, %and3A_1157 : vector<16xi32>
      %sub3A_1201 = arith.constant 3 : i32
      %sub3A_1202 = vector.broadcast %sub3A_1201 : i32 to vector<16xi32>
      %sub3A_1203 = arith.subi %sub3A_1202, %mul3A_1200 : vector<16xi32>
      %mul3A_1204 = arith.constant 2 : i32
      %mul3A_1205 = vector.broadcast %mul3A_1204 : i32 to vector<16xi32>
      %mul3A_1206 = arith.muli %mul3A_1205, %and3A_1163 : vector<16xi32>
      %sub3A_1207 = arith.subi %sub3A_1203, %mul3A_1206 : vector<16xi32>
      %mul3A_1208 = arith.constant 4 : i32
      %mul3A_1209 = vector.broadcast %mul3A_1208 : i32 to vector<16xi32>
      %mul3A_1210 = arith.muli %mul3A_1209, %and3A_1157 : vector<16xi32>
      %mul3A_1211 = arith.muli %mul3A_1210, %and3A_1163 : vector<16xi32>
      %add3A_1212 = arith.addi %sub3A_1207, %mul3A_1211 : vector<16xi32>
      %add3A_1213 = arith.addi %add3A_1212, %mul3A_1181 : vector<16xi32>
      %mul3A_1214 = arith.constant 3 : i32
      %mul3A_1215 = vector.broadcast %mul3A_1214 : i32 to vector<16xi32>
      %mul3A_1216 = arith.muli %mul3A_1215, %and3A_1169 : vector<16xi32>
      %sub3A_1217 = arith.constant 3 : i32
      %sub3A_1218 = vector.broadcast %sub3A_1217 : i32 to vector<16xi32>
      %sub3A_1219 = arith.subi %sub3A_1218, %mul3A_1216 : vector<16xi32>
      %mul3A_1220 = arith.constant 2 : i32
      %mul3A_1221 = vector.broadcast %mul3A_1220 : i32 to vector<16xi32>
      %mul3A_1222 = arith.muli %mul3A_1221, %and3A_1175 : vector<16xi32>
      %sub3A_1223 = arith.subi %sub3A_1219, %mul3A_1222 : vector<16xi32>
      %mul3A_1224 = arith.constant 4 : i32
      %mul3A_1225 = vector.broadcast %mul3A_1224 : i32 to vector<16xi32>
      %mul3A_1226 = arith.muli %mul3A_1225, %and3A_1169 : vector<16xi32>
      %mul3A_1227 = arith.muli %mul3A_1226, %and3A_1175 : vector<16xi32>
      %add3A_1228 = arith.addi %sub3A_1223, %mul3A_1227 : vector<16xi32>
      %add3A_1229 = arith.addi %add3A_1228, %mul3A_1181 : vector<16xi32>
      %mul3A_1230 = arith.constant 64 : i32
      %mul3A_1231 = vector.broadcast %mul3A_1230 : i32 to vector<16xi32>
      %mul3A_1232 = arith.muli %add3A_1197, %mul3A_1231 : vector<16xi32>
      %mul3A_1233 = arith.constant 8 : i32
      %mul3A_1234 = vector.broadcast %mul3A_1233 : i32 to vector<16xi32>
      %mul3A_1235 = arith.muli %add3A_1213, %mul3A_1234 : vector<16xi32>
      %add3A_1236 = arith.addi %mul3A_1232, %mul3A_1235 : vector<16xi32>
      %add3A_1237 = arith.addi %add3A_1236, %add3A_1229 : vector<16xi32>
      %mul3A_1238 = arith.constant 64 : i32
      %mul3A_1239 = arith.muli %scan3A_1029, %mul3A_1238 : i32
      %add3A_1240 = arith.constant 16 : i32
      %add3A_1241 = arith.addi %mul3A_1239, %add3A_1240 : i32
      %swap3A_1242 = arith.index_cast %add3A_1241 : i32 to index
      %swap3A_1243 = tpu.vector_load %arg5[%swap3A_1242] {strides = array<i32>} : memref<512xi32, #tpu.memory_space<vmem>>, vector<16xi32>,
      tpu.vector_store %arg5[%swap3A_1242], %add3A_1237 {strides = array<i32>} : memref<512xi32, #tpu.memory_space<vmem>>, vector<16xi32>,
      %shift_right_arithmetic3A_1244 = arith.constant 16 : i32
      %shift_right_arithmetic3A_1245 = vector.broadcast %shift_right_arithmetic3A_1244 : i32 to vector<16xi32>
      %shift_right_arithmetic3A_1246 = arith.shrsi %get3A_1032, %shift_right_arithmetic3A_1245 : vector<16xi32>
      %and3A_1247 = arith.constant 127 : i32
      %and3A_1248 = vector.broadcast %and3A_1247 : i32 to vector<16xi32>
      %and3A_1249 = arith.andi %shift_right_arithmetic3A_1246, %and3A_1248 : vector<16xi32>
      %and3A_1250 = arith.constant 1 : i32
      %and3A_1251 = vector.broadcast %and3A_1250 : i32 to vector<16xi32>
      %and3A_1252 = arith.andi %and3A_1249, %and3A_1251 : vector<16xi32>
      %shift_right_arithmetic3A_1253 = arith.constant 1 : i32
      %shift_right_arithmetic3A_1254 = vector.broadcast %shift_right_arithmetic3A_1253 : i32 to vector<16xi32>
      %shift_right_arithmetic3A_1255 = arith.shrsi %and3A_1249, %shift_right_arithmetic3A_1254 : vector<16xi32>
      %and3A_1256 = arith.constant 1 : i32
      %and3A_1257 = vector.broadcast %and3A_1256 : i32 to vector<16xi32>
      %and3A_1258 = arith.andi %shift_right_arithmetic3A_1255, %and3A_1257 : vector<16xi32>
      %shift_right_arithmetic3A_1259 = arith.constant 2 : i32
      %shift_right_arithmetic3A_1260 = vector.broadcast %shift_right_arithmetic3A_1259 : i32 to vector<16xi32>
      %shift_right_arithmetic3A_1261 = arith.shrsi %and3A_1249, %shift_right_arithmetic3A_1260 : vector<16xi32>
      %and3A_1262 = arith.constant 1 : i32
      %and3A_1263 = vector.broadcast %and3A_1262 : i32 to vector<16xi32>
      %and3A_1264 = arith.andi %shift_right_arithmetic3A_1261, %and3A_1263 : vector<16xi32>
      %shift_right_arithmetic3A_1265 = arith.constant 3 : i32
      %shift_right_arithmetic3A_1266 = vector.broadcast %shift_right_arithmetic3A_1265 : i32 to vector<16xi32>
      %shift_right_arithmetic3A_1267 = arith.shrsi %and3A_1249, %shift_right_arithmetic3A_1266 : vector<16xi32>
      %and3A_1268 = arith.constant 1 : i32
      %and3A_1269 = vector.broadcast %and3A_1268 : i32 to vector<16xi32>
      %and3A_1270 = arith.andi %shift_right_arithmetic3A_1267, %and3A_1269 : vector<16xi32>
      %shift_right_arithmetic3A_1271 = arith.constant 4 : i32
      %shift_right_arithmetic3A_1272 = vector.broadcast %shift_right_arithmetic3A_1271 : i32 to vector<16xi32>
      %shift_right_arithmetic3A_1273 = arith.shrsi %and3A_1249, %shift_right_arithmetic3A_1272 : vector<16xi32>
      %and3A_1274 = arith.constant 1 : i32
      %and3A_1275 = vector.broadcast %and3A_1274 : i32 to vector<16xi32>
      %and3A_1276 = arith.andi %shift_right_arithmetic3A_1273, %and3A_1275 : vector<16xi32>
      %shift_right_arithmetic3A_1277 = arith.constant 5 : i32
      %shift_right_arithmetic3A_1278 = vector.broadcast %shift_right_arithmetic3A_1277 : i32 to vector<16xi32>
      %shift_right_arithmetic3A_1279 = arith.shrsi %and3A_1249, %shift_right_arithmetic3A_1278 : vector<16xi32>
      %and3A_1280 = arith.constant 1 : i32
      %and3A_1281 = vector.broadcast %and3A_1280 : i32 to vector<16xi32>
      %and3A_1282 = arith.andi %shift_right_arithmetic3A_1279, %and3A_1281 : vector<16xi32>
      %shift_right_arithmetic3A_1283 = arith.constant 6 : i32
      %shift_right_arithmetic3A_1284 = vector.broadcast %shift_right_arithmetic3A_1283 : i32 to vector<16xi32>
      %shift_right_arithmetic3A_1285 = arith.shrsi %and3A_1249, %shift_right_arithmetic3A_1284 : vector<16xi32>
      %mul3A_1286 = arith.constant 4 : i32
      %mul3A_1287 = vector.broadcast %mul3A_1286 : i32 to vector<16xi32>
      %mul3A_1288 = arith.muli %shift_right_arithmetic3A_1285, %mul3A_1287 : vector<16xi32>
      %mul3A_1289 = arith.constant 3 : i32
      %mul3A_1290 = vector.broadcast %mul3A_1289 : i32 to vector<16xi32>
      %mul3A_1291 = arith.muli %mul3A_1290, %and3A_1252 : vector<16xi32>
      %sub3A_1292 = arith.constant 3 : i32
      %sub3A_1293 = vector.broadcast %sub3A_1292 : i32 to vector<16xi32>
      %sub3A_1294 = arith.subi %sub3A_1293, %mul3A_1291 : vector<16xi32>
      %mul3A_1295 = arith.constant 2 : i32
      %mul3A_1296 = vector.broadcast %mul3A_1295 : i32 to vector<16xi32>
      %mul3A_1297 = arith.muli %mul3A_1296, %and3A_1258 : vector<16xi32>
      %sub3A_1298 = arith.subi %sub3A_1294, %mul3A_1297 : vector<16xi32>
      %mul3A_1299 = arith.constant 4 : i32
      %mul3A_1300 = vector.broadcast %mul3A_1299 : i32 to vector<16xi32>
      %mul3A_1301 = arith.muli %mul3A_1300, %and3A_1252 : vector<16xi32>
      %mul3A_1302 = arith.muli %mul3A_1301, %and3A_1258 : vector<16xi32>
      %add3A_1303 = arith.addi %sub3A_1298, %mul3A_1302 : vector<16xi32>
      %add3A_1304 = arith.addi %add3A_1303, %mul3A_1288 : vector<16xi32>
      %mul3A_1305 = arith.constant 3 : i32
      %mul3A_1306 = vector.broadcast %mul3A_1305 : i32 to vector<16xi32>
      %mul3A_1307 = arith.muli %mul3A_1306, %and3A_1264 : vector<16xi32>
      %sub3A_1308 = arith.constant 3 : i32
      %sub3A_1309 = vector.broadcast %sub3A_1308 : i32 to vector<16xi32>
      %sub3A_1310 = arith.subi %sub3A_1309, %mul3A_1307 : vector<16xi32>
      %mul3A_1311 = arith.constant 2 : i32
      %mul3A_1312 = vector.broadcast %mul3A_1311 : i32 to vector<16xi32>
      %mul3A_1313 = arith.muli %mul3A_1312, %and3A_1270 : vector<16xi32>
      %sub3A_1314 = arith.subi %sub3A_1310, %mul3A_1313 : vector<16xi32>
      %mul3A_1315 = arith.constant 4 : i32
      %mul3A_1316 = vector.broadcast %mul3A_1315 : i32 to vector<16xi32>
      %mul3A_1317 = arith.muli %mul3A_1316, %and3A_1264 : vector<16xi32>
      %mul3A_1318 = arith.muli %mul3A_1317, %and3A_1270 : vector<16xi32>
      %add3A_1319 = arith.addi %sub3A_1314, %mul3A_1318 : vector<16xi32>
      %add3A_1320 = arith.addi %add3A_1319, %mul3A_1288 : vector<16xi32>
      %mul3A_1321 = arith.constant 3 : i32
      %mul3A_1322 = vector.broadcast %mul3A_1321 : i32 to vector<16xi32>
      %mul3A_1323 = arith.muli %mul3A_1322, %and3A_1276 : vector<16xi32>
      %sub3A_1324 = arith.constant 3 : i32
      %sub3A_1325 = vector.broadcast %sub3A_1324 : i32 to vector<16xi32>
      %sub3A_1326 = arith.subi %sub3A_1325, %mul3A_1323 : vector<16xi32>
      %mul3A_1327 = arith.constant 2 : i32
      %mul3A_1328 = vector.broadcast %mul3A_1327 : i32 to vector<16xi32>
      %mul3A_1329 = arith.muli %mul3A_1328, %and3A_1282 : vector<16xi32>
      %sub3A_1330 = arith.subi %sub3A_1326, %mul3A_1329 : vector<16xi32>
      %mul3A_1331 = arith.constant 4 : i32
      %mul3A_1332 = vector.broadcast %mul3A_1331 : i32 to vector<16xi32>
      %mul3A_1333 = arith.muli %mul3A_1332, %and3A_1276 : vector<16xi32>
      %mul3A_1334 = arith.muli %mul3A_1333, %and3A_1282 : vector<16xi32>
      %add3A_1335 = arith.addi %sub3A_1330, %mul3A_1334 : vector<16xi32>
      %add3A_1336 = arith.addi %add3A_1335, %mul3A_1288 : vector<16xi32>
      %mul3A_1337 = arith.constant 64 : i32
      %mul3A_1338 = vector.broadcast %mul3A_1337 : i32 to vector<16xi32>
      %mul3A_1339 = arith.muli %add3A_1304, %mul3A_1338 : vector<16xi32>
      %mul3A_1340 = arith.constant 8 : i32
      %mul3A_1341 = vector.broadcast %mul3A_1340 : i32 to vector<16xi32>
      %mul3A_1342 = arith.muli %add3A_1320, %mul3A_1341 : vector<16xi32>
      %add3A_1343 = arith.addi %mul3A_1339, %mul3A_1342 : vector<16xi32>
      %add3A_1344 = arith.addi %add3A_1343, %add3A_1336 : vector<16xi32>
      %mul3A_1345 = arith.constant 64 : i32
      %mul3A_1346 = arith.muli %scan3A_1029, %mul3A_1345 : i32
      %add3A_1347 = arith.constant 32 : i32
      %add3A_1348 = arith.addi %mul3A_1346, %add3A_1347 : i32
      %swap3A_1349 = arith.index_cast %add3A_1348 : i32 to index
      %swap3A_1350 = tpu.vector_load %arg5[%swap3A_1349] {strides = array<i32>} : memref<512xi32, #tpu.memory_space<vmem>>, vector<16xi32>,
      tpu.vector_store %arg5[%swap3A_1349], %add3A_1344 {strides = array<i32>} : memref<512xi32, #tpu.memory_space<vmem>>, vector<16xi32>,
      %shift_right_arithmetic3A_1351 = arith.constant 24 : i32
      %shift_right_arithmetic3A_1352 = vector.broadcast %shift_right_arithmetic3A_1351 : i32 to vector<16xi32>
      %shift_right_arithmetic3A_1353 = arith.shrsi %get3A_1032, %shift_right_arithmetic3A_1352 : vector<16xi32>
      %and3A_1354 = arith.constant 127 : i32
      %and3A_1355 = vector.broadcast %and3A_1354 : i32 to vector<16xi32>
      %and3A_1356 = arith.andi %shift_right_arithmetic3A_1353, %and3A_1355 : vector<16xi32>
      %and3A_1357 = arith.constant 1 : i32
      %and3A_1358 = vector.broadcast %and3A_1357 : i32 to vector<16xi32>
      %and3A_1359 = arith.andi %and3A_1356, %and3A_1358 : vector<16xi32>
      %shift_right_arithmetic3A_1360 = arith.constant 1 : i32
      %shift_right_arithmetic3A_1361 = vector.broadcast %shift_right_arithmetic3A_1360 : i32 to vector<16xi32>
      %shift_right_arithmetic3A_1362 = arith.shrsi %and3A_1356, %shift_right_arithmetic3A_1361 : vector<16xi32>
      %and3A_1363 = arith.constant 1 : i32
      %and3A_1364 = vector.broadcast %and3A_1363 : i32 to vector<16xi32>
      %and3A_1365 = arith.andi %shift_right_arithmetic3A_1362, %and3A_1364 : vector<16xi32>
      %shift_right_arithmetic3A_1366 = arith.constant 2 : i32
      %shift_right_arithmetic3A_1367 = vector.broadcast %shift_right_arithmetic3A_1366 : i32 to vector<16xi32>
      %shift_right_arithmetic3A_1368 = arith.shrsi %and3A_1356, %shift_right_arithmetic3A_1367 : vector<16xi32>
      %and3A_1369 = arith.constant 1 : i32
      %and3A_1370 = vector.broadcast %and3A_1369 : i32 to vector<16xi32>
      %and3A_1371 = arith.andi %shift_right_arithmetic3A_1368, %and3A_1370 : vector<16xi32>
      %shift_right_arithmetic3A_1372 = arith.constant 3 : i32
      %shift_right_arithmetic3A_1373 = vector.broadcast %shift_right_arithmetic3A_1372 : i32 to vector<16xi32>
      %shift_right_arithmetic3A_1374 = arith.shrsi %and3A_1356, %shift_right_arithmetic3A_1373 : vector<16xi32>
      %and3A_1375 = arith.constant 1 : i32
      %and3A_1376 = vector.broadcast %and3A_1375 : i32 to vector<16xi32>
      %and3A_1377 = arith.andi %shift_right_arithmetic3A_1374, %and3A_1376 : vector<16xi32>
      %shift_right_arithmetic3A_1378 = arith.constant 4 : i32
      %shift_right_arithmetic3A_1379 = vector.broadcast %shift_right_arithmetic3A_1378 : i32 to vector<16xi32>
      %shift_right_arithmetic3A_1380 = arith.shrsi %and3A_1356, %shift_right_arithmetic3A_1379 : vector<16xi32>
      %and3A_1381 = arith.constant 1 : i32
      %and3A_1382 = vector.broadcast %and3A_1381 : i32 to vector<16xi32>
      %and3A_1383 = arith.andi %shift_right_arithmetic3A_1380, %and3A_1382 : vector<16xi32>
      %shift_right_arithmetic3A_1384 = arith.constant 5 : i32
      %shift_right_arithmetic3A_1385 = vector.broadcast %shift_right_arithmetic3A_1384 : i32 to vector<16xi32>
      %shift_right_arithmetic3A_1386 = arith.shrsi %and3A_1356, %shift_right_arithmetic3A_1385 : vector<16xi32>
      %and3A_1387 = arith.constant 1 : i32
      %and3A_1388 = vector.broadcast %and3A_1387 : i32 to vector<16xi32>
      %and3A_1389 = arith.andi %shift_right_arithmetic3A_1386, %and3A_1388 : vector<16xi32>
      %shift_right_arithmetic3A_1390 = arith.constant 6 : i32
      %shift_right_arithmetic3A_1391 = vector.broadcast %shift_right_arithmetic3A_1390 : i32 to vector<16xi32>
      %shift_right_arithmetic3A_1392 = arith.shrsi %and3A_1356, %shift_right_arithmetic3A_1391 : vector<16xi32>
      %mul3A_1393 = arith.constant 4 : i32
      %mul3A_1394 = vector.broadcast %mul3A_1393 : i32 to vector<16xi32>
      %mul3A_1395 = arith.muli %shift_right_arithmetic3A_1392, %mul3A_1394 : vector<16xi32>
      %mul3A_1396 = arith.constant 3 : i32
      %mul3A_1397 = vector.broadcast %mul3A_1396 : i32 to vector<16xi32>
      %mul3A_1398 = arith.muli %mul3A_1397, %and3A_1359 : vector<16xi32>
      %sub3A_1399 = arith.constant 3 : i32
      %sub3A_1400 = vector.broadcast %sub3A_1399 : i32 to vector<16xi32>
      %sub3A_1401 = arith.subi %sub3A_1400, %mul3A_1398 : vector<16xi32>
      %mul3A_1402 = arith.constant 2 : i32
      %mul3A_1403 = vector.broadcast %mul3A_1402 : i32 to vector<16xi32>
      %mul3A_1404 = arith.muli %mul3A_1403, %and3A_1365 : vector<16xi32>
      %sub3A_1405 = arith.subi %sub3A_1401, %mul3A_1404 : vector<16xi32>
      %mul3A_1406 = arith.constant 4 : i32
      %mul3A_1407 = vector.broadcast %mul3A_1406 : i32 to vector<16xi32>
      %mul3A_1408 = arith.muli %mul3A_1407, %and3A_1359 : vector<16xi32>
      %mul3A_1409 = arith.muli %mul3A_1408, %and3A_1365 : vector<16xi32>
      %add3A_1410 = arith.addi %sub3A_1405, %mul3A_1409 : vector<16xi32>
      %add3A_1411 = arith.addi %add3A_1410, %mul3A_1395 : vector<16xi32>
      %mul3A_1412 = arith.constant 3 : i32
      %mul3A_1413 = vector.broadcast %mul3A_1412 : i32 to vector<16xi32>
      %mul3A_1414 = arith.muli %mul3A_1413, %and3A_1371 : vector<16xi32>
      %sub3A_1415 = arith.constant 3 : i32
      %sub3A_1416 = vector.broadcast %sub3A_1415 : i32 to vector<16xi32>
      %sub3A_1417 = arith.subi %sub3A_1416, %mul3A_1414 : vector<16xi32>
      %mul3A_1418 = arith.constant 2 : i32
      %mul3A_1419 = vector.broadcast %mul3A_1418 : i32 to vector<16xi32>
      %mul3A_1420 = arith.muli %mul3A_1419, %and3A_1377 : vector<16xi32>
      %sub3A_1421 = arith.subi %sub3A_1417, %mul3A_1420 : vector<16xi32>
      %mul3A_1422 = arith.constant 4 : i32
      %mul3A_1423 = vector.broadcast %mul3A_1422 : i32 to vector<16xi32>
      %mul3A_1424 = arith.muli %mul3A_1423, %and3A_1371 : vector<16xi32>
      %mul3A_1425 = arith.muli %mul3A_1424, %and3A_1377 : vector<16xi32>
      %add3A_1426 = arith.addi %sub3A_1421, %mul3A_1425 : vector<16xi32>
      %add3A_1427 = arith.addi %add3A_1426, %mul3A_1395 : vector<16xi32>
      %mul3A_1428 = arith.constant 3 : i32
      %mul3A_1429 = vector.broadcast %mul3A_1428 : i32 to vector<16xi32>
      %mul3A_1430 = arith.muli %mul3A_1429, %and3A_1383 : vector<16xi32>
      %sub3A_1431 = arith.constant 3 : i32
      %sub3A_1432 = vector.broadcast %sub3A_1431 : i32 to vector<16xi32>
      %sub3A_1433 = arith.subi %sub3A_1432, %mul3A_1430 : vector<16xi32>
      %mul3A_1434 = arith.constant 2 : i32
      %mul3A_1435 = vector.broadcast %mul3A_1434 : i32 to vector<16xi32>
      %mul3A_1436 = arith.muli %mul3A_1435, %and3A_1389 : vector<16xi32>
      %sub3A_1437 = arith.subi %sub3A_1433, %mul3A_1436 : vector<16xi32>
      %mul3A_1438 = arith.constant 4 : i32
      %mul3A_1439 = vector.broadcast %mul3A_1438 : i32 to vector<16xi32>
      %mul3A_1440 = arith.muli %mul3A_1439, %and3A_1383 : vector<16xi32>
      %mul3A_1441 = arith.muli %mul3A_1440, %and3A_1389 : vector<16xi32>
      %add3A_1442 = arith.addi %sub3A_1437, %mul3A_1441 : vector<16xi32>
      %add3A_1443 = arith.addi %add3A_1442, %mul3A_1395 : vector<16xi32>
      %mul3A_1444 = arith.constant 64 : i32
      %mul3A_1445 = vector.broadcast %mul3A_1444 : i32 to vector<16xi32>
      %mul3A_1446 = arith.muli %add3A_1411, %mul3A_1445 : vector<16xi32>
      %mul3A_1447 = arith.constant 8 : i32
      %mul3A_1448 = vector.broadcast %mul3A_1447 : i32 to vector<16xi32>
      %mul3A_1449 = arith.muli %add3A_1427, %mul3A_1448 : vector<16xi32>
      %add3A_1450 = arith.addi %mul3A_1446, %mul3A_1449 : vector<16xi32>
      %add3A_1451 = arith.addi %add3A_1450, %add3A_1443 : vector<16xi32>
      %mul3A_1452 = arith.constant 64 : i32
      %mul3A_1453 = arith.muli %scan3A_1029, %mul3A_1452 : i32
      %add3A_1454 = arith.constant 48 : i32
      %add3A_1455 = arith.addi %mul3A_1453, %add3A_1454 : i32
      %swap3A_1456 = arith.index_cast %add3A_1455 : i32 to index
      %swap3A_1457 = tpu.vector_load %arg5[%swap3A_1456] {strides = array<i32>} : memref<512xi32, #tpu.memory_space<vmem>>, vector<16xi32>,
      tpu.vector_store %arg5[%swap3A_1456], %add3A_1451 {strides = array<i32>} : memref<512xi32, #tpu.memory_space<vmem>>, vector<16xi32>,
    }
    %scan3A_15 = arith.constant 8 : i32
    %broadcast_in_dim3A = arith.constant 2147483647 : i32
    %broadcast_in_dim3A_16 = vector.broadcast %broadcast_in_dim3A : i32 to vector<16xi32>
    %broadcast_in_dim3A_17 = arith.constant 0 : i32
    %broadcast_in_dim3A_18 = vector.broadcast %broadcast_in_dim3A_17 : i32 to vector<16xi32>
    %mul3A_19 = arith.constant 512 : i32
    %mul3A_20 = arith.muli %add3A, %mul3A_19 : i32
    %scan3A_21 = arith.constant 0 : i32
    %scan3A_22 = arith.constant 32 : i32
    %scan3A_23 = arith.addi %scan3A_21, %scan3A_22 : i32
    %scan3A_24 = arith.constant 1 : i32
    %scan3A_25:6 = scf.for %scan3A_1029 = %scan3A_21 to %scan3A_23 step %scan3A_24 iter_args(%scan3A_1030 = %broadcast_in_dim3A_16, %scan3A_1031 = %broadcast_in_dim3A_16, %scan3A_1032 = %broadcast_in_dim3A_18, %scan3A_1033 = %broadcast_in_dim3A_16, %scan3A_1034 = %broadcast_in_dim3A_16, %scan3A_1035 = %broadcast_in_dim3A_18) -> (vector<16xi32>, vector<16xi32>, vector<16xi32>, vector<16xi32>, vector<16xi32>, vector<16xi32>)  : i32 {
      %mul3A_1036 = arith.constant 16 : i32
      %mul3A_1037 = arith.muli %scan3A_1029, %mul3A_1036 : i32
      %get3A = arith.index_cast %mul3A_1037 : i32 to index
      %get3A_1038 = tpu.vector_load %arg5[%get3A] {strides = array<i32>} : memref<512xi32, #tpu.memory_space<vmem>>, vector<16xi32>,
      %shift_right_arithmetic3A = arith.constant 2 : i32
      %shift_right_arithmetic3A_1039 = arith.shrsi %scan3A_1029, %shift_right_arithmetic3A : i32
      %mul3A_1040 = arith.constant 64 : i32
      %mul3A_1041 = arith.muli %shift_right_arithmetic3A_1039, %mul3A_1040 : i32
      %and3A = arith.constant 3 : i32
      %and3A_1042 = arith.andi %scan3A_1029, %and3A : i32
      %add3A_1043 = arith.addi %mul3A_1041, %and3A_1042 : i32
      %mul3A_1044 = arith.constant 4 : i32
      %mul3A_1045 = vector.broadcast %mul3A_1044 : i32 to vector<16xi32>
      %mul3A_1046 = arith.muli %iota3A, %mul3A_1045 : vector<16xi32>
      %add3A_1047 = vector.broadcast %add3A_1043 : i32 to vector<16xi32>
      %add3A_1048 = arith.addi %add3A_1047, %mul3A_1046 : vector<16xi32>
      %eq3A_1049 = arith.constant 33 : i32
      %eq3A_1050 = vector.broadcast %eq3A_1049 : i32 to vector<16xi32>
      %eq3A_1051 = arith.cmpi eq, %get3A_1038, %eq3A_1050 : vector<16xi32>
      %convert_element_type3A = arith.extui %eq3A_1051 : vector<16xi1> to vector<16xi32>
      %add3A_1052 = arith.addi %scan3A_1032, %convert_element_type3A : vector<16xi32>
      %jit3A_1053 = arith.constant 2147483647 : i32
      %broadcast_in_dim3A_1054 = vector.broadcast %jit3A_1053 : i32 to vector<16xi32>
      %select_n3A_1055 = arith.select %eq3A_1051, %add3A_1048, %broadcast_in_dim3A_1054 : vector<16xi1>, vector<16xi32>
      %max3A = arith.maxsi %scan3A_1030, %select_n3A_1055 : vector<16xi32>
      %min3A = arith.minsi %scan3A_1031, %max3A : vector<16xi32>
      %min3A_1056 = arith.minsi %scan3A_1030, %select_n3A_1055 : vector<16xi32>
      %eq3A_1057 = arith.constant 34 : i32
      %eq3A_1058 = vector.broadcast %eq3A_1057 : i32 to vector<16xi32>
      %eq3A_1059 = arith.cmpi eq, %get3A_1038, %eq3A_1058 : vector<16xi32>
      %convert_element_type3A_1060 = arith.extui %eq3A_1059 : vector<16xi1> to vector<16xi32>
      %add3A_1061 = arith.addi %scan3A_1035, %convert_element_type3A_1060 : vector<16xi32>
      %jit3A_1062 = arith.constant 2147483647 : i32
      %broadcast_in_dim3A_1063 = vector.broadcast %jit3A_1062 : i32 to vector<16xi32>
      %select_n3A_1064 = arith.select %eq3A_1059, %add3A_1048, %broadcast_in_dim3A_1063 : vector<16xi1>, vector<16xi32>
      %max3A_1065 = arith.maxsi %scan3A_1033, %select_n3A_1064 : vector<16xi32>
      %min3A_1066 = arith.minsi %scan3A_1034, %max3A_1065 : vector<16xi32>
      %min3A_1067 = arith.minsi %scan3A_1033, %select_n3A_1064 : vector<16xi32>
      scf.yield %min3A_1056, %min3A, %add3A_1052, %min3A_1067, %min3A_1066, %add3A_1061 : vector<16xi32>, vector<16xi32>, vector<16xi32>, vector<16xi32>, vector<16xi32>, vector<16xi32>
    }
    %scan3A_26 = arith.constant 32 : i32
    %reduce_min3A = arith.constant true
    %reduce_min3A_27 = vector.broadcast %reduce_min3A : i1 to vector<16xi1>
    %reduce_min3A_28 = arith.constant -2147483648 : i32
    %reduce_min3A_29 = vector.broadcast %reduce_min3A_28 : i32 to vector<16xi32>
    %reduce_min3A_30 = arith.xori %scan3A_25#0, %reduce_min3A_29 : vector<16xi32>
    %reduce_min3A_31 = tpu.scan <min>, %reduce_min3A_30 masked %reduce_min3A_27 : vector<16xi32>, vector<16xi1> -> vector<16xi32>
    %reduce_min3A_32 = arith.xori %reduce_min3A_31, %reduce_min3A_29 : vector<16xi32>
    %reduce_min3A_33 = vector.extract %reduce_min3A_32[15] : i32 from vector<16xi32>
    %eq3A = vector.broadcast %reduce_min3A_33 : i32 to vector<16xi32>
    %eq3A_34 = arith.cmpi eq, %scan3A_25#0, %eq3A : vector<16xi32>
    %select_n3A = arith.select %eq3A_34, %scan3A_25#1, %scan3A_25#0 : vector<16xi1>, vector<16xi32>
    %reduce_min3A_35 = arith.constant true
    %reduce_min3A_36 = vector.broadcast %reduce_min3A_35 : i1 to vector<16xi1>
    %reduce_min3A_37 = arith.constant -2147483648 : i32
    %reduce_min3A_38 = vector.broadcast %reduce_min3A_37 : i32 to vector<16xi32>
    %reduce_min3A_39 = arith.xori %select_n3A, %reduce_min3A_38 : vector<16xi32>
    %reduce_min3A_40 = tpu.scan <min>, %reduce_min3A_39 masked %reduce_min3A_36 : vector<16xi32>, vector<16xi1> -> vector<16xi32>
    %reduce_min3A_41 = arith.xori %reduce_min3A_40, %reduce_min3A_38 : vector<16xi32>
    %reduce_min3A_42 = vector.extract %reduce_min3A_41[15] : i32 from vector<16xi32>
    %reduce_sum3A = arith.constant true
    %reduce_sum3A_43 = vector.broadcast %reduce_sum3A : i1 to vector<16xi1>
    %reduce_sum3A_44 = tpu.scan <sum>, %scan3A_25#2 masked %reduce_sum3A_43 : vector<16xi32>, vector<16xi1> -> vector<16xi32>
    %reduce_sum3A_45 = vector.extract %reduce_sum3A_44[15] : i32 from vector<16xi32>
    %eq3A_46 = arith.constant 0 : i32
    %eq3A_47 = vector.broadcast %eq3A_46 : i32 to vector<16xi32>
    %eq3A_48 = arith.cmpi eq, %iota3A, %eq3A_47 : vector<16xi32>
    %broadcast_in_dim3A_49 = vector.broadcast %reduce_sum3A_45 : i32 to vector<16xi32>
    %select_n3A_50 = arith.select %eq3A_48, %broadcast_in_dim3A_49, %broadcast_in_dim3A_18 : vector<16xi1>, vector<16xi32>
    %eq3A_51 = arith.constant 2147483647 : i32
    %eq3A_52 = arith.cmpi eq, %reduce_min3A_33, %eq3A_51 : i32
    %add3A_53 = arith.addi %reduce_min3A_33, %mul3A_20 : i32
    %jit3A = arith.constant 2147483647 : i32
    %select_n3A_54 = arith.select %eq3A_52, %jit3A, %add3A_53 : i32
    %broadcast_in_dim3A_55 = vector.broadcast %select_n3A_54 : i32 to vector<16xi32>
    %select_n3A_56 = arith.select %eq3A_48, %broadcast_in_dim3A_55, %broadcast_in_dim3A_16 : vector<16xi1>, vector<16xi32>
    %eq3A_57 = arith.constant 2147483647 : i32
    %eq3A_58 = arith.cmpi eq, %reduce_min3A_42, %eq3A_57 : i32
    %add3A_59 = arith.addi %reduce_min3A_42, %mul3A_20 : i32
    %jit3A_60 = arith.constant 2147483647 : i32
    %select_n3A_61 = arith.select %eq3A_58, %jit3A_60, %add3A_59 : i32
    %broadcast_in_dim3A_62 = vector.broadcast %select_n3A_61 : i32 to vector<16xi32>
    %select_n3A_63 = arith.select %eq3A_48, %broadcast_in_dim3A_62, %broadcast_in_dim3A_16 : vector<16xi1>, vector<16xi32>
    %reduce_min3A_64 = arith.constant true
    %reduce_min3A_65 = vector.broadcast %reduce_min3A_64 : i1 to vector<16xi1>
    %reduce_min3A_66 = arith.constant -2147483648 : i32
    %reduce_min3A_67 = vector.broadcast %reduce_min3A_66 : i32 to vector<16xi32>
    %reduce_min3A_68 = arith.xori %scan3A_25#3, %reduce_min3A_67 : vector<16xi32>
    %reduce_min3A_69 = tpu.scan <min>, %reduce_min3A_68 masked %reduce_min3A_65 : vector<16xi32>, vector<16xi1> -> vector<16xi32>
    %reduce_min3A_70 = arith.xori %reduce_min3A_69, %reduce_min3A_67 : vector<16xi32>
    %reduce_min3A_71 = vector.extract %reduce_min3A_70[15] : i32 from vector<16xi32>
    %eq3A_72 = vector.broadcast %reduce_min3A_71 : i32 to vector<16xi32>
    %eq3A_73 = arith.cmpi eq, %scan3A_25#3, %eq3A_72 : vector<16xi32>
    %select_n3A_74 = arith.select %eq3A_73, %scan3A_25#4, %scan3A_25#3 : vector<16xi1>, vector<16xi32>
    %reduce_min3A_75 = arith.constant true
    %reduce_min3A_76 = vector.broadcast %reduce_min3A_75 : i1 to vector<16xi1>
    %reduce_min3A_77 = arith.constant -2147483648 : i32
    %reduce_min3A_78 = vector.broadcast %reduce_min3A_77 : i32 to vector<16xi32>
    %reduce_min3A_79 = arith.xori %select_n3A_74, %reduce_min3A_78 : vector<16xi32>
    %reduce_min3A_80 = tpu.scan <min>, %reduce_min3A_79 masked %reduce_min3A_76 : vector<16xi32>, vector<16xi1> -> vector<16xi32>
    %reduce_min3A_81 = arith.xori %reduce_min3A_80, %reduce_min3A_78 : vector<16xi32>
    %reduce_min3A_82 = vector.extract %reduce_min3A_81[15] : i32 from vector<16xi32>
    %reduce_sum3A_83 = arith.constant true
    %reduce_sum3A_84 = vector.broadcast %reduce_sum3A_83 : i1 to vector<16xi1>
    %reduce_sum3A_85 = tpu.scan <sum>, %scan3A_25#5 masked %reduce_sum3A_84 : vector<16xi32>, vector<16xi1> -> vector<16xi32>
    %reduce_sum3A_86 = vector.extract %reduce_sum3A_85[15] : i32 from vector<16xi32>
    %eq3A_87 = arith.constant 1 : i32
    %eq3A_88 = vector.broadcast %eq3A_87 : i32 to vector<16xi32>
    %eq3A_89 = arith.cmpi eq, %iota3A, %eq3A_88 : vector<16xi32>
    %broadcast_in_dim3A_90 = vector.broadcast %reduce_sum3A_86 : i32 to vector<16xi32>
    %select_n3A_91 = arith.select %eq3A_89, %broadcast_in_dim3A_90, %select_n3A_50 : vector<16xi1>, vector<16xi32>
    %eq3A_92 = arith.constant 2147483647 : i32
    %eq3A_93 = arith.cmpi eq, %reduce_min3A_71, %eq3A_92 : i32
    %add3A_94 = arith.addi %reduce_min3A_71, %mul3A_20 : i32
    %jit3A_95 = arith.constant 2147483647 : i32
    %select_n3A_96 = arith.select %eq3A_93, %jit3A_95, %add3A_94 : i32
    %broadcast_in_dim3A_97 = vector.broadcast %select_n3A_96 : i32 to vector<16xi32>
    %select_n3A_98 = arith.select %eq3A_89, %broadcast_in_dim3A_97, %select_n3A_56 : vector<16xi1>, vector<16xi32>
    %eq3A_99 = arith.constant 2147483647 : i32
    %eq3A_100 = arith.cmpi eq, %reduce_min3A_82, %eq3A_99 : i32
    %add3A_101 = arith.addi %reduce_min3A_82, %mul3A_20 : i32
    %jit3A_102 = arith.constant 2147483647 : i32
    %select_n3A_103 = arith.select %eq3A_100, %jit3A_102, %add3A_101 : i32
    %broadcast_in_dim3A_104 = vector.broadcast %select_n3A_103 : i32 to vector<16xi32>
    %select_n3A_105 = arith.select %eq3A_89, %broadcast_in_dim3A_104, %select_n3A_63 : vector<16xi1>, vector<16xi32>
    %scan3A_106 = arith.constant 0 : i32
    %scan3A_107 = arith.constant 32 : i32
    %scan3A_108 = arith.addi %scan3A_106, %scan3A_107 : i32
    %scan3A_109 = arith.constant 1 : i32
    %scan3A_110:6 = scf.for %scan3A_1029 = %scan3A_106 to %scan3A_108 step %scan3A_109 iter_args(%scan3A_1030 = %broadcast_in_dim3A_16, %scan3A_1031 = %broadcast_in_dim3A_16, %scan3A_1032 = %broadcast_in_dim3A_18, %scan3A_1033 = %broadcast_in_dim3A_16, %scan3A_1034 = %broadcast_in_dim3A_16, %scan3A_1035 = %broadcast_in_dim3A_18) -> (vector<16xi32>, vector<16xi32>, vector<16xi32>, vector<16xi32>, vector<16xi32>, vector<16xi32>)  : i32 {
      %mul3A_1036 = arith.constant 16 : i32
      %mul3A_1037 = arith.muli %scan3A_1029, %mul3A_1036 : i32
      %get3A = arith.index_cast %mul3A_1037 : i32 to index
      %get3A_1038 = tpu.vector_load %arg5[%get3A] {strides = array<i32>} : memref<512xi32, #tpu.memory_space<vmem>>, vector<16xi32>,
      %shift_right_arithmetic3A = arith.constant 2 : i32
      %shift_right_arithmetic3A_1039 = arith.shrsi %scan3A_1029, %shift_right_arithmetic3A : i32
      %mul3A_1040 = arith.constant 64 : i32
      %mul3A_1041 = arith.muli %shift_right_arithmetic3A_1039, %mul3A_1040 : i32
      %and3A = arith.constant 3 : i32
      %and3A_1042 = arith.andi %scan3A_1029, %and3A : i32
      %add3A_1043 = arith.addi %mul3A_1041, %and3A_1042 : i32
      %mul3A_1044 = arith.constant 4 : i32
      %mul3A_1045 = vector.broadcast %mul3A_1044 : i32 to vector<16xi32>
      %mul3A_1046 = arith.muli %iota3A, %mul3A_1045 : vector<16xi32>
      %add3A_1047 = vector.broadcast %add3A_1043 : i32 to vector<16xi32>
      %add3A_1048 = arith.addi %add3A_1047, %mul3A_1046 : vector<16xi32>
      %eq3A_1049 = arith.constant 49 : i32
      %eq3A_1050 = vector.broadcast %eq3A_1049 : i32 to vector<16xi32>
      %eq3A_1051 = arith.cmpi eq, %get3A_1038, %eq3A_1050 : vector<16xi32>
      %convert_element_type3A = arith.extui %eq3A_1051 : vector<16xi1> to vector<16xi32>
      %add3A_1052 = arith.addi %scan3A_1032, %convert_element_type3A : vector<16xi32>
      %jit3A_1053 = arith.constant 2147483647 : i32
      %broadcast_in_dim3A_1054 = vector.broadcast %jit3A_1053 : i32 to vector<16xi32>
      %select_n3A_1055 = arith.select %eq3A_1051, %add3A_1048, %broadcast_in_dim3A_1054 : vector<16xi1>, vector<16xi32>
      %max3A = arith.maxsi %scan3A_1030, %select_n3A_1055 : vector<16xi32>
      %min3A = arith.minsi %scan3A_1031, %max3A : vector<16xi32>
      %min3A_1056 = arith.minsi %scan3A_1030, %select_n3A_1055 : vector<16xi32>
      %eq3A_1057 = arith.constant 50 : i32
      %eq3A_1058 = vector.broadcast %eq3A_1057 : i32 to vector<16xi32>
      %eq3A_1059 = arith.cmpi eq, %get3A_1038, %eq3A_1058 : vector<16xi32>
      %convert_element_type3A_1060 = arith.extui %eq3A_1059 : vector<16xi1> to vector<16xi32>
      %add3A_1061 = arith.addi %scan3A_1035, %convert_element_type3A_1060 : vector<16xi32>
      %jit3A_1062 = arith.constant 2147483647 : i32
      %broadcast_in_dim3A_1063 = vector.broadcast %jit3A_1062 : i32 to vector<16xi32>
      %select_n3A_1064 = arith.select %eq3A_1059, %add3A_1048, %broadcast_in_dim3A_1063 : vector<16xi1>, vector<16xi32>
      %max3A_1065 = arith.maxsi %scan3A_1033, %select_n3A_1064 : vector<16xi32>
      %min3A_1066 = arith.minsi %scan3A_1034, %max3A_1065 : vector<16xi32>
      %min3A_1067 = arith.minsi %scan3A_1033, %select_n3A_1064 : vector<16xi32>
      scf.yield %min3A_1056, %min3A, %add3A_1052, %min3A_1067, %min3A_1066, %add3A_1061 : vector<16xi32>, vector<16xi32>, vector<16xi32>, vector<16xi32>, vector<16xi32>, vector<16xi32>
    }
    %scan3A_111 = arith.constant 32 : i32
    %reduce_min3A_112 = arith.constant true
    %reduce_min3A_113 = vector.broadcast %reduce_min3A_112 : i1 to vector<16xi1>
    %reduce_min3A_114 = arith.constant -2147483648 : i32
    %reduce_min3A_115 = vector.broadcast %reduce_min3A_114 : i32 to vector<16xi32>
    %reduce_min3A_116 = arith.xori %scan3A_110#0, %reduce_min3A_115 : vector<16xi32>
    %reduce_min3A_117 = tpu.scan <min>, %reduce_min3A_116 masked %reduce_min3A_113 : vector<16xi32>, vector<16xi1> -> vector<16xi32>
    %reduce_min3A_118 = arith.xori %reduce_min3A_117, %reduce_min3A_115 : vector<16xi32>
    %reduce_min3A_119 = vector.extract %reduce_min3A_118[15] : i32 from vector<16xi32>
    %eq3A_120 = vector.broadcast %reduce_min3A_119 : i32 to vector<16xi32>
    %eq3A_121 = arith.cmpi eq, %scan3A_110#0, %eq3A_120 : vector<16xi32>
    %select_n3A_122 = arith.select %eq3A_121, %scan3A_110#1, %scan3A_110#0 : vector<16xi1>, vector<16xi32>
    %reduce_min3A_123 = arith.constant true
    %reduce_min3A_124 = vector.broadcast %reduce_min3A_123 : i1 to vector<16xi1>
    %reduce_min3A_125 = arith.constant -2147483648 : i32
    %reduce_min3A_126 = vector.broadcast %reduce_min3A_125 : i32 to vector<16xi32>
    %reduce_min3A_127 = arith.xori %select_n3A_122, %reduce_min3A_126 : vector<16xi32>
    %reduce_min3A_128 = tpu.scan <min>, %reduce_min3A_127 masked %reduce_min3A_124 : vector<16xi32>, vector<16xi1> -> vector<16xi32>
    %reduce_min3A_129 = arith.xori %reduce_min3A_128, %reduce_min3A_126 : vector<16xi32>
    %reduce_min3A_130 = vector.extract %reduce_min3A_129[15] : i32 from vector<16xi32>
    %reduce_sum3A_131 = arith.constant true
    %reduce_sum3A_132 = vector.broadcast %reduce_sum3A_131 : i1 to vector<16xi1>
    %reduce_sum3A_133 = tpu.scan <sum>, %scan3A_110#2 masked %reduce_sum3A_132 : vector<16xi32>, vector<16xi1> -> vector<16xi32>
    %reduce_sum3A_134 = vector.extract %reduce_sum3A_133[15] : i32 from vector<16xi32>
    %eq3A_135 = arith.constant 2 : i32
    %eq3A_136 = vector.broadcast %eq3A_135 : i32 to vector<16xi32>
    %eq3A_137 = arith.cmpi eq, %iota3A, %eq3A_136 : vector<16xi32>
    %broadcast_in_dim3A_138 = vector.broadcast %reduce_sum3A_134 : i32 to vector<16xi32>
    %select_n3A_139 = arith.select %eq3A_137, %broadcast_in_dim3A_138, %select_n3A_91 : vector<16xi1>, vector<16xi32>
    %eq3A_140 = arith.constant 2147483647 : i32
    %eq3A_141 = arith.cmpi eq, %reduce_min3A_119, %eq3A_140 : i32
    %add3A_142 = arith.addi %reduce_min3A_119, %mul3A_20 : i32
    %jit3A_143 = arith.constant 2147483647 : i32
    %select_n3A_144 = arith.select %eq3A_141, %jit3A_143, %add3A_142 : i32
    %broadcast_in_dim3A_145 = vector.broadcast %select_n3A_144 : i32 to vector<16xi32>
    %select_n3A_146 = arith.select %eq3A_137, %broadcast_in_dim3A_145, %select_n3A_98 : vector<16xi1>, vector<16xi32>
    %eq3A_147 = arith.constant 2147483647 : i32
    %eq3A_148 = arith.cmpi eq, %reduce_min3A_130, %eq3A_147 : i32
    %add3A_149 = arith.addi %reduce_min3A_130, %mul3A_20 : i32
    %jit3A_150 = arith.constant 2147483647 : i32
    %select_n3A_151 = arith.select %eq3A_148, %jit3A_150, %add3A_149 : i32
    %broadcast_in_dim3A_152 = vector.broadcast %select_n3A_151 : i32 to vector<16xi32>
    %select_n3A_153 = arith.select %eq3A_137, %broadcast_in_dim3A_152, %select_n3A_105 : vector<16xi1>, vector<16xi32>
    %reduce_min3A_154 = arith.constant true
    %reduce_min3A_155 = vector.broadcast %reduce_min3A_154 : i1 to vector<16xi1>
    %reduce_min3A_156 = arith.constant -2147483648 : i32
    %reduce_min3A_157 = vector.broadcast %reduce_min3A_156 : i32 to vector<16xi32>
    %reduce_min3A_158 = arith.xori %scan3A_110#3, %reduce_min3A_157 : vector<16xi32>
    %reduce_min3A_159 = tpu.scan <min>, %reduce_min3A_158 masked %reduce_min3A_155 : vector<16xi32>, vector<16xi1> -> vector<16xi32>
    %reduce_min3A_160 = arith.xori %reduce_min3A_159, %reduce_min3A_157 : vector<16xi32>
    %reduce_min3A_161 = vector.extract %reduce_min3A_160[15] : i32 from vector<16xi32>
    %eq3A_162 = vector.broadcast %reduce_min3A_161 : i32 to vector<16xi32>
    %eq3A_163 = arith.cmpi eq, %scan3A_110#3, %eq3A_162 : vector<16xi32>
    %select_n3A_164 = arith.select %eq3A_163, %scan3A_110#4, %scan3A_110#3 : vector<16xi1>, vector<16xi32>
    %reduce_min3A_165 = arith.constant true
    %reduce_min3A_166 = vector.broadcast %reduce_min3A_165 : i1 to vector<16xi1>
    %reduce_min3A_167 = arith.constant -2147483648 : i32
    %reduce_min3A_168 = vector.broadcast %reduce_min3A_167 : i32 to vector<16xi32>
    %reduce_min3A_169 = arith.xori %select_n3A_164, %reduce_min3A_168 : vector<16xi32>
    %reduce_min3A_170 = tpu.scan <min>, %reduce_min3A_169 masked %reduce_min3A_166 : vector<16xi32>, vector<16xi1> -> vector<16xi32>
    %reduce_min3A_171 = arith.xori %reduce_min3A_170, %reduce_min3A_168 : vector<16xi32>
    %reduce_min3A_172 = vector.extract %reduce_min3A_171[15] : i32 from vector<16xi32>
    %reduce_sum3A_173 = arith.constant true
    %reduce_sum3A_174 = vector.broadcast %reduce_sum3A_173 : i1 to vector<16xi1>
    %reduce_sum3A_175 = tpu.scan <sum>, %scan3A_110#5 masked %reduce_sum3A_174 : vector<16xi32>, vector<16xi1> -> vector<16xi32>
    %reduce_sum3A_176 = vector.extract %reduce_sum3A_175[15] : i32 from vector<16xi32>
    %eq3A_177 = arith.constant 3 : i32
    %eq3A_178 = vector.broadcast %eq3A_177 : i32 to vector<16xi32>
    %eq3A_179 = arith.cmpi eq, %iota3A, %eq3A_178 : vector<16xi32>
    %broadcast_in_dim3A_180 = vector.broadcast %reduce_sum3A_176 : i32 to vector<16xi32>
    %select_n3A_181 = arith.select %eq3A_179, %broadcast_in_dim3A_180, %select_n3A_139 : vector<16xi1>, vector<16xi32>
    %eq3A_182 = arith.constant 2147483647 : i32
    %eq3A_183 = arith.cmpi eq, %reduce_min3A_161, %eq3A_182 : i32
    %add3A_184 = arith.addi %reduce_min3A_161, %mul3A_20 : i32
    %jit3A_185 = arith.constant 2147483647 : i32
    %select_n3A_186 = arith.select %eq3A_183, %jit3A_185, %add3A_184 : i32
    %broadcast_in_dim3A_187 = vector.broadcast %select_n3A_186 : i32 to vector<16xi32>
    %select_n3A_188 = arith.select %eq3A_179, %broadcast_in_dim3A_187, %select_n3A_146 : vector<16xi1>, vector<16xi32>
    %eq3A_189 = arith.constant 2147483647 : i32
    %eq3A_190 = arith.cmpi eq, %reduce_min3A_172, %eq3A_189 : i32
    %add3A_191 = arith.addi %reduce_min3A_172, %mul3A_20 : i32
    %jit3A_192 = arith.constant 2147483647 : i32
    %select_n3A_193 = arith.select %eq3A_190, %jit3A_192, %add3A_191 : i32
    %broadcast_in_dim3A_194 = vector.broadcast %select_n3A_193 : i32 to vector<16xi32>
    %select_n3A_195 = arith.select %eq3A_179, %broadcast_in_dim3A_194, %select_n3A_153 : vector<16xi1>, vector<16xi32>
    %scan3A_196 = arith.constant 0 : i32
    %scan3A_197 = arith.constant 32 : i32
    %scan3A_198 = arith.addi %scan3A_196, %scan3A_197 : i32
    %scan3A_199 = arith.constant 1 : i32
    %scan3A_200:6 = scf.for %scan3A_1029 = %scan3A_196 to %scan3A_198 step %scan3A_199 iter_args(%scan3A_1030 = %broadcast_in_dim3A_16, %scan3A_1031 = %broadcast_in_dim3A_16, %scan3A_1032 = %broadcast_in_dim3A_18, %scan3A_1033 = %broadcast_in_dim3A_16, %scan3A_1034 = %broadcast_in_dim3A_16, %scan3A_1035 = %broadcast_in_dim3A_18) -> (vector<16xi32>, vector<16xi32>, vector<16xi32>, vector<16xi32>, vector<16xi32>, vector<16xi32>)  : i32 {
      %mul3A_1036 = arith.constant 16 : i32
      %mul3A_1037 = arith.muli %scan3A_1029, %mul3A_1036 : i32
      %get3A = arith.index_cast %mul3A_1037 : i32 to index
      %get3A_1038 = tpu.vector_load %arg5[%get3A] {strides = array<i32>} : memref<512xi32, #tpu.memory_space<vmem>>, vector<16xi32>,
      %shift_right_arithmetic3A = arith.constant 2 : i32
      %shift_right_arithmetic3A_1039 = arith.shrsi %scan3A_1029, %shift_right_arithmetic3A : i32
      %mul3A_1040 = arith.constant 64 : i32
      %mul3A_1041 = arith.muli %shift_right_arithmetic3A_1039, %mul3A_1040 : i32
      %and3A = arith.constant 3 : i32
      %and3A_1042 = arith.andi %scan3A_1029, %and3A : i32
      %add3A_1043 = arith.addi %mul3A_1041, %and3A_1042 : i32
      %mul3A_1044 = arith.constant 4 : i32
      %mul3A_1045 = vector.broadcast %mul3A_1044 : i32 to vector<16xi32>
      %mul3A_1046 = arith.muli %iota3A, %mul3A_1045 : vector<16xi32>
      %add3A_1047 = vector.broadcast %add3A_1043 : i32 to vector<16xi32>
      %add3A_1048 = arith.addi %add3A_1047, %mul3A_1046 : vector<16xi32>
      %eq3A_1049 = arith.constant 104 : i32
      %eq3A_1050 = vector.broadcast %eq3A_1049 : i32 to vector<16xi32>
      %eq3A_1051 = arith.cmpi eq, %get3A_1038, %eq3A_1050 : vector<16xi32>
      %convert_element_type3A = arith.extui %eq3A_1051 : vector<16xi1> to vector<16xi32>
      %add3A_1052 = arith.addi %scan3A_1032, %convert_element_type3A : vector<16xi32>
      %jit3A_1053 = arith.constant 2147483647 : i32
      %broadcast_in_dim3A_1054 = vector.broadcast %jit3A_1053 : i32 to vector<16xi32>
      %select_n3A_1055 = arith.select %eq3A_1051, %add3A_1048, %broadcast_in_dim3A_1054 : vector<16xi1>, vector<16xi32>
      %max3A = arith.maxsi %scan3A_1030, %select_n3A_1055 : vector<16xi32>
      %min3A = arith.minsi %scan3A_1031, %max3A : vector<16xi32>
      %min3A_1056 = arith.minsi %scan3A_1030, %select_n3A_1055 : vector<16xi32>
      %eq3A_1057 = arith.constant 106 : i32
      %eq3A_1058 = vector.broadcast %eq3A_1057 : i32 to vector<16xi32>
      %eq3A_1059 = arith.cmpi eq, %get3A_1038, %eq3A_1058 : vector<16xi32>
      %convert_element_type3A_1060 = arith.extui %eq3A_1059 : vector<16xi1> to vector<16xi32>
      %add3A_1061 = arith.addi %scan3A_1035, %convert_element_type3A_1060 : vector<16xi32>
      %jit3A_1062 = arith.constant 2147483647 : i32
      %broadcast_in_dim3A_1063 = vector.broadcast %jit3A_1062 : i32 to vector<16xi32>
      %select_n3A_1064 = arith.select %eq3A_1059, %add3A_1048, %broadcast_in_dim3A_1063 : vector<16xi1>, vector<16xi32>
      %max3A_1065 = arith.maxsi %scan3A_1033, %select_n3A_1064 : vector<16xi32>
      %min3A_1066 = arith.minsi %scan3A_1034, %max3A_1065 : vector<16xi32>
      %min3A_1067 = arith.minsi %scan3A_1033, %select_n3A_1064 : vector<16xi32>
      scf.yield %min3A_1056, %min3A, %add3A_1052, %min3A_1067, %min3A_1066, %add3A_1061 : vector<16xi32>, vector<16xi32>, vector<16xi32>, vector<16xi32>, vector<16xi32>, vector<16xi32>
    }
    %scan3A_201 = arith.constant 32 : i32
    %reduce_min3A_202 = arith.constant true
    %reduce_min3A_203 = vector.broadcast %reduce_min3A_202 : i1 to vector<16xi1>
    %reduce_min3A_204 = arith.constant -2147483648 : i32
    %reduce_min3A_205 = vector.broadcast %reduce_min3A_204 : i32 to vector<16xi32>
    %reduce_min3A_206 = arith.xori %scan3A_200#0, %reduce_min3A_205 : vector<16xi32>
    %reduce_min3A_207 = tpu.scan <min>, %reduce_min3A_206 masked %reduce_min3A_203 : vector<16xi32>, vector<16xi1> -> vector<16xi32>
    %reduce_min3A_208 = arith.xori %reduce_min3A_207, %reduce_min3A_205 : vector<16xi32>
    %reduce_min3A_209 = vector.extract %reduce_min3A_208[15] : i32 from vector<16xi32>
    %eq3A_210 = vector.broadcast %reduce_min3A_209 : i32 to vector<16xi32>
    %eq3A_211 = arith.cmpi eq, %scan3A_200#0, %eq3A_210 : vector<16xi32>
    %select_n3A_212 = arith.select %eq3A_211, %scan3A_200#1, %scan3A_200#0 : vector<16xi1>, vector<16xi32>
    %reduce_min3A_213 = arith.constant true
    %reduce_min3A_214 = vector.broadcast %reduce_min3A_213 : i1 to vector<16xi1>
    %reduce_min3A_215 = arith.constant -2147483648 : i32
    %reduce_min3A_216 = vector.broadcast %reduce_min3A_215 : i32 to vector<16xi32>
    %reduce_min3A_217 = arith.xori %select_n3A_212, %reduce_min3A_216 : vector<16xi32>
    %reduce_min3A_218 = tpu.scan <min>, %reduce_min3A_217 masked %reduce_min3A_214 : vector<16xi32>, vector<16xi1> -> vector<16xi32>
    %reduce_min3A_219 = arith.xori %reduce_min3A_218, %reduce_min3A_216 : vector<16xi32>
    %reduce_min3A_220 = vector.extract %reduce_min3A_219[15] : i32 from vector<16xi32>
    %reduce_sum3A_221 = arith.constant true
    %reduce_sum3A_222 = vector.broadcast %reduce_sum3A_221 : i1 to vector<16xi1>
    %reduce_sum3A_223 = tpu.scan <sum>, %scan3A_200#2 masked %reduce_sum3A_222 : vector<16xi32>, vector<16xi1> -> vector<16xi32>
    %reduce_sum3A_224 = vector.extract %reduce_sum3A_223[15] : i32 from vector<16xi32>
    %eq3A_225 = arith.constant 4 : i32
    %eq3A_226 = vector.broadcast %eq3A_225 : i32 to vector<16xi32>
    %eq3A_227 = arith.cmpi eq, %iota3A, %eq3A_226 : vector<16xi32>
    %broadcast_in_dim3A_228 = vector.broadcast %reduce_sum3A_224 : i32 to vector<16xi32>
    %select_n3A_229 = arith.select %eq3A_227, %broadcast_in_dim3A_228, %select_n3A_181 : vector<16xi1>, vector<16xi32>
    %eq3A_230 = arith.constant 2147483647 : i32
    %eq3A_231 = arith.cmpi eq, %reduce_min3A_209, %eq3A_230 : i32
    %add3A_232 = arith.addi %reduce_min3A_209, %mul3A_20 : i32
    %jit3A_233 = arith.constant 2147483647 : i32
    %select_n3A_234 = arith.select %eq3A_231, %jit3A_233, %add3A_232 : i32
    %broadcast_in_dim3A_235 = vector.broadcast %select_n3A_234 : i32 to vector<16xi32>
    %select_n3A_236 = arith.select %eq3A_227, %broadcast_in_dim3A_235, %select_n3A_188 : vector<16xi1>, vector<16xi32>
    %eq3A_237 = arith.constant 2147483647 : i32
    %eq3A_238 = arith.cmpi eq, %reduce_min3A_220, %eq3A_237 : i32
    %add3A_239 = arith.addi %reduce_min3A_220, %mul3A_20 : i32
    %jit3A_240 = arith.constant 2147483647 : i32
    %select_n3A_241 = arith.select %eq3A_238, %jit3A_240, %add3A_239 : i32
    %broadcast_in_dim3A_242 = vector.broadcast %select_n3A_241 : i32 to vector<16xi32>
    %select_n3A_243 = arith.select %eq3A_227, %broadcast_in_dim3A_242, %select_n3A_195 : vector<16xi1>, vector<16xi32>
    %reduce_min3A_244 = arith.constant true
    %reduce_min3A_245 = vector.broadcast %reduce_min3A_244 : i1 to vector<16xi1>
    %reduce_min3A_246 = arith.constant -2147483648 : i32
    %reduce_min3A_247 = vector.broadcast %reduce_min3A_246 : i32 to vector<16xi32>
    %reduce_min3A_248 = arith.xori %scan3A_200#3, %reduce_min3A_247 : vector<16xi32>
    %reduce_min3A_249 = tpu.scan <min>, %reduce_min3A_248 masked %reduce_min3A_245 : vector<16xi32>, vector<16xi1> -> vector<16xi32>
    %reduce_min3A_250 = arith.xori %reduce_min3A_249, %reduce_min3A_247 : vector<16xi32>
    %reduce_min3A_251 = vector.extract %reduce_min3A_250[15] : i32 from vector<16xi32>
    %eq3A_252 = vector.broadcast %reduce_min3A_251 : i32 to vector<16xi32>
    %eq3A_253 = arith.cmpi eq, %scan3A_200#3, %eq3A_252 : vector<16xi32>
    %select_n3A_254 = arith.select %eq3A_253, %scan3A_200#4, %scan3A_200#3 : vector<16xi1>, vector<16xi32>
    %reduce_min3A_255 = arith.constant true
    %reduce_min3A_256 = vector.broadcast %reduce_min3A_255 : i1 to vector<16xi1>
    %reduce_min3A_257 = arith.constant -2147483648 : i32
    %reduce_min3A_258 = vector.broadcast %reduce_min3A_257 : i32 to vector<16xi32>
    %reduce_min3A_259 = arith.xori %select_n3A_254, %reduce_min3A_258 : vector<16xi32>
    %reduce_min3A_260 = tpu.scan <min>, %reduce_min3A_259 masked %reduce_min3A_256 : vector<16xi32>, vector<16xi1> -> vector<16xi32>
    %reduce_min3A_261 = arith.xori %reduce_min3A_260, %reduce_min3A_258 : vector<16xi32>
    %reduce_min3A_262 = vector.extract %reduce_min3A_261[15] : i32 from vector<16xi32>
    %reduce_sum3A_263 = arith.constant true
    %reduce_sum3A_264 = vector.broadcast %reduce_sum3A_263 : i1 to vector<16xi1>
    %reduce_sum3A_265 = tpu.scan <sum>, %scan3A_200#5 masked %reduce_sum3A_264 : vector<16xi32>, vector<16xi1> -> vector<16xi32>
    %reduce_sum3A_266 = vector.extract %reduce_sum3A_265[15] : i32 from vector<16xi32>
    %eq3A_267 = arith.constant 5 : i32
    %eq3A_268 = vector.broadcast %eq3A_267 : i32 to vector<16xi32>
    %eq3A_269 = arith.cmpi eq, %iota3A, %eq3A_268 : vector<16xi32>
    %broadcast_in_dim3A_270 = vector.broadcast %reduce_sum3A_266 : i32 to vector<16xi32>
    %select_n3A_271 = arith.select %eq3A_269, %broadcast_in_dim3A_270, %select_n3A_229 : vector<16xi1>, vector<16xi32>
    %eq3A_272 = arith.constant 2147483647 : i32
    %eq3A_273 = arith.cmpi eq, %reduce_min3A_251, %eq3A_272 : i32
    %add3A_274 = arith.addi %reduce_min3A_251, %mul3A_20 : i32
    %jit3A_275 = arith.constant 2147483647 : i32
    %select_n3A_276 = arith.select %eq3A_273, %jit3A_275, %add3A_274 : i32
    %broadcast_in_dim3A_277 = vector.broadcast %select_n3A_276 : i32 to vector<16xi32>
    %select_n3A_278 = arith.select %eq3A_269, %broadcast_in_dim3A_277, %select_n3A_236 : vector<16xi1>, vector<16xi32>
    %eq3A_279 = arith.constant 2147483647 : i32
    %eq3A_280 = arith.cmpi eq, %reduce_min3A_262, %eq3A_279 : i32
    %add3A_281 = arith.addi %reduce_min3A_262, %mul3A_20 : i32
    %jit3A_282 = arith.constant 2147483647 : i32
    %select_n3A_283 = arith.select %eq3A_280, %jit3A_282, %add3A_281 : i32
    %broadcast_in_dim3A_284 = vector.broadcast %select_n3A_283 : i32 to vector<16xi32>
    %select_n3A_285 = arith.select %eq3A_269, %broadcast_in_dim3A_284, %select_n3A_243 : vector<16xi1>, vector<16xi32>
    %scan3A_286 = arith.constant 0 : i32
    %scan3A_287 = arith.constant 32 : i32
    %scan3A_288 = arith.addi %scan3A_286, %scan3A_287 : i32
    %scan3A_289 = arith.constant 1 : i32
    %scan3A_290:6 = scf.for %scan3A_1029 = %scan3A_286 to %scan3A_288 step %scan3A_289 iter_args(%scan3A_1030 = %broadcast_in_dim3A_16, %scan3A_1031 = %broadcast_in_dim3A_16, %scan3A_1032 = %broadcast_in_dim3A_18, %scan3A_1033 = %broadcast_in_dim3A_16, %scan3A_1034 = %broadcast_in_dim3A_16, %scan3A_1035 = %broadcast_in_dim3A_18) -> (vector<16xi32>, vector<16xi32>, vector<16xi32>, vector<16xi32>, vector<16xi32>, vector<16xi32>)  : i32 {
      %mul3A_1036 = arith.constant 16 : i32
      %mul3A_1037 = arith.muli %scan3A_1029, %mul3A_1036 : i32
      %get3A = arith.index_cast %mul3A_1037 : i32 to index
      %get3A_1038 = tpu.vector_load %arg5[%get3A] {strides = array<i32>} : memref<512xi32, #tpu.memory_space<vmem>>, vector<16xi32>,
      %shift_right_arithmetic3A = arith.constant 2 : i32
      %shift_right_arithmetic3A_1039 = arith.shrsi %scan3A_1029, %shift_right_arithmetic3A : i32
      %mul3A_1040 = arith.constant 64 : i32
      %mul3A_1041 = arith.muli %shift_right_arithmetic3A_1039, %mul3A_1040 : i32
      %and3A = arith.constant 3 : i32
      %and3A_1042 = arith.andi %scan3A_1029, %and3A : i32
      %add3A_1043 = arith.addi %mul3A_1041, %and3A_1042 : i32
      %mul3A_1044 = arith.constant 4 : i32
      %mul3A_1045 = vector.broadcast %mul3A_1044 : i32 to vector<16xi32>
      %mul3A_1046 = arith.muli %iota3A, %mul3A_1045 : vector<16xi32>
      %add3A_1047 = vector.broadcast %add3A_1043 : i32 to vector<16xi32>
      %add3A_1048 = arith.addi %add3A_1047, %mul3A_1046 : vector<16xi32>
      %eq3A_1049 = arith.constant 112 : i32
      %eq3A_1050 = vector.broadcast %eq3A_1049 : i32 to vector<16xi32>
      %eq3A_1051 = arith.cmpi eq, %get3A_1038, %eq3A_1050 : vector<16xi32>
      %convert_element_type3A = arith.extui %eq3A_1051 : vector<16xi1> to vector<16xi32>
      %add3A_1052 = arith.addi %scan3A_1032, %convert_element_type3A : vector<16xi32>
      %jit3A_1053 = arith.constant 2147483647 : i32
      %broadcast_in_dim3A_1054 = vector.broadcast %jit3A_1053 : i32 to vector<16xi32>
      %select_n3A_1055 = arith.select %eq3A_1051, %add3A_1048, %broadcast_in_dim3A_1054 : vector<16xi1>, vector<16xi32>
      %max3A = arith.maxsi %scan3A_1030, %select_n3A_1055 : vector<16xi32>
      %min3A = arith.minsi %scan3A_1031, %max3A : vector<16xi32>
      %min3A_1056 = arith.minsi %scan3A_1030, %select_n3A_1055 : vector<16xi32>
      %eq3A_1057 = arith.constant 114 : i32
      %eq3A_1058 = vector.broadcast %eq3A_1057 : i32 to vector<16xi32>
      %eq3A_1059 = arith.cmpi eq, %get3A_1038, %eq3A_1058 : vector<16xi32>
      %convert_element_type3A_1060 = arith.extui %eq3A_1059 : vector<16xi1> to vector<16xi32>
      %add3A_1061 = arith.addi %scan3A_1035, %convert_element_type3A_1060 : vector<16xi32>
      %jit3A_1062 = arith.constant 2147483647 : i32
      %broadcast_in_dim3A_1063 = vector.broadcast %jit3A_1062 : i32 to vector<16xi32>
      %select_n3A_1064 = arith.select %eq3A_1059, %add3A_1048, %broadcast_in_dim3A_1063 : vector<16xi1>, vector<16xi32>
      %max3A_1065 = arith.maxsi %scan3A_1033, %select_n3A_1064 : vector<16xi32>
      %min3A_1066 = arith.minsi %scan3A_1034, %max3A_1065 : vector<16xi32>
      %min3A_1067 = arith.minsi %scan3A_1033, %select_n3A_1064 : vector<16xi32>
      scf.yield %min3A_1056, %min3A, %add3A_1052, %min3A_1067, %min3A_1066, %add3A_1061 : vector<16xi32>, vector<16xi32>, vector<16xi32>, vector<16xi32>, vector<16xi32>, vector<16xi32>
    }
    %scan3A_291 = arith.constant 32 : i32
    %reduce_min3A_292 = arith.constant true
    %reduce_min3A_293 = vector.broadcast %reduce_min3A_292 : i1 to vector<16xi1>
    %reduce_min3A_294 = arith.constant -2147483648 : i32
    %reduce_min3A_295 = vector.broadcast %reduce_min3A_294 : i32 to vector<16xi32>
    %reduce_min3A_296 = arith.xori %scan3A_290#0, %reduce_min3A_295 : vector<16xi32>
    %reduce_min3A_297 = tpu.scan <min>, %reduce_min3A_296 masked %reduce_min3A_293 : vector<16xi32>, vector<16xi1> -> vector<16xi32>
    %reduce_min3A_298 = arith.xori %reduce_min3A_297, %reduce_min3A_295 : vector<16xi32>
    %reduce_min3A_299 = vector.extract %reduce_min3A_298[15] : i32 from vector<16xi32>
    %eq3A_300 = vector.broadcast %reduce_min3A_299 : i32 to vector<16xi32>
    %eq3A_301 = arith.cmpi eq, %scan3A_290#0, %eq3A_300 : vector<16xi32>
    %select_n3A_302 = arith.select %eq3A_301, %scan3A_290#1, %scan3A_290#0 : vector<16xi1>, vector<16xi32>
    %reduce_min3A_303 = arith.constant true
    %reduce_min3A_304 = vector.broadcast %reduce_min3A_303 : i1 to vector<16xi1>
    %reduce_min3A_305 = arith.constant -2147483648 : i32
    %reduce_min3A_306 = vector.broadcast %reduce_min3A_305 : i32 to vector<16xi32>
    %reduce_min3A_307 = arith.xori %select_n3A_302, %reduce_min3A_306 : vector<16xi32>
    %reduce_min3A_308 = tpu.scan <min>, %reduce_min3A_307 masked %reduce_min3A_304 : vector<16xi32>, vector<16xi1> -> vector<16xi32>
    %reduce_min3A_309 = arith.xori %reduce_min3A_308, %reduce_min3A_306 : vector<16xi32>
    %reduce_min3A_310 = vector.extract %reduce_min3A_309[15] : i32 from vector<16xi32>
    %reduce_sum3A_311 = arith.constant true
    %reduce_sum3A_312 = vector.broadcast %reduce_sum3A_311 : i1 to vector<16xi1>
    %reduce_sum3A_313 = tpu.scan <sum>, %scan3A_290#2 masked %reduce_sum3A_312 : vector<16xi32>, vector<16xi1> -> vector<16xi32>
    %reduce_sum3A_314 = vector.extract %reduce_sum3A_313[15] : i32 from vector<16xi32>
    %eq3A_315 = arith.constant 6 : i32
    %eq3A_316 = vector.broadcast %eq3A_315 : i32 to vector<16xi32>
    %eq3A_317 = arith.cmpi eq, %iota3A, %eq3A_316 : vector<16xi32>
    %broadcast_in_dim3A_318 = vector.broadcast %reduce_sum3A_314 : i32 to vector<16xi32>
    %select_n3A_319 = arith.select %eq3A_317, %broadcast_in_dim3A_318, %select_n3A_271 : vector<16xi1>, vector<16xi32>
    %eq3A_320 = arith.constant 2147483647 : i32
    %eq3A_321 = arith.cmpi eq, %reduce_min3A_299, %eq3A_320 : i32
    %add3A_322 = arith.addi %reduce_min3A_299, %mul3A_20 : i32
    %jit3A_323 = arith.constant 2147483647 : i32
    %select_n3A_324 = arith.select %eq3A_321, %jit3A_323, %add3A_322 : i32
    %broadcast_in_dim3A_325 = vector.broadcast %select_n3A_324 : i32 to vector<16xi32>
    %select_n3A_326 = arith.select %eq3A_317, %broadcast_in_dim3A_325, %select_n3A_278 : vector<16xi1>, vector<16xi32>
    %eq3A_327 = arith.constant 2147483647 : i32
    %eq3A_328 = arith.cmpi eq, %reduce_min3A_310, %eq3A_327 : i32
    %add3A_329 = arith.addi %reduce_min3A_310, %mul3A_20 : i32
    %jit3A_330 = arith.constant 2147483647 : i32
    %select_n3A_331 = arith.select %eq3A_328, %jit3A_330, %add3A_329 : i32
    %broadcast_in_dim3A_332 = vector.broadcast %select_n3A_331 : i32 to vector<16xi32>
    %select_n3A_333 = arith.select %eq3A_317, %broadcast_in_dim3A_332, %select_n3A_285 : vector<16xi1>, vector<16xi32>
    %reduce_min3A_334 = arith.constant true
    %reduce_min3A_335 = vector.broadcast %reduce_min3A_334 : i1 to vector<16xi1>
    %reduce_min3A_336 = arith.constant -2147483648 : i32
    %reduce_min3A_337 = vector.broadcast %reduce_min3A_336 : i32 to vector<16xi32>
    %reduce_min3A_338 = arith.xori %scan3A_290#3, %reduce_min3A_337 : vector<16xi32>
    %reduce_min3A_339 = tpu.scan <min>, %reduce_min3A_338 masked %reduce_min3A_335 : vector<16xi32>, vector<16xi1> -> vector<16xi32>
    %reduce_min3A_340 = arith.xori %reduce_min3A_339, %reduce_min3A_337 : vector<16xi32>
    %reduce_min3A_341 = vector.extract %reduce_min3A_340[15] : i32 from vector<16xi32>
    %eq3A_342 = vector.broadcast %reduce_min3A_341 : i32 to vector<16xi32>
    %eq3A_343 = arith.cmpi eq, %scan3A_290#3, %eq3A_342 : vector<16xi32>
    %select_n3A_344 = arith.select %eq3A_343, %scan3A_290#4, %scan3A_290#3 : vector<16xi1>, vector<16xi32>
    %reduce_min3A_345 = arith.constant true
    %reduce_min3A_346 = vector.broadcast %reduce_min3A_345 : i1 to vector<16xi1>
    %reduce_min3A_347 = arith.constant -2147483648 : i32
    %reduce_min3A_348 = vector.broadcast %reduce_min3A_347 : i32 to vector<16xi32>
    %reduce_min3A_349 = arith.xori %select_n3A_344, %reduce_min3A_348 : vector<16xi32>
    %reduce_min3A_350 = tpu.scan <min>, %reduce_min3A_349 masked %reduce_min3A_346 : vector<16xi32>, vector<16xi1> -> vector<16xi32>
    %reduce_min3A_351 = arith.xori %reduce_min3A_350, %reduce_min3A_348 : vector<16xi32>
    %reduce_min3A_352 = vector.extract %reduce_min3A_351[15] : i32 from vector<16xi32>
    %reduce_sum3A_353 = arith.constant true
    %reduce_sum3A_354 = vector.broadcast %reduce_sum3A_353 : i1 to vector<16xi1>
    %reduce_sum3A_355 = tpu.scan <sum>, %scan3A_290#5 masked %reduce_sum3A_354 : vector<16xi32>, vector<16xi1> -> vector<16xi32>
    %reduce_sum3A_356 = vector.extract %reduce_sum3A_355[15] : i32 from vector<16xi32>
    %eq3A_357 = arith.constant 7 : i32
    %eq3A_358 = vector.broadcast %eq3A_357 : i32 to vector<16xi32>
    %eq3A_359 = arith.cmpi eq, %iota3A, %eq3A_358 : vector<16xi32>
    %broadcast_in_dim3A_360 = vector.broadcast %reduce_sum3A_356 : i32 to vector<16xi32>
    %select_n3A_361 = arith.select %eq3A_359, %broadcast_in_dim3A_360, %select_n3A_319 : vector<16xi1>, vector<16xi32>
    %eq3A_362 = arith.constant 2147483647 : i32
    %eq3A_363 = arith.cmpi eq, %reduce_min3A_341, %eq3A_362 : i32
    %add3A_364 = arith.addi %reduce_min3A_341, %mul3A_20 : i32
    %jit3A_365 = arith.constant 2147483647 : i32
    %select_n3A_366 = arith.select %eq3A_363, %jit3A_365, %add3A_364 : i32
    %broadcast_in_dim3A_367 = vector.broadcast %select_n3A_366 : i32 to vector<16xi32>
    %select_n3A_368 = arith.select %eq3A_359, %broadcast_in_dim3A_367, %select_n3A_326 : vector<16xi1>, vector<16xi32>
    %eq3A_369 = arith.constant 2147483647 : i32
    %eq3A_370 = arith.cmpi eq, %reduce_min3A_352, %eq3A_369 : i32
    %add3A_371 = arith.addi %reduce_min3A_352, %mul3A_20 : i32
    %jit3A_372 = arith.constant 2147483647 : i32
    %select_n3A_373 = arith.select %eq3A_370, %jit3A_372, %add3A_371 : i32
    %broadcast_in_dim3A_374 = vector.broadcast %select_n3A_373 : i32 to vector<16xi32>
    %select_n3A_375 = arith.select %eq3A_359, %broadcast_in_dim3A_374, %select_n3A_333 : vector<16xi1>, vector<16xi32>
    %scan3A_376 = arith.constant 0 : i32
    %scan3A_377 = arith.constant 32 : i32
    %scan3A_378 = arith.addi %scan3A_376, %scan3A_377 : i32
    %scan3A_379 = arith.constant 1 : i32
    %scan3A_380:6 = scf.for %scan3A_1029 = %scan3A_376 to %scan3A_378 step %scan3A_379 iter_args(%scan3A_1030 = %broadcast_in_dim3A_16, %scan3A_1031 = %broadcast_in_dim3A_16, %scan3A_1032 = %broadcast_in_dim3A_18, %scan3A_1033 = %broadcast_in_dim3A_16, %scan3A_1034 = %broadcast_in_dim3A_16, %scan3A_1035 = %broadcast_in_dim3A_18) -> (vector<16xi32>, vector<16xi32>, vector<16xi32>, vector<16xi32>, vector<16xi32>, vector<16xi32>)  : i32 {
      %mul3A_1036 = arith.constant 16 : i32
      %mul3A_1037 = arith.muli %scan3A_1029, %mul3A_1036 : i32
      %get3A = arith.index_cast %mul3A_1037 : i32 to index
      %get3A_1038 = tpu.vector_load %arg5[%get3A] {strides = array<i32>} : memref<512xi32, #tpu.memory_space<vmem>>, vector<16xi32>,
      %shift_right_arithmetic3A = arith.constant 2 : i32
      %shift_right_arithmetic3A_1039 = arith.shrsi %scan3A_1029, %shift_right_arithmetic3A : i32
      %mul3A_1040 = arith.constant 64 : i32
      %mul3A_1041 = arith.muli %shift_right_arithmetic3A_1039, %mul3A_1040 : i32
      %and3A = arith.constant 3 : i32
      %and3A_1042 = arith.andi %scan3A_1029, %and3A : i32
      %add3A_1043 = arith.addi %mul3A_1041, %and3A_1042 : i32
      %mul3A_1044 = arith.constant 4 : i32
      %mul3A_1045 = vector.broadcast %mul3A_1044 : i32 to vector<16xi32>
      %mul3A_1046 = arith.muli %iota3A, %mul3A_1045 : vector<16xi32>
      %add3A_1047 = vector.broadcast %add3A_1043 : i32 to vector<16xi32>
      %add3A_1048 = arith.addi %add3A_1047, %mul3A_1046 : vector<16xi32>
      %eq3A_1049 = arith.constant 161 : i32
      %eq3A_1050 = vector.broadcast %eq3A_1049 : i32 to vector<16xi32>
      %eq3A_1051 = arith.cmpi eq, %get3A_1038, %eq3A_1050 : vector<16xi32>
      %convert_element_type3A = arith.extui %eq3A_1051 : vector<16xi1> to vector<16xi32>
      %add3A_1052 = arith.addi %scan3A_1032, %convert_element_type3A : vector<16xi32>
      %jit3A_1053 = arith.constant 2147483647 : i32
      %broadcast_in_dim3A_1054 = vector.broadcast %jit3A_1053 : i32 to vector<16xi32>
      %select_n3A_1055 = arith.select %eq3A_1051, %add3A_1048, %broadcast_in_dim3A_1054 : vector<16xi1>, vector<16xi32>
      %max3A = arith.maxsi %scan3A_1030, %select_n3A_1055 : vector<16xi32>
      %min3A = arith.minsi %scan3A_1031, %max3A : vector<16xi32>
      %min3A_1056 = arith.minsi %scan3A_1030, %select_n3A_1055 : vector<16xi32>
      %eq3A_1057 = arith.constant 162 : i32
      %eq3A_1058 = vector.broadcast %eq3A_1057 : i32 to vector<16xi32>
      %eq3A_1059 = arith.cmpi eq, %get3A_1038, %eq3A_1058 : vector<16xi32>
      %convert_element_type3A_1060 = arith.extui %eq3A_1059 : vector<16xi1> to vector<16xi32>
      %add3A_1061 = arith.addi %scan3A_1035, %convert_element_type3A_1060 : vector<16xi32>
      %jit3A_1062 = arith.constant 2147483647 : i32
      %broadcast_in_dim3A_1063 = vector.broadcast %jit3A_1062 : i32 to vector<16xi32>
      %select_n3A_1064 = arith.select %eq3A_1059, %add3A_1048, %broadcast_in_dim3A_1063 : vector<16xi1>, vector<16xi32>
      %max3A_1065 = arith.maxsi %scan3A_1033, %select_n3A_1064 : vector<16xi32>
      %min3A_1066 = arith.minsi %scan3A_1034, %max3A_1065 : vector<16xi32>
      %min3A_1067 = arith.minsi %scan3A_1033, %select_n3A_1064 : vector<16xi32>
      scf.yield %min3A_1056, %min3A, %add3A_1052, %min3A_1067, %min3A_1066, %add3A_1061 : vector<16xi32>, vector<16xi32>, vector<16xi32>, vector<16xi32>, vector<16xi32>, vector<16xi32>
    }
    %scan3A_381 = arith.constant 32 : i32
    %reduce_min3A_382 = arith.constant true
    %reduce_min3A_383 = vector.broadcast %reduce_min3A_382 : i1 to vector<16xi1>
    %reduce_min3A_384 = arith.constant -2147483648 : i32
    %reduce_min3A_385 = vector.broadcast %reduce_min3A_384 : i32 to vector<16xi32>
    %reduce_min3A_386 = arith.xori %scan3A_380#0, %reduce_min3A_385 : vector<16xi32>
    %reduce_min3A_387 = tpu.scan <min>, %reduce_min3A_386 masked %reduce_min3A_383 : vector<16xi32>, vector<16xi1> -> vector<16xi32>
    %reduce_min3A_388 = arith.xori %reduce_min3A_387, %reduce_min3A_385 : vector<16xi32>
    %reduce_min3A_389 = vector.extract %reduce_min3A_388[15] : i32 from vector<16xi32>
    %eq3A_390 = vector.broadcast %reduce_min3A_389 : i32 to vector<16xi32>
    %eq3A_391 = arith.cmpi eq, %scan3A_380#0, %eq3A_390 : vector<16xi32>
    %select_n3A_392 = arith.select %eq3A_391, %scan3A_380#1, %scan3A_380#0 : vector<16xi1>, vector<16xi32>
    %reduce_min3A_393 = arith.constant true
    %reduce_min3A_394 = vector.broadcast %reduce_min3A_393 : i1 to vector<16xi1>
    %reduce_min3A_395 = arith.constant -2147483648 : i32
    %reduce_min3A_396 = vector.broadcast %reduce_min3A_395 : i32 to vector<16xi32>
    %reduce_min3A_397 = arith.xori %select_n3A_392, %reduce_min3A_396 : vector<16xi32>
    %reduce_min3A_398 = tpu.scan <min>, %reduce_min3A_397 masked %reduce_min3A_394 : vector<16xi32>, vector<16xi1> -> vector<16xi32>
    %reduce_min3A_399 = arith.xori %reduce_min3A_398, %reduce_min3A_396 : vector<16xi32>
    %reduce_min3A_400 = vector.extract %reduce_min3A_399[15] : i32 from vector<16xi32>
    %reduce_sum3A_401 = arith.constant true
    %reduce_sum3A_402 = vector.broadcast %reduce_sum3A_401 : i1 to vector<16xi1>
    %reduce_sum3A_403 = tpu.scan <sum>, %scan3A_380#2 masked %reduce_sum3A_402 : vector<16xi32>, vector<16xi1> -> vector<16xi32>
    %reduce_sum3A_404 = vector.extract %reduce_sum3A_403[15] : i32 from vector<16xi32>
    %eq3A_405 = arith.constant 8 : i32
    %eq3A_406 = vector.broadcast %eq3A_405 : i32 to vector<16xi32>
    %eq3A_407 = arith.cmpi eq, %iota3A, %eq3A_406 : vector<16xi32>
    %broadcast_in_dim3A_408 = vector.broadcast %reduce_sum3A_404 : i32 to vector<16xi32>
    %select_n3A_409 = arith.select %eq3A_407, %broadcast_in_dim3A_408, %select_n3A_361 : vector<16xi1>, vector<16xi32>
    %eq3A_410 = arith.constant 2147483647 : i32
    %eq3A_411 = arith.cmpi eq, %reduce_min3A_389, %eq3A_410 : i32
    %add3A_412 = arith.addi %reduce_min3A_389, %mul3A_20 : i32
    %jit3A_413 = arith.constant 2147483647 : i32
    %select_n3A_414 = arith.select %eq3A_411, %jit3A_413, %add3A_412 : i32
    %broadcast_in_dim3A_415 = vector.broadcast %select_n3A_414 : i32 to vector<16xi32>
    %select_n3A_416 = arith.select %eq3A_407, %broadcast_in_dim3A_415, %select_n3A_368 : vector<16xi1>, vector<16xi32>
    %eq3A_417 = arith.constant 2147483647 : i32
    %eq3A_418 = arith.cmpi eq, %reduce_min3A_400, %eq3A_417 : i32
    %add3A_419 = arith.addi %reduce_min3A_400, %mul3A_20 : i32
    %jit3A_420 = arith.constant 2147483647 : i32
    %select_n3A_421 = arith.select %eq3A_418, %jit3A_420, %add3A_419 : i32
    %broadcast_in_dim3A_422 = vector.broadcast %select_n3A_421 : i32 to vector<16xi32>
    %select_n3A_423 = arith.select %eq3A_407, %broadcast_in_dim3A_422, %select_n3A_375 : vector<16xi1>, vector<16xi32>
    %reduce_min3A_424 = arith.constant true
    %reduce_min3A_425 = vector.broadcast %reduce_min3A_424 : i1 to vector<16xi1>
    %reduce_min3A_426 = arith.constant -2147483648 : i32
    %reduce_min3A_427 = vector.broadcast %reduce_min3A_426 : i32 to vector<16xi32>
    %reduce_min3A_428 = arith.xori %scan3A_380#3, %reduce_min3A_427 : vector<16xi32>
    %reduce_min3A_429 = tpu.scan <min>, %reduce_min3A_428 masked %reduce_min3A_425 : vector<16xi32>, vector<16xi1> -> vector<16xi32>
    %reduce_min3A_430 = arith.xori %reduce_min3A_429, %reduce_min3A_427 : vector<16xi32>
    %reduce_min3A_431 = vector.extract %reduce_min3A_430[15] : i32 from vector<16xi32>
    %eq3A_432 = vector.broadcast %reduce_min3A_431 : i32 to vector<16xi32>
    %eq3A_433 = arith.cmpi eq, %scan3A_380#3, %eq3A_432 : vector<16xi32>
    %select_n3A_434 = arith.select %eq3A_433, %scan3A_380#4, %scan3A_380#3 : vector<16xi1>, vector<16xi32>
    %reduce_min3A_435 = arith.constant true
    %reduce_min3A_436 = vector.broadcast %reduce_min3A_435 : i1 to vector<16xi1>
    %reduce_min3A_437 = arith.constant -2147483648 : i32
    %reduce_min3A_438 = vector.broadcast %reduce_min3A_437 : i32 to vector<16xi32>
    %reduce_min3A_439 = arith.xori %select_n3A_434, %reduce_min3A_438 : vector<16xi32>
    %reduce_min3A_440 = tpu.scan <min>, %reduce_min3A_439 masked %reduce_min3A_436 : vector<16xi32>, vector<16xi1> -> vector<16xi32>
    %reduce_min3A_441 = arith.xori %reduce_min3A_440, %reduce_min3A_438 : vector<16xi32>
    %reduce_min3A_442 = vector.extract %reduce_min3A_441[15] : i32 from vector<16xi32>
    %reduce_sum3A_443 = arith.constant true
    %reduce_sum3A_444 = vector.broadcast %reduce_sum3A_443 : i1 to vector<16xi1>
    %reduce_sum3A_445 = tpu.scan <sum>, %scan3A_380#5 masked %reduce_sum3A_444 : vector<16xi32>, vector<16xi1> -> vector<16xi32>
    %reduce_sum3A_446 = vector.extract %reduce_sum3A_445[15] : i32 from vector<16xi32>
    %eq3A_447 = arith.constant 9 : i32
    %eq3A_448 = vector.broadcast %eq3A_447 : i32 to vector<16xi32>
    %eq3A_449 = arith.cmpi eq, %iota3A, %eq3A_448 : vector<16xi32>
    %broadcast_in_dim3A_450 = vector.broadcast %reduce_sum3A_446 : i32 to vector<16xi32>
    %select_n3A_451 = arith.select %eq3A_449, %broadcast_in_dim3A_450, %select_n3A_409 : vector<16xi1>, vector<16xi32>
    %eq3A_452 = arith.constant 2147483647 : i32
    %eq3A_453 = arith.cmpi eq, %reduce_min3A_431, %eq3A_452 : i32
    %add3A_454 = arith.addi %reduce_min3A_431, %mul3A_20 : i32
    %jit3A_455 = arith.constant 2147483647 : i32
    %select_n3A_456 = arith.select %eq3A_453, %jit3A_455, %add3A_454 : i32
    %broadcast_in_dim3A_457 = vector.broadcast %select_n3A_456 : i32 to vector<16xi32>
    %select_n3A_458 = arith.select %eq3A_449, %broadcast_in_dim3A_457, %select_n3A_416 : vector<16xi1>, vector<16xi32>
    %eq3A_459 = arith.constant 2147483647 : i32
    %eq3A_460 = arith.cmpi eq, %reduce_min3A_442, %eq3A_459 : i32
    %add3A_461 = arith.addi %reduce_min3A_442, %mul3A_20 : i32
    %jit3A_462 = arith.constant 2147483647 : i32
    %select_n3A_463 = arith.select %eq3A_460, %jit3A_462, %add3A_461 : i32
    %broadcast_in_dim3A_464 = vector.broadcast %select_n3A_463 : i32 to vector<16xi32>
    %select_n3A_465 = arith.select %eq3A_449, %broadcast_in_dim3A_464, %select_n3A_423 : vector<16xi1>, vector<16xi32>
    %scan3A_466 = arith.constant 0 : i32
    %scan3A_467 = arith.constant 32 : i32
    %scan3A_468 = arith.addi %scan3A_466, %scan3A_467 : i32
    %scan3A_469 = arith.constant 1 : i32
    %scan3A_470:6 = scf.for %scan3A_1029 = %scan3A_466 to %scan3A_468 step %scan3A_469 iter_args(%scan3A_1030 = %broadcast_in_dim3A_16, %scan3A_1031 = %broadcast_in_dim3A_16, %scan3A_1032 = %broadcast_in_dim3A_18, %scan3A_1033 = %broadcast_in_dim3A_16, %scan3A_1034 = %broadcast_in_dim3A_16, %scan3A_1035 = %broadcast_in_dim3A_18) -> (vector<16xi32>, vector<16xi32>, vector<16xi32>, vector<16xi32>, vector<16xi32>, vector<16xi32>)  : i32 {
      %mul3A_1036 = arith.constant 16 : i32
      %mul3A_1037 = arith.muli %scan3A_1029, %mul3A_1036 : i32
      %get3A = arith.index_cast %mul3A_1037 : i32 to index
      %get3A_1038 = tpu.vector_load %arg5[%get3A] {strides = array<i32>} : memref<512xi32, #tpu.memory_space<vmem>>, vector<16xi32>,
      %shift_right_arithmetic3A = arith.constant 2 : i32
      %shift_right_arithmetic3A_1039 = arith.shrsi %scan3A_1029, %shift_right_arithmetic3A : i32
      %mul3A_1040 = arith.constant 64 : i32
      %mul3A_1041 = arith.muli %shift_right_arithmetic3A_1039, %mul3A_1040 : i32
      %and3A = arith.constant 3 : i32
      %and3A_1042 = arith.andi %scan3A_1029, %and3A : i32
      %add3A_1043 = arith.addi %mul3A_1041, %and3A_1042 : i32
      %mul3A_1044 = arith.constant 4 : i32
      %mul3A_1045 = vector.broadcast %mul3A_1044 : i32 to vector<16xi32>
      %mul3A_1046 = arith.muli %iota3A, %mul3A_1045 : vector<16xi32>
      %add3A_1047 = vector.broadcast %add3A_1043 : i32 to vector<16xi32>
      %add3A_1048 = arith.addi %add3A_1047, %mul3A_1046 : vector<16xi32>
      %eq3A_1049 = arith.constant 168 : i32
      %eq3A_1050 = vector.broadcast %eq3A_1049 : i32 to vector<16xi32>
      %eq3A_1051 = arith.cmpi eq, %get3A_1038, %eq3A_1050 : vector<16xi32>
      %convert_element_type3A = arith.extui %eq3A_1051 : vector<16xi1> to vector<16xi32>
      %add3A_1052 = arith.addi %scan3A_1032, %convert_element_type3A : vector<16xi32>
      %jit3A_1053 = arith.constant 2147483647 : i32
      %broadcast_in_dim3A_1054 = vector.broadcast %jit3A_1053 : i32 to vector<16xi32>
      %select_n3A_1055 = arith.select %eq3A_1051, %add3A_1048, %broadcast_in_dim3A_1054 : vector<16xi1>, vector<16xi32>
      %max3A = arith.maxsi %scan3A_1030, %select_n3A_1055 : vector<16xi32>
      %min3A = arith.minsi %scan3A_1031, %max3A : vector<16xi32>
      %min3A_1056 = arith.minsi %scan3A_1030, %select_n3A_1055 : vector<16xi32>
      %eq3A_1057 = arith.constant 170 : i32
      %eq3A_1058 = vector.broadcast %eq3A_1057 : i32 to vector<16xi32>
      %eq3A_1059 = arith.cmpi eq, %get3A_1038, %eq3A_1058 : vector<16xi32>
      %convert_element_type3A_1060 = arith.extui %eq3A_1059 : vector<16xi1> to vector<16xi32>
      %add3A_1061 = arith.addi %scan3A_1035, %convert_element_type3A_1060 : vector<16xi32>
      %jit3A_1062 = arith.constant 2147483647 : i32
      %broadcast_in_dim3A_1063 = vector.broadcast %jit3A_1062 : i32 to vector<16xi32>
      %select_n3A_1064 = arith.select %eq3A_1059, %add3A_1048, %broadcast_in_dim3A_1063 : vector<16xi1>, vector<16xi32>
      %max3A_1065 = arith.maxsi %scan3A_1033, %select_n3A_1064 : vector<16xi32>
      %min3A_1066 = arith.minsi %scan3A_1034, %max3A_1065 : vector<16xi32>
      %min3A_1067 = arith.minsi %scan3A_1033, %select_n3A_1064 : vector<16xi32>
      scf.yield %min3A_1056, %min3A, %add3A_1052, %min3A_1067, %min3A_1066, %add3A_1061 : vector<16xi32>, vector<16xi32>, vector<16xi32>, vector<16xi32>, vector<16xi32>, vector<16xi32>
    }
    %scan3A_471 = arith.constant 32 : i32
    %reduce_min3A_472 = arith.constant true
    %reduce_min3A_473 = vector.broadcast %reduce_min3A_472 : i1 to vector<16xi1>
    %reduce_min3A_474 = arith.constant -2147483648 : i32
    %reduce_min3A_475 = vector.broadcast %reduce_min3A_474 : i32 to vector<16xi32>
    %reduce_min3A_476 = arith.xori %scan3A_470#0, %reduce_min3A_475 : vector<16xi32>
    %reduce_min3A_477 = tpu.scan <min>, %reduce_min3A_476 masked %reduce_min3A_473 : vector<16xi32>, vector<16xi1> -> vector<16xi32>
    %reduce_min3A_478 = arith.xori %reduce_min3A_477, %reduce_min3A_475 : vector<16xi32>
    %reduce_min3A_479 = vector.extract %reduce_min3A_478[15] : i32 from vector<16xi32>
    %eq3A_480 = vector.broadcast %reduce_min3A_479 : i32 to vector<16xi32>
    %eq3A_481 = arith.cmpi eq, %scan3A_470#0, %eq3A_480 : vector<16xi32>
    %select_n3A_482 = arith.select %eq3A_481, %scan3A_470#1, %scan3A_470#0 : vector<16xi1>, vector<16xi32>
    %reduce_min3A_483 = arith.constant true
    %reduce_min3A_484 = vector.broadcast %reduce_min3A_483 : i1 to vector<16xi1>
    %reduce_min3A_485 = arith.constant -2147483648 : i32
    %reduce_min3A_486 = vector.broadcast %reduce_min3A_485 : i32 to vector<16xi32>
    %reduce_min3A_487 = arith.xori %select_n3A_482, %reduce_min3A_486 : vector<16xi32>
    %reduce_min3A_488 = tpu.scan <min>, %reduce_min3A_487 masked %reduce_min3A_484 : vector<16xi32>, vector<16xi1> -> vector<16xi32>
    %reduce_min3A_489 = arith.xori %reduce_min3A_488, %reduce_min3A_486 : vector<16xi32>
    %reduce_min3A_490 = vector.extract %reduce_min3A_489[15] : i32 from vector<16xi32>
    %reduce_sum3A_491 = arith.constant true
    %reduce_sum3A_492 = vector.broadcast %reduce_sum3A_491 : i1 to vector<16xi1>
    %reduce_sum3A_493 = tpu.scan <sum>, %scan3A_470#2 masked %reduce_sum3A_492 : vector<16xi32>, vector<16xi1> -> vector<16xi32>
    %reduce_sum3A_494 = vector.extract %reduce_sum3A_493[15] : i32 from vector<16xi32>
    %eq3A_495 = arith.constant 10 : i32
    %eq3A_496 = vector.broadcast %eq3A_495 : i32 to vector<16xi32>
    %eq3A_497 = arith.cmpi eq, %iota3A, %eq3A_496 : vector<16xi32>
    %broadcast_in_dim3A_498 = vector.broadcast %reduce_sum3A_494 : i32 to vector<16xi32>
    %select_n3A_499 = arith.select %eq3A_497, %broadcast_in_dim3A_498, %select_n3A_451 : vector<16xi1>, vector<16xi32>
    %eq3A_500 = arith.constant 2147483647 : i32
    %eq3A_501 = arith.cmpi eq, %reduce_min3A_479, %eq3A_500 : i32
    %add3A_502 = arith.addi %reduce_min3A_479, %mul3A_20 : i32
    %jit3A_503 = arith.constant 2147483647 : i32
    %select_n3A_504 = arith.select %eq3A_501, %jit3A_503, %add3A_502 : i32
    %broadcast_in_dim3A_505 = vector.broadcast %select_n3A_504 : i32 to vector<16xi32>
    %select_n3A_506 = arith.select %eq3A_497, %broadcast_in_dim3A_505, %select_n3A_458 : vector<16xi1>, vector<16xi32>
    %eq3A_507 = arith.constant 2147483647 : i32
    %eq3A_508 = arith.cmpi eq, %reduce_min3A_490, %eq3A_507 : i32
    %add3A_509 = arith.addi %reduce_min3A_490, %mul3A_20 : i32
    %jit3A_510 = arith.constant 2147483647 : i32
    %select_n3A_511 = arith.select %eq3A_508, %jit3A_510, %add3A_509 : i32
    %broadcast_in_dim3A_512 = vector.broadcast %select_n3A_511 : i32 to vector<16xi32>
    %select_n3A_513 = arith.select %eq3A_497, %broadcast_in_dim3A_512, %select_n3A_465 : vector<16xi1>, vector<16xi32>
    %reduce_min3A_514 = arith.constant true
    %reduce_min3A_515 = vector.broadcast %reduce_min3A_514 : i1 to vector<16xi1>
    %reduce_min3A_516 = arith.constant -2147483648 : i32
    %reduce_min3A_517 = vector.broadcast %reduce_min3A_516 : i32 to vector<16xi32>
    %reduce_min3A_518 = arith.xori %scan3A_470#3, %reduce_min3A_517 : vector<16xi32>
    %reduce_min3A_519 = tpu.scan <min>, %reduce_min3A_518 masked %reduce_min3A_515 : vector<16xi32>, vector<16xi1> -> vector<16xi32>
    %reduce_min3A_520 = arith.xori %reduce_min3A_519, %reduce_min3A_517 : vector<16xi32>
    %reduce_min3A_521 = vector.extract %reduce_min3A_520[15] : i32 from vector<16xi32>
    %eq3A_522 = vector.broadcast %reduce_min3A_521 : i32 to vector<16xi32>
    %eq3A_523 = arith.cmpi eq, %scan3A_470#3, %eq3A_522 : vector<16xi32>
    %select_n3A_524 = arith.select %eq3A_523, %scan3A_470#4, %scan3A_470#3 : vector<16xi1>, vector<16xi32>
    %reduce_min3A_525 = arith.constant true
    %reduce_min3A_526 = vector.broadcast %reduce_min3A_525 : i1 to vector<16xi1>
    %reduce_min3A_527 = arith.constant -2147483648 : i32
    %reduce_min3A_528 = vector.broadcast %reduce_min3A_527 : i32 to vector<16xi32>
    %reduce_min3A_529 = arith.xori %select_n3A_524, %reduce_min3A_528 : vector<16xi32>
    %reduce_min3A_530 = tpu.scan <min>, %reduce_min3A_529 masked %reduce_min3A_526 : vector<16xi32>, vector<16xi1> -> vector<16xi32>
    %reduce_min3A_531 = arith.xori %reduce_min3A_530, %reduce_min3A_528 : vector<16xi32>
    %reduce_min3A_532 = vector.extract %reduce_min3A_531[15] : i32 from vector<16xi32>
    %reduce_sum3A_533 = arith.constant true
    %reduce_sum3A_534 = vector.broadcast %reduce_sum3A_533 : i1 to vector<16xi1>
    %reduce_sum3A_535 = tpu.scan <sum>, %scan3A_470#5 masked %reduce_sum3A_534 : vector<16xi32>, vector<16xi1> -> vector<16xi32>
    %reduce_sum3A_536 = vector.extract %reduce_sum3A_535[15] : i32 from vector<16xi32>
    %eq3A_537 = arith.constant 11 : i32
    %eq3A_538 = vector.broadcast %eq3A_537 : i32 to vector<16xi32>
    %eq3A_539 = arith.cmpi eq, %iota3A, %eq3A_538 : vector<16xi32>
    %broadcast_in_dim3A_540 = vector.broadcast %reduce_sum3A_536 : i32 to vector<16xi32>
    %select_n3A_541 = arith.select %eq3A_539, %broadcast_in_dim3A_540, %select_n3A_499 : vector<16xi1>, vector<16xi32>
    %eq3A_542 = arith.constant 2147483647 : i32
    %eq3A_543 = arith.cmpi eq, %reduce_min3A_521, %eq3A_542 : i32
    %add3A_544 = arith.addi %reduce_min3A_521, %mul3A_20 : i32
    %jit3A_545 = arith.constant 2147483647 : i32
    %select_n3A_546 = arith.select %eq3A_543, %jit3A_545, %add3A_544 : i32
    %broadcast_in_dim3A_547 = vector.broadcast %select_n3A_546 : i32 to vector<16xi32>
    %select_n3A_548 = arith.select %eq3A_539, %broadcast_in_dim3A_547, %select_n3A_506 : vector<16xi1>, vector<16xi32>
    %eq3A_549 = arith.constant 2147483647 : i32
    %eq3A_550 = arith.cmpi eq, %reduce_min3A_532, %eq3A_549 : i32
    %add3A_551 = arith.addi %reduce_min3A_532, %mul3A_20 : i32
    %jit3A_552 = arith.constant 2147483647 : i32
    %select_n3A_553 = arith.select %eq3A_550, %jit3A_552, %add3A_551 : i32
    %broadcast_in_dim3A_554 = vector.broadcast %select_n3A_553 : i32 to vector<16xi32>
    %select_n3A_555 = arith.select %eq3A_539, %broadcast_in_dim3A_554, %select_n3A_513 : vector<16xi1>, vector<16xi32>
    %scan3A_556 = arith.constant 0 : i32
    %scan3A_557 = arith.constant 32 : i32
    %scan3A_558 = arith.addi %scan3A_556, %scan3A_557 : i32
    %scan3A_559 = arith.constant 1 : i32
    %scan3A_560:6 = scf.for %scan3A_1029 = %scan3A_556 to %scan3A_558 step %scan3A_559 iter_args(%scan3A_1030 = %broadcast_in_dim3A_16, %scan3A_1031 = %broadcast_in_dim3A_16, %scan3A_1032 = %broadcast_in_dim3A_18, %scan3A_1033 = %broadcast_in_dim3A_16, %scan3A_1034 = %broadcast_in_dim3A_16, %scan3A_1035 = %broadcast_in_dim3A_18) -> (vector<16xi32>, vector<16xi32>, vector<16xi32>, vector<16xi32>, vector<16xi32>, vector<16xi32>)  : i32 {
      %mul3A_1036 = arith.constant 16 : i32
      %mul3A_1037 = arith.muli %scan3A_1029, %mul3A_1036 : i32
      %get3A = arith.index_cast %mul3A_1037 : i32 to index
      %get3A_1038 = tpu.vector_load %arg5[%get3A] {strides = array<i32>} : memref<512xi32, #tpu.memory_space<vmem>>, vector<16xi32>,
      %shift_right_arithmetic3A = arith.constant 2 : i32
      %shift_right_arithmetic3A_1039 = arith.shrsi %scan3A_1029, %shift_right_arithmetic3A : i32
      %mul3A_1040 = arith.constant 64 : i32
      %mul3A_1041 = arith.muli %shift_right_arithmetic3A_1039, %mul3A_1040 : i32
      %and3A = arith.constant 3 : i32
      %and3A_1042 = arith.andi %scan3A_1029, %and3A : i32
      %add3A_1043 = arith.addi %mul3A_1041, %and3A_1042 : i32
      %mul3A_1044 = arith.constant 4 : i32
      %mul3A_1045 = vector.broadcast %mul3A_1044 : i32 to vector<16xi32>
      %mul3A_1046 = arith.muli %iota3A, %mul3A_1045 : vector<16xi32>
      %add3A_1047 = vector.broadcast %add3A_1043 : i32 to vector<16xi32>
      %add3A_1048 = arith.addi %add3A_1047, %mul3A_1046 : vector<16xi32>
      %eq3A_1049 = arith.constant 257 : i32
      %eq3A_1050 = vector.broadcast %eq3A_1049 : i32 to vector<16xi32>
      %eq3A_1051 = arith.cmpi eq, %get3A_1038, %eq3A_1050 : vector<16xi32>
      %convert_element_type3A = arith.extui %eq3A_1051 : vector<16xi1> to vector<16xi32>
      %add3A_1052 = arith.addi %scan3A_1032, %convert_element_type3A : vector<16xi32>
      %jit3A_1053 = arith.constant 2147483647 : i32
      %broadcast_in_dim3A_1054 = vector.broadcast %jit3A_1053 : i32 to vector<16xi32>
      %select_n3A_1055 = arith.select %eq3A_1051, %add3A_1048, %broadcast_in_dim3A_1054 : vector<16xi1>, vector<16xi32>
      %max3A = arith.maxsi %scan3A_1030, %select_n3A_1055 : vector<16xi32>
      %min3A = arith.minsi %scan3A_1031, %max3A : vector<16xi32>
      %min3A_1056 = arith.minsi %scan3A_1030, %select_n3A_1055 : vector<16xi32>
      %eq3A_1057 = arith.constant 258 : i32
      %eq3A_1058 = vector.broadcast %eq3A_1057 : i32 to vector<16xi32>
      %eq3A_1059 = arith.cmpi eq, %get3A_1038, %eq3A_1058 : vector<16xi32>
      %convert_element_type3A_1060 = arith.extui %eq3A_1059 : vector<16xi1> to vector<16xi32>
      %add3A_1061 = arith.addi %scan3A_1035, %convert_element_type3A_1060 : vector<16xi32>
      %jit3A_1062 = arith.constant 2147483647 : i32
      %broadcast_in_dim3A_1063 = vector.broadcast %jit3A_1062 : i32 to vector<16xi32>
      %select_n3A_1064 = arith.select %eq3A_1059, %add3A_1048, %broadcast_in_dim3A_1063 : vector<16xi1>, vector<16xi32>
      %max3A_1065 = arith.maxsi %scan3A_1033, %select_n3A_1064 : vector<16xi32>
      %min3A_1066 = arith.minsi %scan3A_1034, %max3A_1065 : vector<16xi32>
      %min3A_1067 = arith.minsi %scan3A_1033, %select_n3A_1064 : vector<16xi32>
      scf.yield %min3A_1056, %min3A, %add3A_1052, %min3A_1067, %min3A_1066, %add3A_1061 : vector<16xi32>, vector<16xi32>, vector<16xi32>, vector<16xi32>, vector<16xi32>, vector<16xi32>
    }
    %scan3A_561 = arith.constant 32 : i32
    %reduce_min3A_562 = arith.constant true
    %reduce_min3A_563 = vector.broadcast %reduce_min3A_562 : i1 to vector<16xi1>
    %reduce_min3A_564 = arith.constant -2147483648 : i32
    %reduce_min3A_565 = vector.broadcast %reduce_min3A_564 : i32 to vector<16xi32>
    %reduce_min3A_566 = arith.xori %scan3A_560#0, %reduce_min3A_565 : vector<16xi32>
    %reduce_min3A_567 = tpu.scan <min>, %reduce_min3A_566 masked %reduce_min3A_563 : vector<16xi32>, vector<16xi1> -> vector<16xi32>
    %reduce_min3A_568 = arith.xori %reduce_min3A_567, %reduce_min3A_565 : vector<16xi32>
    %reduce_min3A_569 = vector.extract %reduce_min3A_568[15] : i32 from vector<16xi32>
    %eq3A_570 = vector.broadcast %reduce_min3A_569 : i32 to vector<16xi32>
    %eq3A_571 = arith.cmpi eq, %scan3A_560#0, %eq3A_570 : vector<16xi32>
    %select_n3A_572 = arith.select %eq3A_571, %scan3A_560#1, %scan3A_560#0 : vector<16xi1>, vector<16xi32>
    %reduce_min3A_573 = arith.constant true
    %reduce_min3A_574 = vector.broadcast %reduce_min3A_573 : i1 to vector<16xi1>
    %reduce_min3A_575 = arith.constant -2147483648 : i32
    %reduce_min3A_576 = vector.broadcast %reduce_min3A_575 : i32 to vector<16xi32>
    %reduce_min3A_577 = arith.xori %select_n3A_572, %reduce_min3A_576 : vector<16xi32>
    %reduce_min3A_578 = tpu.scan <min>, %reduce_min3A_577 masked %reduce_min3A_574 : vector<16xi32>, vector<16xi1> -> vector<16xi32>
    %reduce_min3A_579 = arith.xori %reduce_min3A_578, %reduce_min3A_576 : vector<16xi32>
    %reduce_min3A_580 = vector.extract %reduce_min3A_579[15] : i32 from vector<16xi32>
    %reduce_sum3A_581 = arith.constant true
    %reduce_sum3A_582 = vector.broadcast %reduce_sum3A_581 : i1 to vector<16xi1>
    %reduce_sum3A_583 = tpu.scan <sum>, %scan3A_560#2 masked %reduce_sum3A_582 : vector<16xi32>, vector<16xi1> -> vector<16xi32>
    %reduce_sum3A_584 = vector.extract %reduce_sum3A_583[15] : i32 from vector<16xi32>
    %eq3A_585 = arith.constant 12 : i32
    %eq3A_586 = vector.broadcast %eq3A_585 : i32 to vector<16xi32>
    %eq3A_587 = arith.cmpi eq, %iota3A, %eq3A_586 : vector<16xi32>
    %broadcast_in_dim3A_588 = vector.broadcast %reduce_sum3A_584 : i32 to vector<16xi32>
    %select_n3A_589 = arith.select %eq3A_587, %broadcast_in_dim3A_588, %select_n3A_541 : vector<16xi1>, vector<16xi32>
    %eq3A_590 = arith.constant 2147483647 : i32
    %eq3A_591 = arith.cmpi eq, %reduce_min3A_569, %eq3A_590 : i32
    %add3A_592 = arith.addi %reduce_min3A_569, %mul3A_20 : i32
    %jit3A_593 = arith.constant 2147483647 : i32
    %select_n3A_594 = arith.select %eq3A_591, %jit3A_593, %add3A_592 : i32
    %broadcast_in_dim3A_595 = vector.broadcast %select_n3A_594 : i32 to vector<16xi32>
    %select_n3A_596 = arith.select %eq3A_587, %broadcast_in_dim3A_595, %select_n3A_548 : vector<16xi1>, vector<16xi32>
    %eq3A_597 = arith.constant 2147483647 : i32
    %eq3A_598 = arith.cmpi eq, %reduce_min3A_580, %eq3A_597 : i32
    %add3A_599 = arith.addi %reduce_min3A_580, %mul3A_20 : i32
    %jit3A_600 = arith.constant 2147483647 : i32
    %select_n3A_601 = arith.select %eq3A_598, %jit3A_600, %add3A_599 : i32
    %broadcast_in_dim3A_602 = vector.broadcast %select_n3A_601 : i32 to vector<16xi32>
    %select_n3A_603 = arith.select %eq3A_587, %broadcast_in_dim3A_602, %select_n3A_555 : vector<16xi1>, vector<16xi32>
    %reduce_min3A_604 = arith.constant true
    %reduce_min3A_605 = vector.broadcast %reduce_min3A_604 : i1 to vector<16xi1>
    %reduce_min3A_606 = arith.constant -2147483648 : i32
    %reduce_min3A_607 = vector.broadcast %reduce_min3A_606 : i32 to vector<16xi32>
    %reduce_min3A_608 = arith.xori %scan3A_560#3, %reduce_min3A_607 : vector<16xi32>
    %reduce_min3A_609 = tpu.scan <min>, %reduce_min3A_608 masked %reduce_min3A_605 : vector<16xi32>, vector<16xi1> -> vector<16xi32>
    %reduce_min3A_610 = arith.xori %reduce_min3A_609, %reduce_min3A_607 : vector<16xi32>
    %reduce_min3A_611 = vector.extract %reduce_min3A_610[15] : i32 from vector<16xi32>
    %eq3A_612 = vector.broadcast %reduce_min3A_611 : i32 to vector<16xi32>
    %eq3A_613 = arith.cmpi eq, %scan3A_560#3, %eq3A_612 : vector<16xi32>
    %select_n3A_614 = arith.select %eq3A_613, %scan3A_560#4, %scan3A_560#3 : vector<16xi1>, vector<16xi32>
    %reduce_min3A_615 = arith.constant true
    %reduce_min3A_616 = vector.broadcast %reduce_min3A_615 : i1 to vector<16xi1>
    %reduce_min3A_617 = arith.constant -2147483648 : i32
    %reduce_min3A_618 = vector.broadcast %reduce_min3A_617 : i32 to vector<16xi32>
    %reduce_min3A_619 = arith.xori %select_n3A_614, %reduce_min3A_618 : vector<16xi32>
    %reduce_min3A_620 = tpu.scan <min>, %reduce_min3A_619 masked %reduce_min3A_616 : vector<16xi32>, vector<16xi1> -> vector<16xi32>
    %reduce_min3A_621 = arith.xori %reduce_min3A_620, %reduce_min3A_618 : vector<16xi32>
    %reduce_min3A_622 = vector.extract %reduce_min3A_621[15] : i32 from vector<16xi32>
    %reduce_sum3A_623 = arith.constant true
    %reduce_sum3A_624 = vector.broadcast %reduce_sum3A_623 : i1 to vector<16xi1>
    %reduce_sum3A_625 = tpu.scan <sum>, %scan3A_560#5 masked %reduce_sum3A_624 : vector<16xi32>, vector<16xi1> -> vector<16xi32>
    %reduce_sum3A_626 = vector.extract %reduce_sum3A_625[15] : i32 from vector<16xi32>
    %eq3A_627 = arith.constant 13 : i32
    %eq3A_628 = vector.broadcast %eq3A_627 : i32 to vector<16xi32>
    %eq3A_629 = arith.cmpi eq, %iota3A, %eq3A_628 : vector<16xi32>
    %broadcast_in_dim3A_630 = vector.broadcast %reduce_sum3A_626 : i32 to vector<16xi32>
    %select_n3A_631 = arith.select %eq3A_629, %broadcast_in_dim3A_630, %select_n3A_589 : vector<16xi1>, vector<16xi32>
    %eq3A_632 = arith.constant 2147483647 : i32
    %eq3A_633 = arith.cmpi eq, %reduce_min3A_611, %eq3A_632 : i32
    %add3A_634 = arith.addi %reduce_min3A_611, %mul3A_20 : i32
    %jit3A_635 = arith.constant 2147483647 : i32
    %select_n3A_636 = arith.select %eq3A_633, %jit3A_635, %add3A_634 : i32
    %broadcast_in_dim3A_637 = vector.broadcast %select_n3A_636 : i32 to vector<16xi32>
    %select_n3A_638 = arith.select %eq3A_629, %broadcast_in_dim3A_637, %select_n3A_596 : vector<16xi1>, vector<16xi32>
    %eq3A_639 = arith.constant 2147483647 : i32
    %eq3A_640 = arith.cmpi eq, %reduce_min3A_622, %eq3A_639 : i32
    %add3A_641 = arith.addi %reduce_min3A_622, %mul3A_20 : i32
    %jit3A_642 = arith.constant 2147483647 : i32
    %select_n3A_643 = arith.select %eq3A_640, %jit3A_642, %add3A_641 : i32
    %broadcast_in_dim3A_644 = vector.broadcast %select_n3A_643 : i32 to vector<16xi32>
    %select_n3A_645 = arith.select %eq3A_629, %broadcast_in_dim3A_644, %select_n3A_603 : vector<16xi1>, vector<16xi32>
    %scan3A_646 = arith.constant 0 : i32
    %scan3A_647 = arith.constant 32 : i32
    %scan3A_648 = arith.addi %scan3A_646, %scan3A_647 : i32
    %scan3A_649 = arith.constant 1 : i32
    %scan3A_650:6 = scf.for %scan3A_1029 = %scan3A_646 to %scan3A_648 step %scan3A_649 iter_args(%scan3A_1030 = %broadcast_in_dim3A_16, %scan3A_1031 = %broadcast_in_dim3A_16, %scan3A_1032 = %broadcast_in_dim3A_18, %scan3A_1033 = %broadcast_in_dim3A_16, %scan3A_1034 = %broadcast_in_dim3A_16, %scan3A_1035 = %broadcast_in_dim3A_18) -> (vector<16xi32>, vector<16xi32>, vector<16xi32>, vector<16xi32>, vector<16xi32>, vector<16xi32>)  : i32 {
      %mul3A_1036 = arith.constant 16 : i32
      %mul3A_1037 = arith.muli %scan3A_1029, %mul3A_1036 : i32
      %get3A = arith.index_cast %mul3A_1037 : i32 to index
      %get3A_1038 = tpu.vector_load %arg5[%get3A] {strides = array<i32>} : memref<512xi32, #tpu.memory_space<vmem>>, vector<16xi32>,
      %shift_right_arithmetic3A = arith.constant 2 : i32
      %shift_right_arithmetic3A_1039 = arith.shrsi %scan3A_1029, %shift_right_arithmetic3A : i32
      %mul3A_1040 = arith.constant 64 : i32
      %mul3A_1041 = arith.muli %shift_right_arithmetic3A_1039, %mul3A_1040 : i32
      %and3A = arith.constant 3 : i32
      %and3A_1042 = arith.andi %scan3A_1029, %and3A : i32
      %add3A_1043 = arith.addi %mul3A_1041, %and3A_1042 : i32
      %mul3A_1044 = arith.constant 4 : i32
      %mul3A_1045 = vector.broadcast %mul3A_1044 : i32 to vector<16xi32>
      %mul3A_1046 = arith.muli %iota3A, %mul3A_1045 : vector<16xi32>
      %add3A_1047 = vector.broadcast %add3A_1043 : i32 to vector<16xi32>
      %add3A_1048 = arith.addi %add3A_1047, %mul3A_1046 : vector<16xi32>
      %eq3A_1049 = arith.constant 273 : i32
      %eq3A_1050 = vector.broadcast %eq3A_1049 : i32 to vector<16xi32>
      %eq3A_1051 = arith.cmpi eq, %get3A_1038, %eq3A_1050 : vector<16xi32>
      %convert_element_type3A = arith.extui %eq3A_1051 : vector<16xi1> to vector<16xi32>
      %add3A_1052 = arith.addi %scan3A_1032, %convert_element_type3A : vector<16xi32>
      %jit3A_1053 = arith.constant 2147483647 : i32
      %broadcast_in_dim3A_1054 = vector.broadcast %jit3A_1053 : i32 to vector<16xi32>
      %select_n3A_1055 = arith.select %eq3A_1051, %add3A_1048, %broadcast_in_dim3A_1054 : vector<16xi1>, vector<16xi32>
      %max3A = arith.maxsi %scan3A_1030, %select_n3A_1055 : vector<16xi32>
      %min3A = arith.minsi %scan3A_1031, %max3A : vector<16xi32>
      %min3A_1056 = arith.minsi %scan3A_1030, %select_n3A_1055 : vector<16xi32>
      %eq3A_1057 = arith.constant 274 : i32
      %eq3A_1058 = vector.broadcast %eq3A_1057 : i32 to vector<16xi32>
      %eq3A_1059 = arith.cmpi eq, %get3A_1038, %eq3A_1058 : vector<16xi32>
      %convert_element_type3A_1060 = arith.extui %eq3A_1059 : vector<16xi1> to vector<16xi32>
      %add3A_1061 = arith.addi %scan3A_1035, %convert_element_type3A_1060 : vector<16xi32>
      %jit3A_1062 = arith.constant 2147483647 : i32
      %broadcast_in_dim3A_1063 = vector.broadcast %jit3A_1062 : i32 to vector<16xi32>
      %select_n3A_1064 = arith.select %eq3A_1059, %add3A_1048, %broadcast_in_dim3A_1063 : vector<16xi1>, vector<16xi32>
      %max3A_1065 = arith.maxsi %scan3A_1033, %select_n3A_1064 : vector<16xi32>
      %min3A_1066 = arith.minsi %scan3A_1034, %max3A_1065 : vector<16xi32>
      %min3A_1067 = arith.minsi %scan3A_1033, %select_n3A_1064 : vector<16xi32>
      scf.yield %min3A_1056, %min3A, %add3A_1052, %min3A_1067, %min3A_1066, %add3A_1061 : vector<16xi32>, vector<16xi32>, vector<16xi32>, vector<16xi32>, vector<16xi32>, vector<16xi32>
    }
    %scan3A_651 = arith.constant 32 : i32
    %reduce_min3A_652 = arith.constant true
    %reduce_min3A_653 = vector.broadcast %reduce_min3A_652 : i1 to vector<16xi1>
    %reduce_min3A_654 = arith.constant -2147483648 : i32
    %reduce_min3A_655 = vector.broadcast %reduce_min3A_654 : i32 to vector<16xi32>
    %reduce_min3A_656 = arith.xori %scan3A_650#0, %reduce_min3A_655 : vector<16xi32>
    %reduce_min3A_657 = tpu.scan <min>, %reduce_min3A_656 masked %reduce_min3A_653 : vector<16xi32>, vector<16xi1> -> vector<16xi32>
    %reduce_min3A_658 = arith.xori %reduce_min3A_657, %reduce_min3A_655 : vector<16xi32>
    %reduce_min3A_659 = vector.extract %reduce_min3A_658[15] : i32 from vector<16xi32>
    %eq3A_660 = vector.broadcast %reduce_min3A_659 : i32 to vector<16xi32>
    %eq3A_661 = arith.cmpi eq, %scan3A_650#0, %eq3A_660 : vector<16xi32>
    %select_n3A_662 = arith.select %eq3A_661, %scan3A_650#1, %scan3A_650#0 : vector<16xi1>, vector<16xi32>
    %reduce_min3A_663 = arith.constant true
    %reduce_min3A_664 = vector.broadcast %reduce_min3A_663 : i1 to vector<16xi1>
    %reduce_min3A_665 = arith.constant -2147483648 : i32
    %reduce_min3A_666 = vector.broadcast %reduce_min3A_665 : i32 to vector<16xi32>
    %reduce_min3A_667 = arith.xori %select_n3A_662, %reduce_min3A_666 : vector<16xi32>
    %reduce_min3A_668 = tpu.scan <min>, %reduce_min3A_667 masked %reduce_min3A_664 : vector<16xi32>, vector<16xi1> -> vector<16xi32>
    %reduce_min3A_669 = arith.xori %reduce_min3A_668, %reduce_min3A_666 : vector<16xi32>
    %reduce_min3A_670 = vector.extract %reduce_min3A_669[15] : i32 from vector<16xi32>
    %reduce_sum3A_671 = arith.constant true
    %reduce_sum3A_672 = vector.broadcast %reduce_sum3A_671 : i1 to vector<16xi1>
    %reduce_sum3A_673 = tpu.scan <sum>, %scan3A_650#2 masked %reduce_sum3A_672 : vector<16xi32>, vector<16xi1> -> vector<16xi32>
    %reduce_sum3A_674 = vector.extract %reduce_sum3A_673[15] : i32 from vector<16xi32>
    %eq3A_675 = arith.constant 14 : i32
    %eq3A_676 = vector.broadcast %eq3A_675 : i32 to vector<16xi32>
    %eq3A_677 = arith.cmpi eq, %iota3A, %eq3A_676 : vector<16xi32>
    %broadcast_in_dim3A_678 = vector.broadcast %reduce_sum3A_674 : i32 to vector<16xi32>
    %select_n3A_679 = arith.select %eq3A_677, %broadcast_in_dim3A_678, %select_n3A_631 : vector<16xi1>, vector<16xi32>
    %eq3A_680 = arith.constant 2147483647 : i32
    %eq3A_681 = arith.cmpi eq, %reduce_min3A_659, %eq3A_680 : i32
    %add3A_682 = arith.addi %reduce_min3A_659, %mul3A_20 : i32
    %jit3A_683 = arith.constant 2147483647 : i32
    %select_n3A_684 = arith.select %eq3A_681, %jit3A_683, %add3A_682 : i32
    %broadcast_in_dim3A_685 = vector.broadcast %select_n3A_684 : i32 to vector<16xi32>
    %select_n3A_686 = arith.select %eq3A_677, %broadcast_in_dim3A_685, %select_n3A_638 : vector<16xi1>, vector<16xi32>
    %eq3A_687 = arith.constant 2147483647 : i32
    %eq3A_688 = arith.cmpi eq, %reduce_min3A_670, %eq3A_687 : i32
    %add3A_689 = arith.addi %reduce_min3A_670, %mul3A_20 : i32
    %jit3A_690 = arith.constant 2147483647 : i32
    %select_n3A_691 = arith.select %eq3A_688, %jit3A_690, %add3A_689 : i32
    %broadcast_in_dim3A_692 = vector.broadcast %select_n3A_691 : i32 to vector<16xi32>
    %select_n3A_693 = arith.select %eq3A_677, %broadcast_in_dim3A_692, %select_n3A_645 : vector<16xi1>, vector<16xi32>
    %reduce_min3A_694 = arith.constant true
    %reduce_min3A_695 = vector.broadcast %reduce_min3A_694 : i1 to vector<16xi1>
    %reduce_min3A_696 = arith.constant -2147483648 : i32
    %reduce_min3A_697 = vector.broadcast %reduce_min3A_696 : i32 to vector<16xi32>
    %reduce_min3A_698 = arith.xori %scan3A_650#3, %reduce_min3A_697 : vector<16xi32>
    %reduce_min3A_699 = tpu.scan <min>, %reduce_min3A_698 masked %reduce_min3A_695 : vector<16xi32>, vector<16xi1> -> vector<16xi32>
    %reduce_min3A_700 = arith.xori %reduce_min3A_699, %reduce_min3A_697 : vector<16xi32>
    %reduce_min3A_701 = vector.extract %reduce_min3A_700[15] : i32 from vector<16xi32>
    %eq3A_702 = vector.broadcast %reduce_min3A_701 : i32 to vector<16xi32>
    %eq3A_703 = arith.cmpi eq, %scan3A_650#3, %eq3A_702 : vector<16xi32>
    %select_n3A_704 = arith.select %eq3A_703, %scan3A_650#4, %scan3A_650#3 : vector<16xi1>, vector<16xi32>
    %reduce_min3A_705 = arith.constant true
    %reduce_min3A_706 = vector.broadcast %reduce_min3A_705 : i1 to vector<16xi1>
    %reduce_min3A_707 = arith.constant -2147483648 : i32
    %reduce_min3A_708 = vector.broadcast %reduce_min3A_707 : i32 to vector<16xi32>
    %reduce_min3A_709 = arith.xori %select_n3A_704, %reduce_min3A_708 : vector<16xi32>
    %reduce_min3A_710 = tpu.scan <min>, %reduce_min3A_709 masked %reduce_min3A_706 : vector<16xi32>, vector<16xi1> -> vector<16xi32>
    %reduce_min3A_711 = arith.xori %reduce_min3A_710, %reduce_min3A_708 : vector<16xi32>
    %reduce_min3A_712 = vector.extract %reduce_min3A_711[15] : i32 from vector<16xi32>
    %reduce_sum3A_713 = arith.constant true
    %reduce_sum3A_714 = vector.broadcast %reduce_sum3A_713 : i1 to vector<16xi1>
    %reduce_sum3A_715 = tpu.scan <sum>, %scan3A_650#5 masked %reduce_sum3A_714 : vector<16xi32>, vector<16xi1> -> vector<16xi32>
    %reduce_sum3A_716 = vector.extract %reduce_sum3A_715[15] : i32 from vector<16xi32>
    %eq3A_717 = arith.constant 15 : i32
    %eq3A_718 = vector.broadcast %eq3A_717 : i32 to vector<16xi32>
    %eq3A_719 = arith.cmpi eq, %iota3A, %eq3A_718 : vector<16xi32>
    %broadcast_in_dim3A_720 = vector.broadcast %reduce_sum3A_716 : i32 to vector<16xi32>
    %select_n3A_721 = arith.select %eq3A_719, %broadcast_in_dim3A_720, %select_n3A_679 : vector<16xi1>, vector<16xi32>
    %eq3A_722 = arith.constant 2147483647 : i32
    %eq3A_723 = arith.cmpi eq, %reduce_min3A_701, %eq3A_722 : i32
    %add3A_724 = arith.addi %reduce_min3A_701, %mul3A_20 : i32
    %jit3A_725 = arith.constant 2147483647 : i32
    %select_n3A_726 = arith.select %eq3A_723, %jit3A_725, %add3A_724 : i32
    %broadcast_in_dim3A_727 = vector.broadcast %select_n3A_726 : i32 to vector<16xi32>
    %select_n3A_728 = arith.select %eq3A_719, %broadcast_in_dim3A_727, %select_n3A_686 : vector<16xi1>, vector<16xi32>
    %eq3A_729 = arith.constant 2147483647 : i32
    %eq3A_730 = arith.cmpi eq, %reduce_min3A_712, %eq3A_729 : i32
    %add3A_731 = arith.addi %reduce_min3A_712, %mul3A_20 : i32
    %jit3A_732 = arith.constant 2147483647 : i32
    %select_n3A_733 = arith.select %eq3A_730, %jit3A_732, %add3A_731 : i32
    %broadcast_in_dim3A_734 = vector.broadcast %select_n3A_733 : i32 to vector<16xi32>
    %select_n3A_735 = arith.select %eq3A_719, %broadcast_in_dim3A_734, %select_n3A_693 : vector<16xi1>, vector<16xi32>
    %scan3A_736 = arith.constant 0 : i32
    %scan3A_737 = arith.constant 32 : i32
    %scan3A_738 = arith.addi %scan3A_736, %scan3A_737 : i32
    %scan3A_739 = arith.constant 1 : i32
    %scan3A_740:6 = scf.for %scan3A_1029 = %scan3A_736 to %scan3A_738 step %scan3A_739 iter_args(%scan3A_1030 = %broadcast_in_dim3A_16, %scan3A_1031 = %broadcast_in_dim3A_16, %scan3A_1032 = %broadcast_in_dim3A_18, %scan3A_1033 = %broadcast_in_dim3A_16, %scan3A_1034 = %broadcast_in_dim3A_16, %scan3A_1035 = %broadcast_in_dim3A_18) -> (vector<16xi32>, vector<16xi32>, vector<16xi32>, vector<16xi32>, vector<16xi32>, vector<16xi32>)  : i32 {
      %mul3A_1036 = arith.constant 16 : i32
      %mul3A_1037 = arith.muli %scan3A_1029, %mul3A_1036 : i32
      %get3A = arith.index_cast %mul3A_1037 : i32 to index
      %get3A_1038 = tpu.vector_load %arg5[%get3A] {strides = array<i32>} : memref<512xi32, #tpu.memory_space<vmem>>, vector<16xi32>,
      %shift_right_arithmetic3A = arith.constant 2 : i32
      %shift_right_arithmetic3A_1039 = arith.shrsi %scan3A_1029, %shift_right_arithmetic3A : i32
      %mul3A_1040 = arith.constant 64 : i32
      %mul3A_1041 = arith.muli %shift_right_arithmetic3A_1039, %mul3A_1040 : i32
      %and3A = arith.constant 3 : i32
      %and3A_1042 = arith.andi %scan3A_1029, %and3A : i32
      %add3A_1043 = arith.addi %mul3A_1041, %and3A_1042 : i32
      %mul3A_1044 = arith.constant 4 : i32
      %mul3A_1045 = vector.broadcast %mul3A_1044 : i32 to vector<16xi32>
      %mul3A_1046 = arith.muli %iota3A, %mul3A_1045 : vector<16xi32>
      %add3A_1047 = vector.broadcast %add3A_1043 : i32 to vector<16xi32>
      %add3A_1048 = arith.addi %add3A_1047, %mul3A_1046 : vector<16xi32>
      %eq3A_1049 = arith.constant 328 : i32
      %eq3A_1050 = vector.broadcast %eq3A_1049 : i32 to vector<16xi32>
      %eq3A_1051 = arith.cmpi eq, %get3A_1038, %eq3A_1050 : vector<16xi32>
      %convert_element_type3A = arith.extui %eq3A_1051 : vector<16xi1> to vector<16xi32>
      %add3A_1052 = arith.addi %scan3A_1032, %convert_element_type3A : vector<16xi32>
      %jit3A_1053 = arith.constant 2147483647 : i32
      %broadcast_in_dim3A_1054 = vector.broadcast %jit3A_1053 : i32 to vector<16xi32>
      %select_n3A_1055 = arith.select %eq3A_1051, %add3A_1048, %broadcast_in_dim3A_1054 : vector<16xi1>, vector<16xi32>
      %max3A = arith.maxsi %scan3A_1030, %select_n3A_1055 : vector<16xi32>
      %min3A = arith.minsi %scan3A_1031, %max3A : vector<16xi32>
      %min3A_1056 = arith.minsi %scan3A_1030, %select_n3A_1055 : vector<16xi32>
      %eq3A_1057 = arith.constant 330 : i32
      %eq3A_1058 = vector.broadcast %eq3A_1057 : i32 to vector<16xi32>
      %eq3A_1059 = arith.cmpi eq, %get3A_1038, %eq3A_1058 : vector<16xi32>
      %convert_element_type3A_1060 = arith.extui %eq3A_1059 : vector<16xi1> to vector<16xi32>
      %add3A_1061 = arith.addi %scan3A_1035, %convert_element_type3A_1060 : vector<16xi32>
      %jit3A_1062 = arith.constant 2147483647 : i32
      %broadcast_in_dim3A_1063 = vector.broadcast %jit3A_1062 : i32 to vector<16xi32>
      %select_n3A_1064 = arith.select %eq3A_1059, %add3A_1048, %broadcast_in_dim3A_1063 : vector<16xi1>, vector<16xi32>
      %max3A_1065 = arith.maxsi %scan3A_1033, %select_n3A_1064 : vector<16xi32>
      %min3A_1066 = arith.minsi %scan3A_1034, %max3A_1065 : vector<16xi32>
      %min3A_1067 = arith.minsi %scan3A_1033, %select_n3A_1064 : vector<16xi32>
      scf.yield %min3A_1056, %min3A, %add3A_1052, %min3A_1067, %min3A_1066, %add3A_1061 : vector<16xi32>, vector<16xi32>, vector<16xi32>, vector<16xi32>, vector<16xi32>, vector<16xi32>
    }
    %scan3A_741 = arith.constant 32 : i32
    %reduce_min3A_742 = arith.constant true
    %reduce_min3A_743 = vector.broadcast %reduce_min3A_742 : i1 to vector<16xi1>
    %reduce_min3A_744 = arith.constant -2147483648 : i32
    %reduce_min3A_745 = vector.broadcast %reduce_min3A_744 : i32 to vector<16xi32>
    %reduce_min3A_746 = arith.xori %scan3A_740#0, %reduce_min3A_745 : vector<16xi32>
    %reduce_min3A_747 = tpu.scan <min>, %reduce_min3A_746 masked %reduce_min3A_743 : vector<16xi32>, vector<16xi1> -> vector<16xi32>
    %reduce_min3A_748 = arith.xori %reduce_min3A_747, %reduce_min3A_745 : vector<16xi32>
    %reduce_min3A_749 = vector.extract %reduce_min3A_748[15] : i32 from vector<16xi32>
    %eq3A_750 = vector.broadcast %reduce_min3A_749 : i32 to vector<16xi32>
    %eq3A_751 = arith.cmpi eq, %scan3A_740#0, %eq3A_750 : vector<16xi32>
    %select_n3A_752 = arith.select %eq3A_751, %scan3A_740#1, %scan3A_740#0 : vector<16xi1>, vector<16xi32>
    %reduce_min3A_753 = arith.constant true
    %reduce_min3A_754 = vector.broadcast %reduce_min3A_753 : i1 to vector<16xi1>
    %reduce_min3A_755 = arith.constant -2147483648 : i32
    %reduce_min3A_756 = vector.broadcast %reduce_min3A_755 : i32 to vector<16xi32>
    %reduce_min3A_757 = arith.xori %select_n3A_752, %reduce_min3A_756 : vector<16xi32>
    %reduce_min3A_758 = tpu.scan <min>, %reduce_min3A_757 masked %reduce_min3A_754 : vector<16xi32>, vector<16xi1> -> vector<16xi32>
    %reduce_min3A_759 = arith.xori %reduce_min3A_758, %reduce_min3A_756 : vector<16xi32>
    %reduce_min3A_760 = vector.extract %reduce_min3A_759[15] : i32 from vector<16xi32>
    %reduce_sum3A_761 = arith.constant true
    %reduce_sum3A_762 = vector.broadcast %reduce_sum3A_761 : i1 to vector<16xi1>
    %reduce_sum3A_763 = tpu.scan <sum>, %scan3A_740#2 masked %reduce_sum3A_762 : vector<16xi32>, vector<16xi1> -> vector<16xi32>
    %reduce_sum3A_764 = vector.extract %reduce_sum3A_763[15] : i32 from vector<16xi32>
    %eq3A_765 = arith.constant 0 : i32
    %eq3A_766 = vector.broadcast %eq3A_765 : i32 to vector<16xi32>
    %eq3A_767 = arith.cmpi eq, %iota3A, %eq3A_766 : vector<16xi32>
    %broadcast_in_dim3A_768 = vector.broadcast %reduce_sum3A_764 : i32 to vector<16xi32>
    %select_n3A_769 = arith.select %eq3A_767, %broadcast_in_dim3A_768, %broadcast_in_dim3A_18 : vector<16xi1>, vector<16xi32>
    %eq3A_770 = arith.constant 2147483647 : i32
    %eq3A_771 = arith.cmpi eq, %reduce_min3A_749, %eq3A_770 : i32
    %add3A_772 = arith.addi %reduce_min3A_749, %mul3A_20 : i32
    %jit3A_773 = arith.constant 2147483647 : i32
    %select_n3A_774 = arith.select %eq3A_771, %jit3A_773, %add3A_772 : i32
    %broadcast_in_dim3A_775 = vector.broadcast %select_n3A_774 : i32 to vector<16xi32>
    %select_n3A_776 = arith.select %eq3A_767, %broadcast_in_dim3A_775, %broadcast_in_dim3A_16 : vector<16xi1>, vector<16xi32>
    %eq3A_777 = arith.constant 2147483647 : i32
    %eq3A_778 = arith.cmpi eq, %reduce_min3A_760, %eq3A_777 : i32
    %add3A_779 = arith.addi %reduce_min3A_760, %mul3A_20 : i32
    %jit3A_780 = arith.constant 2147483647 : i32
    %select_n3A_781 = arith.select %eq3A_778, %jit3A_780, %add3A_779 : i32
    %broadcast_in_dim3A_782 = vector.broadcast %select_n3A_781 : i32 to vector<16xi32>
    %select_n3A_783 = arith.select %eq3A_767, %broadcast_in_dim3A_782, %broadcast_in_dim3A_16 : vector<16xi1>, vector<16xi32>
    %reduce_min3A_784 = arith.constant true
    %reduce_min3A_785 = vector.broadcast %reduce_min3A_784 : i1 to vector<16xi1>
    %reduce_min3A_786 = arith.constant -2147483648 : i32
    %reduce_min3A_787 = vector.broadcast %reduce_min3A_786 : i32 to vector<16xi32>
    %reduce_min3A_788 = arith.xori %scan3A_740#3, %reduce_min3A_787 : vector<16xi32>
    %reduce_min3A_789 = tpu.scan <min>, %reduce_min3A_788 masked %reduce_min3A_785 : vector<16xi32>, vector<16xi1> -> vector<16xi32>
    %reduce_min3A_790 = arith.xori %reduce_min3A_789, %reduce_min3A_787 : vector<16xi32>
    %reduce_min3A_791 = vector.extract %reduce_min3A_790[15] : i32 from vector<16xi32>
    %eq3A_792 = vector.broadcast %reduce_min3A_791 : i32 to vector<16xi32>
    %eq3A_793 = arith.cmpi eq, %scan3A_740#3, %eq3A_792 : vector<16xi32>
    %select_n3A_794 = arith.select %eq3A_793, %scan3A_740#4, %scan3A_740#3 : vector<16xi1>, vector<16xi32>
    %reduce_min3A_795 = arith.constant true
    %reduce_min3A_796 = vector.broadcast %reduce_min3A_795 : i1 to vector<16xi1>
    %reduce_min3A_797 = arith.constant -2147483648 : i32
    %reduce_min3A_798 = vector.broadcast %reduce_min3A_797 : i32 to vector<16xi32>
    %reduce_min3A_799 = arith.xori %select_n3A_794, %reduce_min3A_798 : vector<16xi32>
    %reduce_min3A_800 = tpu.scan <min>, %reduce_min3A_799 masked %reduce_min3A_796 : vector<16xi32>, vector<16xi1> -> vector<16xi32>
    %reduce_min3A_801 = arith.xori %reduce_min3A_800, %reduce_min3A_798 : vector<16xi32>
    %reduce_min3A_802 = vector.extract %reduce_min3A_801[15] : i32 from vector<16xi32>
    %reduce_sum3A_803 = arith.constant true
    %reduce_sum3A_804 = vector.broadcast %reduce_sum3A_803 : i1 to vector<16xi1>
    %reduce_sum3A_805 = tpu.scan <sum>, %scan3A_740#5 masked %reduce_sum3A_804 : vector<16xi32>, vector<16xi1> -> vector<16xi32>
    %reduce_sum3A_806 = vector.extract %reduce_sum3A_805[15] : i32 from vector<16xi32>
    %eq3A_807 = arith.constant 1 : i32
    %eq3A_808 = vector.broadcast %eq3A_807 : i32 to vector<16xi32>
    %eq3A_809 = arith.cmpi eq, %iota3A, %eq3A_808 : vector<16xi32>
    %broadcast_in_dim3A_810 = vector.broadcast %reduce_sum3A_806 : i32 to vector<16xi32>
    %select_n3A_811 = arith.select %eq3A_809, %broadcast_in_dim3A_810, %select_n3A_769 : vector<16xi1>, vector<16xi32>
    %eq3A_812 = arith.constant 2147483647 : i32
    %eq3A_813 = arith.cmpi eq, %reduce_min3A_791, %eq3A_812 : i32
    %add3A_814 = arith.addi %reduce_min3A_791, %mul3A_20 : i32
    %jit3A_815 = arith.constant 2147483647 : i32
    %select_n3A_816 = arith.select %eq3A_813, %jit3A_815, %add3A_814 : i32
    %broadcast_in_dim3A_817 = vector.broadcast %select_n3A_816 : i32 to vector<16xi32>
    %select_n3A_818 = arith.select %eq3A_809, %broadcast_in_dim3A_817, %select_n3A_776 : vector<16xi1>, vector<16xi32>
    %eq3A_819 = arith.constant 2147483647 : i32
    %eq3A_820 = arith.cmpi eq, %reduce_min3A_802, %eq3A_819 : i32
    %add3A_821 = arith.addi %reduce_min3A_802, %mul3A_20 : i32
    %jit3A_822 = arith.constant 2147483647 : i32
    %select_n3A_823 = arith.select %eq3A_820, %jit3A_822, %add3A_821 : i32
    %broadcast_in_dim3A_824 = vector.broadcast %select_n3A_823 : i32 to vector<16xi32>
    %select_n3A_825 = arith.select %eq3A_809, %broadcast_in_dim3A_824, %select_n3A_783 : vector<16xi1>, vector<16xi32>
    %scan3A_826 = arith.constant 0 : i32
    %scan3A_827 = arith.constant 32 : i32
    %scan3A_828 = arith.addi %scan3A_826, %scan3A_827 : i32
    %scan3A_829 = arith.constant 1 : i32
    %scan3A_830:6 = scf.for %scan3A_1029 = %scan3A_826 to %scan3A_828 step %scan3A_829 iter_args(%scan3A_1030 = %broadcast_in_dim3A_16, %scan3A_1031 = %broadcast_in_dim3A_16, %scan3A_1032 = %broadcast_in_dim3A_18, %scan3A_1033 = %broadcast_in_dim3A_16, %scan3A_1034 = %broadcast_in_dim3A_16, %scan3A_1035 = %broadcast_in_dim3A_18) -> (vector<16xi32>, vector<16xi32>, vector<16xi32>, vector<16xi32>, vector<16xi32>, vector<16xi32>)  : i32 {
      %mul3A_1036 = arith.constant 16 : i32
      %mul3A_1037 = arith.muli %scan3A_1029, %mul3A_1036 : i32
      %get3A = arith.index_cast %mul3A_1037 : i32 to index
      %get3A_1038 = tpu.vector_load %arg5[%get3A] {strides = array<i32>} : memref<512xi32, #tpu.memory_space<vmem>>, vector<16xi32>,
      %shift_right_arithmetic3A = arith.constant 2 : i32
      %shift_right_arithmetic3A_1039 = arith.shrsi %scan3A_1029, %shift_right_arithmetic3A : i32
      %mul3A_1040 = arith.constant 64 : i32
      %mul3A_1041 = arith.muli %shift_right_arithmetic3A_1039, %mul3A_1040 : i32
      %and3A = arith.constant 3 : i32
      %and3A_1042 = arith.andi %scan3A_1029, %and3A : i32
      %add3A_1043 = arith.addi %mul3A_1041, %and3A_1042 : i32
      %mul3A_1044 = arith.constant 4 : i32
      %mul3A_1045 = vector.broadcast %mul3A_1044 : i32 to vector<16xi32>
      %mul3A_1046 = arith.muli %iota3A, %mul3A_1045 : vector<16xi32>
      %add3A_1047 = vector.broadcast %add3A_1043 : i32 to vector<16xi32>
      %add3A_1048 = arith.addi %add3A_1047, %mul3A_1046 : vector<16xi32>
      %eq3A_1049 = arith.constant 336 : i32
      %eq3A_1050 = vector.broadcast %eq3A_1049 : i32 to vector<16xi32>
      %eq3A_1051 = arith.cmpi eq, %get3A_1038, %eq3A_1050 : vector<16xi32>
      %convert_element_type3A = arith.extui %eq3A_1051 : vector<16xi1> to vector<16xi32>
      %add3A_1052 = arith.addi %scan3A_1032, %convert_element_type3A : vector<16xi32>
      %jit3A_1053 = arith.constant 2147483647 : i32
      %broadcast_in_dim3A_1054 = vector.broadcast %jit3A_1053 : i32 to vector<16xi32>
      %select_n3A_1055 = arith.select %eq3A_1051, %add3A_1048, %broadcast_in_dim3A_1054 : vector<16xi1>, vector<16xi32>
      %max3A = arith.maxsi %scan3A_1030, %select_n3A_1055 : vector<16xi32>
      %min3A = arith.minsi %scan3A_1031, %max3A : vector<16xi32>
      %min3A_1056 = arith.minsi %scan3A_1030, %select_n3A_1055 : vector<16xi32>
      %eq3A_1057 = arith.constant 338 : i32
      %eq3A_1058 = vector.broadcast %eq3A_1057 : i32 to vector<16xi32>
      %eq3A_1059 = arith.cmpi eq, %get3A_1038, %eq3A_1058 : vector<16xi32>
      %convert_element_type3A_1060 = arith.extui %eq3A_1059 : vector<16xi1> to vector<16xi32>
      %add3A_1061 = arith.addi %scan3A_1035, %convert_element_type3A_1060 : vector<16xi32>
      %jit3A_1062 = arith.constant 2147483647 : i32
      %broadcast_in_dim3A_1063 = vector.broadcast %jit3A_1062 : i32 to vector<16xi32>
      %select_n3A_1064 = arith.select %eq3A_1059, %add3A_1048, %broadcast_in_dim3A_1063 : vector<16xi1>, vector<16xi32>
      %max3A_1065 = arith.maxsi %scan3A_1033, %select_n3A_1064 : vector<16xi32>
      %min3A_1066 = arith.minsi %scan3A_1034, %max3A_1065 : vector<16xi32>
      %min3A_1067 = arith.minsi %scan3A_1033, %select_n3A_1064 : vector<16xi32>
      scf.yield %min3A_1056, %min3A, %add3A_1052, %min3A_1067, %min3A_1066, %add3A_1061 : vector<16xi32>, vector<16xi32>, vector<16xi32>, vector<16xi32>, vector<16xi32>, vector<16xi32>
    }
    %scan3A_831 = arith.constant 32 : i32
    %reduce_min3A_832 = arith.constant true
    %reduce_min3A_833 = vector.broadcast %reduce_min3A_832 : i1 to vector<16xi1>
    %reduce_min3A_834 = arith.constant -2147483648 : i32
    %reduce_min3A_835 = vector.broadcast %reduce_min3A_834 : i32 to vector<16xi32>
    %reduce_min3A_836 = arith.xori %scan3A_830#0, %reduce_min3A_835 : vector<16xi32>
    %reduce_min3A_837 = tpu.scan <min>, %reduce_min3A_836 masked %reduce_min3A_833 : vector<16xi32>, vector<16xi1> -> vector<16xi32>
    %reduce_min3A_838 = arith.xori %reduce_min3A_837, %reduce_min3A_835 : vector<16xi32>
    %reduce_min3A_839 = vector.extract %reduce_min3A_838[15] : i32 from vector<16xi32>
    %eq3A_840 = vector.broadcast %reduce_min3A_839 : i32 to vector<16xi32>
    %eq3A_841 = arith.cmpi eq, %scan3A_830#0, %eq3A_840 : vector<16xi32>
    %select_n3A_842 = arith.select %eq3A_841, %scan3A_830#1, %scan3A_830#0 : vector<16xi1>, vector<16xi32>
    %reduce_min3A_843 = arith.constant true
    %reduce_min3A_844 = vector.broadcast %reduce_min3A_843 : i1 to vector<16xi1>
    %reduce_min3A_845 = arith.constant -2147483648 : i32
    %reduce_min3A_846 = vector.broadcast %reduce_min3A_845 : i32 to vector<16xi32>
    %reduce_min3A_847 = arith.xori %select_n3A_842, %reduce_min3A_846 : vector<16xi32>
    %reduce_min3A_848 = tpu.scan <min>, %reduce_min3A_847 masked %reduce_min3A_844 : vector<16xi32>, vector<16xi1> -> vector<16xi32>
    %reduce_min3A_849 = arith.xori %reduce_min3A_848, %reduce_min3A_846 : vector<16xi32>
    %reduce_min3A_850 = vector.extract %reduce_min3A_849[15] : i32 from vector<16xi32>
    %reduce_sum3A_851 = arith.constant true
    %reduce_sum3A_852 = vector.broadcast %reduce_sum3A_851 : i1 to vector<16xi1>
    %reduce_sum3A_853 = tpu.scan <sum>, %scan3A_830#2 masked %reduce_sum3A_852 : vector<16xi32>, vector<16xi1> -> vector<16xi32>
    %reduce_sum3A_854 = vector.extract %reduce_sum3A_853[15] : i32 from vector<16xi32>
    %eq3A_855 = arith.constant 2 : i32
    %eq3A_856 = vector.broadcast %eq3A_855 : i32 to vector<16xi32>
    %eq3A_857 = arith.cmpi eq, %iota3A, %eq3A_856 : vector<16xi32>
    %broadcast_in_dim3A_858 = vector.broadcast %reduce_sum3A_854 : i32 to vector<16xi32>
    %select_n3A_859 = arith.select %eq3A_857, %broadcast_in_dim3A_858, %select_n3A_811 : vector<16xi1>, vector<16xi32>
    %eq3A_860 = arith.constant 2147483647 : i32
    %eq3A_861 = arith.cmpi eq, %reduce_min3A_839, %eq3A_860 : i32
    %add3A_862 = arith.addi %reduce_min3A_839, %mul3A_20 : i32
    %jit3A_863 = arith.constant 2147483647 : i32
    %select_n3A_864 = arith.select %eq3A_861, %jit3A_863, %add3A_862 : i32
    %broadcast_in_dim3A_865 = vector.broadcast %select_n3A_864 : i32 to vector<16xi32>
    %select_n3A_866 = arith.select %eq3A_857, %broadcast_in_dim3A_865, %select_n3A_818 : vector<16xi1>, vector<16xi32>
    %eq3A_867 = arith.constant 2147483647 : i32
    %eq3A_868 = arith.cmpi eq, %reduce_min3A_850, %eq3A_867 : i32
    %add3A_869 = arith.addi %reduce_min3A_850, %mul3A_20 : i32
    %jit3A_870 = arith.constant 2147483647 : i32
    %select_n3A_871 = arith.select %eq3A_868, %jit3A_870, %add3A_869 : i32
    %broadcast_in_dim3A_872 = vector.broadcast %select_n3A_871 : i32 to vector<16xi32>
    %select_n3A_873 = arith.select %eq3A_857, %broadcast_in_dim3A_872, %select_n3A_825 : vector<16xi1>, vector<16xi32>
    %reduce_min3A_874 = arith.constant true
    %reduce_min3A_875 = vector.broadcast %reduce_min3A_874 : i1 to vector<16xi1>
    %reduce_min3A_876 = arith.constant -2147483648 : i32
    %reduce_min3A_877 = vector.broadcast %reduce_min3A_876 : i32 to vector<16xi32>
    %reduce_min3A_878 = arith.xori %scan3A_830#3, %reduce_min3A_877 : vector<16xi32>
    %reduce_min3A_879 = tpu.scan <min>, %reduce_min3A_878 masked %reduce_min3A_875 : vector<16xi32>, vector<16xi1> -> vector<16xi32>
    %reduce_min3A_880 = arith.xori %reduce_min3A_879, %reduce_min3A_877 : vector<16xi32>
    %reduce_min3A_881 = vector.extract %reduce_min3A_880[15] : i32 from vector<16xi32>
    %eq3A_882 = vector.broadcast %reduce_min3A_881 : i32 to vector<16xi32>
    %eq3A_883 = arith.cmpi eq, %scan3A_830#3, %eq3A_882 : vector<16xi32>
    %select_n3A_884 = arith.select %eq3A_883, %scan3A_830#4, %scan3A_830#3 : vector<16xi1>, vector<16xi32>
    %reduce_min3A_885 = arith.constant true
    %reduce_min3A_886 = vector.broadcast %reduce_min3A_885 : i1 to vector<16xi1>
    %reduce_min3A_887 = arith.constant -2147483648 : i32
    %reduce_min3A_888 = vector.broadcast %reduce_min3A_887 : i32 to vector<16xi32>
    %reduce_min3A_889 = arith.xori %select_n3A_884, %reduce_min3A_888 : vector<16xi32>
    %reduce_min3A_890 = tpu.scan <min>, %reduce_min3A_889 masked %reduce_min3A_886 : vector<16xi32>, vector<16xi1> -> vector<16xi32>
    %reduce_min3A_891 = arith.xori %reduce_min3A_890, %reduce_min3A_888 : vector<16xi32>
    %reduce_min3A_892 = vector.extract %reduce_min3A_891[15] : i32 from vector<16xi32>
    %reduce_sum3A_893 = arith.constant true
    %reduce_sum3A_894 = vector.broadcast %reduce_sum3A_893 : i1 to vector<16xi1>
    %reduce_sum3A_895 = tpu.scan <sum>, %scan3A_830#5 masked %reduce_sum3A_894 : vector<16xi32>, vector<16xi1> -> vector<16xi32>
    %reduce_sum3A_896 = vector.extract %reduce_sum3A_895[15] : i32 from vector<16xi32>
    %eq3A_897 = arith.constant 3 : i32
    %eq3A_898 = vector.broadcast %eq3A_897 : i32 to vector<16xi32>
    %eq3A_899 = arith.cmpi eq, %iota3A, %eq3A_898 : vector<16xi32>
    %broadcast_in_dim3A_900 = vector.broadcast %reduce_sum3A_896 : i32 to vector<16xi32>
    %select_n3A_901 = arith.select %eq3A_899, %broadcast_in_dim3A_900, %select_n3A_859 : vector<16xi1>, vector<16xi32>
    %eq3A_902 = arith.constant 2147483647 : i32
    %eq3A_903 = arith.cmpi eq, %reduce_min3A_881, %eq3A_902 : i32
    %add3A_904 = arith.addi %reduce_min3A_881, %mul3A_20 : i32
    %jit3A_905 = arith.constant 2147483647 : i32
    %select_n3A_906 = arith.select %eq3A_903, %jit3A_905, %add3A_904 : i32
    %broadcast_in_dim3A_907 = vector.broadcast %select_n3A_906 : i32 to vector<16xi32>
    %select_n3A_908 = arith.select %eq3A_899, %broadcast_in_dim3A_907, %select_n3A_866 : vector<16xi1>, vector<16xi32>
    %eq3A_909 = arith.constant 2147483647 : i32
    %eq3A_910 = arith.cmpi eq, %reduce_min3A_892, %eq3A_909 : i32
    %add3A_911 = arith.addi %reduce_min3A_892, %mul3A_20 : i32
    %jit3A_912 = arith.constant 2147483647 : i32
    %select_n3A_913 = arith.select %eq3A_910, %jit3A_912, %add3A_911 : i32
    %broadcast_in_dim3A_914 = vector.broadcast %select_n3A_913 : i32 to vector<16xi32>
    %select_n3A_915 = arith.select %eq3A_899, %broadcast_in_dim3A_914, %select_n3A_873 : vector<16xi1>, vector<16xi32>
    %scan3A_916 = arith.constant 0 : i32
    %scan3A_917 = arith.constant 32 : i32
    %scan3A_918 = arith.addi %scan3A_916, %scan3A_917 : i32
    %scan3A_919 = arith.constant 1 : i32
    %scan3A_920:6 = scf.for %scan3A_1029 = %scan3A_916 to %scan3A_918 step %scan3A_919 iter_args(%scan3A_1030 = %broadcast_in_dim3A_16, %scan3A_1031 = %broadcast_in_dim3A_16, %scan3A_1032 = %broadcast_in_dim3A_18, %scan3A_1033 = %broadcast_in_dim3A_16, %scan3A_1034 = %broadcast_in_dim3A_16, %scan3A_1035 = %broadcast_in_dim3A_18) -> (vector<16xi32>, vector<16xi32>, vector<16xi32>, vector<16xi32>, vector<16xi32>, vector<16xi32>)  : i32 {
      %mul3A_1036 = arith.constant 16 : i32
      %mul3A_1037 = arith.muli %scan3A_1029, %mul3A_1036 : i32
      %get3A = arith.index_cast %mul3A_1037 : i32 to index
      %get3A_1038 = tpu.vector_load %arg5[%get3A] {strides = array<i32>} : memref<512xi32, #tpu.memory_space<vmem>>, vector<16xi32>,
      %shift_right_arithmetic3A = arith.constant 2 : i32
      %shift_right_arithmetic3A_1039 = arith.shrsi %scan3A_1029, %shift_right_arithmetic3A : i32
      %mul3A_1040 = arith.constant 64 : i32
      %mul3A_1041 = arith.muli %shift_right_arithmetic3A_1039, %mul3A_1040 : i32
      %and3A = arith.constant 3 : i32
      %and3A_1042 = arith.andi %scan3A_1029, %and3A : i32
      %add3A_1043 = arith.addi %mul3A_1041, %and3A_1042 : i32
      %mul3A_1044 = arith.constant 4 : i32
      %mul3A_1045 = vector.broadcast %mul3A_1044 : i32 to vector<16xi32>
      %mul3A_1046 = arith.muli %iota3A, %mul3A_1045 : vector<16xi32>
      %add3A_1047 = vector.broadcast %add3A_1043 : i32 to vector<16xi32>
      %add3A_1048 = arith.addi %add3A_1047, %mul3A_1046 : vector<16xi32>
      %eq3A_1049 = arith.constant 186 : i32
      %eq3A_1050 = vector.broadcast %eq3A_1049 : i32 to vector<16xi32>
      %eq3A_1051 = arith.cmpi eq, %get3A_1038, %eq3A_1050 : vector<16xi32>
      %convert_element_type3A = arith.extui %eq3A_1051 : vector<16xi1> to vector<16xi32>
      %add3A_1052 = arith.addi %scan3A_1032, %convert_element_type3A : vector<16xi32>
      %jit3A_1053 = arith.constant 2147483647 : i32
      %broadcast_in_dim3A_1054 = vector.broadcast %jit3A_1053 : i32 to vector<16xi32>
      %select_n3A_1055 = arith.select %eq3A_1051, %add3A_1048, %broadcast_in_dim3A_1054 : vector<16xi1>, vector<16xi32>
      %max3A = arith.maxsi %scan3A_1030, %select_n3A_1055 : vector<16xi32>
      %min3A = arith.minsi %scan3A_1031, %max3A : vector<16xi32>
      %min3A_1056 = arith.minsi %scan3A_1030, %select_n3A_1055 : vector<16xi32>
      %eq3A_1057 = arith.constant 466 : i32
      %eq3A_1058 = vector.broadcast %eq3A_1057 : i32 to vector<16xi32>
      %eq3A_1059 = arith.cmpi eq, %get3A_1038, %eq3A_1058 : vector<16xi32>
      %convert_element_type3A_1060 = arith.extui %eq3A_1059 : vector<16xi1> to vector<16xi32>
      %add3A_1061 = arith.addi %scan3A_1035, %convert_element_type3A_1060 : vector<16xi32>
      %jit3A_1062 = arith.constant 2147483647 : i32
      %broadcast_in_dim3A_1063 = vector.broadcast %jit3A_1062 : i32 to vector<16xi32>
      %select_n3A_1064 = arith.select %eq3A_1059, %add3A_1048, %broadcast_in_dim3A_1063 : vector<16xi1>, vector<16xi32>
      %max3A_1065 = arith.maxsi %scan3A_1033, %select_n3A_1064 : vector<16xi32>
      %min3A_1066 = arith.minsi %scan3A_1034, %max3A_1065 : vector<16xi32>
      %min3A_1067 = arith.minsi %scan3A_1033, %select_n3A_1064 : vector<16xi32>
      scf.yield %min3A_1056, %min3A, %add3A_1052, %min3A_1067, %min3A_1066, %add3A_1061 : vector<16xi32>, vector<16xi32>, vector<16xi32>, vector<16xi32>, vector<16xi32>, vector<16xi32>
    }
    %scan3A_921 = arith.constant 32 : i32
    %reduce_min3A_922 = arith.constant true
    %reduce_min3A_923 = vector.broadcast %reduce_min3A_922 : i1 to vector<16xi1>
    %reduce_min3A_924 = arith.constant -2147483648 : i32
    %reduce_min3A_925 = vector.broadcast %reduce_min3A_924 : i32 to vector<16xi32>
    %reduce_min3A_926 = arith.xori %scan3A_920#0, %reduce_min3A_925 : vector<16xi32>
    %reduce_min3A_927 = tpu.scan <min>, %reduce_min3A_926 masked %reduce_min3A_923 : vector<16xi32>, vector<16xi1> -> vector<16xi32>
    %reduce_min3A_928 = arith.xori %reduce_min3A_927, %reduce_min3A_925 : vector<16xi32>
    %reduce_min3A_929 = vector.extract %reduce_min3A_928[15] : i32 from vector<16xi32>
    %eq3A_930 = vector.broadcast %reduce_min3A_929 : i32 to vector<16xi32>
    %eq3A_931 = arith.cmpi eq, %scan3A_920#0, %eq3A_930 : vector<16xi32>
    %select_n3A_932 = arith.select %eq3A_931, %scan3A_920#1, %scan3A_920#0 : vector<16xi1>, vector<16xi32>
    %reduce_min3A_933 = arith.constant true
    %reduce_min3A_934 = vector.broadcast %reduce_min3A_933 : i1 to vector<16xi1>
    %reduce_min3A_935 = arith.constant -2147483648 : i32
    %reduce_min3A_936 = vector.broadcast %reduce_min3A_935 : i32 to vector<16xi32>
    %reduce_min3A_937 = arith.xori %select_n3A_932, %reduce_min3A_936 : vector<16xi32>
    %reduce_min3A_938 = tpu.scan <min>, %reduce_min3A_937 masked %reduce_min3A_934 : vector<16xi32>, vector<16xi1> -> vector<16xi32>
    %reduce_min3A_939 = arith.xori %reduce_min3A_938, %reduce_min3A_936 : vector<16xi32>
    %reduce_min3A_940 = vector.extract %reduce_min3A_939[15] : i32 from vector<16xi32>
    %reduce_sum3A_941 = arith.constant true
    %reduce_sum3A_942 = vector.broadcast %reduce_sum3A_941 : i1 to vector<16xi1>
    %reduce_sum3A_943 = tpu.scan <sum>, %scan3A_920#2 masked %reduce_sum3A_942 : vector<16xi32>, vector<16xi1> -> vector<16xi32>
    %reduce_sum3A_944 = vector.extract %reduce_sum3A_943[15] : i32 from vector<16xi32>
    %eq3A_945 = arith.constant 4 : i32
    %eq3A_946 = vector.broadcast %eq3A_945 : i32 to vector<16xi32>
    %eq3A_947 = arith.cmpi eq, %iota3A, %eq3A_946 : vector<16xi32>
    %broadcast_in_dim3A_948 = vector.broadcast %reduce_sum3A_944 : i32 to vector<16xi32>
    %select_n3A_949 = arith.select %eq3A_947, %broadcast_in_dim3A_948, %select_n3A_901 : vector<16xi1>, vector<16xi32>
    %eq3A_950 = arith.constant 2147483647 : i32
    %eq3A_951 = arith.cmpi eq, %reduce_min3A_929, %eq3A_950 : i32
    %add3A_952 = arith.addi %reduce_min3A_929, %mul3A_20 : i32
    %jit3A_953 = arith.constant 2147483647 : i32
    %select_n3A_954 = arith.select %eq3A_951, %jit3A_953, %add3A_952 : i32
    %broadcast_in_dim3A_955 = vector.broadcast %select_n3A_954 : i32 to vector<16xi32>
    %select_n3A_956 = arith.select %eq3A_947, %broadcast_in_dim3A_955, %select_n3A_908 : vector<16xi1>, vector<16xi32>
    %eq3A_957 = arith.constant 2147483647 : i32
    %eq3A_958 = arith.cmpi eq, %reduce_min3A_940, %eq3A_957 : i32
    %add3A_959 = arith.addi %reduce_min3A_940, %mul3A_20 : i32
    %jit3A_960 = arith.constant 2147483647 : i32
    %select_n3A_961 = arith.select %eq3A_958, %jit3A_960, %add3A_959 : i32
    %broadcast_in_dim3A_962 = vector.broadcast %select_n3A_961 : i32 to vector<16xi32>
    %select_n3A_963 = arith.select %eq3A_947, %broadcast_in_dim3A_962, %select_n3A_915 : vector<16xi1>, vector<16xi32>
    %reduce_min3A_964 = arith.constant true
    %reduce_min3A_965 = vector.broadcast %reduce_min3A_964 : i1 to vector<16xi1>
    %reduce_min3A_966 = arith.constant -2147483648 : i32
    %reduce_min3A_967 = vector.broadcast %reduce_min3A_966 : i32 to vector<16xi32>
    %reduce_min3A_968 = arith.xori %scan3A_920#3, %reduce_min3A_967 : vector<16xi32>
    %reduce_min3A_969 = tpu.scan <min>, %reduce_min3A_968 masked %reduce_min3A_965 : vector<16xi32>, vector<16xi1> -> vector<16xi32>
    %reduce_min3A_970 = arith.xori %reduce_min3A_969, %reduce_min3A_967 : vector<16xi32>
    %reduce_min3A_971 = vector.extract %reduce_min3A_970[15] : i32 from vector<16xi32>
    %eq3A_972 = vector.broadcast %reduce_min3A_971 : i32 to vector<16xi32>
    %eq3A_973 = arith.cmpi eq, %scan3A_920#3, %eq3A_972 : vector<16xi32>
    %select_n3A_974 = arith.select %eq3A_973, %scan3A_920#4, %scan3A_920#3 : vector<16xi1>, vector<16xi32>
    %reduce_min3A_975 = arith.constant true
    %reduce_min3A_976 = vector.broadcast %reduce_min3A_975 : i1 to vector<16xi1>
    %reduce_min3A_977 = arith.constant -2147483648 : i32
    %reduce_min3A_978 = vector.broadcast %reduce_min3A_977 : i32 to vector<16xi32>
    %reduce_min3A_979 = arith.xori %select_n3A_974, %reduce_min3A_978 : vector<16xi32>
    %reduce_min3A_980 = tpu.scan <min>, %reduce_min3A_979 masked %reduce_min3A_976 : vector<16xi32>, vector<16xi1> -> vector<16xi32>
    %reduce_min3A_981 = arith.xori %reduce_min3A_980, %reduce_min3A_978 : vector<16xi32>
    %reduce_min3A_982 = vector.extract %reduce_min3A_981[15] : i32 from vector<16xi32>
    %reduce_sum3A_983 = arith.constant true
    %reduce_sum3A_984 = vector.broadcast %reduce_sum3A_983 : i1 to vector<16xi1>
    %reduce_sum3A_985 = tpu.scan <sum>, %scan3A_920#5 masked %reduce_sum3A_984 : vector<16xi32>, vector<16xi1> -> vector<16xi32>
    %reduce_sum3A_986 = vector.extract %reduce_sum3A_985[15] : i32 from vector<16xi32>
    %eq3A_987 = arith.constant 5 : i32
    %eq3A_988 = vector.broadcast %eq3A_987 : i32 to vector<16xi32>
    %eq3A_989 = arith.cmpi eq, %iota3A, %eq3A_988 : vector<16xi32>
    %broadcast_in_dim3A_990 = vector.broadcast %reduce_sum3A_986 : i32 to vector<16xi32>
    %select_n3A_991 = arith.select %eq3A_989, %broadcast_in_dim3A_990, %select_n3A_949 : vector<16xi1>, vector<16xi32>
    %eq3A_992 = arith.constant 2147483647 : i32
    %eq3A_993 = arith.cmpi eq, %reduce_min3A_971, %eq3A_992 : i32
    %add3A_994 = arith.addi %reduce_min3A_971, %mul3A_20 : i32
    %jit3A_995 = arith.constant 2147483647 : i32
    %select_n3A_996 = arith.select %eq3A_993, %jit3A_995, %add3A_994 : i32
    %broadcast_in_dim3A_997 = vector.broadcast %select_n3A_996 : i32 to vector<16xi32>
    %select_n3A_998 = arith.select %eq3A_989, %broadcast_in_dim3A_997, %select_n3A_956 : vector<16xi1>, vector<16xi32>
    %eq3A_999 = arith.constant 2147483647 : i32
    %eq3A_1000 = arith.cmpi eq, %reduce_min3A_982, %eq3A_999 : i32
    %add3A_1001 = arith.addi %reduce_min3A_982, %mul3A_20 : i32
    %jit3A_1002 = arith.constant 2147483647 : i32
    %select_n3A_1003 = arith.select %eq3A_1000, %jit3A_1002, %add3A_1001 : i32
    %broadcast_in_dim3A_1004 = vector.broadcast %select_n3A_1003 : i32 to vector<16xi32>
    %select_n3A_1005 = arith.select %eq3A_989, %broadcast_in_dim3A_1004, %select_n3A_963 : vector<16xi1>, vector<16xi32>
    %swap3A = arith.constant 0 : i32
    %swap3A_1006 = arith.index_cast %swap3A : i32 to index
    %swap3A_1007 = arith.constant 0 : index
    %swap3A_1008 = tpu.vector_load %arg6[%swap3A_1006, %swap3A_1007] {strides = array<i32>} : memref<6x16xi32, #tpu.memory_space<vmem>>, vector<16xi32>,
    tpu.vector_store %arg6[%swap3A_1006, %swap3A_1007], %select_n3A_721 {strides = array<i32>} : memref<6x16xi32, #tpu.memory_space<vmem>>, vector<16xi32>,
    %swap3A_1009 = arith.constant 1 : i32
    %swap3A_1010 = arith.index_cast %swap3A_1009 : i32 to index
    %swap3A_1011 = arith.constant 0 : index
    %swap3A_1012 = tpu.vector_load %arg6[%swap3A_1010, %swap3A_1011] {strides = array<i32>} : memref<6x16xi32, #tpu.memory_space<vmem>>, vector<16xi32>,
    tpu.vector_store %arg6[%swap3A_1010, %swap3A_1011], %select_n3A_991 {strides = array<i32>} : memref<6x16xi32, #tpu.memory_space<vmem>>, vector<16xi32>,
    %swap3A_1013 = arith.constant 2 : i32
    %swap3A_1014 = arith.index_cast %swap3A_1013 : i32 to index
    %swap3A_1015 = arith.constant 0 : index
    %swap3A_1016 = tpu.vector_load %arg6[%swap3A_1014, %swap3A_1015] {strides = array<i32>} : memref<6x16xi32, #tpu.memory_space<vmem>>, vector<16xi32>,
    tpu.vector_store %arg6[%swap3A_1014, %swap3A_1015], %select_n3A_728 {strides = array<i32>} : memref<6x16xi32, #tpu.memory_space<vmem>>, vector<16xi32>,
    %swap3A_1017 = arith.constant 3 : i32
    %swap3A_1018 = arith.index_cast %swap3A_1017 : i32 to index
    %swap3A_1019 = arith.constant 0 : index
    %swap3A_1020 = tpu.vector_load %arg6[%swap3A_1018, %swap3A_1019] {strides = array<i32>} : memref<6x16xi32, #tpu.memory_space<vmem>>, vector<16xi32>,
    tpu.vector_store %arg6[%swap3A_1018, %swap3A_1019], %select_n3A_998 {strides = array<i32>} : memref<6x16xi32, #tpu.memory_space<vmem>>, vector<16xi32>,
    %swap3A_1021 = arith.constant 4 : i32
    %swap3A_1022 = arith.index_cast %swap3A_1021 : i32 to index
    %swap3A_1023 = arith.constant 0 : index
    %swap3A_1024 = tpu.vector_load %arg6[%swap3A_1022, %swap3A_1023] {strides = array<i32>} : memref<6x16xi32, #tpu.memory_space<vmem>>, vector<16xi32>,
    tpu.vector_store %arg6[%swap3A_1022, %swap3A_1023], %select_n3A_735 {strides = array<i32>} : memref<6x16xi32, #tpu.memory_space<vmem>>, vector<16xi32>,
    %swap3A_1025 = arith.constant 5 : i32
    %swap3A_1026 = arith.index_cast %swap3A_1025 : i32 to index
    %swap3A_1027 = arith.constant 0 : index
    %swap3A_1028 = tpu.vector_load %arg6[%swap3A_1026, %swap3A_1027] {strides = array<i32>} : memref<6x16xi32, #tpu.memory_space<vmem>>, vector<16xi32>,
    tpu.vector_store %arg6[%swap3A_1026, %swap3A_1027], %select_n3A_1005 {strides = array<i32>} : memref<6x16xi32, #tpu.memory_space<vmem>>, vector<16xi32>,
    "tpu.region"() ({
      %run_scoped3A = tpu.sem_alloc : memref<!tpu.dma_semaphore, #tpu.memory_space<semaphore_mem>>
      %dma_start3A_1029 = arith.constant 0 : i32
      %dma_start3A_1030 = arith.constant 0 : i32
      %dma_start3A_1031 = tpu.memref_slice %arg3[%add3A, %dma_start3A_1029, %dma_start3A_1030] : memref<32x6x16xi32, #tpu.memory_space<hbm>> -> memref<1x6x16xi32, #tpu.memory_space<hbm>>
      %dma_start3A_1032 = tpu.memref_squeeze %dma_start3A_1031 : memref<1x6x16xi32, #tpu.memory_space<hbm>> -> memref<6x16xi32, #tpu.memory_space<hbm>>
      %dma_start3A_1033 = arith.constant 0 : i32
      %dma_start3A_1034 = arith.constant 0 : i32
      %dma_start3A_1035 = tpu.memref_slice %arg3[%add3A, %dma_start3A_1033, %dma_start3A_1034] : memref<32x6x16xi32, #tpu.memory_space<hbm>> -> memref<1x6x16xi32, #tpu.memory_space<hbm>>
      %dma_start3A_1036 = tpu.memref_squeeze %dma_start3A_1035 : memref<1x6x16xi32, #tpu.memory_space<hbm>> -> memref<6x16xi32, #tpu.memory_space<hbm>>
      tpu.enqueue_dma source(%arg6 : memref<6x16xi32, #tpu.memory_space<vmem>>) target(%dma_start3A_1036 : memref<6x16xi32, #tpu.memory_space<hbm>>) target_semaphore(%run_scoped3A : memref<!tpu.dma_semaphore, #tpu.memory_space<semaphore_mem>>)
      %dma_wait3A_1037 = arith.constant 0 : i32
      %dma_wait3A_1038 = arith.constant 0 : i32
      %dma_wait3A_1039 = tpu.memref_slice %arg3[%add3A, %dma_wait3A_1037, %dma_wait3A_1038] : memref<32x6x16xi32, #tpu.memory_space<hbm>> -> memref<1x6x16xi32, #tpu.memory_space<hbm>>
      %dma_wait3A_1040 = tpu.memref_squeeze %dma_wait3A_1039 : memref<1x6x16xi32, #tpu.memory_space<hbm>> -> memref<6x16xi32, #tpu.memory_space<hbm>>
      %dma_wait3A_1041 = arith.constant 0 : i32
      %dma_wait3A_1042 = arith.constant 0 : i32
      %dma_wait3A_1043 = tpu.memref_slice %arg3[%add3A, %dma_wait3A_1041, %dma_wait3A_1042] : memref<32x6x16xi32, #tpu.memory_space<hbm>> -> memref<1x6x16xi32, #tpu.memory_space<hbm>>
      %dma_wait3A_1044 = tpu.memref_squeeze %dma_wait3A_1043 : memref<1x6x16xi32, #tpu.memory_space<hbm>> -> memref<6x16xi32, #tpu.memory_space<hbm>>
      tpu.wait_dma2 semaphore(%run_scoped3A : memref<!tpu.dma_semaphore, #tpu.memory_space<semaphore_mem>>) src(%arg6 : memref<6x16xi32, #tpu.memory_space<vmem>>) dst(%dma_wait3A_1044 : memref<6x16xi32, #tpu.memory_space<hbm>>)
      tpu.yield
    }) : () -> ()
    return
  }
}

module attributes {stable_mosaic.version = 14 : i64} {
  func.func @_combine_body(%arg0: memref<32x96xi32, #tpu.memory_space<vmem>>, %arg1: memref<128x128xf32, #tpu.memory_space<vmem>>, %arg2: memref<128x128xf32, #tpu.memory_space<vmem>>, %arg3: memref<128x128xf32, #tpu.memory_space<vmem>>, %arg4: memref<128x128xf32, #tpu.memory_space<vmem>>, %arg5: memref<128x128xf32, #tpu.memory_space<vmem>>, %arg6: memref<128x128xf32, #tpu.memory_space<vmem>>, %arg7: memref<128x128xi32, #tpu.memory_space<vmem>>, %arg8: memref<128x128xi32, #tpu.memory_space<vmem>>, %arg9: memref<128x128xi32, #tpu.memory_space<vmem>>, %arg10: memref<128x128xi32, #tpu.memory_space<vmem>>, %arg11: memref<128x128xi32, #tpu.memory_space<vmem>>, %arg12: memref<128x128xi32, #tpu.memory_space<vmem>>, %arg13: memref<128x128xi32, #tpu.memory_space<vmem>>, %arg14: memref<1x1xf32, #tpu.memory_space<vmem>>) attributes {dimension_semantics = [], scalar_prefetch = 0 : i64, scratch_operands = 0 : i64, tpu.core_type = #tpu.core_type<tc>} {
    %get3A = arith.constant 0 : index
    %get3A_0 = arith.constant 0 : index
    %get3A_1 = vector.load %arg1[%get3A, %get3A_0] : memref<128x128xf32, #tpu.memory_space<vmem>>, vector<128x128xf32>
    %get3A_2 = arith.constant 0 : index
    %get3A_3 = arith.constant 0 : index
    %get3A_4 = vector.load %arg2[%get3A_2, %get3A_3] : memref<128x128xf32, #tpu.memory_space<vmem>>, vector<128x128xf32>
    %get3A_5 = arith.constant 0 : index
    %get3A_6 = arith.constant 0 : index
    %get3A_7 = vector.load %arg3[%get3A_5, %get3A_6] : memref<128x128xf32, #tpu.memory_space<vmem>>, vector<128x128xf32>
    %get3A_8 = arith.constant 0 : index
    %get3A_9 = arith.constant 0 : index
    %get3A_10 = vector.load %arg4[%get3A_8, %get3A_9] : memref<128x128xf32, #tpu.memory_space<vmem>>, vector<128x128xf32>
    %get3A_11 = arith.constant 0 : index
    %get3A_12 = arith.constant 0 : index
    %get3A_13 = vector.load %arg5[%get3A_11, %get3A_12] : memref<128x128xf32, #tpu.memory_space<vmem>>, vector<128x128xf32>
    %get3A_14 = arith.constant 0 : index
    %get3A_15 = arith.constant 0 : index
    %get3A_16 = vector.load %arg6[%get3A_14, %get3A_15] : memref<128x128xf32, #tpu.memory_space<vmem>>, vector<128x128xf32>
    %get3A_17 = arith.constant 0 : index
    %get3A_18 = arith.constant 0 : index
    %get3A_19 = vector.load %arg7[%get3A_17, %get3A_18] : memref<128x128xi32, #tpu.memory_space<vmem>>, vector<128x128xi32>
    %get3A_20 = arith.constant 0 : index
    %get3A_21 = arith.constant 0 : index
    %get3A_22 = vector.load %arg8[%get3A_20, %get3A_21] : memref<128x128xi32, #tpu.memory_space<vmem>>, vector<128x128xi32>
    %get3A_23 = arith.constant 0 : index
    %get3A_24 = arith.constant 0 : index
    %get3A_25 = vector.load %arg9[%get3A_23, %get3A_24] : memref<128x128xi32, #tpu.memory_space<vmem>>, vector<128x128xi32>
    %get3A_26 = arith.constant 0 : index
    %get3A_27 = arith.constant 0 : index
    %get3A_28 = vector.load %arg10[%get3A_26, %get3A_27] : memref<128x128xi32, #tpu.memory_space<vmem>>, vector<128x128xi32>
    %get3A_29 = arith.constant 0 : index
    %get3A_30 = arith.constant 0 : index
    %get3A_31 = vector.load %arg11[%get3A_29, %get3A_30] : memref<128x128xi32, #tpu.memory_space<vmem>>, vector<128x128xi32>
    %get3A_32 = arith.constant 0 : index
    %get3A_33 = arith.constant 0 : index
    %get3A_34 = vector.load %arg12[%get3A_32, %get3A_33] : memref<128x128xi32, #tpu.memory_space<vmem>>, vector<128x128xi32>
    %get3A_35 = arith.constant 0 : index
    %get3A_36 = arith.constant 0 : index
    %get3A_37 = vector.load %arg13[%get3A_35, %get3A_36] : memref<128x128xi32, #tpu.memory_space<vmem>>, vector<128x128xi32>
    %mul3A = arith.constant 4 : i32
    %mul3A_38 = vector.broadcast %mul3A : i32 to vector<128x128xi32>
    %mul3A_39 = arith.muli %mul3A_38, %get3A_37 : vector<128x128xi32>
    %mul3A_40 = arith.constant 3 : i32
    %mul3A_41 = vector.broadcast %mul3A_40 : i32 to vector<128x128xi32>
    %mul3A_42 = arith.muli %mul3A_41, %get3A_19 : vector<128x128xi32>
    %sub3A = arith.constant 3 : i32
    %sub3A_43 = vector.broadcast %sub3A : i32 to vector<128x128xi32>
    %sub3A_44 = arith.subi %sub3A_43, %mul3A_42 : vector<128x128xi32>
    %mul3A_45 = arith.constant 2 : i32
    %mul3A_46 = vector.broadcast %mul3A_45 : i32 to vector<128x128xi32>
    %mul3A_47 = arith.muli %mul3A_46, %get3A_22 : vector<128x128xi32>
    %sub3A_48 = arith.subi %sub3A_44, %mul3A_47 : vector<128x128xi32>
    %mul3A_49 = arith.constant 4 : i32
    %mul3A_50 = vector.broadcast %mul3A_49 : i32 to vector<128x128xi32>
    %mul3A_51 = arith.muli %mul3A_50, %get3A_19 : vector<128x128xi32>
    %mul3A_52 = arith.muli %mul3A_51, %get3A_22 : vector<128x128xi32>
    %add3A = arith.addi %sub3A_48, %mul3A_52 : vector<128x128xi32>
    %add3A_53 = arith.addi %add3A, %mul3A_39 : vector<128x128xi32>
    %mul3A_54 = arith.constant 3 : i32
    %mul3A_55 = vector.broadcast %mul3A_54 : i32 to vector<128x128xi32>
    %mul3A_56 = arith.muli %mul3A_55, %get3A_25 : vector<128x128xi32>
    %sub3A_57 = arith.constant 3 : i32
    %sub3A_58 = vector.broadcast %sub3A_57 : i32 to vector<128x128xi32>
    %sub3A_59 = arith.subi %sub3A_58, %mul3A_56 : vector<128x128xi32>
    %mul3A_60 = arith.constant 2 : i32
    %mul3A_61 = vector.broadcast %mul3A_60 : i32 to vector<128x128xi32>
    %mul3A_62 = arith.muli %mul3A_61, %get3A_28 : vector<128x128xi32>
    %sub3A_63 = arith.subi %sub3A_59, %mul3A_62 : vector<128x128xi32>
    %mul3A_64 = arith.constant 4 : i32
    %mul3A_65 = vector.broadcast %mul3A_64 : i32 to vector<128x128xi32>
    %mul3A_66 = arith.muli %mul3A_65, %get3A_25 : vector<128x128xi32>
    %mul3A_67 = arith.muli %mul3A_66, %get3A_28 : vector<128x128xi32>
    %add3A_68 = arith.addi %sub3A_63, %mul3A_67 : vector<128x128xi32>
    %add3A_69 = arith.addi %add3A_68, %mul3A_39 : vector<128x128xi32>
    %mul3A_70 = arith.constant 3 : i32
    %mul3A_71 = vector.broadcast %mul3A_70 : i32 to vector<128x128xi32>
    %mul3A_72 = arith.muli %mul3A_71, %get3A_31 : vector<128x128xi32>
    %sub3A_73 = arith.constant 3 : i32
    %sub3A_74 = vector.broadcast %sub3A_73 : i32 to vector<128x128xi32>
    %sub3A_75 = arith.subi %sub3A_74, %mul3A_72 : vector<128x128xi32>
    %mul3A_76 = arith.constant 2 : i32
    %mul3A_77 = vector.broadcast %mul3A_76 : i32 to vector<128x128xi32>
    %mul3A_78 = arith.muli %mul3A_77, %get3A_34 : vector<128x128xi32>
    %sub3A_79 = arith.subi %sub3A_75, %mul3A_78 : vector<128x128xi32>
    %mul3A_80 = arith.constant 4 : i32
    %mul3A_81 = vector.broadcast %mul3A_80 : i32 to vector<128x128xi32>
    %mul3A_82 = arith.muli %mul3A_81, %get3A_31 : vector<128x128xi32>
    %mul3A_83 = arith.muli %mul3A_82, %get3A_34 : vector<128x128xi32>
    %add3A_84 = arith.addi %sub3A_79, %mul3A_83 : vector<128x128xi32>
    %add3A_85 = arith.addi %add3A_84, %mul3A_39 : vector<128x128xi32>
    %mul3A_86 = arith.constant 64 : i32
    %mul3A_87 = vector.broadcast %mul3A_86 : i32 to vector<128x128xi32>
    %mul3A_88 = arith.muli %add3A_53, %mul3A_87 : vector<128x128xi32>
    %mul3A_89 = arith.constant 8 : i32
    %mul3A_90 = vector.broadcast %mul3A_89 : i32 to vector<128x128xi32>
    %mul3A_91 = arith.muli %add3A_69, %mul3A_90 : vector<128x128xi32>
    %add3A_92 = arith.addi %mul3A_88, %mul3A_91 : vector<128x128xi32>
    %add3A_93 = arith.addi %add3A_92, %add3A_85 : vector<128x128xi32>
    %iota3A = tpu.iota {dimensions = array<i32: 0>} : vector<128x128xi32>
    %mul3A_94 = arith.constant 128 : i32
    %mul3A_95 = vector.broadcast %mul3A_94 : i32 to vector<128x128xi32>
    %mul3A_96 = arith.muli %iota3A, %mul3A_95 : vector<128x128xi32>
    %iota3A_97 = tpu.iota {dimensions = array<i32: 1>} : vector<128x128xi32>
    %add3A_98 = arith.addi %mul3A_96, %iota3A_97 : vector<128x128xi32>
    %broadcast_in_dim3A = arith.constant 0.000000e+00 : f32
    %broadcast_in_dim3A_99 = vector.broadcast %broadcast_in_dim3A : f32 to vector<128x128xf32>
    %add3A_100 = arith.addf %get3A_1, %get3A_10 : vector<128x128xf32>
    %sub3A_101 = arith.subf %add3A_100, %get3A_16 : vector<128x128xf32>
    %eq3A = arith.constant 36 : i32
    %eq3A_102 = vector.broadcast %eq3A : i32 to vector<128x128xi32>
    %eq3A_103 = arith.cmpi eq, %add3A_93, %eq3A_102 : vector<128x128xi32>
    %jit3A = arith.constant 0.000000e+00 : f32
    %broadcast_in_dim3A_104 = vector.broadcast %jit3A : f32 to vector<128x128xf32>
    %select_n3A = arith.select %eq3A_103, %sub3A_101, %broadcast_in_dim3A_104 : vector<128x128xi1>, vector<128x128xf32>
    %add3A_105 = arith.addf %broadcast_in_dim3A_99, %select_n3A : vector<128x128xf32>
    %add3A_106 = arith.addf %get3A_1, %get3A_10 : vector<128x128xf32>
    %sub3A_107 = arith.subf %add3A_106, %get3A_16 : vector<128x128xf32>
    %eq3A_108 = arith.constant 52 : i32
    %eq3A_109 = vector.broadcast %eq3A_108 : i32 to vector<128x128xi32>
    %eq3A_110 = arith.cmpi eq, %add3A_93, %eq3A_109 : vector<128x128xi32>
    %jit3A_111 = arith.constant 0.000000e+00 : f32
    %broadcast_in_dim3A_112 = vector.broadcast %jit3A_111 : f32 to vector<128x128xf32>
    %select_n3A_113 = arith.select %eq3A_110, %sub3A_107, %broadcast_in_dim3A_112 : vector<128x128xi1>, vector<128x128xf32>
    %add3A_114 = arith.addf %add3A_105, %select_n3A_113 : vector<128x128xf32>
    %add3A_115 = arith.addf %get3A_1, %get3A_10 : vector<128x128xf32>
    %sub3A_116 = arith.subf %add3A_115, %get3A_16 : vector<128x128xf32>
    %eq3A_117 = arith.constant 109 : i32
    %eq3A_118 = vector.broadcast %eq3A_117 : i32 to vector<128x128xi32>
    %eq3A_119 = arith.cmpi eq, %add3A_93, %eq3A_118 : vector<128x128xi32>
    %jit3A_120 = arith.constant 0.000000e+00 : f32
    %broadcast_in_dim3A_121 = vector.broadcast %jit3A_120 : f32 to vector<128x128xf32>
    %select_n3A_122 = arith.select %eq3A_119, %sub3A_116, %broadcast_in_dim3A_121 : vector<128x128xi1>, vector<128x128xf32>
    %add3A_123 = arith.addf %add3A_114, %select_n3A_122 : vector<128x128xf32>
    %add3A_124 = arith.addf %get3A_1, %get3A_10 : vector<128x128xf32>
    %sub3A_125 = arith.subf %add3A_124, %get3A_16 : vector<128x128xf32>
    %eq3A_126 = arith.constant 117 : i32
    %eq3A_127 = vector.broadcast %eq3A_126 : i32 to vector<128x128xi32>
    %eq3A_128 = arith.cmpi eq, %add3A_93, %eq3A_127 : vector<128x128xi32>
    %jit3A_129 = arith.constant 0.000000e+00 : f32
    %broadcast_in_dim3A_130 = vector.broadcast %jit3A_129 : f32 to vector<128x128xf32>
    %select_n3A_131 = arith.select %eq3A_128, %sub3A_125, %broadcast_in_dim3A_130 : vector<128x128xi1>, vector<128x128xf32>
    %add3A_132 = arith.addf %add3A_123, %select_n3A_131 : vector<128x128xf32>
    %add3A_133 = arith.addf %get3A_1, %get3A_10 : vector<128x128xf32>
    %sub3A_134 = arith.subf %add3A_133, %get3A_16 : vector<128x128xf32>
    %eq3A_135 = arith.constant 164 : i32
    %eq3A_136 = vector.broadcast %eq3A_135 : i32 to vector<128x128xi32>
    %eq3A_137 = arith.cmpi eq, %add3A_93, %eq3A_136 : vector<128x128xi32>
    %jit3A_138 = arith.constant 0.000000e+00 : f32
    %broadcast_in_dim3A_139 = vector.broadcast %jit3A_138 : f32 to vector<128x128xf32>
    %select_n3A_140 = arith.select %eq3A_137, %sub3A_134, %broadcast_in_dim3A_139 : vector<128x128xi1>, vector<128x128xf32>
    %add3A_141 = arith.addf %add3A_132, %select_n3A_140 : vector<128x128xf32>
    %add3A_142 = arith.addf %get3A_1, %get3A_10 : vector<128x128xf32>
    %sub3A_143 = arith.subf %add3A_142, %get3A_16 : vector<128x128xf32>
    %eq3A_144 = arith.constant 173 : i32
    %eq3A_145 = vector.broadcast %eq3A_144 : i32 to vector<128x128xi32>
    %eq3A_146 = arith.cmpi eq, %add3A_93, %eq3A_145 : vector<128x128xi32>
    %jit3A_147 = arith.constant 0.000000e+00 : f32
    %broadcast_in_dim3A_148 = vector.broadcast %jit3A_147 : f32 to vector<128x128xf32>
    %select_n3A_149 = arith.select %eq3A_146, %sub3A_143, %broadcast_in_dim3A_148 : vector<128x128xi1>, vector<128x128xf32>
    %add3A_150 = arith.addf %add3A_141, %select_n3A_149 : vector<128x128xf32>
    %add3A_151 = arith.addf %get3A_1, %get3A_10 : vector<128x128xf32>
    %sub3A_152 = arith.subf %add3A_151, %get3A_16 : vector<128x128xf32>
    %eq3A_153 = arith.constant 182 : i32
    %eq3A_154 = vector.broadcast %eq3A_153 : i32 to vector<128x128xi32>
    %eq3A_155 = arith.cmpi eq, %add3A_93, %eq3A_154 : vector<128x128xi32>
    %jit3A_156 = arith.constant 0.000000e+00 : f32
    %broadcast_in_dim3A_157 = vector.broadcast %jit3A_156 : f32 to vector<128x128xf32>
    %select_n3A_158 = arith.select %eq3A_155, %sub3A_152, %broadcast_in_dim3A_157 : vector<128x128xi1>, vector<128x128xf32>
    %add3A_159 = arith.addf %add3A_150, %select_n3A_158 : vector<128x128xf32>
    %add3A_160 = arith.addf %get3A_1, %get3A_10 : vector<128x128xf32>
    %sub3A_161 = arith.subf %add3A_160, %get3A_16 : vector<128x128xf32>
    %eq3A_162 = arith.constant 191 : i32
    %eq3A_163 = vector.broadcast %eq3A_162 : i32 to vector<128x128xi32>
    %eq3A_164 = arith.cmpi eq, %add3A_93, %eq3A_163 : vector<128x128xi32>
    %jit3A_165 = arith.constant 0.000000e+00 : f32
    %broadcast_in_dim3A_166 = vector.broadcast %jit3A_165 : f32 to vector<128x128xf32>
    %select_n3A_167 = arith.select %eq3A_164, %sub3A_161, %broadcast_in_dim3A_166 : vector<128x128xi1>, vector<128x128xf32>
    %add3A_168 = arith.addf %add3A_159, %select_n3A_167 : vector<128x128xf32>
    %add3A_169 = arith.addf %get3A_4, %get3A_7 : vector<128x128xf32>
    %sub3A_170 = arith.subf %add3A_169, %get3A_16 : vector<128x128xf32>
    %eq3A_171 = arith.constant 260 : i32
    %eq3A_172 = vector.broadcast %eq3A_171 : i32 to vector<128x128xi32>
    %eq3A_173 = arith.cmpi eq, %add3A_93, %eq3A_172 : vector<128x128xi32>
    %jit3A_174 = arith.constant 0.000000e+00 : f32
    %broadcast_in_dim3A_175 = vector.broadcast %jit3A_174 : f32 to vector<128x128xf32>
    %select_n3A_176 = arith.select %eq3A_173, %sub3A_170, %broadcast_in_dim3A_175 : vector<128x128xi1>, vector<128x128xf32>
    %add3A_177 = arith.addf %add3A_168, %select_n3A_176 : vector<128x128xf32>
    %add3A_178 = arith.addf %get3A_4, %get3A_7 : vector<128x128xf32>
    %sub3A_179 = arith.subf %add3A_178, %get3A_16 : vector<128x128xf32>
    %eq3A_180 = arith.constant 276 : i32
    %eq3A_181 = vector.broadcast %eq3A_180 : i32 to vector<128x128xi32>
    %eq3A_182 = arith.cmpi eq, %add3A_93, %eq3A_181 : vector<128x128xi32>
    %jit3A_183 = arith.constant 0.000000e+00 : f32
    %broadcast_in_dim3A_184 = vector.broadcast %jit3A_183 : f32 to vector<128x128xf32>
    %select_n3A_185 = arith.select %eq3A_182, %sub3A_179, %broadcast_in_dim3A_184 : vector<128x128xi1>, vector<128x128xf32>
    %add3A_186 = arith.addf %add3A_177, %select_n3A_185 : vector<128x128xf32>
    %add3A_187 = arith.addf %get3A_4, %get3A_7 : vector<128x128xf32>
    %sub3A_188 = arith.subf %add3A_187, %get3A_16 : vector<128x128xf32>
    %eq3A_189 = arith.constant 333 : i32
    %eq3A_190 = vector.broadcast %eq3A_189 : i32 to vector<128x128xi32>
    %eq3A_191 = arith.cmpi eq, %add3A_93, %eq3A_190 : vector<128x128xi32>
    %jit3A_192 = arith.constant 0.000000e+00 : f32
    %broadcast_in_dim3A_193 = vector.broadcast %jit3A_192 : f32 to vector<128x128xf32>
    %select_n3A_194 = arith.select %eq3A_191, %sub3A_188, %broadcast_in_dim3A_193 : vector<128x128xi1>, vector<128x128xf32>
    %add3A_195 = arith.addf %add3A_186, %select_n3A_194 : vector<128x128xf32>
    %add3A_196 = arith.addf %get3A_4, %get3A_7 : vector<128x128xf32>
    %sub3A_197 = arith.subf %add3A_196, %get3A_16 : vector<128x128xf32>
    %eq3A_198 = arith.constant 341 : i32
    %eq3A_199 = vector.broadcast %eq3A_198 : i32 to vector<128x128xi32>
    %eq3A_200 = arith.cmpi eq, %add3A_93, %eq3A_199 : vector<128x128xi32>
    %jit3A_201 = arith.constant 0.000000e+00 : f32
    %broadcast_in_dim3A_202 = vector.broadcast %jit3A_201 : f32 to vector<128x128xf32>
    %select_n3A_203 = arith.select %eq3A_200, %sub3A_197, %broadcast_in_dim3A_202 : vector<128x128xi1>, vector<128x128xf32>
    %add3A_204 = arith.addf %add3A_195, %select_n3A_203 : vector<128x128xf32>
    %add3A_205 = arith.addf %get3A_4, %get3A_7 : vector<128x128xf32>
    %sub3A_206 = arith.subf %add3A_205, %get3A_16 : vector<128x128xf32>
    %eq3A_207 = arith.constant 406 : i32
    %eq3A_208 = vector.broadcast %eq3A_207 : i32 to vector<128x128xi32>
    %eq3A_209 = arith.cmpi eq, %add3A_93, %eq3A_208 : vector<128x128xi32>
    %jit3A_210 = arith.constant 0.000000e+00 : f32
    %broadcast_in_dim3A_211 = vector.broadcast %jit3A_210 : f32 to vector<128x128xf32>
    %select_n3A_212 = arith.select %eq3A_209, %sub3A_206, %broadcast_in_dim3A_211 : vector<128x128xi1>, vector<128x128xf32>
    %add3A_213 = arith.addf %add3A_204, %select_n3A_212 : vector<128x128xf32>
    %add3A_214 = arith.addf %get3A_4, %get3A_7 : vector<128x128xf32>
    %sub3A_215 = arith.subf %add3A_214, %get3A_16 : vector<128x128xf32>
    %eq3A_216 = arith.constant 471 : i32
    %eq3A_217 = vector.broadcast %eq3A_216 : i32 to vector<128x128xi32>
    %eq3A_218 = arith.cmpi eq, %add3A_93, %eq3A_217 : vector<128x128xi32>
    %jit3A_219 = arith.constant 0.000000e+00 : f32
    %broadcast_in_dim3A_220 = vector.broadcast %jit3A_219 : f32 to vector<128x128xf32>
    %select_n3A_221 = arith.select %eq3A_218, %sub3A_215, %broadcast_in_dim3A_220 : vector<128x128xi1>, vector<128x128xf32>
    %add3A_222 = arith.addf %add3A_213, %select_n3A_221 : vector<128x128xf32>
    %reduce_sum3A = vector.shape_cast %add3A_222 : vector<128x128xf32> to vector<1x128x128xf32>
    %reduce_sum3A_223 = arith.constant dense<0.000000e+00> : vector<1xf32>
    %reduce_sum3A_224 = vector.multi_reduction <add>, %reduce_sum3A, %reduce_sum3A_223 [1, 2] : vector<1x128x128xf32> to vector<1xf32>
    %reduce_sum3A_225 = vector.shape_cast %reduce_sum3A_224 : vector<1xf32> to vector<1x1x1xf32>
    %reduce_sum3A_226 = vector.extract %reduce_sum3A_225[0, 0, 0] : f32 from vector<1x1x1xf32>
    %neg3A = arith.constant 0.000000e+00 : f32
    %neg3A_227 = arith.subf %neg3A, %reduce_sum3A_226 : f32
    %get3A_228 = arith.constant 0 : index
    %get3A_229 = arith.constant 0 : index
    %get3A_230 = vector.load %arg0[%get3A_228, %get3A_229] : memref<32x96xi32, #tpu.memory_space<vmem>>, vector<32x96xi32>
    %slice3A = vector.extract_strided_slice %get3A_230 {offsets = [0, 0], sizes = [32, 32], strides = [1, 1]} : vector<32x96xi32> to vector<32x32xi32>
    %slice3A_231 = vector.extract_strided_slice %get3A_230 {offsets = [0, 32], sizes = [32, 32], strides = [1, 1]} : vector<32x96xi32> to vector<32x32xi32>
    %slice3A_232 = vector.extract_strided_slice %get3A_230 {offsets = [0, 64], sizes = [32, 32], strides = [1, 1]} : vector<32x96xi32> to vector<32x32xi32>
    %reduce_sum3A_233 = arith.constant dense<0> : vector<32xi32>
    %reduce_sum3A_234 = vector.multi_reduction <add>, %slice3A, %reduce_sum3A_233 [0] : vector<32x32xi32> to vector<32xi32>
    %broadcast_in_dim3A_235 = vector.shape_cast %reduce_sum3A_234 : vector<32xi32> to vector<1x32xi32>
    %reduce_min3A = arith.constant dense<2147483647> : vector<32xi32>
    %reduce_min3A_236 = vector.multi_reduction <minsi>, %slice3A_231, %reduce_min3A [0] : vector<32x32xi32> to vector<32xi32>
    %broadcast_in_dim3A_237 = vector.shape_cast %reduce_min3A_236 : vector<32xi32> to vector<1x32xi32>
    %eq3A_238 = vector.broadcast %broadcast_in_dim3A_237 : vector<1x32xi32> to vector<32x32xi32>
    %eq3A_239 = arith.cmpi eq, %slice3A_231, %eq3A_238 : vector<32x32xi32>
    %select_n3A_240 = arith.select %eq3A_239, %slice3A_232, %slice3A_231 : vector<32x32xi1>, vector<32x32xi32>
    %reduce_min3A_241 = arith.constant dense<2147483647> : vector<32xi32>
    %reduce_min3A_242 = vector.multi_reduction <minsi>, %select_n3A_240, %reduce_min3A_241 [0] : vector<32x32xi32> to vector<32xi32>
    %broadcast_in_dim3A_243 = vector.shape_cast %reduce_min3A_242 : vector<32xi32> to vector<1x32xi32>
    %ge3A = arith.constant 2 : i32
    %ge3A_244 = vector.broadcast %ge3A : i32 to vector<1x32xi32>
    %ge3A_245 = arith.cmpi sge, %broadcast_in_dim3A_235, %ge3A_244 : vector<1x32xi32>
    %select_n3A_246 = arith.select %ge3A_245, %broadcast_in_dim3A_243, %broadcast_in_dim3A_237 : vector<1x32xi1>, vector<1x32xi32>
    %add3A_247 = arith.addf %get3A_1, %get3A_4 : vector<128x128xf32>
    %add3A_248 = arith.addf %get3A_7, %get3A_10 : vector<128x128xf32>
    %exp3A = math.exp %get3A_13 : vector<128x128xf32>
    %sub3A_249 = arith.constant 1.000000e+00 : f32
    %sub3A_250 = vector.broadcast %sub3A_249 : f32 to vector<128x128xf32>
    %sub3A_251 = arith.subf %sub3A_250, %exp3A : vector<128x128xf32>
    %log3A = math.log %sub3A_251 : vector<128x128xf32>
    %exp3A_252 = math.exp %get3A_16 : vector<128x128xf32>
    %sub3A_253 = arith.constant 1.000000e+00 : f32
    %sub3A_254 = vector.broadcast %sub3A_253 : f32 to vector<128x128xf32>
    %sub3A_255 = arith.subf %sub3A_254, %exp3A_252 : vector<128x128xf32>
    %log3A_256 = math.log %sub3A_255 : vector<128x128xf32>
    %add3A_257 = arith.addf %log3A, %log3A_256 : vector<128x128xf32>
    %broadcast_in_dim3A_258 = arith.constant false
    %broadcast_in_dim3A_259 = vector.broadcast %broadcast_in_dim3A_258 : i1 to vector<128x128xi1>
    %slice3A_260 = vector.extract_strided_slice %broadcast_in_dim3A_235 {offsets = [0, 0], sizes = [1, 1], strides = [1, 1]} : vector<1x32xi32> to vector<1x1xi32>
    %squeeze3A = vector.extract %slice3A_260[0, 0] : i32 from vector<1x1xi32>
    %gt3A = arith.constant 0 : i32
    %gt3A_261 = arith.cmpi sgt, %squeeze3A, %gt3A : i32
    %slice3A_262 = vector.extract_strided_slice %broadcast_in_dim3A_237 {offsets = [0, 0], sizes = [1, 1], strides = [1, 1]} : vector<1x32xi32> to vector<1x1xi32>
    %squeeze3A_263 = vector.extract %slice3A_262[0, 0] : i32 from vector<1x1xi32>
    %min3A = arith.constant 16383 : i32
    %min3A_264 = arith.minsi %squeeze3A_263, %min3A : i32
    %slice3A_265 = vector.extract_strided_slice %select_n3A_246 {offsets = [0, 0], sizes = [1, 1], strides = [1, 1]} : vector<1x32xi32> to vector<1x1xi32>
    %squeeze3A_266 = vector.extract %slice3A_265[0, 0] : i32 from vector<1x1xi32>
    %min3A_267 = arith.constant 16383 : i32
    %min3A_268 = arith.minsi %squeeze3A_266, %min3A_267 : i32
    %eq3A_269 = vector.broadcast %min3A_264 : i32 to vector<128x128xi32>
    %eq3A_270 = arith.cmpi eq, %add3A_98, %eq3A_269 : vector<128x128xi32>
    %and3A = vector.broadcast %gt3A_261 : i1 to vector<128x128xi1>
    %and3A_271 = arith.andi %eq3A_270, %and3A : vector<128x128xi1>
    %eq3A_272 = vector.broadcast %min3A_268 : i32 to vector<128x128xi32>
    %eq3A_273 = arith.cmpi eq, %add3A_98, %eq3A_272 : vector<128x128xi32>
    %and3A_274 = vector.broadcast %gt3A_261 : i1 to vector<128x128xi1>
    %and3A_275 = arith.andi %eq3A_273, %and3A_274 : vector<128x128xi1>
    %or3A = arith.ori %broadcast_in_dim3A_259, %and3A_271 : vector<128x128xi1>
    %or3A_276 = arith.ori %broadcast_in_dim3A_259, %and3A_275 : vector<128x128xi1>
    %or3A_277 = arith.ori %broadcast_in_dim3A_259, %and3A_271 : vector<128x128xi1>
    %slice3A_278 = vector.extract_strided_slice %broadcast_in_dim3A_235 {offsets = [0, 1], sizes = [1, 1], strides = [1, 1]} : vector<1x32xi32> to vector<1x1xi32>
    %squeeze3A_279 = vector.extract %slice3A_278[0, 0] : i32 from vector<1x1xi32>
    %gt3A_280 = arith.constant 0 : i32
    %gt3A_281 = arith.cmpi sgt, %squeeze3A_279, %gt3A_280 : i32
    %slice3A_282 = vector.extract_strided_slice %broadcast_in_dim3A_237 {offsets = [0, 1], sizes = [1, 1], strides = [1, 1]} : vector<1x32xi32> to vector<1x1xi32>
    %squeeze3A_283 = vector.extract %slice3A_282[0, 0] : i32 from vector<1x1xi32>
    %min3A_284 = arith.constant 16383 : i32
    %min3A_285 = arith.minsi %squeeze3A_283, %min3A_284 : i32
    %slice3A_286 = vector.extract_strided_slice %select_n3A_246 {offsets = [0, 1], sizes = [1, 1], strides = [1, 1]} : vector<1x32xi32> to vector<1x1xi32>
    %squeeze3A_287 = vector.extract %slice3A_286[0, 0] : i32 from vector<1x1xi32>
    %min3A_288 = arith.constant 16383 : i32
    %min3A_289 = arith.minsi %squeeze3A_287, %min3A_288 : i32
    %eq3A_290 = vector.broadcast %min3A_285 : i32 to vector<128x128xi32>
    %eq3A_291 = arith.cmpi eq, %add3A_98, %eq3A_290 : vector<128x128xi32>
    %and3A_292 = vector.broadcast %gt3A_281 : i1 to vector<128x128xi1>
    %and3A_293 = arith.andi %eq3A_291, %and3A_292 : vector<128x128xi1>
    %eq3A_294 = vector.broadcast %min3A_289 : i32 to vector<128x128xi32>
    %eq3A_295 = arith.cmpi eq, %add3A_98, %eq3A_294 : vector<128x128xi32>
    %and3A_296 = vector.broadcast %gt3A_281 : i1 to vector<128x128xi1>
    %and3A_297 = arith.andi %eq3A_295, %and3A_296 : vector<128x128xi1>
    %or3A_298 = arith.ori %or3A, %and3A_293 : vector<128x128xi1>
    %or3A_299 = arith.ori %or3A_276, %and3A_297 : vector<128x128xi1>
    %or3A_300 = arith.ori %or3A_277, %and3A_293 : vector<128x128xi1>
    %slice3A_301 = vector.extract_strided_slice %broadcast_in_dim3A_235 {offsets = [0, 2], sizes = [1, 1], strides = [1, 1]} : vector<1x32xi32> to vector<1x1xi32>
    %squeeze3A_302 = vector.extract %slice3A_301[0, 0] : i32 from vector<1x1xi32>
    %gt3A_303 = arith.constant 0 : i32
    %gt3A_304 = arith.cmpi sgt, %squeeze3A_302, %gt3A_303 : i32
    %slice3A_305 = vector.extract_strided_slice %broadcast_in_dim3A_237 {offsets = [0, 2], sizes = [1, 1], strides = [1, 1]} : vector<1x32xi32> to vector<1x1xi32>
    %squeeze3A_306 = vector.extract %slice3A_305[0, 0] : i32 from vector<1x1xi32>
    %min3A_307 = arith.constant 16383 : i32
    %min3A_308 = arith.minsi %squeeze3A_306, %min3A_307 : i32
    %slice3A_309 = vector.extract_strided_slice %select_n3A_246 {offsets = [0, 2], sizes = [1, 1], strides = [1, 1]} : vector<1x32xi32> to vector<1x1xi32>
    %squeeze3A_310 = vector.extract %slice3A_309[0, 0] : i32 from vector<1x1xi32>
    %min3A_311 = arith.constant 16383 : i32
    %min3A_312 = arith.minsi %squeeze3A_310, %min3A_311 : i32
    %eq3A_313 = vector.broadcast %min3A_308 : i32 to vector<128x128xi32>
    %eq3A_314 = arith.cmpi eq, %add3A_98, %eq3A_313 : vector<128x128xi32>
    %and3A_315 = vector.broadcast %gt3A_304 : i1 to vector<128x128xi1>
    %and3A_316 = arith.andi %eq3A_314, %and3A_315 : vector<128x128xi1>
    %eq3A_317 = vector.broadcast %min3A_312 : i32 to vector<128x128xi32>
    %eq3A_318 = arith.cmpi eq, %add3A_98, %eq3A_317 : vector<128x128xi32>
    %and3A_319 = vector.broadcast %gt3A_304 : i1 to vector<128x128xi1>
    %and3A_320 = arith.andi %eq3A_318, %and3A_319 : vector<128x128xi1>
    %or3A_321 = arith.ori %or3A_298, %and3A_316 : vector<128x128xi1>
    %or3A_322 = arith.ori %or3A_299, %and3A_320 : vector<128x128xi1>
    %or3A_323 = arith.ori %or3A_300, %and3A_316 : vector<128x128xi1>
    %slice3A_324 = vector.extract_strided_slice %broadcast_in_dim3A_235 {offsets = [0, 3], sizes = [1, 1], strides = [1, 1]} : vector<1x32xi32> to vector<1x1xi32>
    %squeeze3A_325 = vector.extract %slice3A_324[0, 0] : i32 from vector<1x1xi32>
    %gt3A_326 = arith.constant 0 : i32
    %gt3A_327 = arith.cmpi sgt, %squeeze3A_325, %gt3A_326 : i32
    %slice3A_328 = vector.extract_strided_slice %broadcast_in_dim3A_237 {offsets = [0, 3], sizes = [1, 1], strides = [1, 1]} : vector<1x32xi32> to vector<1x1xi32>
    %squeeze3A_329 = vector.extract %slice3A_328[0, 0] : i32 from vector<1x1xi32>
    %min3A_330 = arith.constant 16383 : i32
    %min3A_331 = arith.minsi %squeeze3A_329, %min3A_330 : i32
    %slice3A_332 = vector.extract_strided_slice %select_n3A_246 {offsets = [0, 3], sizes = [1, 1], strides = [1, 1]} : vector<1x32xi32> to vector<1x1xi32>
    %squeeze3A_333 = vector.extract %slice3A_332[0, 0] : i32 from vector<1x1xi32>
    %min3A_334 = arith.constant 16383 : i32
    %min3A_335 = arith.minsi %squeeze3A_333, %min3A_334 : i32
    %eq3A_336 = vector.broadcast %min3A_331 : i32 to vector<128x128xi32>
    %eq3A_337 = arith.cmpi eq, %add3A_98, %eq3A_336 : vector<128x128xi32>
    %and3A_338 = vector.broadcast %gt3A_327 : i1 to vector<128x128xi1>
    %and3A_339 = arith.andi %eq3A_337, %and3A_338 : vector<128x128xi1>
    %eq3A_340 = vector.broadcast %min3A_335 : i32 to vector<128x128xi32>
    %eq3A_341 = arith.cmpi eq, %add3A_98, %eq3A_340 : vector<128x128xi32>
    %and3A_342 = vector.broadcast %gt3A_327 : i1 to vector<128x128xi1>
    %and3A_343 = arith.andi %eq3A_341, %and3A_342 : vector<128x128xi1>
    %or3A_344 = arith.ori %or3A_321, %and3A_339 : vector<128x128xi1>
    %or3A_345 = arith.ori %or3A_322, %and3A_343 : vector<128x128xi1>
    %or3A_346 = arith.ori %or3A_323, %and3A_339 : vector<128x128xi1>
    %slice3A_347 = vector.extract_strided_slice %broadcast_in_dim3A_235 {offsets = [0, 4], sizes = [1, 1], strides = [1, 1]} : vector<1x32xi32> to vector<1x1xi32>
    %squeeze3A_348 = vector.extract %slice3A_347[0, 0] : i32 from vector<1x1xi32>
    %gt3A_349 = arith.constant 0 : i32
    %gt3A_350 = arith.cmpi sgt, %squeeze3A_348, %gt3A_349 : i32
    %slice3A_351 = vector.extract_strided_slice %broadcast_in_dim3A_237 {offsets = [0, 4], sizes = [1, 1], strides = [1, 1]} : vector<1x32xi32> to vector<1x1xi32>
    %squeeze3A_352 = vector.extract %slice3A_351[0, 0] : i32 from vector<1x1xi32>
    %min3A_353 = arith.constant 16383 : i32
    %min3A_354 = arith.minsi %squeeze3A_352, %min3A_353 : i32
    %slice3A_355 = vector.extract_strided_slice %select_n3A_246 {offsets = [0, 4], sizes = [1, 1], strides = [1, 1]} : vector<1x32xi32> to vector<1x1xi32>
    %squeeze3A_356 = vector.extract %slice3A_355[0, 0] : i32 from vector<1x1xi32>
    %min3A_357 = arith.constant 16383 : i32
    %min3A_358 = arith.minsi %squeeze3A_356, %min3A_357 : i32
    %eq3A_359 = vector.broadcast %min3A_354 : i32 to vector<128x128xi32>
    %eq3A_360 = arith.cmpi eq, %add3A_98, %eq3A_359 : vector<128x128xi32>
    %and3A_361 = vector.broadcast %gt3A_350 : i1 to vector<128x128xi1>
    %and3A_362 = arith.andi %eq3A_360, %and3A_361 : vector<128x128xi1>
    %eq3A_363 = vector.broadcast %min3A_358 : i32 to vector<128x128xi32>
    %eq3A_364 = arith.cmpi eq, %add3A_98, %eq3A_363 : vector<128x128xi32>
    %and3A_365 = vector.broadcast %gt3A_350 : i1 to vector<128x128xi1>
    %and3A_366 = arith.andi %eq3A_364, %and3A_365 : vector<128x128xi1>
    %or3A_367 = arith.ori %or3A_344, %and3A_362 : vector<128x128xi1>
    %or3A_368 = arith.ori %or3A_345, %and3A_366 : vector<128x128xi1>
    %or3A_369 = arith.ori %or3A_346, %and3A_362 : vector<128x128xi1>
    %slice3A_370 = vector.extract_strided_slice %broadcast_in_dim3A_235 {offsets = [0, 5], sizes = [1, 1], strides = [1, 1]} : vector<1x32xi32> to vector<1x1xi32>
    %squeeze3A_371 = vector.extract %slice3A_370[0, 0] : i32 from vector<1x1xi32>
    %gt3A_372 = arith.constant 0 : i32
    %gt3A_373 = arith.cmpi sgt, %squeeze3A_371, %gt3A_372 : i32
    %slice3A_374 = vector.extract_strided_slice %broadcast_in_dim3A_237 {offsets = [0, 5], sizes = [1, 1], strides = [1, 1]} : vector<1x32xi32> to vector<1x1xi32>
    %squeeze3A_375 = vector.extract %slice3A_374[0, 0] : i32 from vector<1x1xi32>
    %min3A_376 = arith.constant 16383 : i32
    %min3A_377 = arith.minsi %squeeze3A_375, %min3A_376 : i32
    %slice3A_378 = vector.extract_strided_slice %select_n3A_246 {offsets = [0, 5], sizes = [1, 1], strides = [1, 1]} : vector<1x32xi32> to vector<1x1xi32>
    %squeeze3A_379 = vector.extract %slice3A_378[0, 0] : i32 from vector<1x1xi32>
    %min3A_380 = arith.constant 16383 : i32
    %min3A_381 = arith.minsi %squeeze3A_379, %min3A_380 : i32
    %eq3A_382 = vector.broadcast %min3A_377 : i32 to vector<128x128xi32>
    %eq3A_383 = arith.cmpi eq, %add3A_98, %eq3A_382 : vector<128x128xi32>
    %and3A_384 = vector.broadcast %gt3A_373 : i1 to vector<128x128xi1>
    %and3A_385 = arith.andi %eq3A_383, %and3A_384 : vector<128x128xi1>
    %eq3A_386 = vector.broadcast %min3A_381 : i32 to vector<128x128xi32>
    %eq3A_387 = arith.cmpi eq, %add3A_98, %eq3A_386 : vector<128x128xi32>
    %and3A_388 = vector.broadcast %gt3A_373 : i1 to vector<128x128xi1>
    %and3A_389 = arith.andi %eq3A_387, %and3A_388 : vector<128x128xi1>
    %or3A_390 = arith.ori %or3A_367, %and3A_385 : vector<128x128xi1>
    %or3A_391 = arith.ori %or3A_368, %and3A_389 : vector<128x128xi1>
    %or3A_392 = arith.ori %or3A_369, %and3A_385 : vector<128x128xi1>
    %slice3A_393 = vector.extract_strided_slice %broadcast_in_dim3A_235 {offsets = [0, 6], sizes = [1, 1], strides = [1, 1]} : vector<1x32xi32> to vector<1x1xi32>
    %squeeze3A_394 = vector.extract %slice3A_393[0, 0] : i32 from vector<1x1xi32>
    %gt3A_395 = arith.constant 0 : i32
    %gt3A_396 = arith.cmpi sgt, %squeeze3A_394, %gt3A_395 : i32
    %slice3A_397 = vector.extract_strided_slice %broadcast_in_dim3A_237 {offsets = [0, 6], sizes = [1, 1], strides = [1, 1]} : vector<1x32xi32> to vector<1x1xi32>
    %squeeze3A_398 = vector.extract %slice3A_397[0, 0] : i32 from vector<1x1xi32>
    %min3A_399 = arith.constant 16383 : i32
    %min3A_400 = arith.minsi %squeeze3A_398, %min3A_399 : i32
    %slice3A_401 = vector.extract_strided_slice %select_n3A_246 {offsets = [0, 6], sizes = [1, 1], strides = [1, 1]} : vector<1x32xi32> to vector<1x1xi32>
    %squeeze3A_402 = vector.extract %slice3A_401[0, 0] : i32 from vector<1x1xi32>
    %min3A_403 = arith.constant 16383 : i32
    %min3A_404 = arith.minsi %squeeze3A_402, %min3A_403 : i32
    %eq3A_405 = vector.broadcast %min3A_400 : i32 to vector<128x128xi32>
    %eq3A_406 = arith.cmpi eq, %add3A_98, %eq3A_405 : vector<128x128xi32>
    %and3A_407 = vector.broadcast %gt3A_396 : i1 to vector<128x128xi1>
    %and3A_408 = arith.andi %eq3A_406, %and3A_407 : vector<128x128xi1>
    %eq3A_409 = vector.broadcast %min3A_404 : i32 to vector<128x128xi32>
    %eq3A_410 = arith.cmpi eq, %add3A_98, %eq3A_409 : vector<128x128xi32>
    %and3A_411 = vector.broadcast %gt3A_396 : i1 to vector<128x128xi1>
    %and3A_412 = arith.andi %eq3A_410, %and3A_411 : vector<128x128xi1>
    %or3A_413 = arith.ori %or3A_390, %and3A_408 : vector<128x128xi1>
    %or3A_414 = arith.ori %or3A_391, %and3A_412 : vector<128x128xi1>
    %or3A_415 = arith.ori %or3A_392, %and3A_408 : vector<128x128xi1>
    %slice3A_416 = vector.extract_strided_slice %broadcast_in_dim3A_235 {offsets = [0, 7], sizes = [1, 1], strides = [1, 1]} : vector<1x32xi32> to vector<1x1xi32>
    %squeeze3A_417 = vector.extract %slice3A_416[0, 0] : i32 from vector<1x1xi32>
    %gt3A_418 = arith.constant 0 : i32
    %gt3A_419 = arith.cmpi sgt, %squeeze3A_417, %gt3A_418 : i32
    %slice3A_420 = vector.extract_strided_slice %broadcast_in_dim3A_237 {offsets = [0, 7], sizes = [1, 1], strides = [1, 1]} : vector<1x32xi32> to vector<1x1xi32>
    %squeeze3A_421 = vector.extract %slice3A_420[0, 0] : i32 from vector<1x1xi32>
    %min3A_422 = arith.constant 16383 : i32
    %min3A_423 = arith.minsi %squeeze3A_421, %min3A_422 : i32
    %slice3A_424 = vector.extract_strided_slice %select_n3A_246 {offsets = [0, 7], sizes = [1, 1], strides = [1, 1]} : vector<1x32xi32> to vector<1x1xi32>
    %squeeze3A_425 = vector.extract %slice3A_424[0, 0] : i32 from vector<1x1xi32>
    %min3A_426 = arith.constant 16383 : i32
    %min3A_427 = arith.minsi %squeeze3A_425, %min3A_426 : i32
    %eq3A_428 = vector.broadcast %min3A_423 : i32 to vector<128x128xi32>
    %eq3A_429 = arith.cmpi eq, %add3A_98, %eq3A_428 : vector<128x128xi32>
    %and3A_430 = vector.broadcast %gt3A_419 : i1 to vector<128x128xi1>
    %and3A_431 = arith.andi %eq3A_429, %and3A_430 : vector<128x128xi1>
    %eq3A_432 = vector.broadcast %min3A_427 : i32 to vector<128x128xi32>
    %eq3A_433 = arith.cmpi eq, %add3A_98, %eq3A_432 : vector<128x128xi32>
    %and3A_434 = vector.broadcast %gt3A_419 : i1 to vector<128x128xi1>
    %and3A_435 = arith.andi %eq3A_433, %and3A_434 : vector<128x128xi1>
    %or3A_436 = arith.ori %or3A_413, %and3A_431 : vector<128x128xi1>
    %or3A_437 = arith.ori %or3A_414, %and3A_435 : vector<128x128xi1>
    %or3A_438 = arith.ori %or3A_415, %and3A_431 : vector<128x128xi1>
    %slice3A_439 = vector.extract_strided_slice %broadcast_in_dim3A_235 {offsets = [0, 8], sizes = [1, 1], strides = [1, 1]} : vector<1x32xi32> to vector<1x1xi32>
    %squeeze3A_440 = vector.extract %slice3A_439[0, 0] : i32 from vector<1x1xi32>
    %gt3A_441 = arith.constant 0 : i32
    %gt3A_442 = arith.cmpi sgt, %squeeze3A_440, %gt3A_441 : i32
    %slice3A_443 = vector.extract_strided_slice %broadcast_in_dim3A_237 {offsets = [0, 8], sizes = [1, 1], strides = [1, 1]} : vector<1x32xi32> to vector<1x1xi32>
    %squeeze3A_444 = vector.extract %slice3A_443[0, 0] : i32 from vector<1x1xi32>
    %min3A_445 = arith.constant 16383 : i32
    %min3A_446 = arith.minsi %squeeze3A_444, %min3A_445 : i32
    %slice3A_447 = vector.extract_strided_slice %select_n3A_246 {offsets = [0, 8], sizes = [1, 1], strides = [1, 1]} : vector<1x32xi32> to vector<1x1xi32>
    %squeeze3A_448 = vector.extract %slice3A_447[0, 0] : i32 from vector<1x1xi32>
    %min3A_449 = arith.constant 16383 : i32
    %min3A_450 = arith.minsi %squeeze3A_448, %min3A_449 : i32
    %eq3A_451 = vector.broadcast %min3A_446 : i32 to vector<128x128xi32>
    %eq3A_452 = arith.cmpi eq, %add3A_98, %eq3A_451 : vector<128x128xi32>
    %and3A_453 = vector.broadcast %gt3A_442 : i1 to vector<128x128xi1>
    %and3A_454 = arith.andi %eq3A_452, %and3A_453 : vector<128x128xi1>
    %eq3A_455 = vector.broadcast %min3A_450 : i32 to vector<128x128xi32>
    %eq3A_456 = arith.cmpi eq, %add3A_98, %eq3A_455 : vector<128x128xi32>
    %and3A_457 = vector.broadcast %gt3A_442 : i1 to vector<128x128xi1>
    %and3A_458 = arith.andi %eq3A_456, %and3A_457 : vector<128x128xi1>
    %or3A_459 = arith.ori %or3A_436, %and3A_454 : vector<128x128xi1>
    %or3A_460 = arith.ori %or3A_437, %and3A_458 : vector<128x128xi1>
    %or3A_461 = arith.ori %or3A_438, %and3A_454 : vector<128x128xi1>
    %slice3A_462 = vector.extract_strided_slice %broadcast_in_dim3A_235 {offsets = [0, 9], sizes = [1, 1], strides = [1, 1]} : vector<1x32xi32> to vector<1x1xi32>
    %squeeze3A_463 = vector.extract %slice3A_462[0, 0] : i32 from vector<1x1xi32>
    %gt3A_464 = arith.constant 0 : i32
    %gt3A_465 = arith.cmpi sgt, %squeeze3A_463, %gt3A_464 : i32
    %slice3A_466 = vector.extract_strided_slice %broadcast_in_dim3A_237 {offsets = [0, 9], sizes = [1, 1], strides = [1, 1]} : vector<1x32xi32> to vector<1x1xi32>
    %squeeze3A_467 = vector.extract %slice3A_466[0, 0] : i32 from vector<1x1xi32>
    %min3A_468 = arith.constant 16383 : i32
    %min3A_469 = arith.minsi %squeeze3A_467, %min3A_468 : i32
    %slice3A_470 = vector.extract_strided_slice %select_n3A_246 {offsets = [0, 9], sizes = [1, 1], strides = [1, 1]} : vector<1x32xi32> to vector<1x1xi32>
    %squeeze3A_471 = vector.extract %slice3A_470[0, 0] : i32 from vector<1x1xi32>
    %min3A_472 = arith.constant 16383 : i32
    %min3A_473 = arith.minsi %squeeze3A_471, %min3A_472 : i32
    %eq3A_474 = vector.broadcast %min3A_469 : i32 to vector<128x128xi32>
    %eq3A_475 = arith.cmpi eq, %add3A_98, %eq3A_474 : vector<128x128xi32>
    %and3A_476 = vector.broadcast %gt3A_465 : i1 to vector<128x128xi1>
    %and3A_477 = arith.andi %eq3A_475, %and3A_476 : vector<128x128xi1>
    %eq3A_478 = vector.broadcast %min3A_473 : i32 to vector<128x128xi32>
    %eq3A_479 = arith.cmpi eq, %add3A_98, %eq3A_478 : vector<128x128xi32>
    %and3A_480 = vector.broadcast %gt3A_465 : i1 to vector<128x128xi1>
    %and3A_481 = arith.andi %eq3A_479, %and3A_480 : vector<128x128xi1>
    %or3A_482 = arith.ori %or3A_459, %and3A_477 : vector<128x128xi1>
    %or3A_483 = arith.ori %or3A_460, %and3A_481 : vector<128x128xi1>
    %or3A_484 = arith.ori %or3A_461, %and3A_477 : vector<128x128xi1>
    %slice3A_485 = vector.extract_strided_slice %broadcast_in_dim3A_235 {offsets = [0, 10], sizes = [1, 1], strides = [1, 1]} : vector<1x32xi32> to vector<1x1xi32>
    %squeeze3A_486 = vector.extract %slice3A_485[0, 0] : i32 from vector<1x1xi32>
    %gt3A_487 = arith.constant 0 : i32
    %gt3A_488 = arith.cmpi sgt, %squeeze3A_486, %gt3A_487 : i32
    %slice3A_489 = vector.extract_strided_slice %broadcast_in_dim3A_237 {offsets = [0, 10], sizes = [1, 1], strides = [1, 1]} : vector<1x32xi32> to vector<1x1xi32>
    %squeeze3A_490 = vector.extract %slice3A_489[0, 0] : i32 from vector<1x1xi32>
    %min3A_491 = arith.constant 16383 : i32
    %min3A_492 = arith.minsi %squeeze3A_490, %min3A_491 : i32
    %slice3A_493 = vector.extract_strided_slice %select_n3A_246 {offsets = [0, 10], sizes = [1, 1], strides = [1, 1]} : vector<1x32xi32> to vector<1x1xi32>
    %squeeze3A_494 = vector.extract %slice3A_493[0, 0] : i32 from vector<1x1xi32>
    %min3A_495 = arith.constant 16383 : i32
    %min3A_496 = arith.minsi %squeeze3A_494, %min3A_495 : i32
    %eq3A_497 = vector.broadcast %min3A_492 : i32 to vector<128x128xi32>
    %eq3A_498 = arith.cmpi eq, %add3A_98, %eq3A_497 : vector<128x128xi32>
    %and3A_499 = vector.broadcast %gt3A_488 : i1 to vector<128x128xi1>
    %and3A_500 = arith.andi %eq3A_498, %and3A_499 : vector<128x128xi1>
    %eq3A_501 = vector.broadcast %min3A_496 : i32 to vector<128x128xi32>
    %eq3A_502 = arith.cmpi eq, %add3A_98, %eq3A_501 : vector<128x128xi32>
    %and3A_503 = vector.broadcast %gt3A_488 : i1 to vector<128x128xi1>
    %and3A_504 = arith.andi %eq3A_502, %and3A_503 : vector<128x128xi1>
    %or3A_505 = arith.ori %or3A_482, %and3A_500 : vector<128x128xi1>
    %or3A_506 = arith.ori %or3A_483, %and3A_504 : vector<128x128xi1>
    %or3A_507 = arith.ori %or3A_484, %and3A_500 : vector<128x128xi1>
    %slice3A_508 = vector.extract_strided_slice %broadcast_in_dim3A_235 {offsets = [0, 11], sizes = [1, 1], strides = [1, 1]} : vector<1x32xi32> to vector<1x1xi32>
    %squeeze3A_509 = vector.extract %slice3A_508[0, 0] : i32 from vector<1x1xi32>
    %gt3A_510 = arith.constant 0 : i32
    %gt3A_511 = arith.cmpi sgt, %squeeze3A_509, %gt3A_510 : i32
    %slice3A_512 = vector.extract_strided_slice %broadcast_in_dim3A_237 {offsets = [0, 11], sizes = [1, 1], strides = [1, 1]} : vector<1x32xi32> to vector<1x1xi32>
    %squeeze3A_513 = vector.extract %slice3A_512[0, 0] : i32 from vector<1x1xi32>
    %min3A_514 = arith.constant 16383 : i32
    %min3A_515 = arith.minsi %squeeze3A_513, %min3A_514 : i32
    %slice3A_516 = vector.extract_strided_slice %select_n3A_246 {offsets = [0, 11], sizes = [1, 1], strides = [1, 1]} : vector<1x32xi32> to vector<1x1xi32>
    %squeeze3A_517 = vector.extract %slice3A_516[0, 0] : i32 from vector<1x1xi32>
    %min3A_518 = arith.constant 16383 : i32
    %min3A_519 = arith.minsi %squeeze3A_517, %min3A_518 : i32
    %eq3A_520 = vector.broadcast %min3A_515 : i32 to vector<128x128xi32>
    %eq3A_521 = arith.cmpi eq, %add3A_98, %eq3A_520 : vector<128x128xi32>
    %and3A_522 = vector.broadcast %gt3A_511 : i1 to vector<128x128xi1>
    %and3A_523 = arith.andi %eq3A_521, %and3A_522 : vector<128x128xi1>
    %eq3A_524 = vector.broadcast %min3A_519 : i32 to vector<128x128xi32>
    %eq3A_525 = arith.cmpi eq, %add3A_98, %eq3A_524 : vector<128x128xi32>
    %and3A_526 = vector.broadcast %gt3A_511 : i1 to vector<128x128xi1>
    %and3A_527 = arith.andi %eq3A_525, %and3A_526 : vector<128x128xi1>
    %or3A_528 = arith.ori %or3A_505, %and3A_523 : vector<128x128xi1>
    %or3A_529 = arith.ori %or3A_506, %and3A_527 : vector<128x128xi1>
    %or3A_530 = arith.ori %or3A_507, %and3A_523 : vector<128x128xi1>
    %slice3A_531 = vector.extract_strided_slice %broadcast_in_dim3A_235 {offsets = [0, 12], sizes = [1, 1], strides = [1, 1]} : vector<1x32xi32> to vector<1x1xi32>
    %squeeze3A_532 = vector.extract %slice3A_531[0, 0] : i32 from vector<1x1xi32>
    %gt3A_533 = arith.constant 0 : i32
    %gt3A_534 = arith.cmpi sgt, %squeeze3A_532, %gt3A_533 : i32
    %slice3A_535 = vector.extract_strided_slice %broadcast_in_dim3A_237 {offsets = [0, 12], sizes = [1, 1], strides = [1, 1]} : vector<1x32xi32> to vector<1x1xi32>
    %squeeze3A_536 = vector.extract %slice3A_535[0, 0] : i32 from vector<1x1xi32>
    %min3A_537 = arith.constant 16383 : i32
    %min3A_538 = arith.minsi %squeeze3A_536, %min3A_537 : i32
    %slice3A_539 = vector.extract_strided_slice %select_n3A_246 {offsets = [0, 12], sizes = [1, 1], strides = [1, 1]} : vector<1x32xi32> to vector<1x1xi32>
    %squeeze3A_540 = vector.extract %slice3A_539[0, 0] : i32 from vector<1x1xi32>
    %min3A_541 = arith.constant 16383 : i32
    %min3A_542 = arith.minsi %squeeze3A_540, %min3A_541 : i32
    %eq3A_543 = vector.broadcast %min3A_538 : i32 to vector<128x128xi32>
    %eq3A_544 = arith.cmpi eq, %add3A_98, %eq3A_543 : vector<128x128xi32>
    %and3A_545 = vector.broadcast %gt3A_534 : i1 to vector<128x128xi1>
    %and3A_546 = arith.andi %eq3A_544, %and3A_545 : vector<128x128xi1>
    %eq3A_547 = vector.broadcast %min3A_542 : i32 to vector<128x128xi32>
    %eq3A_548 = arith.cmpi eq, %add3A_98, %eq3A_547 : vector<128x128xi32>
    %and3A_549 = vector.broadcast %gt3A_534 : i1 to vector<128x128xi1>
    %and3A_550 = arith.andi %eq3A_548, %and3A_549 : vector<128x128xi1>
    %or3A_551 = arith.ori %or3A_528, %and3A_550 : vector<128x128xi1>
    %or3A_552 = arith.ori %or3A_529, %and3A_546 : vector<128x128xi1>
    %or3A_553 = arith.ori %or3A_530, %and3A_546 : vector<128x128xi1>
    %slice3A_554 = vector.extract_strided_slice %broadcast_in_dim3A_235 {offsets = [0, 13], sizes = [1, 1], strides = [1, 1]} : vector<1x32xi32> to vector<1x1xi32>
    %squeeze3A_555 = vector.extract %slice3A_554[0, 0] : i32 from vector<1x1xi32>
    %gt3A_556 = arith.constant 0 : i32
    %gt3A_557 = arith.cmpi sgt, %squeeze3A_555, %gt3A_556 : i32
    %slice3A_558 = vector.extract_strided_slice %broadcast_in_dim3A_237 {offsets = [0, 13], sizes = [1, 1], strides = [1, 1]} : vector<1x32xi32> to vector<1x1xi32>
    %squeeze3A_559 = vector.extract %slice3A_558[0, 0] : i32 from vector<1x1xi32>
    %min3A_560 = arith.constant 16383 : i32
    %min3A_561 = arith.minsi %squeeze3A_559, %min3A_560 : i32
    %slice3A_562 = vector.extract_strided_slice %select_n3A_246 {offsets = [0, 13], sizes = [1, 1], strides = [1, 1]} : vector<1x32xi32> to vector<1x1xi32>
    %squeeze3A_563 = vector.extract %slice3A_562[0, 0] : i32 from vector<1x1xi32>
    %min3A_564 = arith.constant 16383 : i32
    %min3A_565 = arith.minsi %squeeze3A_563, %min3A_564 : i32
    %eq3A_566 = vector.broadcast %min3A_561 : i32 to vector<128x128xi32>
    %eq3A_567 = arith.cmpi eq, %add3A_98, %eq3A_566 : vector<128x128xi32>
    %and3A_568 = vector.broadcast %gt3A_557 : i1 to vector<128x128xi1>
    %and3A_569 = arith.andi %eq3A_567, %and3A_568 : vector<128x128xi1>
    %eq3A_570 = vector.broadcast %min3A_565 : i32 to vector<128x128xi32>
    %eq3A_571 = arith.cmpi eq, %add3A_98, %eq3A_570 : vector<128x128xi32>
    %and3A_572 = vector.broadcast %gt3A_557 : i1 to vector<128x128xi1>
    %and3A_573 = arith.andi %eq3A_571, %and3A_572 : vector<128x128xi1>
    %or3A_574 = arith.ori %or3A_551, %and3A_573 : vector<128x128xi1>
    %or3A_575 = arith.ori %or3A_552, %and3A_569 : vector<128x128xi1>
    %or3A_576 = arith.ori %or3A_553, %and3A_569 : vector<128x128xi1>
    %slice3A_577 = vector.extract_strided_slice %broadcast_in_dim3A_235 {offsets = [0, 14], sizes = [1, 1], strides = [1, 1]} : vector<1x32xi32> to vector<1x1xi32>
    %squeeze3A_578 = vector.extract %slice3A_577[0, 0] : i32 from vector<1x1xi32>
    %gt3A_579 = arith.constant 0 : i32
    %gt3A_580 = arith.cmpi sgt, %squeeze3A_578, %gt3A_579 : i32
    %slice3A_581 = vector.extract_strided_slice %broadcast_in_dim3A_237 {offsets = [0, 14], sizes = [1, 1], strides = [1, 1]} : vector<1x32xi32> to vector<1x1xi32>
    %squeeze3A_582 = vector.extract %slice3A_581[0, 0] : i32 from vector<1x1xi32>
    %min3A_583 = arith.constant 16383 : i32
    %min3A_584 = arith.minsi %squeeze3A_582, %min3A_583 : i32
    %slice3A_585 = vector.extract_strided_slice %select_n3A_246 {offsets = [0, 14], sizes = [1, 1], strides = [1, 1]} : vector<1x32xi32> to vector<1x1xi32>
    %squeeze3A_586 = vector.extract %slice3A_585[0, 0] : i32 from vector<1x1xi32>
    %min3A_587 = arith.constant 16383 : i32
    %min3A_588 = arith.minsi %squeeze3A_586, %min3A_587 : i32
    %eq3A_589 = vector.broadcast %min3A_584 : i32 to vector<128x128xi32>
    %eq3A_590 = arith.cmpi eq, %add3A_98, %eq3A_589 : vector<128x128xi32>
    %and3A_591 = vector.broadcast %gt3A_580 : i1 to vector<128x128xi1>
    %and3A_592 = arith.andi %eq3A_590, %and3A_591 : vector<128x128xi1>
    %eq3A_593 = vector.broadcast %min3A_588 : i32 to vector<128x128xi32>
    %eq3A_594 = arith.cmpi eq, %add3A_98, %eq3A_593 : vector<128x128xi32>
    %and3A_595 = vector.broadcast %gt3A_580 : i1 to vector<128x128xi1>
    %and3A_596 = arith.andi %eq3A_594, %and3A_595 : vector<128x128xi1>
    %or3A_597 = arith.ori %or3A_574, %and3A_596 : vector<128x128xi1>
    %or3A_598 = arith.ori %or3A_575, %and3A_592 : vector<128x128xi1>
    %or3A_599 = arith.ori %or3A_576, %and3A_592 : vector<128x128xi1>
    %slice3A_600 = vector.extract_strided_slice %broadcast_in_dim3A_235 {offsets = [0, 15], sizes = [1, 1], strides = [1, 1]} : vector<1x32xi32> to vector<1x1xi32>
    %squeeze3A_601 = vector.extract %slice3A_600[0, 0] : i32 from vector<1x1xi32>
    %gt3A_602 = arith.constant 0 : i32
    %gt3A_603 = arith.cmpi sgt, %squeeze3A_601, %gt3A_602 : i32
    %slice3A_604 = vector.extract_strided_slice %broadcast_in_dim3A_237 {offsets = [0, 15], sizes = [1, 1], strides = [1, 1]} : vector<1x32xi32> to vector<1x1xi32>
    %squeeze3A_605 = vector.extract %slice3A_604[0, 0] : i32 from vector<1x1xi32>
    %min3A_606 = arith.constant 16383 : i32
    %min3A_607 = arith.minsi %squeeze3A_605, %min3A_606 : i32
    %slice3A_608 = vector.extract_strided_slice %select_n3A_246 {offsets = [0, 15], sizes = [1, 1], strides = [1, 1]} : vector<1x32xi32> to vector<1x1xi32>
    %squeeze3A_609 = vector.extract %slice3A_608[0, 0] : i32 from vector<1x1xi32>
    %min3A_610 = arith.constant 16383 : i32
    %min3A_611 = arith.minsi %squeeze3A_609, %min3A_610 : i32
    %eq3A_612 = vector.broadcast %min3A_607 : i32 to vector<128x128xi32>
    %eq3A_613 = arith.cmpi eq, %add3A_98, %eq3A_612 : vector<128x128xi32>
    %and3A_614 = vector.broadcast %gt3A_603 : i1 to vector<128x128xi1>
    %and3A_615 = arith.andi %eq3A_613, %and3A_614 : vector<128x128xi1>
    %eq3A_616 = vector.broadcast %min3A_611 : i32 to vector<128x128xi32>
    %eq3A_617 = arith.cmpi eq, %add3A_98, %eq3A_616 : vector<128x128xi32>
    %and3A_618 = vector.broadcast %gt3A_603 : i1 to vector<128x128xi1>
    %and3A_619 = arith.andi %eq3A_617, %and3A_618 : vector<128x128xi1>
    %or3A_620 = arith.ori %or3A_597, %and3A_619 : vector<128x128xi1>
    %or3A_621 = arith.ori %or3A_598, %and3A_615 : vector<128x128xi1>
    %or3A_622 = arith.ori %or3A_599, %and3A_615 : vector<128x128xi1>
    %slice3A_623 = vector.extract_strided_slice %broadcast_in_dim3A_235 {offsets = [0, 16], sizes = [1, 1], strides = [1, 1]} : vector<1x32xi32> to vector<1x1xi32>
    %squeeze3A_624 = vector.extract %slice3A_623[0, 0] : i32 from vector<1x1xi32>
    %gt3A_625 = arith.constant 0 : i32
    %gt3A_626 = arith.cmpi sgt, %squeeze3A_624, %gt3A_625 : i32
    %slice3A_627 = vector.extract_strided_slice %broadcast_in_dim3A_237 {offsets = [0, 16], sizes = [1, 1], strides = [1, 1]} : vector<1x32xi32> to vector<1x1xi32>
    %squeeze3A_628 = vector.extract %slice3A_627[0, 0] : i32 from vector<1x1xi32>
    %min3A_629 = arith.constant 16383 : i32
    %min3A_630 = arith.minsi %squeeze3A_628, %min3A_629 : i32
    %slice3A_631 = vector.extract_strided_slice %select_n3A_246 {offsets = [0, 16], sizes = [1, 1], strides = [1, 1]} : vector<1x32xi32> to vector<1x1xi32>
    %squeeze3A_632 = vector.extract %slice3A_631[0, 0] : i32 from vector<1x1xi32>
    %min3A_633 = arith.constant 16383 : i32
    %min3A_634 = arith.minsi %squeeze3A_632, %min3A_633 : i32
    %eq3A_635 = vector.broadcast %min3A_630 : i32 to vector<128x128xi32>
    %eq3A_636 = arith.cmpi eq, %add3A_98, %eq3A_635 : vector<128x128xi32>
    %and3A_637 = vector.broadcast %gt3A_626 : i1 to vector<128x128xi1>
    %and3A_638 = arith.andi %eq3A_636, %and3A_637 : vector<128x128xi1>
    %eq3A_639 = vector.broadcast %min3A_634 : i32 to vector<128x128xi32>
    %eq3A_640 = arith.cmpi eq, %add3A_98, %eq3A_639 : vector<128x128xi32>
    %and3A_641 = vector.broadcast %gt3A_626 : i1 to vector<128x128xi1>
    %and3A_642 = arith.andi %eq3A_640, %and3A_641 : vector<128x128xi1>
    %or3A_643 = arith.ori %or3A_620, %and3A_642 : vector<128x128xi1>
    %or3A_644 = arith.ori %or3A_621, %and3A_638 : vector<128x128xi1>
    %or3A_645 = arith.ori %or3A_622, %and3A_638 : vector<128x128xi1>
    %slice3A_646 = vector.extract_strided_slice %broadcast_in_dim3A_235 {offsets = [0, 17], sizes = [1, 1], strides = [1, 1]} : vector<1x32xi32> to vector<1x1xi32>
    %squeeze3A_647 = vector.extract %slice3A_646[0, 0] : i32 from vector<1x1xi32>
    %gt3A_648 = arith.constant 0 : i32
    %gt3A_649 = arith.cmpi sgt, %squeeze3A_647, %gt3A_648 : i32
    %slice3A_650 = vector.extract_strided_slice %broadcast_in_dim3A_237 {offsets = [0, 17], sizes = [1, 1], strides = [1, 1]} : vector<1x32xi32> to vector<1x1xi32>
    %squeeze3A_651 = vector.extract %slice3A_650[0, 0] : i32 from vector<1x1xi32>
    %min3A_652 = arith.constant 16383 : i32
    %min3A_653 = arith.minsi %squeeze3A_651, %min3A_652 : i32
    %slice3A_654 = vector.extract_strided_slice %select_n3A_246 {offsets = [0, 17], sizes = [1, 1], strides = [1, 1]} : vector<1x32xi32> to vector<1x1xi32>
    %squeeze3A_655 = vector.extract %slice3A_654[0, 0] : i32 from vector<1x1xi32>
    %min3A_656 = arith.constant 16383 : i32
    %min3A_657 = arith.minsi %squeeze3A_655, %min3A_656 : i32
    %eq3A_658 = vector.broadcast %min3A_653 : i32 to vector<128x128xi32>
    %eq3A_659 = arith.cmpi eq, %add3A_98, %eq3A_658 : vector<128x128xi32>
    %and3A_660 = vector.broadcast %gt3A_649 : i1 to vector<128x128xi1>
    %and3A_661 = arith.andi %eq3A_659, %and3A_660 : vector<128x128xi1>
    %eq3A_662 = vector.broadcast %min3A_657 : i32 to vector<128x128xi32>
    %eq3A_663 = arith.cmpi eq, %add3A_98, %eq3A_662 : vector<128x128xi32>
    %and3A_664 = vector.broadcast %gt3A_649 : i1 to vector<128x128xi1>
    %and3A_665 = arith.andi %eq3A_663, %and3A_664 : vector<128x128xi1>
    %or3A_666 = arith.ori %or3A_643, %and3A_665 : vector<128x128xi1>
    %or3A_667 = arith.ori %or3A_644, %and3A_661 : vector<128x128xi1>
    %or3A_668 = arith.ori %or3A_645, %and3A_661 : vector<128x128xi1>
    %slice3A_669 = vector.extract_strided_slice %broadcast_in_dim3A_235 {offsets = [0, 18], sizes = [1, 1], strides = [1, 1]} : vector<1x32xi32> to vector<1x1xi32>
    %squeeze3A_670 = vector.extract %slice3A_669[0, 0] : i32 from vector<1x1xi32>
    %gt3A_671 = arith.constant 0 : i32
    %gt3A_672 = arith.cmpi sgt, %squeeze3A_670, %gt3A_671 : i32
    %slice3A_673 = vector.extract_strided_slice %broadcast_in_dim3A_237 {offsets = [0, 18], sizes = [1, 1], strides = [1, 1]} : vector<1x32xi32> to vector<1x1xi32>
    %squeeze3A_674 = vector.extract %slice3A_673[0, 0] : i32 from vector<1x1xi32>
    %min3A_675 = arith.constant 16383 : i32
    %min3A_676 = arith.minsi %squeeze3A_674, %min3A_675 : i32
    %slice3A_677 = vector.extract_strided_slice %select_n3A_246 {offsets = [0, 18], sizes = [1, 1], strides = [1, 1]} : vector<1x32xi32> to vector<1x1xi32>
    %squeeze3A_678 = vector.extract %slice3A_677[0, 0] : i32 from vector<1x1xi32>
    %min3A_679 = arith.constant 16383 : i32
    %min3A_680 = arith.minsi %squeeze3A_678, %min3A_679 : i32
    %eq3A_681 = vector.broadcast %min3A_676 : i32 to vector<128x128xi32>
    %eq3A_682 = arith.cmpi eq, %add3A_98, %eq3A_681 : vector<128x128xi32>
    %and3A_683 = vector.broadcast %gt3A_672 : i1 to vector<128x128xi1>
    %and3A_684 = arith.andi %eq3A_682, %and3A_683 : vector<128x128xi1>
    %eq3A_685 = vector.broadcast %min3A_680 : i32 to vector<128x128xi32>
    %eq3A_686 = arith.cmpi eq, %add3A_98, %eq3A_685 : vector<128x128xi32>
    %and3A_687 = vector.broadcast %gt3A_672 : i1 to vector<128x128xi1>
    %and3A_688 = arith.andi %eq3A_686, %and3A_687 : vector<128x128xi1>
    %or3A_689 = arith.ori %or3A_666, %and3A_688 : vector<128x128xi1>
    %or3A_690 = arith.ori %or3A_667, %and3A_684 : vector<128x128xi1>
    %or3A_691 = arith.ori %or3A_668, %and3A_684 : vector<128x128xi1>
    %slice3A_692 = vector.extract_strided_slice %broadcast_in_dim3A_235 {offsets = [0, 19], sizes = [1, 1], strides = [1, 1]} : vector<1x32xi32> to vector<1x1xi32>
    %squeeze3A_693 = vector.extract %slice3A_692[0, 0] : i32 from vector<1x1xi32>
    %gt3A_694 = arith.constant 0 : i32
    %gt3A_695 = arith.cmpi sgt, %squeeze3A_693, %gt3A_694 : i32
    %slice3A_696 = vector.extract_strided_slice %broadcast_in_dim3A_237 {offsets = [0, 19], sizes = [1, 1], strides = [1, 1]} : vector<1x32xi32> to vector<1x1xi32>
    %squeeze3A_697 = vector.extract %slice3A_696[0, 0] : i32 from vector<1x1xi32>
    %min3A_698 = arith.constant 16383 : i32
    %min3A_699 = arith.minsi %squeeze3A_697, %min3A_698 : i32
    %slice3A_700 = vector.extract_strided_slice %select_n3A_246 {offsets = [0, 19], sizes = [1, 1], strides = [1, 1]} : vector<1x32xi32> to vector<1x1xi32>
    %squeeze3A_701 = vector.extract %slice3A_700[0, 0] : i32 from vector<1x1xi32>
    %min3A_702 = arith.constant 16383 : i32
    %min3A_703 = arith.minsi %squeeze3A_701, %min3A_702 : i32
    %eq3A_704 = vector.broadcast %min3A_699 : i32 to vector<128x128xi32>
    %eq3A_705 = arith.cmpi eq, %add3A_98, %eq3A_704 : vector<128x128xi32>
    %and3A_706 = vector.broadcast %gt3A_695 : i1 to vector<128x128xi1>
    %and3A_707 = arith.andi %eq3A_705, %and3A_706 : vector<128x128xi1>
    %eq3A_708 = vector.broadcast %min3A_703 : i32 to vector<128x128xi32>
    %eq3A_709 = arith.cmpi eq, %add3A_98, %eq3A_708 : vector<128x128xi32>
    %and3A_710 = vector.broadcast %gt3A_695 : i1 to vector<128x128xi1>
    %and3A_711 = arith.andi %eq3A_709, %and3A_710 : vector<128x128xi1>
    %or3A_712 = arith.ori %or3A_689, %and3A_711 : vector<128x128xi1>
    %or3A_713 = arith.ori %or3A_690, %and3A_707 : vector<128x128xi1>
    %or3A_714 = arith.ori %or3A_691, %and3A_707 : vector<128x128xi1>
    %slice3A_715 = vector.extract_strided_slice %broadcast_in_dim3A_235 {offsets = [0, 20], sizes = [1, 1], strides = [1, 1]} : vector<1x32xi32> to vector<1x1xi32>
    %squeeze3A_716 = vector.extract %slice3A_715[0, 0] : i32 from vector<1x1xi32>
    %gt3A_717 = arith.constant 0 : i32
    %gt3A_718 = arith.cmpi sgt, %squeeze3A_716, %gt3A_717 : i32
    %slice3A_719 = vector.extract_strided_slice %broadcast_in_dim3A_237 {offsets = [0, 20], sizes = [1, 1], strides = [1, 1]} : vector<1x32xi32> to vector<1x1xi32>
    %squeeze3A_720 = vector.extract %slice3A_719[0, 0] : i32 from vector<1x1xi32>
    %min3A_721 = arith.constant 16383 : i32
    %min3A_722 = arith.minsi %squeeze3A_720, %min3A_721 : i32
    %slice3A_723 = vector.extract_strided_slice %select_n3A_246 {offsets = [0, 20], sizes = [1, 1], strides = [1, 1]} : vector<1x32xi32> to vector<1x1xi32>
    %squeeze3A_724 = vector.extract %slice3A_723[0, 0] : i32 from vector<1x1xi32>
    %min3A_725 = arith.constant 16383 : i32
    %min3A_726 = arith.minsi %squeeze3A_724, %min3A_725 : i32
    %eq3A_727 = vector.broadcast %min3A_722 : i32 to vector<128x128xi32>
    %eq3A_728 = arith.cmpi eq, %add3A_98, %eq3A_727 : vector<128x128xi32>
    %and3A_729 = vector.broadcast %gt3A_718 : i1 to vector<128x128xi1>
    %and3A_730 = arith.andi %eq3A_728, %and3A_729 : vector<128x128xi1>
    %eq3A_731 = vector.broadcast %min3A_726 : i32 to vector<128x128xi32>
    %eq3A_732 = arith.cmpi eq, %add3A_98, %eq3A_731 : vector<128x128xi32>
    %and3A_733 = vector.broadcast %gt3A_718 : i1 to vector<128x128xi1>
    %and3A_734 = arith.andi %eq3A_732, %and3A_733 : vector<128x128xi1>
    %or3A_735 = arith.ori %or3A_712, %and3A_730 : vector<128x128xi1>
    %or3A_736 = arith.ori %or3A_713, %and3A_734 : vector<128x128xi1>
    %or3A_737 = arith.ori %or3A_714, %and3A_730 : vector<128x128xi1>
    %slice3A_738 = vector.extract_strided_slice %broadcast_in_dim3A_235 {offsets = [0, 21], sizes = [1, 1], strides = [1, 1]} : vector<1x32xi32> to vector<1x1xi32>
    %squeeze3A_739 = vector.extract %slice3A_738[0, 0] : i32 from vector<1x1xi32>
    %gt3A_740 = arith.constant 0 : i32
    %gt3A_741 = arith.cmpi sgt, %squeeze3A_739, %gt3A_740 : i32
    %slice3A_742 = vector.extract_strided_slice %broadcast_in_dim3A_237 {offsets = [0, 21], sizes = [1, 1], strides = [1, 1]} : vector<1x32xi32> to vector<1x1xi32>
    %squeeze3A_743 = vector.extract %slice3A_742[0, 0] : i32 from vector<1x1xi32>
    %min3A_744 = arith.constant 16383 : i32
    %min3A_745 = arith.minsi %squeeze3A_743, %min3A_744 : i32
    %slice3A_746 = vector.extract_strided_slice %select_n3A_246 {offsets = [0, 21], sizes = [1, 1], strides = [1, 1]} : vector<1x32xi32> to vector<1x1xi32>
    %squeeze3A_747 = vector.extract %slice3A_746[0, 0] : i32 from vector<1x1xi32>
    %min3A_748 = arith.constant 16383 : i32
    %min3A_749 = arith.minsi %squeeze3A_747, %min3A_748 : i32
    %eq3A_750 = vector.broadcast %min3A_745 : i32 to vector<128x128xi32>
    %eq3A_751 = arith.cmpi eq, %add3A_98, %eq3A_750 : vector<128x128xi32>
    %and3A_752 = vector.broadcast %gt3A_741 : i1 to vector<128x128xi1>
    %and3A_753 = arith.andi %eq3A_751, %and3A_752 : vector<128x128xi1>
    %eq3A_754 = vector.broadcast %min3A_749 : i32 to vector<128x128xi32>
    %eq3A_755 = arith.cmpi eq, %add3A_98, %eq3A_754 : vector<128x128xi32>
    %and3A_756 = vector.broadcast %gt3A_741 : i1 to vector<128x128xi1>
    %and3A_757 = arith.andi %eq3A_755, %and3A_756 : vector<128x128xi1>
    %or3A_758 = arith.ori %or3A_735, %and3A_757 : vector<128x128xi1>
    %or3A_759 = arith.ori %or3A_736, %and3A_753 : vector<128x128xi1>
    %or3A_760 = arith.ori %or3A_737, %and3A_753 : vector<128x128xi1>
    %broadcast_in_dim3A_761 = arith.constant 0.000000e+00 : f32
    %broadcast_in_dim3A_762 = vector.broadcast %broadcast_in_dim3A_761 : f32 to vector<128x128xf32>
    %select_n3A_763 = arith.select %or3A_758, %add3A_247, %broadcast_in_dim3A_762 : vector<128x128xi1>, vector<128x128xf32>
    %reduce_sum3A_764 = vector.shape_cast %select_n3A_763 : vector<128x128xf32> to vector<1x128x128xf32>
    %reduce_sum3A_765 = arith.constant dense<0.000000e+00> : vector<1xf32>
    %reduce_sum3A_766 = vector.multi_reduction <add>, %reduce_sum3A_764, %reduce_sum3A_765 [1, 2] : vector<1x128x128xf32> to vector<1xf32>
    %reduce_sum3A_767 = vector.shape_cast %reduce_sum3A_766 : vector<1xf32> to vector<1x1x1xf32>
    %reduce_sum3A_768 = vector.extract %reduce_sum3A_767[0, 0, 0] : f32 from vector<1x1x1xf32>
    %sub3A_769 = arith.subf %neg3A_227, %reduce_sum3A_768 : f32
    %select_n3A_770 = arith.select %or3A_759, %add3A_248, %broadcast_in_dim3A_762 : vector<128x128xi1>, vector<128x128xf32>
    %reduce_sum3A_771 = vector.shape_cast %select_n3A_770 : vector<128x128xf32> to vector<1x128x128xf32>
    %reduce_sum3A_772 = arith.constant dense<0.000000e+00> : vector<1xf32>
    %reduce_sum3A_773 = vector.multi_reduction <add>, %reduce_sum3A_771, %reduce_sum3A_772 [1, 2] : vector<1x128x128xf32> to vector<1xf32>
    %reduce_sum3A_774 = vector.shape_cast %reduce_sum3A_773 : vector<1xf32> to vector<1x1x1xf32>
    %reduce_sum3A_775 = vector.extract %reduce_sum3A_774[0, 0, 0] : f32 from vector<1x1x1xf32>
    %sub3A_776 = arith.subf %sub3A_769, %reduce_sum3A_775 : f32
    %select_n3A_777 = arith.select %or3A_760, %add3A_257, %broadcast_in_dim3A_762 : vector<128x128xi1>, vector<128x128xf32>
    %reduce_sum3A_778 = vector.shape_cast %select_n3A_777 : vector<128x128xf32> to vector<1x128x128xf32>
    %reduce_sum3A_779 = arith.constant dense<0.000000e+00> : vector<1xf32>
    %reduce_sum3A_780 = vector.multi_reduction <add>, %reduce_sum3A_778, %reduce_sum3A_779 [1, 2] : vector<1x128x128xf32> to vector<1xf32>
    %reduce_sum3A_781 = vector.shape_cast %reduce_sum3A_780 : vector<1xf32> to vector<1x1x1xf32>
    %reduce_sum3A_782 = vector.extract %reduce_sum3A_781[0, 0, 0] : f32 from vector<1x1x1xf32>
    %add3A_783 = arith.addf %sub3A_776, %reduce_sum3A_782 : f32
    %broadcast_in_dim3A_784 = vector.broadcast %add3A_783 : f32 to vector<1x1xf32>
    %swap3A = arith.constant 0 : index
    %swap3A_785 = arith.constant 0 : index
    %swap3A_786 = vector.load %arg14[%swap3A, %swap3A_785] : memref<1x1xf32, #tpu.memory_space<vmem>>, vector<1x1xf32>
    tpu.vector_store %arg14[%swap3A, %swap3A_785], %broadcast_in_dim3A_784 {strides = array<i32>} : memref<1x1xf32, #tpu.memory_space<vmem>>, vector<1x1xf32>,
    return
  }
}

</mosaic_0001>

<sc_bundles>
// kernel: kernel.4.cloned.1.call-start
scs
__scs_entry_jumppad:
0x0: {  	(pc) =	sbr.rel $0x88, $3  }
0x1: {  	(tag) =	ssettag $0x0;
	lr =	simm.s32 $0x1  }
0x2: {  	[smem:$0x3F9A] =	sst lr;
	_ =	strace $0xD0000000  }
0x3: {  	_ = 	snop  }
0x4: {  	_ = 	snop  }
0x5: {  	_ = 	snop  }
0x6: {  	_ = 	snop  }
0x7: {  	_ = 	snop  }
__scs_overlays_trampoline_lowered:
0x8: {  	[smem:$0x3FA9] =	sst s0  }
0x9: {  	[smem:$0x3FAA] =	sst s1  }
0xa: {  	[smem:$0x3FAB] =	sst s2  }
0xb: {  	[smem:$0x3FAC] =	sst s3  }
0xc: {  	[smem:$0x3FAD] =	sst s4  }
0xd: {  	[smem:$0x3FAE] =	sst s5  }
0xe: {  	[smem:$0x3FAF] =	sst s6  }
0xf: {  	[smem:$0x3FB0] =	sst s7  }
0x10: {  	[smem:$0x3FB1] =	sst s8  }
0x11: {  	[smem:$0x3FB2] =	sst s9;
	s0 =	simm.s32 @!p0 $0x0  }
0x12: {  	s1 =	sld [smem:$0x3F98];
	s0 =	simm.s32 @p0 $0x1  }
0x13: {  	[smem:$0x3FB3] =	sst s0;
	s0 =	simm.s32 @!p1 $0x0  }
0x14: {  	s2 =	sld [smem:$0x3F97];
	s0 =	simm.s32 @p1 $0x1  }
0x15: {  	[smem:$0x3FB4] =	sst s0;
	s0 =	simm.s32 @!p2 $0x0  }
0x16: {  	s3 =	sld [smem:$0x3FDB];
	s0 =	simm.s32 @p2 $0x1  }
0x17: {  	s4 =	simm.s32 $0x1BF5;
	[smem:$0x3FB6] =	sst s0  }
0x18: {  	s0 =	sld [smem:$0x3F99];
	_ =	swait.ge [sflag:s4], $0x0  }
0x19: {  	s7 =	sld [smem:$0x3F9A]  }
0x1a: {  	s8 =	sadd.s32 $0xFFFFE003, lr  }
0x1b: {  	s9 =	sadd.s32 $0xFFFFFEF7, lr;
	s5 =	simm.s32 $0xFFFFFFFF;
	p2 =	slt.u32 s8, $0xFFFFF086  }
0x1c: {  	p1 =	slt.u32 s9, $0xF7A;
	s5 =	simm.s32 @!p2 $0x0  }
0x1d: {  	s5 =	simm.s32 @p1 $0x1;
	p0 =	seq.s32 s7, s2  }
0x1e: {  	s7 =	smul.u32 @!p0 $0xF7A, s2;
	p2 =	seq.s32 @!p0 s5, $0x0  }
0x1f: {  	s9 =	smul.u32 $0xF7A, s1;
	s8 =	simm.s32 @!p0 $0x1BF5;
	p2 =	por !p2, p0  }
0x20: {  	[sflag:s8] =	ssyncset.s32 @!p0 $0xFFFFF086;
	s6 =	sadd.s32 @!p0 s3, s7;
	s7 =	simm.s32 @!p0 $0x108  }
0x21: {  	s3 =	sadd.s32 s3, s9;
	s6 =	sadd.s32 @!p0 $0x88, s6;
	s7 =	simm.s32 @p2 $0x1082  }
0x22: {  	[simem:s7], [sflag:s8] =	dma.local @!p0 [hbm:s6], $0xF7A  }
0x23: {  	s9 =	sor.u32 $0xD0000000, s2;
	s6 =	simm.s32 $0x108;
	_ =	swait.ge @!p0 [sflag:s8], $0x0  }
0x24: {  	s3 =	sadd.s32 $0x88, s3;
	s6 =	simm.s32 @!p1 $0x1082;
	[sflag:s4] =	ssyncset.s32 $0xFFFFF086  }
0x25: {  	[simem:s6], [sflag:s4] =	dma.local [hbm:s3], $0xF7A  }
0x26: {  	[smem:$0x3F9A] =	sst s1;
	(tag) =	ssettag s2;
	_ =	strace s9  }
0x27: {  	s1 =	sld [smem:$0x3FAA]  }
0x28: {  	s2 =	sld [smem:$0x3FAB]  }
0x29: {  	s4 =	sld [smem:$0x3FAD]  }
0x2a: {  	p0 =	seq.s32 s5, $0x0;
	s5 =	sld [smem:$0x3FAE]  }
0x2b: {  	s6 =	sld [smem:$0x3FAF]  }
0x2c: {  	s7 =	sld [smem:$0x3FB0]  }
0x2d: {  	s3 =	simm.s32 $0x108;
	s8 =	sld [smem:$0x3FB1]  }
0x2e: {  	s3 =	simm.s32 @!p0 $0x1082;
	s9 =	sld [smem:$0x3FB2]  }
0x2f: {  	lr =	sadd.s32 s0, s3;
	s0 =	sld [smem:$0x3FA9]  }
0x30: {  	s3 =	sld [smem:$0x3FAC]  }
0x31: {  	[smem:$0x3FB5] =	sst s10  }
0x32: {  	s10 =	sld [smem:$0x3FB3];
	_ =	sdelay $0x3  }
0x33: {  	p0 =	seq.s32 s10, $0x1;
	s10 =	sld [smem:$0x3FB5];
	_ =	sdelay $0x3  }
0x34: {  	[smem:$0x3FB5] =	sst s10  }
0x35: {  	s10 =	sld [smem:$0x3FB4];
	_ =	sdelay $0x3  }
0x36: {  	p1 =	seq.s32 s10, $0x1;
	s10 =	sld [smem:$0x3FB5];
	_ =	sdelay $0x3  }
0x37: {  	[smem:$0x3FB5] =	sst s10  }
0x38: {  	s10 =	sld [smem:$0x3FB6]  }
0x39: {  	_ = 	snop;
	(pc) =	sbr.ind lr, $3  }
0x3a: {  	_ = 	snop  }
0x3b: {  	_ = 	snop  }
0x3c: {  	p2 =	seq.s32 s10, $0x1;
	s10 =	sld [smem:$0x3FB5]  }
0x3d: {  	_ =	shalt  }
0x3e: {  	_ =	shalt  }
0x3f: {  	_ =	shalt  }
0x40: {  	_ =	shalt  }
0x41: {  	_ =	shalt  }
0x42: {  	_ =	shalt  }
0x43: {  	_ =	shalt  }
0x44: {  	_ =	shalt  }
0x45: {  	_ =	shalt  }
0x46: {  	_ =	shalt  }
0x47: {  	_ =	shalt  }
0x48: {  	_ =	shalt  }
0x49: {  	_ =	shalt  }
0x4a: {  	_ =	shalt  }
0x4b: {  	_ =	shalt  }
0x4c: {  	_ =	shalt  }
0x4d: {  	_ =	shalt  }
0x4e: {  	_ =	shalt  }
0x4f: {  	_ =	shalt  }
0x50: {  	_ =	shalt  }
0x51: {  	_ =	shalt  }
0x52: {  	_ =	shalt  }
0x53: {  	_ =	shalt  }
0x54: {  	_ =	shalt  }
0x55: {  	_ =	shalt  }
0x56: {  	_ =	shalt  }
0x57: {  	_ =	shalt  }
0x58: {  	_ =	shalt  }
0x59: {  	_ =	shalt  }
0x5a: {  	_ =	shalt  }
0x5b: {  	_ =	shalt  }
0x5c: {  	_ =	shalt  }
0x5d: {  	_ =	shalt  }
0x5e: {  	_ =	shalt  }
0x5f: {  	_ =	shalt  }
0x60: {  	_ =	shalt  }
0x61: {  	_ =	shalt  }
0x62: {  	_ =	shalt  }
0x63: {  	_ =	shalt  }
0x64: {  	_ =	shalt  }
0x65: {  	_ =	shalt  }
0x66: {  	_ =	shalt  }
0x67: {  	_ =	shalt  }
0x68: {  	_ =	shalt  }
0x69: {  	_ =	shalt  }
0x6a: {  	_ =	shalt  }
0x6b: {  	_ =	shalt  }
0x6c: {  	_ =	shalt  }
0x6d: {  	_ =	shalt  }
0x6e: {  	_ =	shalt  }
0x6f: {  	_ =	shalt  }
0x70: {  	_ =	shalt  }
0x71: {  	_ =	shalt  }
0x72: {  	_ =	shalt  }
0x73: {  	_ =	shalt  }
0x74: {  	_ =	shalt  }
0x75: {  	_ =	shalt  }
0x76: {  	_ =	shalt  }
0x77: {  	_ =	shalt  }
0x78: {  	_ =	shalt  }
0x79: {  	_ =	shalt  }
0x7a: {  	_ =	shalt  }
0x7b: {  	_ =	shalt  }
0x7c: {  	_ =	shalt  }
0x7d: {  	_ =	shalt  }
0x7e: {  	_ =	shalt  }
0x7f: {  	_ =	shalt  }
0x80: {  	_ =	shalt  }
0x81: {  	_ =	shalt  }
0x82: {  	_ =	shalt  }
0x83: {  	_ =	shalt  }
0x84: {  	_ =	shalt  }
0x85: {  	_ =	shalt  }
0x86: {  	_ =	shalt  }
0x87: {  	_ =	shalt  }
.Lfunc_end0:
.L_simem_size_0:
called_computation_lowered:
.L_overlay_start_0:
0x88: {  	s2 =	sld [smem:$0x3FD9]  }
0x89: {  	s3 =	sld [smem:$0x3FFE];
	_ =	sdelay $0x1  }
0x8a: {  	s1 =	srdreg.scid  }
0x8b: {  	s0 =	sand.u32 $0x1, s1  }
0x8c: {  	s16 =	sshll.u32 s0, $0xA;
	s2 =	sadd.s32 s3, s2  }
0x8d: {  	s2 =	sadd.s32 s2, s16  }
0x8e: {  	[smem:$0x3FC1] =	sst s2  }
0x8f: {  	_ = 	snop  }
0x90: {  	(tm) =	ssettm $0x1  }
0x91: {  	s17 =	sld [smem:$0x3FFB];
	_ =	sdelay $0x3  }
0x92: {  	_ =	strace s17  }
0x93: {  	s2 =	sld [smem:$0x3FFC];
	_ =	sdelay $0x3  }
0x94: {  	_ =	strace s2  }
0x95: {  	s2 =	sld [smem:$0x3FFD];
	_ =	sdelay $0x3  }
0x96: {  	_ =	strace s2  }
0x97: {  	_ =	strace $0x8FFFFFFF  }
0x98: {  	s18 =	sld [smem:$0x3FDB];
	_ =	sdelay $0x1  }
0x99: {  	s19 =	simm.s32 $_scs_section_size  }
0x9a: {  	s4 =	simm.s32 $_size__tile_overlayer_lowered;
	s5 =	simm.s32 $_tile_overlayer_lowered  }
0x9b: {  	s22 =	simm.s32 $0x1BFF;
	s21 =	sshll.u32 s5, $0x1;
	s2 =	sadd.s32 s19, s18  }
0x9c: {  	s6 =	simm.s32 $0x0;
	s20 =	sshll.u32 s4, $0x1;
	s4 =	sadd.s32 s21, s2  }
0x9d: {  	[timem:s6], [sflag:s22] =	dma.local [hbm:s4], s20  }
0x9e: {  	_ =	swait.ge [sflag:s22], s20  }
0x9f: {  	s3 =	ssub.s32 $0x0, s20;
	[sflag:s22] =	ssyncset.done $0x0  }
0xa0: {  	[sflag:s22] =	ssyncadd.s32 s3;
	_ =	sdelay $0x1  }
0xa1: {  	s23 =	simm.s32 $0x1B8B  }
0xa2: {  	_ =	swait.ge [sflag:s23], $0x1  }
0xa3: {  	[sflag:s23] =	ssyncset.done $0x0  }
0xa4: {  	s25 =	simm.s32 $0x1B8E;
	s24 =	sld [smem:$0x3FFE];
	[sflag:s23] =	ssyncadd.s32 $0xFFFFFFFF  }
0xa5: {  	s26 =	simm.s32 $execute0_lowered;
	[smem:$0x3FD2] =	sst s25  }
0xa6: {  	s4 =	sshll.u32 s26, $0x1;
	_ =	strace $0x80000046;
	[dreg:$0x1] =	wrdreg $0xFFFFFFFF  }
0xa7: {  	s28 =	simm.s32 $_size_execute0_lowered;
	s2 =	sadd.s32 s2, s4;
	[dreg:$0x0] =	wrdreg $0x0  }
0xa8: {  	s4 =	sshll.u32 s28, $0x1;
	[dreg:$0x2] =	wrdreg s2  }
0xa9: {  	[dreg:$0x3] =	wrdreg s4  }
0xaa: {  	[dreg:$0x4] =	wrdreg $0xC0  }
0xab: {  	_ =	task [dreg:s6], $0x5FFFF  }
0xac: {  	[dreg:$0x1] =	wrdreg $0xFFFFFFFF  }
0xad: {  	[dreg:$0x0] =	wrdreg $0x60  }
0xae: {  	[dreg:$0x2] =	wrdreg s24  }
0xaf: {  	[dreg:$0x3] =	wrdreg $0x9  }
0xb0: {  	_ =	task.clear_ibuf [dreg:s6], $0x4FFFF;
	_ =	strace $0x90000046  }
0xb1: {  	s29 =	simm.s32 $0x9;
	_ =	strace $0x80000048  }
0xb2: {  	_ =	swait.ge [sflag:s29], $0x1  }
0xb3: {  	[sflag:s29] =	ssyncadd.s32 $0xFFFFFFFF  }
0xb4: {  	_ =	strace $0x90000048  }
0xb5: {  	_ =	sfence  }
0xb6: {  	s30 =	sld [smem:$0x0];
	_ =	sdelay $0x2  }
0xb7: {  	s31 =	sshll.u32 s1, $0xD;
	s1 =	sshrl.u32 s1, $0x2  }
0xb8: {  	s3 =	sand.u32 $0x4000, s31;
	s1 =	sadd.s32 s1, s30  }
0xb9: {  	s0 =	sor.u32 s3, s0;
	s1 =	sshll.u32 s1, $0x11  }
0xba: {  	s0 =	sor.u32 s1, s0  }
0xbb: {  	s0 =	sadd.s32 $0x8F2B, s0  }
0xbc: {  	[sflag:s0] =	ssyncadd.remote.s32 $0x1  }
0xbd: {  	_ =	sfence.sel $0xFFFF  }
0xbe: {  	[dreg:$0x0] =	wrdreg $0xFFFFFFFF;
	(pc) =	sbr.abs _section_cstart, $3  }
0xbf: {  	[dreg:$0x1] =	wrdreg $0xFFFFFFFF  }
0xc0: {  	_ =	task.clear_ibuf [dreg:s6], $0x2FFFF;
	_ =	strace $0x9FFFFFFF  }
0xc1: {  	(tm) =	ssettm $0x7FFFFFFF  }
tec
execute0_lowered:
.L_overlay_start_1:
0x0: {  	(tag) =	ssettag $0x1  }
0x1: {  	s0 =	srdreg.scid  }
0x2: {  	s0 =	sand.u32 $0x1, s0  }
0x3: {  	s4 =	stileid.u32;
	s1 =	sshll.u32 s0, $0x4  }
0x4: {  	s1 =	sor.u32 s4, s1  }
0x5: {  	s2 =	rddreg [dreg:$0x0];
	s4 =	sshll.u32 s4, $0x7;
	s3 =	sshll.u32 s1, $0x7  }
0x6: {  	s0 =	ssub.s32 $0x2, s0;
	s4 =	sand.u32 $0x380, s4;
	s5 =	sand.u32 $0xC00, s3  }
0x7: {  	s6 =	simm.s32 $0x0;
	s29 =	sshrl.u32 s0, $0x1;
	s4 =	sor.u32 s4, s5  }
0x8: {  	v0 =	vlaneseq.u32;
	v2 =	vimm.s32 $0x0;
	[smem:$0x7FF] =	sst s6;
	s0 =	ssub.s32 s0, s29;
	s4 =	sshrl.u32 s4, $0x3  }
0x9: {  	vm9 =	vcmask $0x2724;
	vm10 =	vcmask $0x2B28;
	vm11 =	vcmask $0x2F2C;
	_ =	strace $0x80000047;
	s0 =	smax.u32 s0, $0x1;
	s4 =	sadd.s32 s4, s2  }
0xa: {  	vm12 =	vcmask $0x3330;
	vm13 =	vcmask $0x3734;
	vm14 =	vcmask $0x3B38;
	[dreg:$0x4] =	wrdreg s0;
	s2 =	sadd.s32 s3, s2;
	s30 =	sadd.s32 $0x1000, s4  }
0xb: {  	vm4 =	vcmask $0xF0C;
	vm5 =	vcmask $0x1310;
	vm6 =	vcmask $0x1714;
	s31 =	sadd.s32 $0x1200, s2;
	[dreg:$0x2] =	wrdreg s30  }
0xc: {  	vm7 =	vcmask $0x1B18;
	vm8 =	vcmask $0x1F1C;
	v1 =	vmul.u32 $0x4, v0;
	s25 =	sshll.u32 s1, $0x9;
	s2 =	simm.s32 $0x0;
	[dreg:$0x3] =	wrdreg s31  }
.LBB2_1:
0xd: {  	[dreg:$0x5] =	wrdreg s2  }
0xe: {  	s0 =	rddreg [dreg:$0x2];
	s29 =	simm.s32 $0x1  }
0xf: {  	[tilespmem:s6], [sflag:$0x1] =	stream.linear.gather [hbm4b:s0+s6], $0x80, $0x38;
	[tilespmem:$0x680] =	vst v63  }
0x10: {  	_ =	swait.ge [sflag:s29], $0x80  }
0x11: {  	[sflag:s29] =	ssyncset.done $0x0  }
0x12: {  	s30 =	simm.s32 $0x0;
	[sflag:s29] =	ssyncadd.s32 $0xFFFFFF80  }
0x13: {  	v0 =	vld [tilespmem:s30+$0x0];
	_ =	sdelay $0x4  }
0x14: {  	v3 =	vshrl.u32 v0, $0x2;
	v4 =	vshrl.u32 v0, $0x3  }
0x15: {  	v5 =	vshrl.u32 v0, $0x5;
	v6 =	vand.u32 $0x1, v0;
	v7 =	vshrl.u32 v0, $0x1  }
0x16: {  	v8 =	vshrl.u32 v0, $0x4;
	v25 =	vshrl.u32 v0, $0xA;
	v26 =	vshrl.u32 v0, $0x8  }
0x17: {  	v27 =	vshrl.u32 v0, $0xB;
	v28 =	vshrl.u32 v0, $0xC;
	v31 =	vshrl.u32 v0, $0x9  }
0x18: {  	v32 =	vshrl.u32 v0, $0xD;
	v39 =	vshrl.u32 v0, $0x12;
	v40 =	vshrl.u32 v0, $0x10  }
0x19: {  	v41 =	vshrl.u32 v0, $0x13;
	v42 =	vshrl.u32 v0, $0x14;
	v45 =	vshrl.u32 v0, $0x11  }
0x1a: {  	v46 =	vshrl.u32 v0, $0x15;
	v53 =	vshrl.u32 v0, $0x1A;
	v54 =	vshrl.u32 v0, $0x18  }
0x1b: {  	v55 =	vshrl.u32 v0, $0x1B;
	v56 =	vshrl.u32 v0, $0x1C;
	v61 =	vshrl.u32 v0, $0x19  }
0x1c: {  	v0 =	vshrl.u32 v0, $0x1D;
	v3 =	vand.u32 $0x1, v3;
	v4 =	vand.u32 $0x1, v4  }
0x1d: {  	v5 =	vand.u32 $0x1, v5;
	v7 =	vand.u32 $0x1, v7;
	v9 =	vand.u32 $0x1, v8  }
0x1e: {  	v8 =	vand.u32 $0x4, v8;
	v10 =	vmul.u32 $0x3FFFFFD, v6;
	v30 =	vand.u32 $0x1, v28  }
0x1f: {  	v44 =	vand.u32 $0x1, v42;
	v58 =	vand.u32 $0x1, v56;
	v0 =	vand.u32 $0x1, v0  }
0x20: {  	v11 =	vshll.u32 v4, $0x1;
	v12 =	vshll.u32 v5, $0x1;
	v4 =	vmul.u32 v4, v3  }
0x21: {  	v13 =	vor.u32 $0x3, v8;
	v5 =	vmul.u32 v5, v9;
	v6 =	vmul.u32 v7, v6  }
0x22: {  	v7 =	vshll.u32 v7, $0x1;
	v3 =	vmul.u32 $0x1FFFFFFD, v3;
	v9 =	vmul.u32 $0xFFFFFFFD, v9  }
0x23: {  	v14 =	vmul.u32 $0xFFFFFFFD, v30;
	v48 =	vmul.u32 $0xFFFFFFFD, v44;
	v60 =	vmul.u32 $0xFFFFFFFD, v58  }
0x24: {  	v8 =	vadd.s32 v8, v10;
	v4 =	vshll.u32 v4, $0x2;
	v6 =	vshll.u32 v6, $0x2  }
0x25: {  	v7 =	vsub.s32 v8, v7;
	v5 =	vshll.u32 v5, $0x2;
	v3 =	vadd.s32 v3, v13  }
0x26: {  	v23 =	vadd.s32 v9, v13;
	v8 =	vand.u32 $0x4, v28;
	v6 =	vadd.s32 v6, v7  }
0x27: {  	v3 =	vsub.s32 v3, v11;
	v7 =	vsub.s32 v23, v12;
	v8 =	vor.u32 $0x3, v8  }
0x28: {  	v11 =	vand.u32 $0x1, v31;
	v12 =	vand.u32 $0x1, v32;
	v6 =	vadd.s32 $0x3, v6  }
0x29: {  	v3 =	vadd.s32 v4, v3;
	v5 =	vadd.s32 v5, v7;
	v7 =	vand.u32 $0x1, v27  }
0x2a: {  	v34 =	vmul.u32 v12, v30;
	v35 =	vshll.u32 v11, $0x1;
	v36 =	vshll.u32 v12, $0x1  }
0x2b: {  	v12 =	vand.u32 $0x1, v46;
	v24 =	vshll.u32 v6, $0x6;
	v3 =	vshll.u32 v3, $0x3  }
0x2c: {  	v6 =	vand.u32 $0x1, v25;
	v49 =	vmul.u32 v12, v44;
	v51 =	vshll.u32 v12, $0x1  }
0x2d: {  	v12 =	vmul.u32 v0, v58;
	v0 =	vshll.u32 v0, $0x1;
	v4 =	vadd.s32 v24, v5  }
0x2e: {  	v29 =	vmul.u32 $0x1FFFFFFD, v6;
	v5 =	vand.u32 $0x1, v26;
	v6 =	vmul.u32 v7, v6  }
0x2f: {  	v7 =	vshll.u32 v7, $0x1;
	v33 =	vmul.u32 $0x3FFFFFD, v5;
	v5 =	vmul.u32 v11, v5  }
0x30: {  	v3 =	vadd.s32 v3, v4;
	v11 =	vand.u32 $0x1, v45;
	v52 =	vshll.u32 v49, $0x2  }
0x31: {  	v62 =	vshll.u32 v12, $0x2;
	v9 =	vadd.s32 v29, v8;
	v6 =	vshll.u32 v6, $0x2  }
0x32: {  	v50 =	vshll.u32 v11, $0x1;
	v13 =	vadd.s32 v33, v8;
	v7 =	vsub.s32 v9, v7  }
0x33: {  	v8 =	vadd.s32 v14, v8;
	v5 =	vshll.u32 v5, $0x2;
	v9 =	vshll.u32 v34, $0x2  }
0x34: {  	v10 =	vsub.s32 v13, v35;
	v6 =	vadd.s32 v6, v7;
	v7 =	vsub.s32 v8, v36  }
0x35: {  	v8 =	vand.u32 $0x4, v42;
	v5 =	vadd.s32 v5, v10;
	v6 =	vshll.u32 v6, $0x3  }
0x36: {  	v7 =	vadd.s32 v9, v7;
	v8 =	vor.u32 $0x3, v8;
	v37 =	vshll.u32 v5, $0x6  }
0x37: {  	v38 =	vadd.s32 v6, v7;
	v6 =	vand.u32 $0x1, v39;
	v5 =	vand.u32 $0x1, v40  }
0x38: {  	v7 =	vand.u32 $0x1, v41;
	v43 =	vmul.u32 $0x1FFFFFFD, v6;
	v47 =	vmul.u32 $0x3FFFFFD, v5  }
0x39: {  	v4 =	vadd.s32 v37, v38;
	v6 =	vmul.u32 v7, v6;
	v7 =	vshll.u32 v7, $0x1  }
0x3a: {  	v5 =	vmul.u32 v11, v5;
	v9 =	vadd.s32 v43, v8;
	v13 =	vadd.s32 v47, v8  }
0x3b: {  	v6 =	vshll.u32 v6, $0x2;
	v8 =	vadd.s32 v48, v8;
	v7 =	vsub.s32 v9, v7  }
0x3c: {  	v5 =	vshll.u32 v5, $0x2;
	v8 =	vsub.s32 v8, v51;
	v6 =	vadd.s32 v6, v7  }
0x3d: {  	v10 =	vsub.s32 v13, v50;
	v7 =	vadd.s32 v52, v8;
	v6 =	vshll.u32 v6, $0x3  }
0x3e: {  	v5 =	vadd.s32 v5, v10;
	v6 =	vadd.s32 v6, v7;
	v7 =	vand.u32 $0x1, v53  }
0x3f: {  	v8 =	vand.u32 $0x1, v54;
	v10 =	vand.u32 $0x4, v56;
	v57 =	vmul.u32 $0x1FFFFFFD, v7  }
0x40: {  	v9 =	vand.u32 $0x1, v55;
	v59 =	vmul.u32 $0x3FFFFFD, v8;
	v10 =	vor.u32 $0x3, v10  }
0x41: {  	v7 =	vmul.u32 v9, v7;
	v9 =	vshll.u32 v9, $0x1;
	v11 =	vadd.s32 v57, v10  }
0x42: {  	v5 =	vshll.u32 v5, $0x6;
	v9 =	vsub.s32 v11, v9;
	v11 =	vand.u32 $0x1, v61  }
0x43: {  	v13 =	vadd.s32 v59, v10;
	v10 =	vadd.s32 v60, v10;
	v8 =	vmul.u32 v11, v8  }
0x44: {  	v7 =	vshll.u32 v7, $0x2;
	v0 =	vsub.s32 v10, v0;
	v11 =	vshll.u32 v11, $0x1  }
0x45: {  	s11 =	simm.s32 $0xA0;
	v7 =	vadd.s32 v7, v9;
	v11 =	vsub.s32 v13, v11;
	v8 =	vshll.u32 v8, $0x2  }
0x46: {  	[tilespmem:s11+$0xFFFFFFE0] =	vst v3;
	v0 =	vadd.s32 v62, v0;
	v7 =	vshll.u32 v7, $0x3;
	v3 =	vadd.s32 v8, v11  }
0x47: {  	[tilespmem:s11+$0xFFFFFFF0] =	vst v4;
	v63 =	vadd.s32 v5, v6;
	v0 =	vadd.s32 v7, v0;
	v3 =	vshll.u32 v3, $0x6  }
0x48: {  	[tilespmem:s11+$0x0] =	vst v63;
	v0 =	vadd.s32 v3, v0  }
0x49: {  	s31 =	simm.s32 $0x10;
	[tilespmem:s11+$0x10] =	vst v0  }
0x4a: {  	v0 =	vld [tilespmem:s31+$0x0];
	_ =	sdelay $0x2  }
0x4b: {  	s0 =	simm.s32 $0x80  }
.LBB2_2:
0x4c: {  	p0 =	sne.s32 s0, $0x1C0  }
0x4d: {  	v3 =	vshrl.u32 v0, $0x2;
	v4 =	vshrl.u32 v0, $0x3;
	v5 =	vshrl.u32 v0, $0x5  }
0x4e: {  	v6 =	vand.u32 $0x1, v0;
	v7 =	vshrl.u32 v0, $0x1;
	v8 =	vshrl.u32 v0, $0x4  }
0x4f: {  	v3 =	vand.u32 $0x1, v3;
	v4 =	vand.u32 $0x1, v4;
	v5 =	vand.u32 $0x1, v5  }
0x50: {  	v7 =	vand.u32 $0x1, v7;
	v9 =	vand.u32 $0x1, v8;
	v8 =	vand.u32 $0x4, v8  }
0x51: {  	v10 =	vmul.u32 $0x3FFFFFD, v6;
	v11 =	vshll.u32 v4, $0x1;
	v12 =	vshll.u32 v5, $0x1  }
0x52: {  	v4 =	vmul.u32 v4, v3;
	v13 =	vor.u32 $0x3, v8;
	v5 =	vmul.u32 v5, v9  }
0x53: {  	v6 =	vmul.u32 v7, v6;
	v7 =	vshll.u32 v7, $0x1;
	v3 =	vmul.u32 $0x1FFFFFFD, v3  }
0x54: {  	v9 =	vmul.u32 $0xFFFFFFFD, v9;
	v8 =	vadd.s32 v8, v10;
	v4 =	vshll.u32 v4, $0x2  }
0x55: {  	v6 =	vshll.u32 v6, $0x2;
	v7 =	vsub.s32 v8, v7;
	v5 =	vshll.u32 v5, $0x2  }
0x56: {  	v3 =	vadd.s32 v3, v13;
	v6 =	vadd.s32 v6, v7;
	v7 =	vadd.s32 v9, v13  }
0x57: {  	v3 =	vsub.s32 v3, v11;
	v6 =	vadd.s32 $0x3, v6;
	v7 =	vsub.s32 v7, v12  }
0x58: {  	v3 =	vadd.s32 v4, v3;
	v4 =	vshll.u32 v6, $0x6;
	v5 =	vadd.s32 v5, v7  }
0x59: {  	v3 =	vshll.u32 v3, $0x3;
	v4 =	vadd.s32 v4, v5;
	v5 =	vshrl.u32 v0, $0xA  }
0x5a: {  	s11 =	sadd.s32 $0x40, s11;
	v3 =	vadd.s32 v3, v4;
	v4 =	vshrl.u32 v0, $0x8;
	v5 =	vand.u32 $0x1, v5  }
0x5b: {  	v6 =	vshrl.u32 v0, $0xC;
	v7 =	vmul.u32 $0x1FFFFFFD, v5;
	[tilespmem:s11+$0xFFFFFFE0] =	vst v3;
	v3 =	vshrl.u32 v0, $0xB  }
0x5c: {  	v8 =	vand.u32 $0x1, v6;
	v4 =	vand.u32 $0x1, v4;
	v3 =	vand.u32 $0x1, v3  }
0x5d: {  	v10 =	vshrl.u32 v0, $0xD;
	v9 =	vshrl.u32 v0, $0x9;
	v6 =	vand.u32 $0x4, v6  }
0x5e: {  	v6 =	vor.u32 $0x3, v6;
	v11 =	vmul.u32 $0x3FFFFFD, v4;
	v5 =	vmul.u32 v3, v5  }
0x5f: {  	v10 =	vand.u32 $0x1, v10;
	v9 =	vand.u32 $0x1, v9;
	v12 =	vmul.u32 $0xFFFFFFFD, v8  }
0x60: {  	v4 =	vmul.u32 v9, v4;
	v7 =	vadd.s32 v7, v6;
	v3 =	vshll.u32 v3, $0x1  }
0x61: {  	v11 =	vadd.s32 v11, v6;
	v3 =	vsub.s32 v7, v3;
	v7 =	vmul.u32 v10, v8  }
0x62: {  	v6 =	vadd.s32 v12, v6;
	v8 =	vshll.u32 v9, $0x1;
	v5 =	vshll.u32 v5, $0x2  }
0x63: {  	v8 =	vsub.s32 v11, v8;
	v3 =	vadd.s32 v5, v3;
	v5 =	vshll.u32 v10, $0x1  }
0x64: {  	v4 =	vshll.u32 v4, $0x2;
	v7 =	vshll.u32 v7, $0x2;
	v5 =	vsub.s32 v6, v5  }
0x65: {  	v4 =	vadd.s32 v4, v8;
	v3 =	vshll.u32 v3, $0x3;
	v5 =	vadd.s32 v7, v5  }
0x66: {  	v4 =	vshll.u32 v4, $0x6;
	v3 =	vadd.s32 v3, v5;
	v5 =	vshrl.u32 v0, $0x12  }
0x67: {  	v3 =	vadd.s32 v4, v3;
	v4 =	vshrl.u32 v0, $0x10;
	v5 =	vand.u32 $0x1, v5  }
0x68: {  	v6 =	vshrl.u32 v0, $0x14;
	v7 =	vmul.u32 $0x1FFFFFFD, v5;
	[tilespmem:s11+$0xFFFFFFF0] =	vst v3;
	v3 =	vshrl.u32 v0, $0x13  }
0x69: {  	v8 =	vand.u32 $0x1, v6;
	v4 =	vand.u32 $0x1, v4;
	v3 =	vand.u32 $0x1, v3  }
0x6a: {  	v9 =	vshrl.u32 v0, $0x11;
	v10 =	vshrl.u32 v0, $0x15;
	v6 =	vand.u32 $0x4, v6  }
0x6b: {  	v6 =	vor.u32 $0x3, v6;
	v11 =	vmul.u32 $0x3FFFFFD, v4;
	v5 =	vmul.u32 v3, v5  }
0x6c: {  	v9 =	vand.u32 $0x1, v9;
	v10 =	vand.u32 $0x1, v10;
	v12 =	vmul.u32 $0xFFFFFFFD, v8  }
0x6d: {  	v4 =	vmul.u32 v9, v4;
	v7 =	vadd.s32 v7, v6;
	v3 =	vshll.u32 v3, $0x1  }
0x6e: {  	v11 =	vadd.s32 v11, v6;
	v3 =	vsub.s32 v7, v3;
	v7 =	vmul.u32 v10, v8  }
0x6f: {  	v6 =	vadd.s32 v12, v6;
	v8 =	vshll.u32 v9, $0x1;
	v5 =	vshll.u32 v5, $0x2  }
0x70: {  	v8 =	vsub.s32 v11, v8;
	v3 =	vadd.s32 v5, v3;
	v5 =	vshll.u32 v10, $0x1  }
0x71: {  	v4 =	vshll.u32 v4, $0x2;
	v7 =	vshll.u32 v7, $0x2;
	v5 =	vsub.s32 v6, v5  }
0x72: {  	v4 =	vadd.s32 v4, v8;
	v3 =	vshll.u32 v3, $0x3;
	v5 =	vadd.s32 v7, v5  }
0x73: {  	v4 =	vshll.u32 v4, $0x6;
	v3 =	vadd.s32 v3, v5;
	v5 =	vshrl.u32 v0, $0x1A  }
0x74: {  	v3 =	vadd.s32 v4, v3;
	v4 =	vshrl.u32 v0, $0x18;
	v5 =	vand.u32 $0x1, v5  }
0x75: {  	v6 =	vshrl.u32 v0, $0x1C;
	v7 =	vmul.u32 $0x1FFFFFFD, v5;
	[tilespmem:s11+$0x0] =	vst v3;
	v3 =	vshrl.u32 v0, $0x1B  }
0x76: {  	v8 =	vand.u32 $0x1, v6;
	v4 =	vand.u32 $0x1, v4;
	v3 =	vand.u32 $0x1, v3  }
0x77: {  	v9 =	vshrl.u32 v0, $0x19;
	v6 =	vand.u32 $0x4, v6;
	v0 =	vshrl.u32 v0, $0x1D  }
0x78: {  	v6 =	vor.u32 $0x3, v6;
	v10 =	vmul.u32 $0x3FFFFFD, v4;
	v5 =	vmul.u32 v3, v5  }
0x79: {  	v9 =	vand.u32 $0x1, v9;
	v11 =	vmul.u32 $0xFFFFFFFD, v8;
	v0 =	vand.u32 $0x1, v0  }
0x7a: {  	v4 =	vmul.u32 v9, v4;
	v7 =	vadd.s32 v7, v6;
	v3 =	vshll.u32 v3, $0x1  }
0x7b: {  	v10 =	vadd.s32 v10, v6;
	v3 =	vsub.s32 v7, v3;
	v7 =	vmul.u32 v0, v8  }
0x7c: {  	v6 =	vadd.s32 v11, v6;
	v8 =	vshll.u32 v9, $0x1;
	v5 =	vshll.u32 v5, $0x2  }
0x7d: {  	v0 =	vshll.u32 v0, $0x1;
	v8 =	vsub.s32 v10, v8;
	v3 =	vadd.s32 v5, v3  }
0x7e: {  	v4 =	vshll.u32 v4, $0x2;
	v0 =	vsub.s32 v6, v0;
	v5 =	vshll.u32 v7, $0x2  }
0x7f: {  	v4 =	vadd.s32 v4, v8;
	v3 =	vshll.u32 v3, $0x3;
	v0 =	vadd.s32 v5, v0  }
0x80: {  	v4 =	vshll.u32 v4, $0x6;
	v0 =	vadd.s32 v3, v0  }
0x81: {  	v0 =	vadd.s32 v4, v0  }
.Ltmp0:
0x82: {  	s1 =	sshra.s32 s0, $0x2;
	[tilespmem:s11+$0x10] =	vst v0;
	(pc) =	sbr.rel @p0 .LBB2_2-.Ltmp0, $2  }
0x83: {  	v0 =	vld [tilespmem:s1+$0x0];
	_ =	sdelay $0x2  }
0x84: {  	s0 =	sadd.s32 $0x40, s0  }
0x85: {  	_ = 	snop  }
0x86: {  	v3 =	vshrl.u32 v0, $0x2;
	v4 =	vshrl.u32 v0, $0x3  }
0x87: {  	v5 =	vshrl.u32 v0, $0x5;
	v6 =	vand.u32 $0x1, v0;
	v7 =	vshrl.u32 v0, $0x1  }
0x88: {  	v8 =	vshrl.u32 v0, $0x4;
	v3 =	vand.u32 $0x1, v3;
	v4 =	vand.u32 $0x1, v4  }
0x89: {  	v5 =	vand.u32 $0x1, v5;
	v7 =	vand.u32 $0x1, v7;
	v9 =	vand.u32 $0x1, v8  }
0x8a: {  	v8 =	vand.u32 $0x4, v8;
	v10 =	vmul.u32 $0x3FFFFFD, v6;
	v11 =	vshll.u32 v4, $0x1  }
0x8b: {  	v12 =	vshll.u32 v5, $0x1;
	v4 =	vmul.u32 v4, v3;
	v13 =	vor.u32 $0x3, v8  }
0x8c: {  	v5 =	vmul.u32 v5, v9;
	v6 =	vmul.u32 v7, v6;
	v7 =	vshll.u32 v7, $0x1  }
0x8d: {  	v3 =	vmul.u32 $0x1FFFFFFD, v3;
	v9 =	vmul.u32 $0xFFFFFFFD, v9;
	v8 =	vadd.s32 v8, v10  }
0x8e: {  	v4 =	vshll.u32 v4, $0x2;
	v6 =	vshll.u32 v6, $0x2;
	v7 =	vsub.s32 v8, v7  }
0x8f: {  	v5 =	vshll.u32 v5, $0x2;
	v3 =	vadd.s32 v3, v13;
	v8 =	vshrl.u32 v0, $0xC  }
0x90: {  	v6 =	vadd.s32 v6, v7;
	v7 =	vadd.s32 v9, v13;
	v3 =	vsub.s32 v3, v11  }
0x91: {  	v10 =	vand.u32 $0x1, v8;
	v11 =	vshrl.u32 v0, $0x9;
	v8 =	vand.u32 $0x4, v8  }
0x92: {  	v6 =	vadd.s32 $0x3, v6;
	v7 =	vsub.s32 v7, v12;
	v3 =	vadd.s32 v4, v3  }
0x93: {  	v12 =	vshrl.u32 v0, $0xD;
	v8 =	vor.u32 $0x3, v8;
	v11 =	vand.u32 $0x1, v11  }
0x94: {  	v14 =	vmul.u32 $0xFFFFFFFD, v10;
	v4 =	vshll.u32 v6, $0x6;
	v5 =	vadd.s32 v5, v7  }
0x95: {  	v3 =	vshll.u32 v3, $0x3;
	v6 =	vshrl.u32 v0, $0xA;
	v7 =	vshrl.u32 v0, $0xB  }
0x96: {  	v12 =	vand.u32 $0x1, v12;
	v4 =	vadd.s32 v4, v5;
	v5 =	vshrl.u32 v0, $0x8  }
0x97: {  	v6 =	vand.u32 $0x1, v6;
	v7 =	vand.u32 $0x1, v7;
	v5 =	vand.u32 $0x1, v5  }
0x98: {  	v9 =	vmul.u32 $0x1FFFFFFD, v6;
	v6 =	vmul.u32 v7, v6;
	v13 =	vmul.u32 $0x3FFFFFD, v5  }
0x99: {  	v7 =	vshll.u32 v7, $0x1;
	v3 =	vadd.s32 v3, v4;
	v5 =	vmul.u32 v11, v5  }
0x9a: {  	v9 =	vadd.s32 v9, v8;
	v6 =	vshll.u32 v6, $0x2;
	v13 =	vadd.s32 v13, v8  }
0x9b: {  	v7 =	vsub.s32 v9, v7;
	v9 =	vmul.u32 v12, v10;
	v10 =	vshll.u32 v11, $0x1  }
0x9c: {  	v8 =	vadd.s32 v14, v8;
	v5 =	vshll.u32 v5, $0x2;
	v11 =	vshrl.u32 v0, $0x11  }
0x9d: {  	v10 =	vsub.s32 v13, v10;
	v6 =	vadd.s32 v6, v7;
	v7 =	vshll.u32 v12, $0x1  }
0x9e: {  	v12 =	vshrl.u32 v0, $0x15;
	v11 =	vand.u32 $0x1, v11;
	v9 =	vshll.u32 v9, $0x2  }
0x9f: {  	v7 =	vsub.s32 v8, v7;
	v5 =	vadd.s32 v5, v10;
	v6 =	vshll.u32 v6, $0x3  }
0xa0: {  	v8 =	vshrl.u32 v0, $0x14;
	v12 =	vand.u32 $0x1, v12;
	v7 =	vadd.s32 v9, v7  }
0xa1: {  	v4 =	vshll.u32 v5, $0x6;
	v10 =	vand.u32 $0x1, v8;
	v8 =	vand.u32 $0x4, v8  }
0xa2: {  	v5 =	vadd.s32 v6, v7;
	v6 =	vshrl.u32 v0, $0x12;
	v7 =	vshrl.u32 v0, $0x13  }
0xa3: {  	v8 =	vor.u32 $0x3, v8;
	v4 =	vadd.s32 v4, v5;
	v5 =	vshrl.u32 v0, $0x10  }
0xa4: {  	v6 =	vand.u32 $0x1, v6;
	v7 =	vand.u32 $0x1, v7;
	v5 =	vand.u32 $0x1, v5  }
0xa5: {  	v9 =	vmul.u32 $0x1FFFFFFD, v6;
	v6 =	vmul.u32 v7, v6;
	v13 =	vmul.u32 $0x3FFFFFD, v5  }
0xa6: {  	v14 =	vmul.u32 $0xFFFFFFFD, v10;
	v7 =	vshll.u32 v7, $0x1;
	v5 =	vmul.u32 v11, v5  }
0xa7: {  	v9 =	vadd.s32 v9, v8;
	v6 =	vshll.u32 v6, $0x2;
	v13 =	vadd.s32 v13, v8  }
0xa8: {  	v7 =	vsub.s32 v9, v7;
	v9 =	vmul.u32 v12, v10;
	v10 =	vshll.u32 v11, $0x1  }
0xa9: {  	v8 =	vadd.s32 v14, v8;
	v5 =	vshll.u32 v5, $0x2;
	v10 =	vsub.s32 v13, v10  }
0xaa: {  	v6 =	vadd.s32 v6, v7;
	v7 =	vshll.u32 v12, $0x1;
	v13 =	vshrl.u32 v0, $0x19  }
0xab: {  	v9 =	vshll.u32 v9, $0x2;
	v7 =	vsub.s32 v8, v7;
	v5 =	vadd.s32 v5, v10  }
0xac: {  	v6 =	vshll.u32 v6, $0x3;
	v8 =	vshrl.u32 v0, $0x1A;
	v10 =	vshrl.u32 v0, $0x1C  }
0xad: {  	v13 =	vand.u32 $0x1, v13;
	v7 =	vadd.s32 v9, v7;
	v5 =	vshll.u32 v5, $0x6  }
0xae: {  	v8 =	vand.u32 $0x1, v8;
	v9 =	vshrl.u32 v0, $0x1B;
	v12 =	vand.u32 $0x1, v10  }
0xaf: {  	v10 =	vand.u32 $0x4, v10;
	v6 =	vadd.s32 v6, v7;
	v7 =	vshrl.u32 v0, $0x18  }
0xb0: {  	v11 =	vmul.u32 $0x1FFFFFFD, v8;
	v9 =	vand.u32 $0x1, v9;
	v0 =	vshrl.u32 v0, $0x1D  }
0xb1: {  	v10 =	vor.u32 $0x3, v10;
	v15 =	vmul.u32 $0xFFFFFFFD, v12;
	v7 =	vand.u32 $0x1, v7  }
0xb2: {  	v8 =	vmul.u32 v9, v8;
	v0 =	vand.u32 $0x1, v0;
	v9 =	vshll.u32 v9, $0x1  }
0xb3: {  	v14 =	vmul.u32 $0x3FFFFFD, v7;
	v7 =	vmul.u32 v13, v7;
	v11 =	vadd.s32 v11, v10  }
0xb4: {  	v9 =	vsub.s32 v11, v9;
	v11 =	vmul.u32 v0, v12;
	v12 =	vshll.u32 v13, $0x1  }
0xb5: {  	v8 =	vshll.u32 v8, $0x2;
	v0 =	vshll.u32 v0, $0x1;
	v14 =	vadd.s32 v14, v10  }
0xb6: {  	v10 =	vadd.s32 v15, v10;
	v8 =	vadd.s32 v8, v9;
	v7 =	vshll.u32 v7, $0x2  }
0xb7: {  	s0 =	sadd.s32 $0x40, s11;
	v12 =	vsub.s32 v14, v12;
	v9 =	vshll.u32 v11, $0x2;
	v0 =	vsub.s32 v10, v0  }
0xb8: {  	[tilespmem:s0+$0xFFFFFFE0] =	vst v3;
	v3 =	vadd.s32 v7, v12;
	v7 =	vshll.u32 v8, $0x3;
	v0 =	vadd.s32 v9, v0  }
0xb9: {  	[tilespmem:s0+$0xFFFFFFF0] =	vst v4;
	v4 =	vadd.s32 v5, v6;
	v3 =	vshll.u32 v3, $0x6;
	v0 =	vadd.s32 v7, v0  }
0xba: {  	[tilespmem:s0+$0x0] =	vst v4;
	v0 =	vadd.s32 v3, v0  }
0xbb: {  	s2 =	simm.s32 $0x80;
	[tilespmem:s0+$0x10] =	vst v0  }
0xbc: {  	v3 =	vld [tilespmem:s2+$0x0]  }
0xbd: {  	p1 =	por $0x1, $0x1  }
.Ltmp1:
0xbe: {  	s31 =	simm.s32 $0x0;
	(pc) =	sbr.rel @!p1 .LBB2_4-.Ltmp1, $4  }
0xbf: {  	s1 =	sand.u32 $0x1C0, s31;
	s0 =	sand.u32 $0x3, s31  }
0xc0: {  	v6 =	vimm.s32 $0x0;
	s0 =	sor.u32 s0, s1  }
0xc1: {  	v8 =	vor.u32 s0, v1;
	vm1 =	veq.s32 v3, $0x21;
	vm0 =	veq.s32 v3, $0x22  }
0xc2: {  	p0 =	por $0x0, $0x0;
	v0 =	vimm.s32 $0x7FFFFFFF;
	s1 =	simm.s32 $0x90;
	s0 =	simm.s32 $0x1;
	v3 =	vnsel vm1, $0x7FFFFFFF, v8;
	v15 =	vnsel vm0, $0x7FFFFFFF, v8  }
0xc3: {  	v7 =	vld [tilespmem:s1+$0x0]  }
0xc4: {  	s3 =	simm.s32 $0x10;
	v5 =	vsel vm1, $0x1, v2;
	p3 =	por $0x1, $0x1  }
.Ltmp2:
0xc5: {  	v4 =	vsel vm0, $0x1, v2;
	s6 =	sand.u32 $0x3, s0;
	vm2 =	vlt.s32 v0, v3;
	vm15 =	vlt.s32 v0, v15;
	s5 =	sand.u32 $0x1C0, s3;
	(pc) =	sbr.rel @!p3 .LBB2_6-.Ltmp2, $4  }
0xc6: {  	v10 =	vimm.s32 $0x7FFFFFFF;
	v11 =	vimm.s32 $0x7FFFFFFF;
	v4 =	vadd.s32 v4, v6;
	s5 =	sor.u32 s6, s5  }
0xc7: {  	v5 =	vadd.s32 v5, v6;
	v13 =	vsel vm15, v15, v0;
	v9 =	vor.u32 s5, v1  }
0xc8: {  	vm1 =	veq.s32 v7, $0x21;
	vm0 =	veq.s32 v7, $0x22;
	v7 =	vsel vm15, v0, v15  }
0xc9: {  	p2 =	por $0x1, $0x1;
	s6 =	simm.s32 $0xA0;
	s5 =	simm.s32 $0x2;
	v16 =	vnsel vm1, $0x7FFFFFFF, v9;
	v14 =	vnsel vm0, $0x7FFFFFFF, v9;
	v9 =	vimm.s32 $0x7FFFFFFF;
	v12 =	vmovc v7  }
.LBB2_7:
0xca: {  	v15 =	vld [tilespmem:s6+$0x0];
	p3 =	sne.s32 s5, $0x1F;
	v17 =	vsel vm1, $0x1, v2;
	v18 =	vsel vm2, v3, v10;
	v10 =	vsel vm2, v10, v3;
	v3 =	vmovc v16;
	s7 =	smov.u32 s5;
	s5 =	sadd.s32 $0x1, s5  }
0xcb: {  	v16 =	vsel vm0, $0x1, v2;
	s3 =	sadd.s32 $0x10, s3;
	vm1 =	vlt.s32 v11, v13;
	vm0 =	vlt.s32 v9, v18  }
.Ltmp3:
0xcc: {  	s8 =	sand.u32 $0x1C0, s3;
	s7 =	sand.u32 $0x3, s7;
	v4 =	vadd.s32 v16, v4;
	v11 =	vsel vm1, v11, v13;
	v9 =	vsel vm0, v9, v18;
	(pc) =	sbr.rel @p3 .LBB2_7-.Ltmp3, $4  }
0xcd: {  	v5 =	vadd.s32 v17, v5;
	s7 =	sor.u32 s7, s8  }
0xce: {  	vm15 =	vlt.s32 v7, v14;
	vm2 =	vlt.s32 v10, v3;
	v17 =	vor.u32 s7, v1  }
0xcf: {  	v7 =	vsel vm15, v7, v14;
	vm1 =	veq.s32 v15, $0x21;
	vm0 =	veq.s32 v15, $0x22  }
0xd0: {  	s6 =	sadd.s32 $0x10, s6;
	v13 =	vsel vm15, v14, v12;
	v12 =	vmovc v7;
	v16 =	vnsel vm1, $0x7FFFFFFF, v17;
	v14 =	vnsel vm0, $0x7FFFFFFF, v17  }
0xd1: {  	v17 =	vmov v3;
	v3 =	vmov v16;
	v15 =	vmov v14  }
.LBB2_9:
0xd2: {  	v14 =	vsel vm1, $0x1, v2  }
0xd3: {  	v16 =	vsel @p2 vm2, v17, v10;
	v10 =	vsel @p2 vm2, v10, v17;
	v61 =	vsel vm0, $0x1, v2  }
0xd4: {  	vm1 =	vlt.s32 @p2 v11, v13;
	vm0 =	vlt.s32 @p2 v9, v16;
	v22 =	vadd.s32 v61, v4  }
0xd5: {  	v62 =	vld [tilespmem:s2+$0x0];
	v11 =	vsel @p2 vm1, v11, v13;
	v23 =	vadd.s32 v14, v5;
	v5 =	vpsel p2, v10, v0  }
0xd6: {  	v9 =	vsel @p2 vm0, v9, v16;
	vm0 =	vlt.s32 v7, v15;
	vm1 =	vlt.s32 v5, v3  }
.Ltmp4:
0xd7: {  	v11 =	vpsel p2, v11, v0;
	v4 =	vsel vm0, v7, v15;
	v10 =	vsel vm0, v15, v12;
	(pc) =	sbr.rel @!p1 .LBB2_10-.Ltmp4, $4  }
0xd8: {  	[tilespmem:$0x1FFC0] =	vst v22;
	v9 =	vpsel p2, v9, v0;
	v63 =	vsel vm1, v3, v5;
	vm2 =	vlt.s32 v11, v10  }
0xd9: {  	[tilespmem:$0x1FFD0] =	vst v23;
	v7 =	vsel vm1, v5, v3;
	vm0 =	vlt.s32 v9, v63;
	v3 =	vsel vm2, v11, v10  }
0xda: {  	v5 =	vsel vm0, v9, v63;
	vm1 =	veq.s32 v62, $0x31;
	vm0 =	veq.s32 v62, $0x32;
	[tilespmem:$0x1FFE0] =	vst v3  }
0xdb: {  	v11 =	vnsel vm1, $0x7FFFFFFF, v8;
	v8 =	vnsel vm0, $0x7FFFFFFF, v8;
	[tilespmem:$0x1FFF0] =	vst v5  }
0xdc: {  	v10 =	vld [tilespmem:s1+$0x0]  }
0xdd: {  	s1 =	simm.s32 $0x10;
	v9 =	vsel vm1, $0x1, v2;
	v12 =	vsel vm0, $0x1, v2;
	p1 =	por $0x1, $0x1  }
.Ltmp5:
0xde: {  	s0 =	sand.u32 $0x3, s0;
	vm2 =	vlt.s32 v0, v11;
	vm15 =	vlt.s32 v0, v8;
	v15 =	vimm.s32 $0x7FFFFFFF;
	s2 =	sand.u32 $0x1C0, s1;
	(pc) =	sbr.rel @!p1 .LBB2_12-.Ltmp5, $4  }
0xdf: {  	v14 =	vimm.s32 $0x7FFFFFFF;
	v16 =	vimm.s32 $0x7FFFFFFF;
	v13 =	vadd.s32 v12, v6;
	s0 =	sor.u32 s0, s2  }
0xe0: {  	v9 =	vadd.s32 v9, v6;
	v17 =	vsel vm2, v11, v0;
	v12 =	vor.u32 s0, v1  }
0xe1: {  	vm1 =	veq.s32 v10, $0x31;
	vm0 =	veq.s32 v10, $0x32;
	v10 =	vsel vm15, v0, v8  }
0xe2: {  	p0 =	por $0x1, $0x1;
	s2 =	simm.s32 $0xA0;
	s0 =	simm.s32 $0x2;
	v6 =	vnsel vm1, $0x7FFFFFFF, v12;
	v18 =	vnsel vm0, $0x7FFFFFFF, v12;
	v12 =	vimm.s32 $0x7FFFFFFF  }
.LBB2_13:
0xe3: {  	v20 =	vsel vm1, $0x1, v2  }
0xe4: {  	v19 =	vld [tilespmem:s2+$0x0];
	p1 =	sne.s32 s0, $0x1F;
	v12 =	vsel vm2, v12, v11;
	v21 =	vsel vm15, v8, v15;
	v15 =	vmovc v10;
	v11 =	vmovc v6;
	v8 =	vmov v18;
	s3 =	smov.u32 s0;
	s0 =	sadd.s32 $0x1, s0  }
0xe5: {  	v6 =	vsel vm0, $0x1, v2;
	s1 =	sadd.s32 $0x10, s1;
	vm0 =	vlt.s32 v14, v17;
	vm1 =	vlt.s32 v16, v21  }
.Ltmp6:
0xe6: {  	s5 =	sand.u32 $0x1C0, s1;
	s3 =	sand.u32 $0x3, s3;
	v13 =	vadd.s32 v6, v13;
	v14 =	vsel vm0, v14, v17;
	v16 =	vsel vm1, v16, v21;
	(pc) =	sbr.rel @p1 .LBB2_13-.Ltmp6, $4  }
0xe7: {  	v9 =	vadd.s32 v20, v9;
	s3 =	sor.u32 s3, s5  }
0xe8: {  	vm2 =	vlt.s32 v12, v11;
	vm15 =	vlt.s32 v10, v8;
	v17 =	vor.u32 s3, v1  }
0xe9: {  	v10 =	vsel vm15, v10, v8;
	vm1 =	veq.s32 v19, $0x31;
	vm0 =	veq.s32 v19, $0x32  }
0xea: {  	s2 =	sadd.s32 $0x10, s2;
	v6 =	vnsel vm1, $0x7FFFFFFF, v17;
	v18 =	vnsel vm0, $0x7FFFFFFF, v17;
	v17 =	vsel vm2, v11, v12  }
0xeb: {  	v19 =	vmovc v11;
	v20 =	vmovc v8;
	v11 =	vmov v6;
	v8 =	vmov v18;
	v6 =	vmov v13  }
.LBB2_15:
0xec: {  	v13 =	vsel vm1, $0x1, v2  }
0xed: {  	v12 =	vsel @p0 vm2, v12, v19;
	v15 =	vsel @p0 vm15, v20, v15;
	v18 =	vsel vm0, $0x1, v2  }
0xee: {  	vm0 =	vlt.s32 @p0 v14, v17;
	v20 =	vimm.s32 $0x7FFFFFFF;
	v19 =	vimm.s32 $0x7FFFFFFF  }
0xef: {  	s0 =	simm.s32 $0x80;
	vm1 =	vlt.s32 @p0 v16, v15;
	v3 =	vadd.s32 v18, v6;
	v6 =	vsel @p0 vm0, v14, v17  }
0xf0: {  	[tilespmem:$0x1FF80] =	vst v3;
	v14 =	vsel @p0 vm1, v16, v15;
	v15 =	vpsel p0, v12, v0;
	v3 =	vadd.s32 v13, v9;
	v16 =	vld [tilespmem:s0+$0x0]  }
0xf1: {  	v9 =	vimm.s32 $0x7FFFFFFF;
	v12 =	vimm.s32 $0x0;
	vm1 =	vlt.s32 v10, v8  }
0xf2: {  	s1 =	simm.s32 $0x0;
	v6 =	vpsel p0, v6, v0;
	v0 =	vpsel p0, v14, v0;
	v14 =	vsel vm1, v8, v10  }
0xf3: {  	s2 =	sand.u32 $0x1C0, s1;
	s3 =	sand.u32 $0x3, s1;
	s1 =	simm.s32 $0x90;
	vm0 =	vlt.s32 v15, v11;
	v10 =	vsel vm1, v10, v8;
	vm2 =	vlt.s32 v0, v14  }
0xf4: {  	s2 =	sor.u32 s3, s2;
	v17 =	vsel vm0, v11, v15;
	v13 =	vsel vm0, v15, v11;
	v15 =	vld [tilespmem:s1+$0x0];
	v0 =	vsel vm2, v0, v14  }
0xf5: {  	s5 =	simm.s32 $0x1;
	s3 =	simm.s32 $0x10;
	vm1 =	vlt.s32 v6, v17;
	[tilespmem:$0x1FFB0] =	vst v0;
	v0 =	vor.u32 s2, v1;
	vm0 =	veq.s32 v16, $0x68  }
0xf6: {  	[tilespmem:$0x1FF90] =	vst v3;
	s6 =	sand.u32 $0x1C0, s3;
	v3 =	vsel vm1, v6, v17;
	s2 =	sand.u32 $0x3, s5;
	vm1 =	veq.s32 v16, $0x6A;
	v11 =	vnsel vm0, $0x7FFFFFFF, v0  }
0xf7: {  	s5 =	sor.u32 s2, s6;
	v8 =	vsel vm0, $0x1, v2;
	v14 =	vsel vm1, $0x1, v2;
	v16 =	vnsel vm1, $0x7FFFFFFF, v0  }
0xf8: {  	v17 =	vor.u32 s5, v1;
	v14 =	vadd.s32 v14, v12;
	v8 =	vadd.s32 v8, v12  }
0xf9: {  	vm0 =	vlt.s32 v9, v11;
	vm15 =	vlt.s32 v9, v16;
	vm2 =	veq.s32 v15, $0x68  }
0xfa: {  	vm1 =	veq.s32 v15, $0x6A;
	v15 =	vsel vm15, v9, v16;
	v22 =	vnsel vm2, $0x7FFFFFFF, v17  }
0xfb: {  	[tilespmem:$0x1FFA0] =	vst v3;
	s6 =	simm.s32 $0xA0;
	s5 =	simm.s32 $0x2;
	v17 =	vnsel vm1, $0x7FFFFFFF, v17;
	v21 =	vsel vm15, v16, v9;
	v16 =	vimm.s32 $0x7FFFFFFF;
	v18 =	vmovc v15  }
.LBB2_16:
0xfc: {  	v23 =	vld [tilespmem:s6+$0x0];
	p0 =	sne.s32 s5, $0x1F;
	v24 =	vsel vm2, $0x1, v2;
	v25 =	vsel vm0, v11, v20;
	v20 =	vsel vm0, v20, v11;
	v11 =	vmovc v22;
	s7 =	smov.u32 s5;
	s5 =	sadd.s32 $0x1, s5  }
0xfd: {  	v22 =	vsel vm1, $0x1, v2;
	s3 =	sadd.s32 $0x10, s3;
	vm1 =	vlt.s32 v19, v21;
	vm0 =	vlt.s32 v16, v25  }
.Ltmp7:
0xfe: {  	s8 =	sand.u32 $0x1C0, s3;
	s7 =	sand.u32 $0x3, s7;
	v14 =	vadd.s32 v22, v14;
	v19 =	vsel vm1, v19, v21;
	v16 =	vsel vm0, v16, v25;
	(pc) =	sbr.rel @p0 .LBB2_16-.Ltmp7, $4  }
0xff: {  	v8 =	vadd.s32 v24, v8;
	s7 =	sor.u32 s7, s8  }
0x100: {  	vm15 =	vlt.s32 v15, v17;
	vm0 =	vlt.s32 v20, v11;
	v24 =	vor.u32 s7, v1  }
0x101: {  	v15 =	vsel vm15, v15, v17;
	vm2 =	veq.s32 v23, $0x68;
	vm1 =	veq.s32 v23, $0x6A  }
0x102: {  	s6 =	sadd.s32 $0x10, s6;
	v21 =	vsel vm15, v17, v18;
	v18 =	vmovc v15;
	v22 =	vnsel vm2, $0x7FFFFFFF, v24;
	v17 =	vnsel vm1, $0x7FFFFFFF, v24  }
0x103: {  	v23 =	vsel vm2, $0x1, v2;
	v24 =	vsel vm0, v11, v20  }
0x104: {  	v11 =	vsel vm0, v20, v11;
	v20 =	vsel vm1, $0x1, v2;
	vm1 =	vlt.s32 v19, v21  }
0x105: {  	vm0 =	vlt.s32 v16, v24;
	v3 =	vadd.s32 v20, v14;
	v14 =	vld [tilespmem:s0+$0x0];
	v21 =	vsel vm1, v19, v21  }
0x106: {  	vm1 =	vlt.s32 v15, v17;
	v20 =	vsel vm0, v16, v24;
	vm0 =	vlt.s32 v11, v22  }
0x107: {  	[tilespmem:$0x1FF50] =	vst v3;
	v3 =	vadd.s32 v23, v8;
	v16 =	vsel vm1, v15, v17;
	v15 =	vsel vm1, v17, v18;
	v17 =	vld [tilespmem:s1+$0x0]  }
0x108: {  	v8 =	vsel vm0, v22, v11;
	v19 =	vsel vm0, v11, v22;
	vm0 =	vlt.s32 v21, v15  }
0x109: {  	[tilespmem:$0x1FF60] =	vst v3;
	vm1 =	vlt.s32 v20, v8;
	v3 =	vsel vm0, v21, v15  }
0x10a: {  	v21 =	vimm.s32 $0x7FFFFFFF;
	v8 =	vsel vm1, v20, v8;
	vm0 =	veq.s32 v14, $0x70  }
0x10b: {  	s0 =	simm.s32 $0x10;
	vm1 =	veq.s32 v14, $0x72;
	v14 =	vnsel vm0, $0x7FFFFFFF, v0;
	v18 =	vsel vm0, $0x1, v2  }
0x10c: {  	s31 =	sand.u32 $0x1C0, s0;
	v11 =	vsel vm1, $0x1, v2;
	v15 =	vnsel vm1, $0x7FFFFFFF, v0;
	vm15 =	veq.s32 v17, $0x70  }
0x10d: {  	s1 =	sor.u32 s2, s31;
	vm0 =	veq.s32 v17, $0x72;
	v17 =	vimm.s32 $0x7FFFFFFF;
	v11 =	vadd.s32 v11, v12  }
0x10e: {  	v0 =	vadd.s32 v18, v12;
	v18 =	vor.u32 s1, v1;
	vm2 =	vlt.s32 v9, v15  }
0x10f: {  	vm1 =	vlt.s32 v9, v14;
	v12 =	vsel vm2, v9, v15;
	v20 =	vnsel vm15, $0x7FFFFFFF, v18  }
0x110: {  	s2 =	simm.s32 $0xA0;
	[tilespmem:$0x1FF70] =	vst v3;
	s1 =	simm.s32 $0x2;
	v22 =	vnsel vm0, $0x7FFFFFFF, v18;
	v23 =	vsel vm1, v14, v9;
	v18 =	vimm.s32 $0x7FFFFFFF  }
.LBB2_18:
0x111: {  	v25 =	vsel vm15, $0x1, v2  }
0x112: {  	v24 =	vld [tilespmem:s2+$0x0];
	p0 =	sne.s32 s1, $0x1F;
	v9 =	vsel vm1, v9, v14;
	v26 =	vsel vm2, v15, v21;
	v21 =	vmovc v12;
	v14 =	vmovc v20;
	v15 =	vmov v22;
	s3 =	smov.u32 s1;
	s1 =	sadd.s32 $0x1, s1  }
0x113: {  	v20 =	vsel vm0, $0x1, v2;
	s0 =	sadd.s32 $0x10, s0;
	vm0 =	vlt.s32 v17, v23;
	vm1 =	vlt.s32 v18, v26  }
.Ltmp8:
0x114: {  	s5 =	sand.u32 $0x1C0, s0;
	s3 =	sand.u32 $0x3, s3;
	v11 =	vadd.s32 v20, v11;
	v17 =	vsel vm0, v17, v23;
	v18 =	vsel vm1, v18, v26;
	(pc) =	sbr.rel @p0 .LBB2_18-.Ltmp8, $4  }
0x115: {  	v0 =	vadd.s32 v25, v0;
	s3 =	sor.u32 s3, s5  }
0x116: {  	vm2 =	vlt.s32 v12, v15;
	vm1 =	vlt.s32 v9, v14;
	v22 =	vor.u32 s3, v1  }
0x117: {  	v12 =	vsel vm2, v12, v15;
	vm15 =	veq.s32 v24, $0x70;
	vm0 =	veq.s32 v24, $0x72  }
0x118: {  	s2 =	sadd.s32 $0x10, s2;
	v23 =	vsel vm1, v14, v9;
	v20 =	vnsel vm15, $0x7FFFFFFF, v22;
	v22 =	vnsel vm0, $0x7FFFFFFF, v22  }
0x119: {  	v24 =	vsel vm15, $0x1, v2  }
0x11a: {  	v14 =	vsel vm1, v9, v14;
	v9 =	vsel vm2, v15, v21;
	v15 =	vsel vm0, $0x1, v2  }
0x11b: {  	vm0 =	vlt.s32 v17, v23;
	v27 =	vimm.s32 $0x7FFFFFFF;
	v28 =	vimm.s32 $0x7FFFFFFF  }
0x11c: {  	s0 =	simm.s32 $0x80;
	s1 =	simm.s32 $0x0;
	vm1 =	vlt.s32 v18, v9;
	v3 =	vadd.s32 v15, v11;
	v15 =	vsel vm0, v17, v23  }
0x11d: {  	vm0 =	vlt.s32 v14, v20;
	v11 =	vimm.s32 $0x0;
	s2 =	sand.u32 $0x1C0, s1;
	s3 =	sand.u32 $0x3, s1;
	s1 =	simm.s32 $0x90;
	v17 =	vsel vm1, v18, v9;
	v18 =	vld [tilespmem:s0+$0x0]  }
0x11e: {  	vm1 =	vlt.s32 v12, v22;
	v21 =	vsel vm0, v20, v14;
	v25 =	vsel vm0, v14, v20;
	v20 =	vld [tilespmem:s1+$0x0]  }
0x11f: {  	s5 =	simm.s32 $0x1;
	v9 =	vadd.s32 v24, v0;
	v0 =	vimm.s32 $0x7FFFFFFF;
	s2 =	sor.u32 s3, s2;
	s3 =	simm.s32 $0x10;
	v23 =	vsel vm1, v22, v12  }
0x120: {  	v22 =	vsel vm1, v12, v22;
	vm1 =	vlt.s32 v15, v21;
	v14 =	vor.u32 s2, v1;
	s6 =	sand.u32 $0x1C0, s3;
	s2 =	sand.u32 $0x3, s5  }
0x121: {  	v24 =	vimm.s32 $0x7FFFFFFF;
	vm2 =	vlt.s32 v17, v23;
	v26 =	vsel vm1, v15, v21;
	s5 =	sor.u32 s2, s6  }
0x122: {  	v12 =	vsel vm2, v17, v23;
	v21 =	vor.u32 s5, v1;
	vm0 =	veq.s32 v18, $0xA1  }
0x123: {  	vm1 =	veq.s32 v18, $0xA2;
	vm2 =	veq.s32 v20, $0xA1;
	v17 =	vnsel vm0, $0x7FFFFFFF, v14  }
0x124: {  	v15 =	vsel vm0, $0x1, v2;
	v18 =	vsel vm1, $0x1, v2;
	v23 =	vnsel vm1, $0x7FFFFFFF, v14  }
0x125: {  	vm1 =	veq.s32 v20, $0xA2;
	v31 =	vnsel vm2, $0x7FFFFFFF, v21;
	vm15 =	vlt.s32 v0, v23  }
0x126: {  	v18 =	vadd.s32 v18, v11;
	v15 =	vadd.s32 v15, v11;
	v20 =	vsel vm15, v0, v23  }
0x127: {  	[tilespmem:$0x1FF40] =	vst v3;
	s6 =	simm.s32 $0xA0;
	s5 =	simm.s32 $0x2;
	vm0 =	vlt.s32 v0, v17;
	v21 =	vnsel vm1, $0x7FFFFFFF, v21;
	v29 =	vsel vm15, v23, v0;
	v23 =	vmovc v20  }
.LBB2_20:
0x128: {  	v30 =	vld [tilespmem:s6+$0x0];
	p0 =	sne.s32 s5, $0x1F;
	v32 =	vsel vm2, $0x1, v2;
	v33 =	vsel vm0, v17, v27;
	v27 =	vsel vm0, v27, v17;
	v17 =	vmovc v31;
	s7 =	smov.u32 s5;
	s5 =	sadd.s32 $0x1, s5  }
0x129: {  	v31 =	vsel vm1, $0x1, v2;
	s3 =	sadd.s32 $0x10, s3;
	vm1 =	vlt.s32 v28, v29;
	vm0 =	vlt.s32 v24, v33  }
.Ltmp9:
0x12a: {  	s8 =	sand.u32 $0x1C0, s3;
	s7 =	sand.u32 $0x3, s7;
	v18 =	vadd.s32 v31, v18;
	v28 =	vsel vm1, v28, v29;
	v24 =	vsel vm0, v24, v33;
	(pc) =	sbr.rel @p0 .LBB2_20-.Ltmp9, $4  }
0x12b: {  	v15 =	vadd.s32 v32, v15;
	s7 =	sor.u32 s7, s8  }
0x12c: {  	vm15 =	vlt.s32 v20, v21;
	vm0 =	vlt.s32 v27, v17;
	v32 =	vor.u32 s7, v1  }
0x12d: {  	v20 =	vsel vm15, v20, v21;
	vm2 =	veq.s32 v30, $0xA1;
	vm1 =	veq.s32 v30, $0xA2  }
0x12e: {  	s6 =	sadd.s32 $0x10, s6;
	v29 =	vsel vm15, v21, v23;
	v23 =	vmovc v20;
	v31 =	vnsel vm2, $0x7FFFFFFF, v32;
	v21 =	vnsel vm1, $0x7FFFFFFF, v32  }
0x12f: {  	v30 =	vsel vm2, $0x1, v2;
	v32 =	vsel vm0, v17, v27  }
0x130: {  	v17 =	vsel vm0, v27, v17;
	v27 =	vsel vm1, $0x1, v2;
	vm1 =	vlt.s32 v28, v29  }
0x131: {  	vm0 =	vlt.s32 v24, v32;
	v27 =	vadd.s32 v27, v18;
	v18 =	vld [tilespmem:s0+$0x0];
	v29 =	vsel vm1, v28, v29  }
0x132: {  	v30 =	vadd.s32 v30, v15;
	vm1 =	vlt.s32 v20, v21;
	v24 =	vsel vm0, v24, v32  }
0x133: {  	vm0 =	vlt.s32 v17, v31;
	v28 =	vsel vm1, v20, v21;
	v20 =	vsel vm1, v21, v23;
	v21 =	vld [tilespmem:s1+$0x0]  }
0x134: {  	v15 =	vsel vm0, v31, v17;
	v31 =	vsel vm0, v17, v31;
	vm0 =	vlt.s32 v29, v20  }
0x135: {  	vm1 =	vlt.s32 v24, v15;
	v29 =	vsel vm0, v29, v20  }
0x136: {  	v32 =	vsel vm1, v24, v15;
	v24 =	vimm.s32 $0x7FFFFFFF;
	vm0 =	veq.s32 v18, $0xA8  }
0x137: {  	s0 =	simm.s32 $0x10;
	vm1 =	veq.s32 v18, $0xAA;
	v17 =	vnsel vm0, $0x7FFFFFFF, v14;
	v20 =	vsel vm0, $0x1, v2  }
0x138: {  	s31 =	sand.u32 $0x1C0, s0;
	v15 =	vsel vm1, $0x1, v2;
	v18 =	vnsel vm1, $0x7FFFFFFF, v14;
	vm15 =	veq.s32 v21, $0xA8  }
0x139: {  	s1 =	sor.u32 s2, s31;
	vm0 =	veq.s32 v21, $0xAA;
	v21 =	vimm.s32 $0x7FFFFFFF;
	v15 =	vadd.s32 v15, v11  }
0x13a: {  	v11 =	vadd.s32 v20, v11;
	v20 =	vor.u32 s1, v1;
	vm2 =	vlt.s32 v0, v18  }
0x13b: {  	vm1 =	vlt.s32 v0, v17;
	v14 =	vsel vm2, v0, v18;
	v23 =	vnsel vm15, $0x7FFFFFFF, v20  }
0x13c: {  	s2 =	simm.s32 $0xA0;
	s1 =	simm.s32 $0x2;
	v34 =	vnsel vm0, $0x7FFFFFFF, v20;
	v35 =	vsel vm1, v17, v0;
	v20 =	vimm.s32 $0x7FFFFFFF  }
.LBB2_22:
0x13d: {  	v36 =	vsel vm15, $0x1, v2  }
0x13e: {  	v33 =	vld [tilespmem:s2+$0x0];
	p0 =	sne.s32 s1, $0x1F;
	v0 =	vsel vm1, v0, v17;
	v37 =	vsel vm2, v18, v24;
	v24 =	vmovc v14;
	v17 =	vmovc v23;
	v18 =	vmov v34;
	s3 =	smov.u32 s1;
	s1 =	sadd.s32 $0x1, s1  }
0x13f: {  	v23 =	vsel vm0, $0x1, v2;
	s0 =	sadd.s32 $0x10, s0;
	vm0 =	vlt.s32 v20, v35;
	vm1 =	vlt.s32 v21, v37  }
.Ltmp10:
0x140: {  	s5 =	sand.u32 $0x1C0, s0;
	s3 =	sand.u32 $0x3, s3;
	v15 =	vadd.s32 v23, v15;
	v20 =	vsel vm0, v20, v35;
	v21 =	vsel vm1, v21, v37;
	(pc) =	sbr.rel @p0 .LBB2_22-.Ltmp10, $4  }
0x141: {  	v11 =	vadd.s32 v36, v11;
	s3 =	sor.u32 s3, s5  }
0x142: {  	vm2 =	vlt.s32 v14, v18;
	vm1 =	vlt.s32 v0, v17;
	v34 =	vor.u32 s3, v1  }
0x143: {  	v14 =	vsel vm2, v14, v18;
	vm15 =	veq.s32 v33, $0xA8;
	vm0 =	veq.s32 v33, $0xAA  }
0x144: {  	s2 =	sadd.s32 $0x10, s2;
	v35 =	vsel vm1, v17, v0;
	v23 =	vnsel vm15, $0x7FFFFFFF, v34;
	v34 =	vnsel vm0, $0x7FFFFFFF, v34  }
0x145: {  	v36 =	vsel vm15, $0x1, v2  }
0x146: {  	v17 =	vsel vm1, v0, v17;
	v0 =	vsel vm2, v18, v24;
	v18 =	vsel vm0, $0x1, v2  }
0x147: {  	vm0 =	vlt.s32 v20, v35;
	v39 =	vimm.s32 $0x7FFFFFFF;
	v40 =	vimm.s32 $0x7FFFFFFF  }
0x148: {  	s0 =	simm.s32 $0x80;
	vm1 =	vlt.s32 v21, v0;
	v33 =	vadd.s32 v18, v15;
	v15 =	vsel vm0, v20, v35  }
0x149: {  	s1 =	simm.s32 $0x0;
	v35 =	vadd.s32 v36, v11;
	v20 =	vld [tilespmem:s0+$0x0];
	vm0 =	vlt.s32 v17, v23;
	v11 =	vimm.s32 $0x0  }
0x14a: {  	s5 =	simm.s32 $0x1;
	s2 =	sand.u32 $0x1C0, s1;
	s3 =	sand.u32 $0x3, s1;
	v18 =	vsel vm1, v21, v0;
	vm1 =	vlt.s32 v14, v34;
	v21 =	vsel vm0, v23, v17  }
0x14b: {  	s1 =	simm.s32 $0x90;
	s2 =	sor.u32 s3, s2;
	s3 =	simm.s32 $0x10;
	v24 =	vsel vm1, v34, v14;
	v34 =	vsel vm1, v14, v34;
	vm1 =	vlt.s32 v15, v21  }
0x14c: {  	v14 =	vor.u32 s2, v1;
	s6 =	sand.u32 $0x1C0, s3;
	s2 =	sand.u32 $0x3, s5;
	vm2 =	vlt.s32 v18, v24;
	v38 =	vsel vm1, v15, v21;
	v21 =	vld [tilespmem:s1+$0x0]  }
0x14d: {  	v0 =	vimm.s32 $0x7FFFFFFF;
	v37 =	vsel vm0, v17, v23;
	s5 =	sor.u32 s2, s6;
	v36 =	vsel vm2, v18, v24  }
0x14e: {  	v24 =	vor.u32 s5, v1;
	vm0 =	veq.s32 v20, $0x101;
	vm1 =	veq.s32 v20, $0x102  }
0x14f: {  	v17 =	vnsel vm0, $0x7FFFFFFF, v14;
	v15 =	vsel vm0, $0x1, v2;
	v18 =	vsel vm1, $0x1, v2  }
0x150: {  	v23 =	vnsel vm1, $0x7FFFFFFF, v14;
	v18 =	vadd.s32 v18, v11;
	v15 =	vadd.s32 v15, v11  }
0x151: {  	vm0 =	vlt.s32 v0, v17;
	vm15 =	vlt.s32 v0, v23;
	vm2 =	veq.s32 v21, $0x101  }
0x152: {  	vm1 =	veq.s32 v21, $0x102;
	v20 =	vsel vm15, v0, v23;
	v41 =	vsel vm15, v23, v0  }
0x153: {  	s6 =	simm.s32 $0xA0;
	s5 =	simm.s32 $0x2;
	v42 =	vnsel vm2, $0x7FFFFFFF, v24;
	v21 =	vnsel vm1, $0x7FFFFFFF, v24;
	v24 =	vimm.s32 $0x7FFFFFFF;
	v23 =	vmovc v20  }
.LBB2_24:
0x154: {  	v43 =	vld [tilespmem:s6+$0x0];
	p0 =	sne.s32 s5, $0x1F;
	v44 =	vsel vm2, $0x1, v2;
	v45 =	vsel vm0, v17, v39;
	v39 =	vsel vm0, v39, v17;
	v17 =	vmovc v42;
	s7 =	smov.u32 s5;
	s5 =	sadd.s32 $0x1, s5  }
0x155: {  	v42 =	vsel vm1, $0x1, v2;
	s3 =	sadd.s32 $0x10, s3;
	vm1 =	vlt.s32 v40, v41;
	vm0 =	vlt.s32 v24, v45  }
.Ltmp11:
0x156: {  	s8 =	sand.u32 $0x1C0, s3;
	s7 =	sand.u32 $0x3, s7;
	v18 =	vadd.s32 v42, v18;
	v40 =	vsel vm1, v40, v41;
	v24 =	vsel vm0, v24, v45;
	(pc) =	sbr.rel @p0 .LBB2_24-.Ltmp11, $4  }
0x157: {  	v15 =	vadd.s32 v44, v15;
	s7 =	sor.u32 s7, s8  }
0x158: {  	vm15 =	vlt.s32 v20, v21;
	vm0 =	vlt.s32 v39, v17;
	v44 =	vor.u32 s7, v1  }
0x159: {  	v20 =	vsel vm15, v20, v21;
	vm2 =	veq.s32 v43, $0x101;
	vm1 =	veq.s32 v43, $0x102  }
0x15a: {  	s6 =	sadd.s32 $0x10, s6;
	v41 =	vsel vm15, v21, v23;
	v23 =	vmovc v20;
	v42 =	vnsel vm2, $0x7FFFFFFF, v44;
	v21 =	vnsel vm1, $0x7FFFFFFF, v44  }
0x15b: {  	v43 =	vsel vm2, $0x1, v2;
	v44 =	vsel vm0, v17, v39  }
0x15c: {  	v17 =	vsel vm0, v39, v17;
	v63 =	vsel vm1, $0x1, v2;
	vm1 =	vlt.s32 v40, v41  }
0x15d: {  	vm0 =	vlt.s32 v24, v44;
	v39 =	vadd.s32 v63, v18;
	v18 =	vld [tilespmem:s0+$0x0];
	v41 =	vsel vm1, v40, v41  }
0x15e: {  	v43 =	vadd.s32 v43, v15;
	vm1 =	vlt.s32 v20, v21;
	v24 =	vsel vm0, v24, v44  }
0x15f: {  	vm0 =	vlt.s32 v17, v42;
	v40 =	vsel vm1, v20, v21;
	v20 =	vsel vm1, v21, v23;
	v21 =	vld [tilespmem:s1+$0x0]  }
0x160: {  	v15 =	vsel vm0, v42, v17;
	v44 =	vsel vm0, v17, v42;
	vm0 =	vlt.s32 v41, v20  }
0x161: {  	vm1 =	vlt.s32 v24, v15;
	v42 =	vsel vm0, v41, v20  }
0x162: {  	v45 =	vsel vm1, v24, v15;
	v24 =	vimm.s32 $0x7FFFFFFF;
	vm0 =	veq.s32 v18, $0x111  }
0x163: {  	s0 =	simm.s32 $0x10;
	vm1 =	veq.s32 v18, $0x112;
	v17 =	vnsel vm0, $0x7FFFFFFF, v14;
	v20 =	vsel vm0, $0x1, v2  }
0x164: {  	s31 =	sand.u32 $0x1C0, s0;
	v15 =	vsel vm1, $0x1, v2;
	v18 =	vnsel vm1, $0x7FFFFFFF, v14;
	vm15 =	veq.s32 v21, $0x111  }
0x165: {  	s1 =	sor.u32 s2, s31;
	vm0 =	veq.s32 v21, $0x112;
	v21 =	vimm.s32 $0x7FFFFFFF;
	v15 =	vadd.s32 v15, v11  }
0x166: {  	v11 =	vadd.s32 v20, v11;
	v20 =	vor.u32 s1, v1;
	vm2 =	vlt.s32 v0, v18  }
0x167: {  	vm1 =	vlt.s32 v0, v17;
	v14 =	vsel vm2, v0, v18;
	v23 =	vnsel vm15, $0x7FFFFFFF, v20  }
0x168: {  	s2 =	simm.s32 $0xA0;
	s1 =	simm.s32 $0x2;
	v41 =	vnsel vm0, $0x7FFFFFFF, v20;
	v47 =	vsel vm1, v17, v0;
	v20 =	vimm.s32 $0x7FFFFFFF  }
.LBB2_26:
0x169: {  	v48 =	vsel vm15, $0x1, v2  }
0x16a: {  	v46 =	vld [tilespmem:s2+$0x0];
	p0 =	sne.s32 s1, $0x1F;
	v0 =	vsel vm1, v0, v17;
	v49 =	vsel vm2, v18, v24;
	v24 =	vmovc v14;
	v17 =	vmovc v23;
	v18 =	vmov v41;
	s3 =	smov.u32 s1;
	s1 =	sadd.s32 $0x1, s1  }
0x16b: {  	v23 =	vsel vm0, $0x1, v2;
	s0 =	sadd.s32 $0x10, s0;
	vm0 =	vlt.s32 v20, v47;
	vm1 =	vlt.s32 v21, v49  }
.Ltmp12:
0x16c: {  	s5 =	sand.u32 $0x1C0, s0;
	s3 =	sand.u32 $0x3, s3;
	v15 =	vadd.s32 v23, v15;
	v20 =	vsel vm0, v20, v47;
	v21 =	vsel vm1, v21, v49;
	(pc) =	sbr.rel @p0 .LBB2_26-.Ltmp12, $4  }
0x16d: {  	v11 =	vadd.s32 v48, v11;
	s3 =	sor.u32 s3, s5  }
0x16e: {  	vm2 =	vlt.s32 v14, v18;
	vm1 =	vlt.s32 v0, v17;
	v41 =	vor.u32 s3, v1  }
0x16f: {  	v14 =	vsel vm2, v14, v18;
	vm15 =	veq.s32 v46, $0x111;
	vm0 =	veq.s32 v46, $0x112  }
0x170: {  	s2 =	sadd.s32 $0x10, s2;
	v47 =	vsel vm1, v17, v0;
	v23 =	vnsel vm15, $0x7FFFFFFF, v41;
	v41 =	vnsel vm0, $0x7FFFFFFF, v41  }
0x171: {  	v48 =	vsel vm15, $0x1, v2  }
0x172: {  	v17 =	vsel vm1, v0, v17;
	v0 =	vsel vm2, v18, v24;
	v18 =	vsel vm0, $0x1, v2  }
0x173: {  	vm0 =	vlt.s32 v20, v47;
	vm1 =	vlt.s32 v21, v0;
	v46 =	vadd.s32 v18, v15  }
0x174: {  	s0 =	simm.s32 $0x80;
	v15 =	vsel vm0, v20, v47;
	v49 =	vadd.s32 v48, v11;
	vm0 =	vlt.s32 v17, v23  }
0x175: {  	s1 =	simm.s32 $0x0;
	v20 =	vld [tilespmem:s0+$0x0];
	v11 =	vimm.s32 $0x0;
	v48 =	vimm.s32 $0x7FFFFFFF;
	v18 =	vsel vm1, v21, v0  }
0x176: {  	s5 =	simm.s32 $0x1;
	s2 =	sand.u32 $0x1C0, s1;
	s3 =	sand.u32 $0x3, s1;
	v0 =	vimm.s32 $0x7FFFFFFF;
	vm1 =	vlt.s32 v14, v41;
	v21 =	vsel vm0, v23, v17  }
0x177: {  	s1 =	simm.s32 $0x90;
	s2 =	sor.u32 s3, s2;
	s3 =	simm.s32 $0x10;
	v24 =	vsel vm1, v41, v14;
	v47 =	vsel vm1, v14, v41;
	vm1 =	vlt.s32 v15, v21  }
0x178: {  	v14 =	vor.u32 s2, v1;
	s6 =	sand.u32 $0x1C0, s3;
	s2 =	sand.u32 $0x3, s5;
	vm2 =	vlt.s32 v18, v24;
	v55 =	vsel vm1, v15, v21;
	v21 =	vld [tilespmem:s1+$0x0]  }
0x179: {  	v54 =	vsel vm0, v17, v23;
	v41 =	vimm.s32 $0x7FFFFFFF;
	s5 =	sor.u32 s2, s6;
	v51 =	vsel vm2, v18, v24  }
0x17a: {  	v24 =	vor.u32 s5, v1;
	vm0 =	veq.s32 v20, $0x148;
	vm1 =	veq.s32 v20, $0x14A  }
0x17b: {  	v17 =	vnsel vm0, $0x7FFFFFFF, v14;
	v15 =	vsel vm0, $0x1, v2;
	v18 =	vsel vm1, $0x1, v2  }
0x17c: {  	v23 =	vnsel vm1, $0x7FFFFFFF, v14;
	v18 =	vadd.s32 v18, v11;
	v15 =	vadd.s32 v15, v11  }
0x17d: {  	vm0 =	vlt.s32 v0, v17;
	vm15 =	vlt.s32 v0, v23;
	vm2 =	veq.s32 v21, $0x148  }
0x17e: {  	vm1 =	veq.s32 v21, $0x14A;
	v20 =	vsel vm15, v0, v23;
	v50 =	vsel vm15, v23, v0  }
0x17f: {  	s6 =	simm.s32 $0xA0;
	s5 =	simm.s32 $0x2;
	v52 =	vnsel vm2, $0x7FFFFFFF, v24;
	v21 =	vnsel vm1, $0x7FFFFFFF, v24;
	v24 =	vimm.s32 $0x7FFFFFFF;
	v23 =	vmovc v20  }
.LBB2_28:
0x180: {  	v53 =	vld [tilespmem:s6+$0x0];
	p0 =	sne.s32 s5, $0x1F;
	v56 =	vsel vm2, $0x1, v2;
	v57 =	vsel vm0, v17, v48;
	v48 =	vsel vm0, v48, v17;
	v17 =	vmovc v52;
	s7 =	smov.u32 s5;
	s5 =	sadd.s32 $0x1, s5  }
0x181: {  	v52 =	vsel vm1, $0x1, v2;
	s3 =	sadd.s32 $0x10, s3;
	vm1 =	vlt.s32 v41, v50;
	vm0 =	vlt.s32 v24, v57  }
.Ltmp13:
0x182: {  	s8 =	sand.u32 $0x1C0, s3;
	s7 =	sand.u32 $0x3, s7;
	v18 =	vadd.s32 v52, v18;
	v41 =	vsel vm1, v41, v50;
	v24 =	vsel vm0, v24, v57;
	(pc) =	sbr.rel @p0 .LBB2_28-.Ltmp13, $4  }
0x183: {  	v15 =	vadd.s32 v56, v15;
	s7 =	sor.u32 s7, s8  }
0x184: {  	vm15 =	vlt.s32 v20, v21;
	vm0 =	vlt.s32 v48, v17;
	v56 =	vor.u32 s7, v1  }
0x185: {  	v20 =	vsel vm15, v20, v21;
	vm2 =	veq.s32 v53, $0x148;
	vm1 =	veq.s32 v53, $0x14A  }
0x186: {  	s6 =	sadd.s32 $0x10, s6;
	v50 =	vsel vm15, v21, v23;
	v23 =	vmovc v20;
	v52 =	vnsel vm2, $0x7FFFFFFF, v56;
	v21 =	vnsel vm1, $0x7FFFFFFF, v56  }
0x187: {  	v53 =	vsel vm2, $0x1, v2;
	v57 =	vsel vm0, v17, v48;
	v17 =	vsel vm0, v48, v17  }
0x188: {  	v63 =	vsel vm1, $0x1, v2;
	vm1 =	vlt.s32 v41, v50;
	v59 =	vld [tilespmem:s0+$0x0];
	vm0 =	vlt.s32 v24, v57  }
0x189: {  	v56 =	vadd.s32 v63, v18;
	v58 =	vadd.s32 v53, v15;
	v18 =	vsel vm0, v24, v57  }
0x18a: {  	v24 =	vsel vm1, v41, v50;
	vm0 =	vlt.s32 v17, v52;
	vm1 =	vlt.s32 v20, v21  }
0x18b: {  	v57 =	vsel vm1, v20, v21;
	v15 =	vsel vm1, v21, v23;
	v20 =	vsel vm0, v52, v17  }
0x18c: {  	v60 =	vsel vm0, v17, v52;
	v17 =	vld [tilespmem:s1+$0x0];
	v23 =	vimm.s32 $0x7FFFFFFF;
	vm0 =	vlt.s32 v18, v20  }
0x18d: {  	s0 =	simm.s32 $0x10;
	vm1 =	vlt.s32 v24, v15;
	v61 =	vsel vm0, v18, v20;
	vm0 =	veq.s32 v59, $0x150  }
0x18e: {  	s31 =	sand.u32 $0x1C0, s0;
	vm2 =	veq.s32 v59, $0x152;
	v59 =	vsel vm1, v24, v15;
	v15 =	vnsel vm0, $0x7FFFFFFF, v14  }
0x18f: {  	s1 =	sor.u32 s2, s31;
	v18 =	vsel vm2, $0x1, v2;
	v21 =	vnsel vm2, $0x7FFFFFFF, v14;
	v20 =	vsel vm0, $0x1, v2  }
0x190: {  	v14 =	vadd.s32 v18, v11;
	v11 =	vadd.s32 v20, v11;
	v20 =	vor.u32 s1, v1  }
0x191: {  	vm0 =	vlt.s32 v0, v15;
	vm15 =	vlt.s32 v0, v21;
	vm2 =	veq.s32 v17, $0x150  }
0x192: {  	vm1 =	veq.s32 v17, $0x152;
	v18 =	vsel vm15, v0, v21;
	v41 =	vsel vm15, v21, v0  }
0x193: {  	s2 =	simm.s32 $0xA0;
	s1 =	simm.s32 $0x2;
	v17 =	vimm.s32 $0x7FFFFFFF;
	v24 =	vnsel vm2, $0x7FFFFFFF, v20;
	v20 =	vnsel vm1, $0x7FFFFFFF, v20;
	v21 =	vmovc v18  }
.LBB2_30:
0x194: {  	v48 =	vld [tilespmem:s2+$0x0];
	p0 =	sne.s32 s1, $0x1F;
	v50 =	vsel vm2, $0x1, v2;
	v52 =	vsel vm0, v15, v0;
	v0 =	vsel vm0, v0, v15;
	v15 =	vmovc v24;
	s3 =	smov.u32 s1;
	s1 =	sadd.s32 $0x1, s1  }
0x195: {  	v24 =	vsel vm1, $0x1, v2;
	s0 =	sadd.s32 $0x10, s0;
	vm1 =	vlt.s32 v23, v41;
	vm0 =	vlt.s32 v17, v52  }
.Ltmp14:
0x196: {  	s5 =	sand.u32 $0x1C0, s0;
	s3 =	sand.u32 $0x3, s3;
	v14 =	vadd.s32 v24, v14;
	v23 =	vsel vm1, v23, v41;
	v17 =	vsel vm0, v17, v52;
	(pc) =	sbr.rel @p0 .LBB2_30-.Ltmp14, $4  }
0x197: {  	v11 =	vadd.s32 v50, v11;
	s3 =	sor.u32 s3, s5  }
0x198: {  	vm15 =	vlt.s32 v18, v20;
	vm0 =	vlt.s32 v0, v15;
	v50 =	vor.u32 s3, v1  }
0x199: {  	v18 =	vsel vm15, v18, v20;
	vm2 =	veq.s32 v48, $0x150;
	vm1 =	veq.s32 v48, $0x152  }
0x19a: {  	s2 =	sadd.s32 $0x10, s2;
	v41 =	vsel vm15, v20, v21;
	v21 =	vmovc v18;
	v24 =	vnsel vm2, $0x7FFFFFFF, v50;
	v20 =	vnsel vm1, $0x7FFFFFFF, v50  }
0x19b: {  	v48 =	vsel vm2, $0x1, v2;
	v50 =	vsel vm0, v15, v0;
	v52 =	vsel vm0, v0, v15  }
0x19c: {  	v0 =	vsel vm1, $0x1, v2;
	vm1 =	vlt.s32 v23, v41;
	s0 =	simm.s32 $0x80;
	vm0 =	vlt.s32 v17, v50  }
0x19d: {  	s29 =	simm.s32 $0x0;
	v0 =	vadd.s32 v0, v14;
	v41 =	vsel vm1, v23, v41;
	v62 =	vld [tilespmem:s0+$0x0];
	vm1 =	vlt.s32 v18, v20  }
0x19e: {  	s1 =	sand.u32 $0x1C0, s29;
	s0 =	sand.u32 $0x3, s29;
	v14 =	vsel vm0, v17, v50;
	v17 =	vadd.s32 v48, v11;
	vm0 =	vlt.s32 v52, v24  }
0x19f: {  	s2 =	simm.s32 $0x90;
	v15 =	vsel vm1, v18, v20;
	v11 =	vsel vm1, v20, v21;
	s0 =	sor.u32 s0, s1;
	v18 =	vsel vm0, v24, v52  }
0x1a0: {  	s30 =	simm.s32 $0x1;
	v20 =	vld [tilespmem:s2+$0x0];
	v21 =	vsel vm0, v52, v24;
	v24 =	vor.u32 s0, v1;
	s0 =	simm.s32 $0x10;
	vm0 =	vlt.s32 v14, v18  }
0x1a1: {  	v63 =	vimm.s32 $0x0;
	s1 =	sand.u32 $0x3, s30;
	vm1 =	vlt.s32 v41, v11;
	s31 =	sand.u32 $0x1C0, s0;
	v23 =	vsel vm0, v14, v18  }
0x1a2: {  	v18 =	vsel vm1, v41, v11;
	v11 =	vimm.s32 $0x7FFFFFFF;
	s1 =	sor.u32 s1, s31;
	vm0 =	veq.s32 v62, $0xBA  }
0x1a3: {  	vm1 =	veq.s32 v62, $0x1D2;
	v53 =	vor.u32 s1, v1;
	v14 =	vnsel vm0, $0x7FFFFFFF, v24  }
0x1a4: {  	v52 =	vsel vm1, $0x1, v2;
	v50 =	vnsel vm1, $0x7FFFFFFF, v24;
	v24 =	vsel vm0, $0x1, v2  }
0x1a5: {  	vm0 =	veq.s32 v20, $0xBA;
	vm15 =	veq.s32 v20, $0x1D2;
	v20 =	vimm.s32 $0x7FFFFFFF  }
0x1a6: {  	v41 =	vadd.s32 v52, v63;
	v62 =	vadd.s32 v24, v63;
	vm2 =	vlt.s32 v11, v50  }
0x1a7: {  	vm1 =	vlt.s32 v11, v14;
	v24 =	vnsel vm0, $0x7FFFFFFF, v53;
	v63 =	vsel vm2, v11, v50  }
0x1a8: {  	s2 =	simm.s32 $0xA0;
	s1 =	simm.s32 $0x2;
	v48 =	vnsel vm15, $0x7FFFFFFF, v53;
	v53 =	vsel vm2, v50, v11;
	v50 =	vimm.s32 $0x7FFFFFFF;
	v52 =	vmovc v63  }
.LBB2_32:
0x1a9: {  	v3 =	vld [tilespmem:s2+$0x0];
	p0 =	sne.s32 s1, $0x1F;
	v5 =	vsel vm0, $0x1, v2;
	v6 =	vsel vm1, v14, v11;
	v11 =	vsel vm1, v11, v14;
	v14 =	vmovc v24;
	s3 =	smov.u32 s1;
	s1 =	sadd.s32 $0x1, s1  }
0x1aa: {  	v24 =	vsel vm15, $0x1, v2;
	s0 =	sadd.s32 $0x10, s0;
	vm1 =	vlt.s32 v50, v53;
	vm0 =	vlt.s32 v20, v6  }
.Ltmp15:
0x1ab: {  	s5 =	sand.u32 $0x1C0, s0;
	s3 =	sand.u32 $0x3, s3;
	v41 =	vadd.s32 v24, v41;
	v50 =	vsel vm1, v50, v53;
	v20 =	vsel vm0, v20, v6;
	(pc) =	sbr.rel @p0 .LBB2_32-.Ltmp15, $4  }
0x1ac: {  	v62 =	vadd.s32 v5, v62;
	s3 =	sor.u32 s3, s5  }
0x1ad: {  	vm2 =	vlt.s32 v63, v48;
	vm1 =	vlt.s32 v11, v14;
	v5 =	vor.u32 s3, v1  }
0x1ae: {  	v63 =	vsel vm2, v63, v48;
	vm0 =	veq.s32 v3, $0xBA;
	vm15 =	veq.s32 v3, $0x1D2  }
0x1af: {  	s2 =	sadd.s32 $0x10, s2;
	v53 =	vsel vm2, v48, v52;
	v52 =	vmovc v63;
	v24 =	vnsel vm0, $0x7FFFFFFF, v5;
	v48 =	vnsel vm15, $0x7FFFFFFF, v5  }
0x1b0: {  	v3 =	vxor.u32 $0x80000000, v7  }
0x1b1: {  	(xrf0) =	vmin.scan.msk.u32 $0xffff, v3;
	_ =	sdelay $0x5  }
0x1b2: {  	v3, _, _ =	vpop (xrf0)  }
0x1b3: {  	(v2sf) =	vpush v3, $0xF;
	_ =	sdelay $0xc  }
0x1b4: {  	v3 =	vld [tilespmem:$0x1FFF0];
	_ =	sdelay $0x1  }
0x1b5: {  	s0 =	spop (v2sf)  }
0x1b6: {  	[dreg:$0xa] =	wrdreg s0;
	s0 =	sxor.u32 $0x80000000, s0  }
0x1b7: {  	vm2 =	veq.s32 v7, s0  }
0x1b8: {  	v3 =	vsel vm2, v3, v7  }
0x1b9: {  	v3 =	vxor.u32 $0x80000000, v3  }
0x1ba: {  	(xrf0) =	vmin.scan.msk.u32 $0xffff, v3;
	v3 =	vld [tilespmem:$0x1FFD0];
	_ =	sdelay $0x4  }
0x1bb: {  	(xrf0) =	vadd.scan.msk.s32 $0xffff, v3;
	v3 =	vxor.u32 $0x80000000, v4  }
0x1bc: {  	(xrf0) =	vmin.scan.msk.u32 $0xffff, v3;
	_ =	sdelay $0x3  }
0x1bd: {  	v3, _, _ =	vpop (xrf0)  }
0x1be: {  	v5, _, _ =	vpop (xrf0)  }
0x1bf: {  	(v2sf) =	vpush v3, $0xF;
	v3, _, _ =	vpop (xrf0)  }
0x1c0: {  	(v2sf) =	vpush v3, $0xF;
	_ =	sdelay $0xc  }
0x1c1: {  	v3 =	vld [tilespmem:$0x1FFE0]  }
0x1c2: {  	s30 =	spop (v2sf)  }
0x1c3: {  	s14 =	spop (v2sf)  }
0x1c4: {  	s28 =	sxor.u32 $0x80000000, s14  }
0x1c5: {  	vm2 =	veq.s32 v4, s28  }
0x1c6: {  	v3 =	vsel vm2, v3, v4  }
0x1c7: {  	v3 =	vxor.u32 $0x80000000, v3  }
0x1c8: {  	(xrf0) =	vmin.scan.msk.u32 $0xffff, v3;
	v3 =	vld [tilespmem:$0x1FFC0];
	_ =	sdelay $0x4  }
0x1c9: {  	(xrf0) =	vadd.scan.msk.s32 $0xffff, v3;
	v3 =	vxor.u32 $0x80000000, v13  }
0x1ca: {  	(xrf0) =	vmin.scan.msk.u32 $0xffff, v3;
	_ =	sdelay $0x3  }
0x1cb: {  	v4, _, _ =	vpop (xrf0)  }
0x1cc: {  	v3, _, _ =	vpop (xrf0)  }
0x1cd: {  	(v2sf) =	vpush v4, $0xF;
	v4, _, _ =	vpop (xrf0)  }
0x1ce: {  	(v2sf) =	vpush v4, $0xF;
	_ =	sdelay $0xc  }
0x1cf: {  	v4 =	vld [tilespmem:$0x1FFA0]  }
0x1d0: {  	s31 =	spop (v2sf)  }
0x1d1: {  	s15 =	spop (v2sf)  }
0x1d2: {  	s29 =	sxor.u32 $0x80000000, s15  }
0x1d3: {  	vm2 =	veq.s32 v13, s29  }
0x1d4: {  	v4 =	vsel vm2, v4, v13;
	v13 =	vld [tilespmem:$0x1FF90];
	_ =	sdelay $0x2  }
0x1d5: {  	v4 =	vxor.u32 $0x80000000, v4  }
0x1d6: {  	(xrf0) =	vmin.scan.msk.u32 $0xffff, v4  }
0x1d7: {  	(xrf0) =	vadd.scan.msk.s32 $0xffff, v13;
	v13 =	vxor.u32 $0x80000000, v10  }
0x1d8: {  	(xrf0) =	vmin.scan.msk.u32 $0xffff, v13;
	_ =	sdelay $0x3  }
0x1d9: {  	v6, _, _ =	vpop (xrf0)  }
0x1da: {  	v4, _, _ =	vpop (xrf0)  }
0x1db: {  	(v2sf) =	vpush v6, $0xF;
	v13, _, _ =	vpop (xrf0)  }
0x1dc: {  	(v2sf) =	vpush v13, $0xF;
	_ =	sdelay $0xc  }
0x1dd: {  	v13 =	vld [tilespmem:$0x1FFB0]  }
0x1de: {  	s16 =	spop (v2sf)  }
0x1df: {  	s26 =	spop (v2sf)  }
0x1e0: {  	s17 =	sxor.u32 $0x80000000, s26  }
0x1e1: {  	vm2 =	veq.s32 v10, s17  }
0x1e2: {  	v6 =	vsel vm2, v13, v10;
	v13 =	vld [tilespmem:$0x1FF80];
	_ =	sdelay $0x2  }
0x1e3: {  	v6 =	vxor.u32 $0x80000000, v6  }
0x1e4: {  	(xrf0) =	vmin.scan.msk.u32 $0xffff, v6  }
0x1e5: {  	v10 =	vxor.u32 $0x80000000, v19;
	(xrf0) =	vadd.scan.msk.s32 $0xffff, v13  }
0x1e6: {  	(xrf0) =	vmin.scan.msk.u32 $0xffff, v10;
	_ =	sdelay $0x3  }
0x1e7: {  	v13, _, _ =	vpop (xrf0)  }
0x1e8: {  	v6, _, _ =	vpop (xrf0)  }
0x1e9: {  	(v2sf) =	vpush v13, $0xF;
	v10, _, _ =	vpop (xrf0)  }
0x1ea: {  	(v2sf) =	vpush v10, $0xF;
	_ =	sdelay $0xd  }
0x1eb: {  	s18 =	spop (v2sf)  }
0x1ec: {  	s21 =	spop (v2sf)  }
0x1ed: {  	s19 =	sxor.u32 $0x80000000, s21  }
0x1ee: {  	vm2 =	veq.s32 v19, s19  }
0x1ef: {  	v13 =	vsel vm2, v8, v19;
	v19 =	vld [tilespmem:$0x1FF60];
	_ =	sdelay $0x2  }
0x1f0: {  	v7 =	vxor.u32 $0x80000000, v13  }
0x1f1: {  	(xrf0) =	vmin.scan.msk.u32 $0xffff, v7  }
0x1f2: {  	v10 =	vxor.u32 $0x80000000, v16;
	(xrf0) =	vadd.scan.msk.s32 $0xffff, v19  }
0x1f3: {  	(xrf0) =	vmin.scan.msk.u32 $0xffff, v10;
	_ =	sdelay $0x3  }
0x1f4: {  	v13, _, _ =	vpop (xrf0)  }
0x1f5: {  	v7, _, _ =	vpop (xrf0)  }
0x1f6: {  	(v2sf) =	vpush v13, $0xF;
	v19, _, _ =	vpop (xrf0)  }
0x1f7: {  	(v2sf) =	vpush v19, $0xF;
	_ =	sdelay $0xc  }
0x1f8: {  	v13 =	vld [tilespmem:$0x1FF70]  }
0x1f9: {  	s20 =	spop (v2sf)  }
0x1fa: {  	[dreg:$0xc] =	wrdreg s19;
	s19 =	spop (v2sf)  }
0x1fb: {  	s22 =	sxor.u32 $0x80000000, s19  }
0x1fc: {  	vm2 =	veq.s32 v16, s22  }
0x1fd: {  	v8 =	vsel vm2, v13, v16;
	v16 =	vld [tilespmem:$0x1FF50];
	_ =	sdelay $0x2  }
0x1fe: {  	v8 =	vxor.u32 $0x80000000, v8  }
0x1ff: {  	(xrf0) =	vmin.scan.msk.u32 $0xffff, v8  }
0x200: {  	v19 =	vxor.u32 $0x80000000, v25;
	(xrf0) =	vadd.scan.msk.s32 $0xffff, v16  }
0x201: {  	(xrf0) =	vmin.scan.msk.u32 $0xffff, v19;
	_ =	sdelay $0x3  }
0x202: {  	v13, _, _ =	vpop (xrf0)  }
0x203: {  	v8, _, _ =	vpop (xrf0)  }
0x204: {  	(v2sf) =	vpush v13, $0xF;
	v16, _, _ =	vpop (xrf0)  }
0x205: {  	(v2sf) =	vpush v16, $0xF;
	_ =	sdelay $0xd  }
0x206: {  	s23 =	spop (v2sf)  }
0x207: {  	[dreg:$0x10] =	wrdreg s14;
	s14 =	spop (v2sf)  }
0x208: {  	s24 =	sxor.u32 $0x80000000, s14  }
0x209: {  	vm2 =	veq.s32 v25, s24  }
0x20a: {  	v19 =	vsel vm2, v26, v25  }
0x20b: {  	v10 =	vxor.u32 $0x80000000, v19  }
0x20c: {  	(xrf0) =	vmin.scan.msk.u32 $0xffff, v10  }
0x20d: {  	v25 =	vxor.u32 $0x80000000, v22;
	(xrf0) =	vadd.scan.msk.s32 $0xffff, v9  }
0x20e: {  	(xrf0) =	vmin.scan.msk.u32 $0xffff, v25;
	_ =	sdelay $0x3  }
0x20f: {  	v10, _, _ =	vpop (xrf0)  }
0x210: {  	v9, _, _ =	vpop (xrf0)  }
0x211: {  	(v2sf) =	vpush v10, $0xF;
	v26, _, _ =	vpop (xrf0)  }
0x212: {  	(v2sf) =	vpush v26, $0xF;
	_ =	sdelay $0xd  }
0x213: {  	s1 =	spop (v2sf)  }
0x214: {  	s11 =	spop (v2sf)  }
0x215: {  	v16 =	vld [tilespmem:$0x1FF40];
	s2 =	sxor.u32 $0x80000000, s11  }
0x216: {  	vm2 =	veq.s32 v22, s2  }
0x217: {  	v13 =	vsel vm2, v12, v22  }
0x218: {  	v10 =	vxor.u32 $0x80000000, v13  }
0x219: {  	(xrf0) =	vmin.scan.msk.u32 $0xffff, v10  }
0x21a: {  	v19 =	vxor.u32 $0x80000000, v31;
	(xrf0) =	vadd.scan.msk.s32 $0xffff, v16  }
0x21b: {  	(xrf0) =	vmin.scan.msk.u32 $0xffff, v19;
	_ =	sdelay $0x3  }
0x21c: {  	v22, _, _ =	vpop (xrf0)  }
0x21d: {  	v10, _, _ =	vpop (xrf0)  }
0x21e: {  	(v2sf) =	vpush v22, $0xF;
	v25, _, _ =	vpop (xrf0)  }
0x21f: {  	(v2sf) =	vpush v25, $0xF;
	_ =	sdelay $0xd  }
0x220: {  	s3 =	spop (v2sf)  }
0x221: {  	s10 =	spop (v2sf)  }
0x222: {  	s4 =	sxor.u32 $0x80000000, s10  }
0x223: {  	vm2 =	veq.s32 v31, s4  }
0x224: {  	v26 =	vsel vm2, v32, v31  }
0x225: {  	v12 =	vxor.u32 $0x80000000, v26  }
0x226: {  	(xrf0) =	vmin.scan.msk.u32 $0xffff, v12  }
0x227: {  	v31 =	vxor.u32 $0x80000000, v28;
	(xrf0) =	vadd.scan.msk.s32 $0xffff, v30  }
0x228: {  	(xrf0) =	vmin.scan.msk.u32 $0xffff, v31;
	_ =	sdelay $0x3  }
0x229: {  	v32, _, _ =	vpop (xrf0)  }
0x22a: {  	v12, _, _ =	vpop (xrf0)  }
0x22b: {  	(v2sf) =	vpush v32, $0xF;
	v16, _, _ =	vpop (xrf0)  }
0x22c: {  	(v2sf) =	vpush v16, $0xF;
	_ =	sdelay $0xd  }
0x22d: {  	s5 =	spop (v2sf)  }
0x22e: {  	s8 =	spop (v2sf)  }
0x22f: {  	s6 =	sxor.u32 $0x80000000, s8  }
0x230: {  	vm2 =	veq.s32 v28, s6  }
0x231: {  	v19 =	vsel vm2, v29, v28  }
0x232: {  	v13 =	vxor.u32 $0x80000000, v19  }
0x233: {  	(xrf0) =	vmin.scan.msk.u32 $0xffff, v13  }
0x234: {  	v22 =	vxor.u32 $0x80000000, v37;
	(xrf0) =	vadd.scan.msk.s32 $0xffff, v27  }
0x235: {  	(xrf0) =	vmin.scan.msk.u32 $0xffff, v22;
	_ =	sdelay $0x3  }
0x236: {  	v25, _, _ =	vpop (xrf0)  }
0x237: {  	v13, _, _ =	vpop (xrf0)  }
0x238: {  	(v2sf) =	vpush v25, $0xF;
	v26, _, _ =	vpop (xrf0)  }
0x239: {  	(v2sf) =	vpush v26, $0xF;
	_ =	sdelay $0xd  }
0x23a: {  	s7 =	spop (v2sf)  }
0x23b: {  	[dreg:$0x18] =	wrdreg s6;
	s6 =	spop (v2sf)  }
0x23c: {  	s9 =	sxor.u32 $0x80000000, s6  }
0x23d: {  	vm2 =	veq.s32 v37, s9  }
0x23e: {  	v27 =	vsel vm2, v38, v37  }
0x23f: {  	v16 =	vxor.u32 $0x80000000, v27  }
0x240: {  	(xrf0) =	vmin.scan.msk.u32 $0xffff, v16  }
0x241: {  	v28 =	vxor.u32 $0x80000000, v34;
	(xrf0) =	vadd.scan.msk.s32 $0xffff, v35  }
0x242: {  	(xrf0) =	vmin.scan.msk.u32 $0xffff, v28;
	_ =	sdelay $0x3  }
0x243: {  	v29, _, _ =	vpop (xrf0)  }
0x244: {  	v16, _, _ =	vpop (xrf0)  }
0x245: {  	(v2sf) =	vpush v29, $0xF;
	v30, _, _ =	vpop (xrf0)  }
0x246: {  	(v2sf) =	vpush v30, $0xF;
	_ =	sdelay $0xd  }
0x247: {  	s12 =	spop (v2sf)  }
0x248: {  	[dreg:$0x1b] =	wrdreg s3;
	s3 =	spop (v2sf)  }
0x249: {  	s13 =	sxor.u32 $0x80000000, s3  }
0x24a: {  	vm2 =	veq.s32 v34, s13  }
0x24b: {  	v31 =	vsel vm2, v36, v34  }
0x24c: {  	v19 =	vxor.u32 $0x80000000, v31  }
0x24d: {  	(xrf0) =	vmin.scan.msk.u32 $0xffff, v19  }
0x24e: {  	v32 =	vxor.u32 $0x80000000, v44;
	(xrf0) =	vadd.scan.msk.s32 $0xffff, v33  }
0x24f: {  	(xrf0) =	vmin.scan.msk.u32 $0xffff, v32;
	_ =	sdelay $0x3  }
0x250: {  	v33, _, _ =	vpop (xrf0)  }
0x251: {  	v19, _, _ =	vpop (xrf0)  }
0x252: {  	(v2sf) =	vpush v33, $0xF;
	v34, _, _ =	vpop (xrf0)  }
0x253: {  	(v2sf) =	vpush v34, $0xF;
	_ =	sdelay $0xd  }
0x254: {  	[dreg:$0x13] =	wrdreg s24;
	s24 =	spop (v2sf)  }
0x255: {  	[dreg:$0x15] =	wrdreg s1;
	s1 =	spop (v2sf)  }
0x256: {  	[dreg:$0x17] =	wrdreg s15;
	s15 =	sxor.u32 $0x80000000, s1  }
0x257: {  	vm2 =	veq.s32 v44, s15  }
0x258: {  	v35 =	vsel vm2, v45, v44  }
0x259: {  	v22 =	vxor.u32 $0x80000000, v35  }
0x25a: {  	(xrf0) =	vmin.scan.msk.u32 $0xffff, v22  }
0x25b: {  	v36 =	vxor.u32 $0x80000000, v40;
	(xrf0) =	vadd.scan.msk.s32 $0xffff, v43  }
0x25c: {  	(xrf0) =	vmin.scan.msk.u32 $0xffff, v36;
	_ =	sdelay $0x3  }
0x25d: {  	v37, _, _ =	vpop (xrf0)  }
0x25e: {  	v25, _, _ =	vpop (xrf0)  }
0x25f: {  	(v2sf) =	vpush v37, $0xF;
	v38, _, _ =	vpop (xrf0)  }
0x260: {  	(v2sf) =	vpush v38, $0xF;
	_ =	sdelay $0xd  }
0x261: {  	[dreg:$0xd] =	wrdreg s16;
	s16 =	spop (v2sf)  }
0x262: {  	[dreg:$0xb] =	wrdreg s0;
	s0 =	spop (v2sf)  }
0x263: {  	[dreg:$0x14] =	wrdreg s23;
	s23 =	sxor.u32 $0x80000000, s0  }
0x264: {  	vm2 =	veq.s32 v40, s23  }
0x265: {  	v43 =	vsel vm2, v42, v40  }
0x266: {  	v22 =	vxor.u32 $0x80000000, v43  }
0x267: {  	(xrf0) =	vmin.scan.msk.u32 $0xffff, v22  }
0x268: {  	v44 =	vxor.u32 $0x80000000, v54;
	(xrf0) =	vadd.scan.msk.s32 $0xffff, v39  }
0x269: {  	(xrf0) =	vmin.scan.msk.u32 $0xffff, v44;
	_ =	sdelay $0x3  }
0x26a: {  	v45, _, _ =	vpop (xrf0)  }
0x26b: {  	v27, _, _ =	vpop (xrf0)  }
0x26c: {  	(v2sf) =	vpush v45, $0xF;
	v30, _, _ =	vpop (xrf0)  }
0x26d: {  	(v2sf) =	vpush v30, $0xF;
	_ =	sdelay $0xd  }
0x26e: {  	[dreg:$0x12] =	wrdreg s2;
	s2 =	spop (v2sf)  }
0x26f: {  	[dreg:$0x1a] =	wrdreg s9;
	s9 =	spop (v2sf)  }
0x270: {  	[dreg:$0xf] =	wrdreg s22;
	s22 =	sxor.u32 $0x80000000, s9  }
0x271: {  	vm2 =	veq.s32 v54, s22  }
0x272: {  	v31 =	vsel vm2, v55, v54  }
0x273: {  	v22 =	vxor.u32 $0x80000000, v31  }
0x274: {  	(xrf0) =	vmin.scan.msk.u32 $0xffff, v22  }
0x275: {  	v32 =	vxor.u32 $0x80000000, v47;
	(xrf0) =	vadd.scan.msk.s32 $0xffff, v49  }
0x276: {  	(xrf0) =	vmin.scan.msk.u32 $0xffff, v32;
	_ =	sdelay $0x3  }
0x277: {  	v33, _, _ =	vpop (xrf0)  }
0x278: {  	v26, _, _ =	vpop (xrf0)  }
0x279: {  	(v2sf) =	vpush v33, $0xF;
	v34, _, _ =	vpop (xrf0)  }
0x27a: {  	(v2sf) =	vpush v34, $0xF;
	_ =	sdelay $0xd  }
0x27b: {  	[dreg:$0x9] =	wrdreg s17;
	s17 =	spop (v2sf)  }
0x27c: {  	[dreg:$0x8] =	wrdreg s2;
	s2 =	spop (v2sf)  }
0x27d: {  	[dreg:$0x1c] =	wrdreg s5;
	s5 =	sxor.u32 $0x80000000, s2  }
0x27e: {  	vm2 =	veq.s32 v47, s5  }
0x27f: {  	v35 =	vsel vm2, v51, v47  }
0x280: {  	v22 =	vxor.u32 $0x80000000, v35  }
0x281: {  	(xrf0) =	vmin.scan.msk.u32 $0xffff, v22  }
0x282: {  	v36 =	vxor.u32 $0x80000000, v60;
	(xrf0) =	vadd.scan.msk.s32 $0xffff, v46  }
0x283: {  	(xrf0) =	vmin.scan.msk.u32 $0xffff, v36;
	_ =	sdelay $0x3  }
0x284: {  	v37, _, _ =	vpop (xrf0)  }
0x285: {  	v22, _, _ =	vpop (xrf0)  }
0x286: {  	(v2sf) =	vpush v37, $0xF;
	v38, _, _ =	vpop (xrf0)  }
0x287: {  	(v2sf) =	vpush v38, $0xF;
	_ =	sdelay $0xd  }
0x288: {  	[smem:$0x7F5] =	sst s7;
	s7 =	spop (v2sf)  }
0x289: {  	[dreg:$0x1e] =	wrdreg s13;
	s13 =	spop (v2sf)  }
0x28a: {  	[dreg:$0x6] =	wrdreg s17;
	s17 =	sxor.u32 $0x80000000, s13  }
0x28b: {  	vm2 =	veq.s32 v60, s17  }
0x28c: {  	v39 =	vsel vm2, v61, v60  }
0x28d: {  	v28 =	vxor.u32 $0x80000000, v39  }
0x28e: {  	(xrf0) =	vmin.scan.msk.u32 $0xffff, v28  }
0x28f: {  	v40 =	vxor.u32 $0x80000000, v57;
	(xrf0) =	vadd.scan.msk.s32 $0xffff, v58  }
0x290: {  	(xrf0) =	vmin.scan.msk.u32 $0xffff, v40;
	_ =	sdelay $0x3  }
0x291: {  	v42, _, _ =	vpop (xrf0)  }
0x292: {  	v28, _, _ =	vpop (xrf0)  }
0x293: {  	(v2sf) =	vpush v42, $0xF;
	v43, _, _ =	vpop (xrf0)  }
0x294: {  	(v2sf) =	vpush v43, $0xF;
	_ =	sdelay $0xd  }
0x295: {  	[smem:$0x7F7] =	sst s12;
	s12 =	spop (v2sf)  }
0x296: {  	[smem:$0x7FA] =	sst s15;
	s15 =	spop (v2sf)  }
0x297: {  	[dreg:$0x7] =	wrdreg s16;
	s16 =	sxor.u32 $0x80000000, s15  }
0x298: {  	vm2 =	veq.s32 v57, s16  }
0x299: {  	v44 =	vsel vm2, v59, v57  }
0x29a: {  	v29 =	vxor.u32 $0x80000000, v44  }
0x29b: {  	(xrf0) =	vmin.scan.msk.u32 $0xffff, v29  }
0x29c: {  	v45 =	vxor.u32 $0x80000000, v21;
	(xrf0) =	vadd.scan.msk.s32 $0xffff, v56  }
0x29d: {  	(xrf0) =	vmin.scan.msk.u32 $0xffff, v45;
	_ =	sdelay $0x3  }
0x29e: {  	v46, _, _ =	vpop (xrf0)  }
0x29f: {  	v29, _, _ =	vpop (xrf0)  }
0x2a0: {  	(v2sf) =	vpush v46, $0xF;
	v47, _, _ =	vpop (xrf0)  }
0x2a1: {  	(v2sf) =	vpush v47, $0xF;
	_ =	sdelay $0xd  }
0x2a2: {  	[dreg:$0x16] =	wrdreg s4;
	s4 =	spop (v2sf)  }
0x2a3: {  	[dreg:$0x11] =	wrdreg s20;
	s20 =	spop (v2sf)  }
0x2a4: {  	[dreg:$0xe] =	wrdreg s18;
	s18 =	sxor.u32 $0x80000000, s20  }
0x2a5: {  	vm2 =	veq.s32 v21, s18  }
0x2a6: {  	v21 =	vsel vm2, v23, v21  }
0x2a7: {  	v21 =	vxor.u32 $0x80000000, v21  }
0x2a8: {  	(xrf0) =	vmin.scan.msk.u32 $0xffff, v21  }
0x2a9: {  	v49 =	vxor.u32 $0x80000000, v15;
	(xrf0) =	vadd.scan.msk.s32 $0xffff, v17  }
0x2aa: {  	(xrf0) =	vmin.scan.msk.u32 $0xffff, v49;
	_ =	sdelay $0x3  }
0x2ab: {  	v21, _, _ =	vpop (xrf0)  }
0x2ac: {  	v17, _, _ =	vpop (xrf0)  }
0x2ad: {  	(v2sf) =	vpush v21, $0xF;
	v51, _, _ =	vpop (xrf0)  }
0x2ae: {  	(v2sf) =	vpush v51, $0xF;
	_ =	sdelay $0xd  }
0x2af: {  	[dreg:$0x1d] =	wrdreg s18;
	s18 =	spop (v2sf)  }
0x2b0: {  	[smem:$0x7FD] =	sst s18;
	s18 =	spop (v2sf)  }
0x2b1: {  	[dreg:$0x1f] =	wrdreg s4;
	s4 =	sxor.u32 $0x80000000, s18  }
0x2b2: {  	vm2 =	veq.s32 v15, s4  }
0x2b3: {  	v54 =	vsel vm1, v11, v14;
	v15 =	vsel vm2, v18, v15  }
0x2b4: {  	vm2 =	vlt.s32 v54, v24;
	v15 =	vxor.u32 $0x80000000, v15  }
0x2b5: {  	v55 =	vsel vm2, v54, v24;
	(xrf0) =	vmin.scan.msk.u32 $0xffff, v15  }
0x2b6: {  	(xrf0) =	vadd.scan.msk.s32 $0xffff, v0;
	v0 =	vxor.u32 $0x80000000, v55  }
0x2b7: {  	p5 =	seq.s32 s21, $0xFFFFFFFF;
	s21 =	sadd.s32 s25, s28;
	s28 =	rddreg [dreg:$0x11];
	(xrf0) =	vmin.scan.msk.u32 $0xffff, v0  }
0x2b8: {  	[dreg:$0x19] =	wrdreg s4  }
0x2b9: {  	s4 =	rddreg [dreg:$0xa]  }
0x2ba: {  	p4 =	seq.s32 s26, $0xFFFFFFFF;
	p1 =	seq.s32 s4, $0xFFFFFFFF;
	s4 =	rddreg [dreg:$0x10]  }
0x2bb: {  	p0 =	seq.s32 s19, $0xFFFFFFFF;
	p2 =	seq.s32 s4, $0xFFFFFFFF;
	s4 =	rddreg [dreg:$0x17];
	v15, _, _ =	vpop (xrf0)  }
0x2bc: {  	p6 =	seq.s32 s0, $0xFFFFFFFF;
	p3 =	seq.s32 s4, $0xFFFFFFFF;
	s4 =	simm.s32 @!p0 $0x0;
	v0, _, _ =	vpop (xrf0)  }
0x2bd: {  	s0 =	simm.s32 @!p6 $0x0;
	s4 =	simm.s32 @p0 $0x1;
	p0 =	seq.s32 s14, $0xFFFFFFFF;
	(v2sf) =	vpush v15, $0xF;
	v56, _, _ =	vpop (xrf0)  }
0x2be: {  	s0 =	simm.s32 @p6 $0x1;
	[smem:$0x7F1] =	sst s4;
	s4 =	simm.s32 @!p0 $0x0;
	(v2sf) =	vpush v56, $0xF  }
0x2bf: {  	[smem:$0x7FC] =	sst s0;
	s4 =	simm.s32 @p0 $0x1;
	p0 =	seq.s32 s11, $0xFFFFFFFF  }
0x2c0: {  	s26 =	sadd.s32 s30, s25;
	[smem:$0x7F2] =	sst s4;
	s4 =	simm.s32 @!p0 $0x0  }
0x2c1: {  	s0 =	sadd.s32 $0x80000000, s26;
	s4 =	simm.s32 @p0 $0x1;
	p0 =	seq.s32 s10, $0xFFFFFFFF  }
0x2c2: {  	s26 =	sadd.s32 s25, s29;
	[smem:$0x7F3] =	sst s4;
	s4 =	simm.s32 @!p0 $0x0  }
0x2c3: {  	s29 =	rddreg [dreg:$0xc];
	s4 =	simm.s32 @p0 $0x1;
	p0 =	seq.s32 s8, $0xFFFFFFFF  }
0x2c4: {  	[smem:$0x7F4] =	sst s4;
	s4 =	simm.s32 @!p0 $0x0  }
0x2c5: {  	s14 =	rddreg [dreg:$0xe];
	s4 =	simm.s32 @p0 $0x1;
	p0 =	seq.s32 s6, $0xFFFFFFFF  }
0x2c6: {  	[smem:$0x7F6] =	sst s4;
	s4 =	simm.s32 @!p0 $0x0  }
0x2c7: {  	s11 =	rddreg [dreg:$0x9];
	s4 =	simm.s32 @p0 $0x1;
	p0 =	seq.s32 s3, $0xFFFFFFFF  }
0x2c8: {  	[smem:$0x7F8] =	sst s4;
	s3 =	simm.s32 @!p0 $0x0  }
0x2c9: {  	s4 =	rddreg [dreg:$0xd];
	s3 =	simm.s32 @p0 $0x1;
	p0 =	seq.s32 s1, $0xFFFFFFFF  }
0x2ca: {  	[smem:$0x7F9] =	sst s3;
	s1 =	simm.s32 @!p0 $0x0;
	s3 =	sadd.s32 s31, s25  }
0x2cb: {  	v57 =	vsel vm1, v14, v11;
	s1 =	simm.s32 @p0 $0x1;
	p0 =	seq.s32 s30, $0xFFFFFFFF;
	s30 =	rddreg [dreg:$0xb]  }
0x2cc: {  	vm1 =	vlt.s32 v20, v57;
	[smem:$0x7FB] =	sst s1;
	s19 =	sadd.s32 s25, s30;
	s10 =	spop (v2sf)  }
0x2cd: {  	v11 =	vsel vm1, v20, v57;
	v58 =	vsel vm2, v24, v54;
	s0 =	simm.s32 @p0 $0x7FFFFFFF;
	p0 =	seq.s32 s31, $0xFFFFFFFF;
	s8 =	spop (v2sf)  }
0x2ce: {  	vm1 =	vlt.s32 v11, v58;
	s1 =	sadd.s32 $0x80000000, s3;
	s3 =	sadd.s32 s4, s25;
	s6 =	sxor.u32 $0x80000000, s8  }
0x2cf: {  	v11 =	vsel vm1, v11, v58;
	s31 =	sadd.s32 s25, s29;
	s29 =	sld [smem:$0x7F1];
	s19 =	simm.s32 @p1 $0x7FFFFFFF;
	vm1 =	veq.s32 v55, s6  }
0x2d0: {  	p1 =	seq.s32 s4, $0xFFFFFFFF;
	s1 =	simm.s32 @p0 $0x7FFFFFFF;
	s3 =	sadd.s32 $0x80000000, s3;
	v11 =	vsel vm1, v11, v55  }
0x2d1: {  	v59 =	vsel vm0, $0x1, v2;
	vm0 =	vlt.s32 v63, v48;
	s4 =	sadd.s32 s25, s11;
	p0 =	seq.s32 s14, $0xFFFFFFFF;
	s11 =	sadd.s32 s14, s25;
	v11 =	vxor.u32 $0x80000000, v11  }
0x2d2: {  	v14 =	vadd.s32 v59, v62;
	v60 =	vsel vm0, v63, v48;
	s14 =	sadd.s32 s28, s25;
	s3 =	simm.s32 @p1 $0x7FFFFFFF;
	s11 =	sadd.s32 $0x80000000, s11;
	(xrf0) =	vmin.scan.msk.u32 $0xffff, v11  }
0x2d3: {  	v61 =	vxor.u32 $0x80000000, v60;
	p1 =	seq.s32 s28, $0xFFFFFFFF;
	s14 =	sadd.s32 $0x80000000, s14;
	s28 =	rddreg [dreg:$0x14];
	(xrf0) =	vadd.scan.msk.s32 $0xffff, v14  }
0x2d4: {  	s11 =	simm.s32 @p0 $0x7FFFFFFF;
	p0 =	seq.s32 s2, $0xFFFFFFFF;
	s14 =	simm.s32 @p1 $0x7FFFFFFF;
	(xrf0) =	vmin.scan.msk.u32 $0xffff, v61  }
0x2d5: {  	p1 =	seq.s32 s28, $0xFFFFFFFF;
	s2 =	sadd.s32 s28, s25;
	s28 =	sld [smem:$0x7F2]  }
0x2d6: {  	s5 =	sadd.s32 s25, s5;
	s21 =	simm.s32 @p2 $0x7FFFFFFF;
	s26 =	simm.s32 @p3 $0x7FFFFFFF  }
0x2d7: {  	p2 =	seq.s32 s29, $0x1;
	s29 =	rddreg [dreg:$0x13];
	s2 =	sadd.s32 $0x80000000, s2  }
0x2d8: {  	s2 =	simm.s32 @p1 $0x7FFFFFFF;
	p1 =	seq.s32 s28, $0x1;
	s28 =	rddreg [dreg:$0x15];
	v62, _, _ =	vpop (xrf0)  }
0x2d9: {  	s5 =	simm.s32 @p0 $0x7FFFFFFF;
	p0 =	seq.s32 s28, $0xFFFFFFFF;
	s28 =	sadd.s32 s28, s25;
	v63, _, _ =	vpop (xrf0)  }
0x2da: {  	s29 =	sadd.s32 s25, s29;
	v30 =	vmov s5;
	s5 =	sadd.s32 $0x80000000, s28;
	s28 =	rddreg [dreg:$0x1b];
	(v2sf) =	vpush v62, $0xF;
	v24, _, _ =	vpop (xrf0)  }
0x2db: {  	s29 =	simm.s32 @p1 $0x7FFFFFFF;
	p1 =	seq.s32 s28, $0xFFFFFFFF;
	s28 =	sadd.s32 s28, s25;
	(v2sf) =	vpush v24, $0xF  }
0x2dc: {  	s30 =	rddreg [dreg:$0xf];
	s31 =	simm.s32 @p5 $0x7FFFFFFF;
	s28 =	sadd.s32 $0x80000000, s28  }
0x2dd: {  	vm3 =	vcmask $0xB08;
	s30 =	sadd.s32 s25, s30;
	s4 =	simm.s32 @p4 $0x7FFFFFFF;
	vm1 =	vcmask $0x300;
	s28 =	simm.s32 @p1 $0x7FFFFFFF  }
0x2de: {  	v5 =	vbroadcast v5, $0xF;
	vm2 =	vcmask $0x704;
	p1 =	seq.s32 s7, $0xFFFFFFFF;
	s7 =	sadd.s32 s7, s25;
	v14 =	vsel vm1, s19, v30;
	s19 =	rddreg [dreg:$0x12]  }
0x2df: {  	v3 =	vbroadcast v3, $0xF;
	v4 =	vbroadcast v4, $0xF;
	s30 =	simm.s32 @p2 $0x7FFFFFFF;
	s7 =	sadd.s32 $0x80000000, s7;
	v14 =	vsel vm2, s21, v14;
	s21 =	sld [smem:$0x7F3]  }
0x2e0: {  	v36 =	vlaneseq.u32;
	v38 =	vbroadcast v6, $0xF;
	s5 =	simm.s32 @p0 $0x7FFFFFFF;
	s7 =	simm.s32 @p1 $0x7FFFFFFF;
	v14 =	vsel vm3, s26, v14;
	s26 =	rddreg [dreg:$0x16]  }
0x2e1: {  	v39 =	vbroadcast v7, $0xF;
	p0 =	seq.s32 s9, $0xFFFFFFFF;
	v31 =	vmov s7;
	s9 =	sadd.s32 s25, s26;
	v14 =	vsel vm4, s4, v14;
	s26 =	sld [smem:$0x7F4]  }
0x2e2: {  	v40 =	vsel vm15, $0x1, v2;
	s19 =	sadd.s32 s25, s19;
	v18 =	vsel vm1, s0, v31;
	p2 =	seq.s32 s21, $0x1;
	v14 =	vsel vm5, s31, v14;
	s31 =	sld [smem:$0x7F5]  }
0x2e3: {  	vm15 =	veq.s32 v36, $0x2;
	v42 =	vbroadcast v8, $0xF;
	s6 =	sadd.s32 s25, s6;
	v18 =	vsel vm2, s1, v18;
	s21 =	rddreg [dreg:$0x1c];
	s19 =	simm.s32 @p2 $0x7FFFFFFF  }
0x2e4: {  	v33 =	vsel vm0, v48, v52;
	v18 =	vsel vm3, s3, v18;
	p2 =	seq.s32 s21, $0xFFFFFFFF;
	s4 =	sadd.s32 s21, s25;
	v14 =	vsel vm6, s30, v14;
	s30 =	rddreg [dreg:$0x18]  }
0x2e5: {  	v44 =	vbroadcast v9, $0xF;
	v48 =	vbroadcast v16, $0xF;
	v18 =	vsel vm4, s11, v18;
	p1 =	seq.s32 s31, $0xFFFFFFFF;
	s21 =	sadd.s32 s31, s25;
	s31 =	sld [smem:$0x7F8]  }
0x2e6: {  	v52 =	vbroadcast v28, $0xF;
	v45 =	vbroadcast v10, $0xF;
	s11 =	sadd.s32 s24, s25;
	v18 =	vsel vm5, s14, v18;
	s14 =	rddreg [dreg:$0x7];
	p3 =	seq.s32 s26, $0x1  }
0x2e7: {  	v46 =	vbroadcast v12, $0xF;
	v47 =	vbroadcast v13, $0xF;
	s4 =	sadd.s32 $0x80000000, s4;
	v14 =	vsel vm7, s29, v14;
	s29 =	rddreg [dreg:$0x1a];
	s0 =	sadd.s32 $0x80000000, s21  }
0x2e8: {  	v41 =	vadd.s32 v40, v41;
	v49 =	vbroadcast v19, $0xF;
	v51 =	vbroadcast v27, $0xF;
	s1 =	sadd.s32 s25, s29;
	s0 =	simm.s32 @p1 $0x7FFFFFFF;
	p1 =	seq.s32 s31, $0x1  }
0x2e9: {  	v54 =	vbroadcast v29, $0xF;
	v0 =	vbroadcast v0, $0xF;
	vm1 =	vlt.s32 v50, v53;
	s1 =	simm.s32 @p1 $0x7FFFFFFF;
	p1 =	seq.s32 s24, $0xFFFFFFFF;
	s24 =	spop (v2sf)  }
0x2ea: {  	v56 =	vbroadcast v17, $0xF;
	v55 =	vbroadcast v26, $0xF;
	v32 =	vsel vm1, v50, v53;
	s7 =	sadd.s32 s25, s30;
	s26 =	sld [smem:$0x7F6];
	s29 =	spop (v2sf)  }
0x2eb: {  	vm2 =	vcmask $0x2320;
	vm0 =	vlt.s32 v32, v33;
	s30 =	sld [smem:$0x7F7];
	v18 =	vsel vm6, s2, v18;
	s9 =	simm.s32 @p3 $0x7FFFFFFF;
	s31 =	sxor.u32 $0x80000000, s29  }
0x2ec: {  	v20 =	vsel vm0, v32, v33;
	s4 =	simm.s32 @p2 $0x7FFFFFFF;
	v18 =	vsel vm7, s5, v18;
	s5 =	sadd.s32 s25, s23;
	s21 =	sld [smem:$0x7FA];
	vm0 =	veq.s32 v60, s31  }
0x2ed: {  	vm1 =	veq.s32 v36, $0x1;
	p3 =	seq.s32 s14, $0xFFFFFFFF;
	v18 =	vsel vm8, s28, v18;
	p2 =	seq.s32 s26, $0x1;
	s26 =	sld [smem:$0x7FB];
	v15 =	vsel vm0, v20, v60  }
0x2ee: {  	v14 =	vsel vm8, s19, v14;
	s19 =	sadd.s32 s30, s25;
	v18 =	vsel vm2, s4, v18;
	s4 =	sadd.s32 s25, s22;
	s22 =	rddreg [dreg:$0x6];
	v15 =	vxor.u32 $0x80000000, v15  }
0x2ef: {  	v50 =	vbroadcast v25, $0xF;
	v14 =	vsel vm2, s9, v14;
	vm2 =	vmmov $0x1;
	s7 =	simm.s32 @p2 $0x7FFFFFFF;
	s9 =	sadd.s32 $0x80000000, s19;
	s19 =	sld [smem:$0x7F9];
	(xrf0) =	vmin.scan.msk.u32 $0xffff, v15  }
0x2f0: {  	vm3 =	vmmov $0x3;
	v57 =	vbroadcast v63, $0xF;
	p2 =	seq.s32 s30, $0xFFFFFFFF;
	s30 =	sld [smem:$0x7FC];
	s4 =	simm.s32 @p0 $0x7FFFFFFF;
	v3 =	vsel vm2, v5, v3  }
0x2f1: {  	v18 =	vsel vm9, s0, v18;
	s0 =	sadd.s32 s25, s17;
	p0 =	seq.s32 s15, $0xFFFFFFFF;
	s15 =	rddreg [dreg:$0x8];
	v14 =	vsel vm9, s7, v14;
	v3 =	vsel vm3, v3, v4  }
0x2f2: {  	s7 =	rddreg [dreg:$0x1e];
	s9 =	simm.s32 @p2 $0x7FFFFFFF;
	s2 =	sadd.s32 s25, s21;
	vm3 =	vmmov $0x7;
	v4 =	vnsel vm2, $0x0, v52;
	vm2 =	vcmask $0x318  }
0x2f3: {  	s21 =	sadd.s32 s10, s25;
	s3 =	sadd.s32 s25, s7;
	v14 =	vsel vm10, s1, v14;
	v3 =	vsel vm3, v3, v38;
	vm3 =	vmmov $0xf;
	p2 =	seq.s32 s19, $0x1  }
0x2f4: {  	s7 =	sadd.s32 $0x80000000, s11;
	v18 =	vsel vm10, s9, v18;
	s9 =	sadd.s32 $0x80000000, s21;
	v3 =	vsel vm3, v3, v39;
	vm3 =	vmmov $0x1f;
	s3 =	simm.s32 @p2 $0x7FFFFFFF  }
0x2f5: {  	s7 =	simm.s32 @p1 $0x7FFFFFFF;
	p1 =	seq.s32 s26, $0x1;
	s19 =	sld [smem:$0x7FD];
	v3 =	vsel vm3, v3, v42;
	vm3 =	vmmov $0x3f;
	v14 =	vsel vm11, s3, v14;
	v43, _, _ =	vpop (xrf0)  }
0x2f6: {  	s2 =	simm.s32 @p1 $0x7FFFFFFF;
	p1 =	seq.s32 s30, $0x1;
	p2 =	seq.s32 s12, $0xFFFFFFFF;
	v3 =	vsel vm3, v3, v44;
	vm3 =	vmmov $0x7f;
	(v2sf) =	vpush v43, $0xF  }
0x2f7: {  	s5 =	simm.s32 @p1 $0x7FFFFFFF;
	p1 =	seq.s32 s13, $0xFFFFFFFF;
	s13 =	sadd.s32 s12, s25;
	v14 =	vsel vm12, s2, v14;
	v3 =	vsel vm3, v3, v45;
	vm3 =	vmmov $0xff  }
0x2f8: {  	s0 =	simm.s32 @p1 $0x7FFFFFFF;
	p1 =	seq.s32 s18, $0xFFFFFFFF;
	s18 =	rddreg [dreg:$0x1d];
	v14 =	vsel vm13, s5, v14;
	v3 =	vsel vm3, v3, v46;
	vm3 =	vmmov $0x1ff  }
0x2f9: {  	s5 =	sadd.s32 $0x80000000, s13;
	v34 =	vmov s0;
	s0 =	sadd.s32 s25, s16;
	s16 =	rddreg [dreg:$0x1f];
	v3 =	vsel vm3, v3, v47;
	vm3 =	vmmov $0x3ff  }
0x2fa: {  	v18 =	vsel vm11, s7, v18;
	s7 =	sadd.s32 s25, s18;
	s5 =	simm.s32 @p2 $0x7FFFFFFF;
	s0 =	simm.s32 @p0 $0x7FFFFFFF;
	v3 =	vsel vm3, v3, v48;
	vm3 =	vmmov $0x7ff  }
0x2fb: {  	v14 =	vsel vm14, s4, v14;
	p2 =	seq.s32 s20, $0xFFFFFFFF;
	p0 =	seq.s32 s8, $0xFFFFFFFF;
	s4 =	sadd.s32 s15, s25;
	v3 =	vsel vm3, v3, v49;
	vm3 =	vmmov $0xfff  }
0x2fc: {  	v4 =	vsel vm2, v4, v54;
	p4 =	seq.s32 s16, $0xFFFFFFFF;
	s17 =	sadd.s32 s16, s25;
	s8 =	sadd.s32 s19, s25;
	v3 =	vsel vm3, v3, v50;
	vm3 =	vmmov $0x1fff;
	(xrf0) =	vadd.scan.msk.s32 $0xffff, v41  }
0x2fd: {  	vm2 =	vmmov $0x3fff;
	s20 =	rddreg [dreg:$0x19];
	v35 =	vmov s5;
	s5 =	sadd.s32 $0x80000000, s4;
	s4 =	sadd.s32 $0x80000000, s17;
	v3 =	vsel vm3, v3, v51  }
0x2fe: {  	s7 =	simm.s32 @p2 $0x7FFFFFFF;
	p2 =	seq.s32 s19, $0xFFFFFFFF;
	s3 =	sadd.s32 s24, s25;
	v3 =	vsel vm2, v3, v55;
	vm2 =	vcmask $0x718;
	vm0 =	veq.s32 v36, $0x0  }
0x2ff: {  	s6 =	simm.s32 @p0 $0x7FFFFFFF;
	s4 =	simm.s32 @p4 $0x7FFFFFFF;
	s3 =	sadd.s32 $0x80000000, s3;
	v4 =	vsel vm2, v4, v56;
	vm2 =	vcmask $0xB18;
	v37 =	vnsel vm0, $0x7FFFFFFF, v34  }
0x300: {  	p0 =	seq.s32 s29, $0xFFFFFFFF;
	v0 =	vsel vm2, v4, v0;
	vm2 =	vmmov $0x7fff;
	s2 =	sadd.s32 s25, s31;
	v15 =	vsel vm1, s0, v37;
	s0 =	sadd.s32 s14, s25  }
0x301: {  	v3 =	vsel vm2, v3, v22;
	vm2 =	vcmask $0xF18;
	s2 =	simm.s32 @p0 $0x7FFFFFFF;
	s0 =	sadd.s32 $0x80000000, s0;
	v53 =	vsel vm15, s7, v15;
	s7 =	sadd.s32 $0x80000000, s8  }
0x302: {  	v0 =	vsel vm2, v0, v57;
	s8 =	sadd.s32 s25, s20;
	s0 =	simm.s32 @p3 $0x7FFFFFFF;
	p3 =	seq.s32 s15, $0xFFFFFFFF;
	v58, _, _ =	vpop (xrf0)  }
0x303: {  	v60 =	vnsel vm0, $0x7FFFFFFF, v35;
	vm0 =	veq.s32 v36, $0x3;
	s7 =	simm.s32 @p2 $0x7FFFFFFF;
	s8 =	simm.s32 @p1 $0x7FFFFFFF;
	p1 =	seq.s32 s22, $0xFFFFFFFF;
	v59 =	vbroadcast v58, $0xF  }
0x304: {  	vm2 =	veq.s32 v36, $0x5;
	v5 =	vsel vm1, s4, v60;
	vm1 =	vcmask $0x1318;
	p2 =	seq.s32 s24, $0xFFFFFFFF;
	s5 =	simm.s32 @p3 $0x7FFFFFFF;
	p3 =	seq.s32 s10, $0xFFFFFFFF  }
0x305: {  	[tilespmem:$0x380] =	vst v14;
	s10 =	sadd.s32 s22, s25;
	v6 =	vsel vm0, s8, v53;
	s3 =	simm.s32 @p2 $0x7FFFFFFF;
	v0 =	vsel vm1, v0, v59;
	vm1 =	veq.s32 v36, $0x4;
	s23 =	spop (v2sf)  }
0x306: {  	[tilespmem:$0x280] =	vst v3;
	v3 =	vsel vm12, s0, v18;
	v61 =	vsel vm15, s7, v5;
	s9 =	simm.s32 @p3 $0x7FFFFFFF;
	s10 =	sadd.s32 $0x80000000, s10;
	v62 =	vsel vm1, s6, v6;
	s24 =	sadd.s32 s23, s25  }
0x307: {  	s10 =	simm.s32 @p1 $0x7FFFFFFF;
	[tilespmem:$0x300] =	vst v0;
	v0 =	vsel vm13, s5, v3;
	v3 =	vsel vm0, s9, v61;
	v63 =	vsel vm2, s2, v62;
	p0 =	seq.s32 s23, $0xFFFFFFFF;
	s0 =	sadd.s32 $0x80000000, s24  }
0x308: {  	v0 =	vsel vm14, s10, v0;
	v3 =	vsel vm1, s3, v3;
	[tilespmem:$0x400] =	vst v63;
	s0 =	simm.s32 @p0 $0x7FFFFFFF  }
0x309: {  	s28 =	simm.s32 $0x280;
	[tilespmem:$0x480] =	vst v0;
	v3 =	vsel vm2, s0, v3  }
0x30a: {  	s26 =	rddreg [dreg:$0x3];
	s29 =	simm.s32 $0x2;
	s6 =	simm.s32 $0x0;
	[tilespmem:$0x500] =	vst v3  }
0x30b: {  	[hbm4b:s26+s6] =	stream.linear.scatter [tilespmem:s28], [sflag:$0x2], $0x300, $0x38;
	[tilespmem:$0x680] =	vst v63  }
0x30c: {  	_ =	swait.ge [sflag:s29], $0x300  }
0x30d: {  	s30 =	rddreg [dreg:$0x5]  }
0x30e: {  	s31 =	rddreg [dreg:$0x4];
	s2 =	sadd.s32 $0x1, s30  }
0x30f: {  	p0 =	sne.s32 s2, s31  }
.Ltmp16:
0x310: {  	_ = 	snop;
	(pc) =	sbr.rel @p0 .LBB2_1-.Ltmp16, $4  }
.Ltmp17:
0x311: {  	_ = 	snop;
	(pc) =	sbr.rel @!p0 .LBB2_34-.Ltmp17, $4  }
0x312: {  	_ = 	snop  }
0x313: {  	[sflag:s29] =	ssyncset.done $0x0  }
0x314: {  	[sflag:s29] =	ssyncadd.s32 $0xFFFFFD00  }
0x315: {  	_ = 	snop  }
.LBB2_4:
.Ltmp18:
0x316: {  	(pc) =	sbr.rel .LBB2_9-.Ltmp18, $4  }
0x317: {  	_ = 	snop  }
0x318: {  	v10 =	vimm.s32 $0x7FFFFFFF  }
0x319: {  	v9 =	vimm.s32 $0x7FFFFFFF;
	v11 =	vimm.s32 $0x7FFFFFFF;
	v4 =	vimm.s32 $0x0  }
0x31a: {  	v5 =	vimm.s32 $0x0;
	v7 =	vimm.s32 $0x7FFFFFFF;
	v12 =	vimm.s32 $0x7FFFFFFF;
	p2 =	por $0x0, $0x0  }
.LBB2_10:
.Ltmp19:
0x31b: {  	(pc) =	sbr.rel .LBB2_15-.Ltmp19, $3  }
0x31c: {  	_ =	sdelay $0x1  }
0x31d: {  	v12 =	vimm.s32 $0x7FFFFFFF;
	v10 =	vimm.s32 $0x7FFFFFFF  }
0x31e: {  	v14 =	vimm.s32 $0x7FFFFFFF;
	v16 =	vimm.s32 $0x7FFFFFFF;
	v9 =	vimm.s32 $0x0  }
.LBB2_6:
.Ltmp20:
0x31f: {  	(pc) =	sbr.rel .LBB2_9-.Ltmp20, $3  }
0x320: {  	_ =	sdelay $0x1  }
0x321: {  	v17 =	vmov v3;
	v10 =	vimm.s32 $0x7FFFFFFF  }
0x322: {  	v3 =	vmovc v16;
	v9 =	vimm.s32 $0x7FFFFFFF;
	v11 =	vimm.s32 $0x7FFFFFFF;
	v15 =	vmovc v14;
	v12 =	vmov v7  }
.LBB2_12:
.Ltmp21:
0x323: {  	(pc) =	sbr.rel .LBB2_15-.Ltmp21, $3  }
0x324: {  	_ =	sdelay $0x1  }
0x325: {  	v12 =	vimm.s32 $0x7FFFFFFF;
	v19 =	vmovc v11;
	v20 =	vmov v8;
	v15 =	vimm.s32 $0x7FFFFFFF  }
0x326: {  	v11 =	vmovc v6;
	v8 =	vmovc v18;
	v14 =	vimm.s32 $0x7FFFFFFF;
	v16 =	vimm.s32 $0x7FFFFFFF;
	v6 =	vmov v13  }
.LBB2_34:
0x327: {  	_ =	sfence.sel $0x180000  }
0x328: {  	[bflag:$0x0] =	sbarrier.arrive $0xFFFF  }
0x329: {  	_ =	strace $0x90000047  }
0x32a: {  	s0 =	stileid.u32;
	[bflag:$0x2] =	sbarrier.arrive $0xFFFF  }
0x32b: {  	p0 =	sne.s32 s0, $0x0;
	s0 =	rddreg [dreg:$0x1]  }
0x32c: {  	s0 =	sadd.s32 @!p0 $0x100000, s0  }
0x32d: {  	[sflag:s0] =	ssyncadd.tile.s32 @!p0 $0x1;
	_ =	shalt  }
.Lfunc_end2:
_tile_overlayer_lowered:
.L_overlay_start_2:
0x32e: {  	(tag) =	ssettag $0x2  }
0x32f: {  	s0 =	rddreg [dreg:$0x0];
	s2 =	stileid.u32  }
0x330: {  	s1 =	rddreg [dreg:$0x1];
	p0 =	sne.s32 s2, $0x0  }
0x331: {  	s3 =	rddreg [dreg:$0x2];
	[bflag:$0x3] =	sbarrier.arrive $0xFFFF;
	s2 =	simm.s32 @!p0 $0x1C02  }
0x332: {  	[timem:s3], [sflag:s2] =	dma.local @!p0 [hbm:s0], s1  }
0x333: {  	s0 =	simm.s32 @!p0 $0x2  }
0x334: {  	_ =	swait.ge @!p0 [sflag:s0], s1  }
0x335: {  	s1 =	ssub.s32 @!p0 $0x0, s1;
	[sflag:s0] =	ssyncset.done @!p0 $0x0  }
0x336: {  	[sflag:s0] =	ssyncadd.s32 @!p0 s1  }
0x337: {  	[bflag:$0x3] =	sbarrier.arrive $0xFFFF  }
0x338: {  	_ =	shalt  }

</sc_bundles>
